<compile_context>
chip_gen: v7x
topology: tpu7x:2x2x1
jax: 0.10.2.dev20260603
libtpu: 0.0.44.dev20260713+nightly
codegen_flags: <defaults>
</compile_context>

<pallas_src>
import functools

import jax
import jax.numpy as jnp
from jax import lax
from jax.experimental import pallas as pl
from jax.experimental.pallas import tpu as pltpu
from jax.experimental.pallas import tpu_sc as plsc

D_MODEL = 64
BATCH = 4096
N_MOTIFS = 200

NC, NS = 2, 16
NW = NC * NS
B_PER_W = BATCH // NW
LANES = 16
MC = 4
N_CHUNK = N_MOTIFS // MC


@functools.partial(
    pl.kernel,
    out_type=jax.ShapeDtypeStruct((N_MOTIFS, D_MODEL, BATCH), jnp.float32),
    mesh=plsc.VectorSubcoreMesh(
        core_axis_name="c", subcore_axis_name="s",
        num_cores=NC, num_subcores=NS),
    scratch_types=[
        pltpu.VMEM((N_MOTIFS, B_PER_W), jnp.float32),
        pltpu.VMEM((2, D_MODEL, LANES), jnp.float32),
        pltpu.VMEM((2, MC, D_MODEL, B_PER_W), jnp.float32),
        pltpu.SemaphoreType.DMA,
        pltpu.SemaphoreType.DMA,
    ],
)
def _strand_encode(s_hbm, tab_hbm, out_hbm, s_v, t_v, out_v,
                   osem0, osem1):
    wid = lax.axis_index("s") * NC + lax.axis_index("c")
    b0 = wid * B_PER_W
    osems = (osem0, osem1)

    pltpu.sync_copy(s_hbm.at[:, pl.ds(b0, B_PER_W)], s_v)
    pltpu.sync_copy(tab_hbm, t_v)

    def out_slab(i):
        return out_hbm.at[pl.ds(i * MC, MC), :, pl.ds(b0, B_PER_W)]

    def half(ii, buf):
        i = 2 * ii + buf
        m0 = i * MC

        @pl.when(ii >= 1)
        def _():
            pltpu.make_async_copy(
                out_v.at[buf], out_slab(i - 2), osems[buf]).wait()

        @plsc.parallel_loop(0, D_MODEL, step=1, unroll=4)
        def _(d):
            e0 = t_v[0, d, :]
            dl = t_v[1, d, :] - e0
            for mm in range(MC):
                for j in range(B_PER_W // LANES):
                    sl = pl.ds(j * LANES, LANES)
                    out_v[buf, mm, d, sl] = e0 + s_v[m0 + mm, sl] * dl

        pltpu.async_copy(out_v.at[buf], out_slab(i), osems[buf])

    def chunk_pair(ii, carry):
        half(ii, 0)
        half(ii, 1)
        return carry

    lax.fori_loop(0, N_CHUNK // 2, chunk_pair, 0)
    for buf in range(2):
        pltpu.make_async_copy(
            out_v.at[buf], out_slab(N_CHUNK - 2 + buf), osems[buf]).wait()


def kernel(strands, strand_embed):
    s_t = strands.astype(jnp.float32).T
    tab = jnp.broadcast_to(
        strand_embed[:, :, None], (2, D_MODEL, LANES))
    out_t = _strand_encode(s_t, tab)
    return jnp.transpose(out_t, (2, 0, 1))

# --- scband reference (transcript-rebuilt; emitter-appended) ---
"""Pipeline reference for scband-strand-encoding-24885040513452 (READ-ONLY COPY).

The authoritative reference and input builder live on the scoring server;
editing this copy changes nothing except your own understanding.
"""

import jax, jax.numpy as jnp
import numpy as np

D_MODEL = 64
BATCH = 4096
N_MOTIFS = 200

def setup_inputs(seed: int = 0) -> dict:
    key = jax.random.key(seed)
    k1, k2 = jax.random.split(key)
    strands = jax.random.randint(k1, (BATCH, N_MOTIFS), 0, 2, dtype=jnp.int64 if jax.config.read('jax_enable_x64') else jnp.int32)
    # embedding table: nn.Embedding(2, d_model) default init ~ N(0,1)
    strand_embed = jax.random.normal(k2, (2, D_MODEL), dtype=jnp.float32)
    return {"strands": strands, "strand_embed": strand_embed}

def reference(strands, strand_embed):
    # embedding lookup: (batch, n_motifs) -> (batch, n_motifs, d_model)
    return jnp.take(strand_embed, strands, axis=0)

if __name__ == "__main__":
    import jax
    _d = setup_inputs()
    print(jax.jit(kernel)(*tuple(_d.values())))

</pallas_src>

<mosaic_0001>
#map = affine_map<(d0, d1) -> (0, 0)>
#map1 = affine_map<(d0, d1) -> (0, 0, 0)>
module attributes {stable_mosaic.version = 14 : i64} {
  func.func @_strand_encode(%arg0: i32, %arg1: i32, %arg2: memref<200x4096xf32, #tpu.memory_space<hbm>>, %arg3: memref<2x64x16xf32, #tpu.memory_space<hbm>>, %arg4: memref<200x64x4096xf32, #tpu.memory_space<hbm>>, %arg5: memref<200x128xf32, #tpu.memory_space<vmem>>, %arg6: memref<2x64x16xf32, #tpu.memory_space<vmem>>, %arg7: memref<2x4x64x128xf32, #tpu.memory_space<vmem>>, %arg8: memref<!tpu.dma_semaphore, #tpu.memory_space<semaphore_mem>>, %arg9: memref<!tpu.dma_semaphore, #tpu.memory_space<semaphore_mem>>) attributes {dimension_semantics = [#tpu.dimension_semantics<core_parallel>, #tpu.dimension_semantics<subcore_parallel>], iteration_bounds = array<i64: 2, 16>, scalar_prefetch = 0 : i64, scratch_operands = 5 : i64, tpu.core_type = #tpu.core_type<sc_vector_subcore>, window_params = [{transform_indices = #map}, {transform_indices = #map1}, {transform_indices = #map1}]} {
    %mul3A = arith.constant 2 : i32
    %mul3A_0 = arith.muli %arg1, %mul3A : i32
    %add3A = arith.addi %mul3A_0, %arg0 : i32
    %mul3A_1 = arith.constant 128 : i32
    %mul3A_2 = arith.muli %add3A, %mul3A_1 : i32
    "tpu.region"() ({
      %run_scoped3A = tpu.sem_alloc : memref<!tpu.dma_semaphore, #tpu.memory_space<semaphore_mem>>
      %dma_start3A = arith.constant 0 : i32
      %dma_start3A_41 = tpu.memref_slice %arg2[%dma_start3A, %mul3A_2] : memref<200x4096xf32, #tpu.memory_space<hbm>> -> memref<200x128xf32, #tpu.memory_space<hbm>>
      %dma_start3A_42 = arith.constant 0 : i32
      %dma_start3A_43 = tpu.memref_slice %arg2[%dma_start3A_42, %mul3A_2] : memref<200x4096xf32, #tpu.memory_space<hbm>> -> memref<200x128xf32, #tpu.memory_space<hbm>>
      tpu.enqueue_dma source(%dma_start3A_43 : memref<200x128xf32, #tpu.memory_space<hbm>>) target(%arg5 : memref<200x128xf32, #tpu.memory_space<vmem>>) target_semaphore(%run_scoped3A : memref<!tpu.dma_semaphore, #tpu.memory_space<semaphore_mem>>)
      %dma_wait3A_44 = arith.constant 0 : i32
      %dma_wait3A_45 = tpu.memref_slice %arg2[%dma_wait3A_44, %mul3A_2] : memref<200x4096xf32, #tpu.memory_space<hbm>> -> memref<200x128xf32, #tpu.memory_space<hbm>>
      %dma_wait3A_46 = arith.constant 0 : i32
      %dma_wait3A_47 = tpu.memref_slice %arg2[%dma_wait3A_46, %mul3A_2] : memref<200x4096xf32, #tpu.memory_space<hbm>> -> memref<200x128xf32, #tpu.memory_space<hbm>>
      tpu.wait_dma2 semaphore(%run_scoped3A : memref<!tpu.dma_semaphore, #tpu.memory_space<semaphore_mem>>) src(%dma_wait3A_47 : memref<200x128xf32, #tpu.memory_space<hbm>>) dst(%arg5 : memref<200x128xf32, #tpu.memory_space<vmem>>)
      tpu.yield
    }) : () -> ()
    "tpu.region"() ({
      %run_scoped3A = tpu.sem_alloc : memref<!tpu.dma_semaphore, #tpu.memory_space<semaphore_mem>>
      tpu.enqueue_dma source(%arg3 : memref<2x64x16xf32, #tpu.memory_space<hbm>>) target(%arg6 : memref<2x64x16xf32, #tpu.memory_space<vmem>>) target_semaphore(%run_scoped3A : memref<!tpu.dma_semaphore, #tpu.memory_space<semaphore_mem>>)
      tpu.wait_dma2 semaphore(%run_scoped3A : memref<!tpu.dma_semaphore, #tpu.memory_space<semaphore_mem>>) src(%arg3 : memref<2x64x16xf32, #tpu.memory_space<hbm>>) dst(%arg6 : memref<2x64x16xf32, #tpu.memory_space<vmem>>)
      tpu.yield
    }) : () -> ()
    %scan3A = arith.constant 0 : i32
    %scan3A_3 = arith.constant 0 : i32
    %scan3A_4 = arith.constant 25 : i32
    %scan3A_5 = arith.addi %scan3A_3, %scan3A_4 : i32
    %scan3A_6 = arith.constant 1 : i32
    scf.for %scan3A_41 = %scan3A_3 to %scan3A_5 step %scan3A_6  : i32 {
      %mul3A_42 = arith.constant 2 : i32
      %mul3A_43 = arith.muli %mul3A_42, %scan3A_41 : i32
      %add3A_44 = arith.constant 0 : i32
      %add3A_45 = arith.addi %mul3A_43, %add3A_44 : i32
      %mul3A_46 = arith.constant 4 : i32
      %mul3A_47 = arith.muli %add3A_45, %mul3A_46 : i32
      %ge3A = arith.constant 1 : i32
      %ge3A_48 = arith.cmpi sge, %scan3A_41, %ge3A : i32
      %convert_element_type3A = arith.extui %ge3A_48 : i1 to i32
      %cond3A = arith.constant 0 : i32
      %cond3A_49 = arith.cmpi ne, %convert_element_type3A, %cond3A : i32
      scf.if %cond3A_49 {
        %sub3A = arith.constant 2 : i32
        %sub3A_99 = arith.subi %add3A_45, %sub3A : i32
        %mul3A_100 = arith.constant 4 : i32
        %mul3A_101 = arith.muli %sub3A_99, %mul3A_100 : i32
        %dma_wait3A_102 = arith.constant 0 : i32
        %dma_wait3A_103 = arith.constant 0 : i32
        %dma_wait3A_104 = arith.constant 0 : i32
        %dma_wait3A_105 = arith.constant 0 : i32
        %dma_wait3A_106 = tpu.memref_slice %arg7[%dma_wait3A_102, %dma_wait3A_103, %dma_wait3A_104, %dma_wait3A_105] : memref<2x4x64x128xf32, #tpu.memory_space<vmem>> -> memref<1x4x64x128xf32, #tpu.memory_space<vmem>>
        %dma_wait3A_107 = tpu.memref_squeeze %dma_wait3A_106 : memref<1x4x64x128xf32, #tpu.memory_space<vmem>> -> memref<4x64x128xf32, #tpu.memory_space<vmem>>
        %dma_wait3A_108 = arith.constant 0 : i32
        %dma_wait3A_109 = tpu.memref_slice %arg4[%mul3A_101, %dma_wait3A_108, %mul3A_2] : memref<200x64x4096xf32, #tpu.memory_space<hbm>> -> memref<4x64x128xf32, #tpu.memory_space<hbm>>
        %dma_wait3A_110 = arith.constant 0 : i32
        %dma_wait3A_111 = tpu.memref_slice %arg4[%mul3A_101, %dma_wait3A_110, %mul3A_2] : memref<200x64x4096xf32, #tpu.memory_space<hbm>> -> memref<4x64x128xf32, #tpu.memory_space<hbm>>
        %dma_wait3A_112 = arith.constant 0 : i32
        %dma_wait3A_113 = arith.constant 0 : i32
        %dma_wait3A_114 = arith.constant 0 : i32
        %dma_wait3A_115 = tpu.memref_slice %arg7[%dma_wait3A_102, %dma_wait3A_112, %dma_wait3A_113, %dma_wait3A_114] : memref<2x4x64x128xf32, #tpu.memory_space<vmem>> -> memref<1x4x64x128xf32, #tpu.memory_space<vmem>>
        %dma_wait3A_116 = tpu.memref_squeeze %dma_wait3A_115 : memref<1x4x64x128xf32, #tpu.memory_space<vmem>> -> memref<4x64x128xf32, #tpu.memory_space<vmem>>
        tpu.wait_dma2 semaphore(%arg8 : memref<!tpu.dma_semaphore, #tpu.memory_space<semaphore_mem>>) src(%dma_wait3A_116 : memref<4x64x128xf32, #tpu.memory_space<vmem>>) dst(%dma_wait3A_111 : memref<4x64x128xf32, #tpu.memory_space<hbm>>)
      } else {
      }
      %parallel_loop3A = arith.constant 0 : i32
      %parallel_loop3A_50 = arith.constant 64 : i32
      %parallel_loop3A_51 = arith.constant 1 : i32
      scf.for %parallel_loop3A_99 = %parallel_loop3A to %parallel_loop3A_50 step %parallel_loop3A_51  : i32 {
        %parallel_loop3A_100 = arith.constant 0 : i32
        %parallel_loop3A_101 = arith.index_cast %parallel_loop3A_100 : i32 to index
        %parallel_loop3A_102 = arith.index_cast %parallel_loop3A_99 : i32 to index
        %parallel_loop3A_103 = arith.constant 0 : index
        %parallel_loop3A_104 = tpu.vector_load %arg6[%parallel_loop3A_101, %parallel_loop3A_102, %parallel_loop3A_103] {strides = array<i32>} : memref<2x64x16xf32, #tpu.memory_space<vmem>>, vector<1x1x16xf32>,
        %parallel_loop3A_105 = vector.shape_cast %parallel_loop3A_104 : vector<1x1x16xf32> to vector<16xf32>
        %parallel_loop3A_106 = arith.constant 1 : i32
        %parallel_loop3A_107 = arith.index_cast %parallel_loop3A_106 : i32 to index
        %parallel_loop3A_108 = arith.index_cast %parallel_loop3A_99 : i32 to index
        %parallel_loop3A_109 = arith.constant 0 : index
        %parallel_loop3A_110 = tpu.vector_load %arg6[%parallel_loop3A_107, %parallel_loop3A_108, %parallel_loop3A_109] {strides = array<i32>} : memref<2x64x16xf32, #tpu.memory_space<vmem>>, vector<1x1x16xf32>,
        %parallel_loop3A_111 = vector.shape_cast %parallel_loop3A_110 : vector<1x1x16xf32> to vector<16xf32>
        %parallel_loop3A_112 = arith.subf %parallel_loop3A_111, %parallel_loop3A_105 : vector<16xf32>
        %parallel_loop3A_113 = arith.constant 0 : i32
        %parallel_loop3A_114 = arith.addi %mul3A_47, %parallel_loop3A_113 : i32
        %parallel_loop3A_115 = arith.index_cast %parallel_loop3A_114 : i32 to index
        %parallel_loop3A_116 = arith.constant 0 : index
        %parallel_loop3A_117 = tpu.vector_load %arg5[%parallel_loop3A_115, %parallel_loop3A_116] {strides = array<i32>} : memref<200x128xf32, #tpu.memory_space<vmem>>, vector<1x16xf32>,
        %parallel_loop3A_118 = vector.shape_cast %parallel_loop3A_117 : vector<1x16xf32> to vector<16xf32>
        %parallel_loop3A_119 = arith.mulf %parallel_loop3A_118, %parallel_loop3A_112 : vector<16xf32>
        %parallel_loop3A_120 = arith.addf %parallel_loop3A_105, %parallel_loop3A_119 : vector<16xf32>
        %parallel_loop3A_121 = arith.constant 0 : i32
        %parallel_loop3A_122 = arith.constant 0 : i32
        %parallel_loop3A_123 = arith.index_cast %parallel_loop3A_121 : i32 to index
        %parallel_loop3A_124 = arith.index_cast %parallel_loop3A_122 : i32 to index
        %parallel_loop3A_125 = arith.index_cast %parallel_loop3A_99 : i32 to index
        %parallel_loop3A_126 = arith.constant 0 : index
        %parallel_loop3A_127 = tpu.vector_load %arg7[%parallel_loop3A_123, %parallel_loop3A_124, %parallel_loop3A_125, %parallel_loop3A_126] {strides = array<i32>} : memref<2x4x64x128xf32, #tpu.memory_space<vmem>>, vector<1x1x1x16xf32>,
        %parallel_loop3A_128 = vector.shape_cast %parallel_loop3A_127 : vector<1x1x1x16xf32> to vector<16xf32>
        %parallel_loop3A_129 = vector.shape_cast %parallel_loop3A_120 : vector<16xf32> to vector<1x1x1x16xf32>
        tpu.vector_store %arg7[%parallel_loop3A_123, %parallel_loop3A_124, %parallel_loop3A_125, %parallel_loop3A_126], %parallel_loop3A_129 {strides = array<i32>} : memref<2x4x64x128xf32, #tpu.memory_space<vmem>>, vector<1x1x1x16xf32>,
        %parallel_loop3A_130 = arith.constant 0 : i32
        %parallel_loop3A_131 = arith.addi %mul3A_47, %parallel_loop3A_130 : i32
        %parallel_loop3A_132 = arith.index_cast %parallel_loop3A_131 : i32 to index
        %parallel_loop3A_133 = arith.constant 16 : index
        %parallel_loop3A_134 = tpu.vector_load %arg5[%parallel_loop3A_132, %parallel_loop3A_133] {strides = array<i32>} : memref<200x128xf32, #tpu.memory_space<vmem>>, vector<1x16xf32>,
        %parallel_loop3A_135 = vector.shape_cast %parallel_loop3A_134 : vector<1x16xf32> to vector<16xf32>
        %parallel_loop3A_136 = arith.mulf %parallel_loop3A_135, %parallel_loop3A_112 : vector<16xf32>
        %parallel_loop3A_137 = arith.addf %parallel_loop3A_105, %parallel_loop3A_136 : vector<16xf32>
        %parallel_loop3A_138 = arith.constant 0 : i32
        %parallel_loop3A_139 = arith.constant 0 : i32
        %parallel_loop3A_140 = arith.index_cast %parallel_loop3A_138 : i32 to index
        %parallel_loop3A_141 = arith.index_cast %parallel_loop3A_139 : i32 to index
        %parallel_loop3A_142 = arith.index_cast %parallel_loop3A_99 : i32 to index
        %parallel_loop3A_143 = arith.constant 16 : index
        %parallel_loop3A_144 = tpu.vector_load %arg7[%parallel_loop3A_140, %parallel_loop3A_141, %parallel_loop3A_142, %parallel_loop3A_143] {strides = array<i32>} : memref<2x4x64x128xf32, #tpu.memory_space<vmem>>, vector<1x1x1x16xf32>,
        %parallel_loop3A_145 = vector.shape_cast %parallel_loop3A_144 : vector<1x1x1x16xf32> to vector<16xf32>
        %parallel_loop3A_146 = vector.shape_cast %parallel_loop3A_137 : vector<16xf32> to vector<1x1x1x16xf32>
        tpu.vector_store %arg7[%parallel_loop3A_140, %parallel_loop3A_141, %parallel_loop3A_142, %parallel_loop3A_143], %parallel_loop3A_146 {strides = array<i32>} : memref<2x4x64x128xf32, #tpu.memory_space<vmem>>, vector<1x1x1x16xf32>,
        %parallel_loop3A_147 = arith.constant 0 : i32
        %parallel_loop3A_148 = arith.addi %mul3A_47, %parallel_loop3A_147 : i32
        %parallel_loop3A_149 = arith.index_cast %parallel_loop3A_148 : i32 to index
        %parallel_loop3A_150 = arith.constant 32 : index
        %parallel_loop3A_151 = tpu.vector_load %arg5[%parallel_loop3A_149, %parallel_loop3A_150] {strides = array<i32>} : memref<200x128xf32, #tpu.memory_space<vmem>>, vector<1x16xf32>,
        %parallel_loop3A_152 = vector.shape_cast %parallel_loop3A_151 : vector<1x16xf32> to vector<16xf32>
        %parallel_loop3A_153 = arith.mulf %parallel_loop3A_152, %parallel_loop3A_112 : vector<16xf32>
        %parallel_loop3A_154 = arith.addf %parallel_loop3A_105, %parallel_loop3A_153 : vector<16xf32>
        %parallel_loop3A_155 = arith.constant 0 : i32
        %parallel_loop3A_156 = arith.constant 0 : i32
        %parallel_loop3A_157 = arith.index_cast %parallel_loop3A_155 : i32 to index
        %parallel_loop3A_158 = arith.index_cast %parallel_loop3A_156 : i32 to index
        %parallel_loop3A_159 = arith.index_cast %parallel_loop3A_99 : i32 to index
        %parallel_loop3A_160 = arith.constant 32 : index
        %parallel_loop3A_161 = tpu.vector_load %arg7[%parallel_loop3A_157, %parallel_loop3A_158, %parallel_loop3A_159, %parallel_loop3A_160] {strides = array<i32>} : memref<2x4x64x128xf32, #tpu.memory_space<vmem>>, vector<1x1x1x16xf32>,
        %parallel_loop3A_162 = vector.shape_cast %parallel_loop3A_161 : vector<1x1x1x16xf32> to vector<16xf32>
        %parallel_loop3A_163 = vector.shape_cast %parallel_loop3A_154 : vector<16xf32> to vector<1x1x1x16xf32>
        tpu.vector_store %arg7[%parallel_loop3A_157, %parallel_loop3A_158, %parallel_loop3A_159, %parallel_loop3A_160], %parallel_loop3A_163 {strides = array<i32>} : memref<2x4x64x128xf32, #tpu.memory_space<vmem>>, vector<1x1x1x16xf32>,
        %parallel_loop3A_164 = arith.constant 0 : i32
        %parallel_loop3A_165 = arith.addi %mul3A_47, %parallel_loop3A_164 : i32
        %parallel_loop3A_166 = arith.index_cast %parallel_loop3A_165 : i32 to index
        %parallel_loop3A_167 = arith.constant 48 : index
        %parallel_loop3A_168 = tpu.vector_load %arg5[%parallel_loop3A_166, %parallel_loop3A_167] {strides = array<i32>} : memref<200x128xf32, #tpu.memory_space<vmem>>, vector<1x16xf32>,
        %parallel_loop3A_169 = vector.shape_cast %parallel_loop3A_168 : vector<1x16xf32> to vector<16xf32>
        %parallel_loop3A_170 = arith.mulf %parallel_loop3A_169, %parallel_loop3A_112 : vector<16xf32>
        %parallel_loop3A_171 = arith.addf %parallel_loop3A_105, %parallel_loop3A_170 : vector<16xf32>
        %parallel_loop3A_172 = arith.constant 0 : i32
        %parallel_loop3A_173 = arith.constant 0 : i32
        %parallel_loop3A_174 = arith.index_cast %parallel_loop3A_172 : i32 to index
        %parallel_loop3A_175 = arith.index_cast %parallel_loop3A_173 : i32 to index
        %parallel_loop3A_176 = arith.index_cast %parallel_loop3A_99 : i32 to index
        %parallel_loop3A_177 = arith.constant 48 : index
        %parallel_loop3A_178 = tpu.vector_load %arg7[%parallel_loop3A_174, %parallel_loop3A_175, %parallel_loop3A_176, %parallel_loop3A_177] {strides = array<i32>} : memref<2x4x64x128xf32, #tpu.memory_space<vmem>>, vector<1x1x1x16xf32>,
        %parallel_loop3A_179 = vector.shape_cast %parallel_loop3A_178 : vector<1x1x1x16xf32> to vector<16xf32>
        %parallel_loop3A_180 = vector.shape_cast %parallel_loop3A_171 : vector<16xf32> to vector<1x1x1x16xf32>
        tpu.vector_store %arg7[%parallel_loop3A_174, %parallel_loop3A_175, %parallel_loop3A_176, %parallel_loop3A_177], %parallel_loop3A_180 {strides = array<i32>} : memref<2x4x64x128xf32, #tpu.memory_space<vmem>>, vector<1x1x1x16xf32>,
        %parallel_loop3A_181 = arith.constant 0 : i32
        %parallel_loop3A_182 = arith.addi %mul3A_47, %parallel_loop3A_181 : i32
        %parallel_loop3A_183 = arith.index_cast %parallel_loop3A_182 : i32 to index
        %parallel_loop3A_184 = arith.constant 64 : index
        %parallel_loop3A_185 = tpu.vector_load %arg5[%parallel_loop3A_183, %parallel_loop3A_184] {strides = array<i32>} : memref<200x128xf32, #tpu.memory_space<vmem>>, vector<1x16xf32>,
        %parallel_loop3A_186 = vector.shape_cast %parallel_loop3A_185 : vector<1x16xf32> to vector<16xf32>
        %parallel_loop3A_187 = arith.mulf %parallel_loop3A_186, %parallel_loop3A_112 : vector<16xf32>
        %parallel_loop3A_188 = arith.addf %parallel_loop3A_105, %parallel_loop3A_187 : vector<16xf32>
        %parallel_loop3A_189 = arith.constant 0 : i32
        %parallel_loop3A_190 = arith.constant 0 : i32
        %parallel_loop3A_191 = arith.index_cast %parallel_loop3A_189 : i32 to index
        %parallel_loop3A_192 = arith.index_cast %parallel_loop3A_190 : i32 to index
        %parallel_loop3A_193 = arith.index_cast %parallel_loop3A_99 : i32 to index
        %parallel_loop3A_194 = arith.constant 64 : index
        %parallel_loop3A_195 = tpu.vector_load %arg7[%parallel_loop3A_191, %parallel_loop3A_192, %parallel_loop3A_193, %parallel_loop3A_194] {strides = array<i32>} : memref<2x4x64x128xf32, #tpu.memory_space<vmem>>, vector<1x1x1x16xf32>,
        %parallel_loop3A_196 = vector.shape_cast %parallel_loop3A_195 : vector<1x1x1x16xf32> to vector<16xf32>
        %parallel_loop3A_197 = vector.shape_cast %parallel_loop3A_188 : vector<16xf32> to vector<1x1x1x16xf32>
        tpu.vector_store %arg7[%parallel_loop3A_191, %parallel_loop3A_192, %parallel_loop3A_193, %parallel_loop3A_194], %parallel_loop3A_197 {strides = array<i32>} : memref<2x4x64x128xf32, #tpu.memory_space<vmem>>, vector<1x1x1x16xf32>,
        %parallel_loop3A_198 = arith.constant 0 : i32
        %parallel_loop3A_199 = arith.addi %mul3A_47, %parallel_loop3A_198 : i32
        %parallel_loop3A_200 = arith.index_cast %parallel_loop3A_199 : i32 to index
        %parallel_loop3A_201 = arith.constant 80 : index
        %parallel_loop3A_202 = tpu.vector_load %arg5[%parallel_loop3A_200, %parallel_loop3A_201] {strides = array<i32>} : memref<200x128xf32, #tpu.memory_space<vmem>>, vector<1x16xf32>,
        %parallel_loop3A_203 = vector.shape_cast %parallel_loop3A_202 : vector<1x16xf32> to vector<16xf32>
        %parallel_loop3A_204 = arith.mulf %parallel_loop3A_203, %parallel_loop3A_112 : vector<16xf32>
        %parallel_loop3A_205 = arith.addf %parallel_loop3A_105, %parallel_loop3A_204 : vector<16xf32>
        %parallel_loop3A_206 = arith.constant 0 : i32
        %parallel_loop3A_207 = arith.constant 0 : i32
        %parallel_loop3A_208 = arith.index_cast %parallel_loop3A_206 : i32 to index
        %parallel_loop3A_209 = arith.index_cast %parallel_loop3A_207 : i32 to index
        %parallel_loop3A_210 = arith.index_cast %parallel_loop3A_99 : i32 to index
        %parallel_loop3A_211 = arith.constant 80 : index
        %parallel_loop3A_212 = tpu.vector_load %arg7[%parallel_loop3A_208, %parallel_loop3A_209, %parallel_loop3A_210, %parallel_loop3A_211] {strides = array<i32>} : memref<2x4x64x128xf32, #tpu.memory_space<vmem>>, vector<1x1x1x16xf32>,
        %parallel_loop3A_213 = vector.shape_cast %parallel_loop3A_212 : vector<1x1x1x16xf32> to vector<16xf32>
        %parallel_loop3A_214 = vector.shape_cast %parallel_loop3A_205 : vector<16xf32> to vector<1x1x1x16xf32>
        tpu.vector_store %arg7[%parallel_loop3A_208, %parallel_loop3A_209, %parallel_loop3A_210, %parallel_loop3A_211], %parallel_loop3A_214 {strides = array<i32>} : memref<2x4x64x128xf32, #tpu.memory_space<vmem>>, vector<1x1x1x16xf32>,
        %parallel_loop3A_215 = arith.constant 0 : i32
        %parallel_loop3A_216 = arith.addi %mul3A_47, %parallel_loop3A_215 : i32
        %parallel_loop3A_217 = arith.index_cast %parallel_loop3A_216 : i32 to index
        %parallel_loop3A_218 = arith.constant 96 : index
        %parallel_loop3A_219 = tpu.vector_load %arg5[%parallel_loop3A_217, %parallel_loop3A_218] {strides = array<i32>} : memref<200x128xf32, #tpu.memory_space<vmem>>, vector<1x16xf32>,
        %parallel_loop3A_220 = vector.shape_cast %parallel_loop3A_219 : vector<1x16xf32> to vector<16xf32>
        %parallel_loop3A_221 = arith.mulf %parallel_loop3A_220, %parallel_loop3A_112 : vector<16xf32>
        %parallel_loop3A_222 = arith.addf %parallel_loop3A_105, %parallel_loop3A_221 : vector<16xf32>
        %parallel_loop3A_223 = arith.constant 0 : i32
        %parallel_loop3A_224 = arith.constant 0 : i32
        %parallel_loop3A_225 = arith.index_cast %parallel_loop3A_223 : i32 to index
        %parallel_loop3A_226 = arith.index_cast %parallel_loop3A_224 : i32 to index
        %parallel_loop3A_227 = arith.index_cast %parallel_loop3A_99 : i32 to index
        %parallel_loop3A_228 = arith.constant 96 : index
        %parallel_loop3A_229 = tpu.vector_load %arg7[%parallel_loop3A_225, %parallel_loop3A_226, %parallel_loop3A_227, %parallel_loop3A_228] {strides = array<i32>} : memref<2x4x64x128xf32, #tpu.memory_space<vmem>>, vector<1x1x1x16xf32>,
        %parallel_loop3A_230 = vector.shape_cast %parallel_loop3A_229 : vector<1x1x1x16xf32> to vector<16xf32>
        %parallel_loop3A_231 = vector.shape_cast %parallel_loop3A_222 : vector<16xf32> to vector<1x1x1x16xf32>
        tpu.vector_store %arg7[%parallel_loop3A_225, %parallel_loop3A_226, %parallel_loop3A_227, %parallel_loop3A_228], %parallel_loop3A_231 {strides = array<i32>} : memref<2x4x64x128xf32, #tpu.memory_space<vmem>>, vector<1x1x1x16xf32>,
        %parallel_loop3A_232 = arith.constant 0 : i32
        %parallel_loop3A_233 = arith.addi %mul3A_47, %parallel_loop3A_232 : i32
        %parallel_loop3A_234 = arith.index_cast %parallel_loop3A_233 : i32 to index
        %parallel_loop3A_235 = arith.constant 112 : index
        %parallel_loop3A_236 = tpu.vector_load %arg5[%parallel_loop3A_234, %parallel_loop3A_235] {strides = array<i32>} : memref<200x128xf32, #tpu.memory_space<vmem>>, vector<1x16xf32>,
        %parallel_loop3A_237 = vector.shape_cast %parallel_loop3A_236 : vector<1x16xf32> to vector<16xf32>
        %parallel_loop3A_238 = arith.mulf %parallel_loop3A_237, %parallel_loop3A_112 : vector<16xf32>
        %parallel_loop3A_239 = arith.addf %parallel_loop3A_105, %parallel_loop3A_238 : vector<16xf32>
        %parallel_loop3A_240 = arith.constant 0 : i32
        %parallel_loop3A_241 = arith.constant 0 : i32
        %parallel_loop3A_242 = arith.index_cast %parallel_loop3A_240 : i32 to index
        %parallel_loop3A_243 = arith.index_cast %parallel_loop3A_241 : i32 to index
        %parallel_loop3A_244 = arith.index_cast %parallel_loop3A_99 : i32 to index
        %parallel_loop3A_245 = arith.constant 112 : index
        %parallel_loop3A_246 = tpu.vector_load %arg7[%parallel_loop3A_242, %parallel_loop3A_243, %parallel_loop3A_244, %parallel_loop3A_245] {strides = array<i32>} : memref<2x4x64x128xf32, #tpu.memory_space<vmem>>, vector<1x1x1x16xf32>,
        %parallel_loop3A_247 = vector.shape_cast %parallel_loop3A_246 : vector<1x1x1x16xf32> to vector<16xf32>
        %parallel_loop3A_248 = vector.shape_cast %parallel_loop3A_239 : vector<16xf32> to vector<1x1x1x16xf32>
        tpu.vector_store %arg7[%parallel_loop3A_242, %parallel_loop3A_243, %parallel_loop3A_244, %parallel_loop3A_245], %parallel_loop3A_248 {strides = array<i32>} : memref<2x4x64x128xf32, #tpu.memory_space<vmem>>, vector<1x1x1x16xf32>,
        %parallel_loop3A_249 = arith.constant 1 : i32
        %parallel_loop3A_250 = arith.addi %mul3A_47, %parallel_loop3A_249 : i32
        %parallel_loop3A_251 = arith.index_cast %parallel_loop3A_250 : i32 to index
        %parallel_loop3A_252 = arith.constant 0 : index
        %parallel_loop3A_253 = tpu.vector_load %arg5[%parallel_loop3A_251, %parallel_loop3A_252] {strides = array<i32>} : memref<200x128xf32, #tpu.memory_space<vmem>>, vector<1x16xf32>,
        %parallel_loop3A_254 = vector.shape_cast %parallel_loop3A_253 : vector<1x16xf32> to vector<16xf32>
        %parallel_loop3A_255 = arith.mulf %parallel_loop3A_254, %parallel_loop3A_112 : vector<16xf32>
        %parallel_loop3A_256 = arith.addf %parallel_loop3A_105, %parallel_loop3A_255 : vector<16xf32>
        %parallel_loop3A_257 = arith.constant 0 : i32
        %parallel_loop3A_258 = arith.constant 1 : i32
        %parallel_loop3A_259 = arith.index_cast %parallel_loop3A_257 : i32 to index
        %parallel_loop3A_260 = arith.index_cast %parallel_loop3A_258 : i32 to index
        %parallel_loop3A_261 = arith.index_cast %parallel_loop3A_99 : i32 to index
        %parallel_loop3A_262 = arith.constant 0 : index
        %parallel_loop3A_263 = tpu.vector_load %arg7[%parallel_loop3A_259, %parallel_loop3A_260, %parallel_loop3A_261, %parallel_loop3A_262] {strides = array<i32>} : memref<2x4x64x128xf32, #tpu.memory_space<vmem>>, vector<1x1x1x16xf32>,
        %parallel_loop3A_264 = vector.shape_cast %parallel_loop3A_263 : vector<1x1x1x16xf32> to vector<16xf32>
        %parallel_loop3A_265 = vector.shape_cast %parallel_loop3A_256 : vector<16xf32> to vector<1x1x1x16xf32>
        tpu.vector_store %arg7[%parallel_loop3A_259, %parallel_loop3A_260, %parallel_loop3A_261, %parallel_loop3A_262], %parallel_loop3A_265 {strides = array<i32>} : memref<2x4x64x128xf32, #tpu.memory_space<vmem>>, vector<1x1x1x16xf32>,
        %parallel_loop3A_266 = arith.constant 1 : i32
        %parallel_loop3A_267 = arith.addi %mul3A_47, %parallel_loop3A_266 : i32
        %parallel_loop3A_268 = arith.index_cast %parallel_loop3A_267 : i32 to index
        %parallel_loop3A_269 = arith.constant 16 : index
        %parallel_loop3A_270 = tpu.vector_load %arg5[%parallel_loop3A_268, %parallel_loop3A_269] {strides = array<i32>} : memref<200x128xf32, #tpu.memory_space<vmem>>, vector<1x16xf32>,
        %parallel_loop3A_271 = vector.shape_cast %parallel_loop3A_270 : vector<1x16xf32> to vector<16xf32>
        %parallel_loop3A_272 = arith.mulf %parallel_loop3A_271, %parallel_loop3A_112 : vector<16xf32>
        %parallel_loop3A_273 = arith.addf %parallel_loop3A_105, %parallel_loop3A_272 : vector<16xf32>
        %parallel_loop3A_274 = arith.constant 0 : i32
        %parallel_loop3A_275 = arith.constant 1 : i32
        %parallel_loop3A_276 = arith.index_cast %parallel_loop3A_274 : i32 to index
        %parallel_loop3A_277 = arith.index_cast %parallel_loop3A_275 : i32 to index
        %parallel_loop3A_278 = arith.index_cast %parallel_loop3A_99 : i32 to index
        %parallel_loop3A_279 = arith.constant 16 : index
        %parallel_loop3A_280 = tpu.vector_load %arg7[%parallel_loop3A_276, %parallel_loop3A_277, %parallel_loop3A_278, %parallel_loop3A_279] {strides = array<i32>} : memref<2x4x64x128xf32, #tpu.memory_space<vmem>>, vector<1x1x1x16xf32>,
        %parallel_loop3A_281 = vector.shape_cast %parallel_loop3A_280 : vector<1x1x1x16xf32> to vector<16xf32>
        %parallel_loop3A_282 = vector.shape_cast %parallel_loop3A_273 : vector<16xf32> to vector<1x1x1x16xf32>
        tpu.vector_store %arg7[%parallel_loop3A_276, %parallel_loop3A_277, %parallel_loop3A_278, %parallel_loop3A_279], %parallel_loop3A_282 {strides = array<i32>} : memref<2x4x64x128xf32, #tpu.memory_space<vmem>>, vector<1x1x1x16xf32>,
        %parallel_loop3A_283 = arith.constant 1 : i32
        %parallel_loop3A_284 = arith.addi %mul3A_47, %parallel_loop3A_283 : i32
        %parallel_loop3A_285 = arith.index_cast %parallel_loop3A_284 : i32 to index
        %parallel_loop3A_286 = arith.constant 32 : index
        %parallel_loop3A_287 = tpu.vector_load %arg5[%parallel_loop3A_285, %parallel_loop3A_286] {strides = array<i32>} : memref<200x128xf32, #tpu.memory_space<vmem>>, vector<1x16xf32>,
        %parallel_loop3A_288 = vector.shape_cast %parallel_loop3A_287 : vector<1x16xf32> to vector<16xf32>
        %parallel_loop3A_289 = arith.mulf %parallel_loop3A_288, %parallel_loop3A_112 : vector<16xf32>
        %parallel_loop3A_290 = arith.addf %parallel_loop3A_105, %parallel_loop3A_289 : vector<16xf32>
        %parallel_loop3A_291 = arith.constant 0 : i32
        %parallel_loop3A_292 = arith.constant 1 : i32
        %parallel_loop3A_293 = arith.index_cast %parallel_loop3A_291 : i32 to index
        %parallel_loop3A_294 = arith.index_cast %parallel_loop3A_292 : i32 to index
        %parallel_loop3A_295 = arith.index_cast %parallel_loop3A_99 : i32 to index
        %parallel_loop3A_296 = arith.constant 32 : index
        %parallel_loop3A_297 = tpu.vector_load %arg7[%parallel_loop3A_293, %parallel_loop3A_294, %parallel_loop3A_295, %parallel_loop3A_296] {strides = array<i32>} : memref<2x4x64x128xf32, #tpu.memory_space<vmem>>, vector<1x1x1x16xf32>,
        %parallel_loop3A_298 = vector.shape_cast %parallel_loop3A_297 : vector<1x1x1x16xf32> to vector<16xf32>
        %parallel_loop3A_299 = vector.shape_cast %parallel_loop3A_290 : vector<16xf32> to vector<1x1x1x16xf32>
        tpu.vector_store %arg7[%parallel_loop3A_293, %parallel_loop3A_294, %parallel_loop3A_295, %parallel_loop3A_296], %parallel_loop3A_299 {strides = array<i32>} : memref<2x4x64x128xf32, #tpu.memory_space<vmem>>, vector<1x1x1x16xf32>,
        %parallel_loop3A_300 = arith.constant 1 : i32
        %parallel_loop3A_301 = arith.addi %mul3A_47, %parallel_loop3A_300 : i32
        %parallel_loop3A_302 = arith.index_cast %parallel_loop3A_301 : i32 to index
        %parallel_loop3A_303 = arith.constant 48 : index
        %parallel_loop3A_304 = tpu.vector_load %arg5[%parallel_loop3A_302, %parallel_loop3A_303] {strides = array<i32>} : memref<200x128xf32, #tpu.memory_space<vmem>>, vector<1x16xf32>,
        %parallel_loop3A_305 = vector.shape_cast %parallel_loop3A_304 : vector<1x16xf32> to vector<16xf32>
        %parallel_loop3A_306 = arith.mulf %parallel_loop3A_305, %parallel_loop3A_112 : vector<16xf32>
        %parallel_loop3A_307 = arith.addf %parallel_loop3A_105, %parallel_loop3A_306 : vector<16xf32>
        %parallel_loop3A_308 = arith.constant 0 : i32
        %parallel_loop3A_309 = arith.constant 1 : i32
        %parallel_loop3A_310 = arith.index_cast %parallel_loop3A_308 : i32 to index
        %parallel_loop3A_311 = arith.index_cast %parallel_loop3A_309 : i32 to index
        %parallel_loop3A_312 = arith.index_cast %parallel_loop3A_99 : i32 to index
        %parallel_loop3A_313 = arith.constant 48 : index
        %parallel_loop3A_314 = tpu.vector_load %arg7[%parallel_loop3A_310, %parallel_loop3A_311, %parallel_loop3A_312, %parallel_loop3A_313] {strides = array<i32>} : memref<2x4x64x128xf32, #tpu.memory_space<vmem>>, vector<1x1x1x16xf32>,
        %parallel_loop3A_315 = vector.shape_cast %parallel_loop3A_314 : vector<1x1x1x16xf32> to vector<16xf32>
        %parallel_loop3A_316 = vector.shape_cast %parallel_loop3A_307 : vector<16xf32> to vector<1x1x1x16xf32>
        tpu.vector_store %arg7[%parallel_loop3A_310, %parallel_loop3A_311, %parallel_loop3A_312, %parallel_loop3A_313], %parallel_loop3A_316 {strides = array<i32>} : memref<2x4x64x128xf32, #tpu.memory_space<vmem>>, vector<1x1x1x16xf32>,
        %parallel_loop3A_317 = arith.constant 1 : i32
        %parallel_loop3A_318 = arith.addi %mul3A_47, %parallel_loop3A_317 : i32
        %parallel_loop3A_319 = arith.index_cast %parallel_loop3A_318 : i32 to index
        %parallel_loop3A_320 = arith.constant 64 : index
        %parallel_loop3A_321 = tpu.vector_load %arg5[%parallel_loop3A_319, %parallel_loop3A_320] {strides = array<i32>} : memref<200x128xf32, #tpu.memory_space<vmem>>, vector<1x16xf32>,
        %parallel_loop3A_322 = vector.shape_cast %parallel_loop3A_321 : vector<1x16xf32> to vector<16xf32>
        %parallel_loop3A_323 = arith.mulf %parallel_loop3A_322, %parallel_loop3A_112 : vector<16xf32>
        %parallel_loop3A_324 = arith.addf %parallel_loop3A_105, %parallel_loop3A_323 : vector<16xf32>
        %parallel_loop3A_325 = arith.constant 0 : i32
        %parallel_loop3A_326 = arith.constant 1 : i32
        %parallel_loop3A_327 = arith.index_cast %parallel_loop3A_325 : i32 to index
        %parallel_loop3A_328 = arith.index_cast %parallel_loop3A_326 : i32 to index
        %parallel_loop3A_329 = arith.index_cast %parallel_loop3A_99 : i32 to index
        %parallel_loop3A_330 = arith.constant 64 : index
        %parallel_loop3A_331 = tpu.vector_load %arg7[%parallel_loop3A_327, %parallel_loop3A_328, %parallel_loop3A_329, %parallel_loop3A_330] {strides = array<i32>} : memref<2x4x64x128xf32, #tpu.memory_space<vmem>>, vector<1x1x1x16xf32>,
        %parallel_loop3A_332 = vector.shape_cast %parallel_loop3A_331 : vector<1x1x1x16xf32> to vector<16xf32>
        %parallel_loop3A_333 = vector.shape_cast %parallel_loop3A_324 : vector<16xf32> to vector<1x1x1x16xf32>
        tpu.vector_store %arg7[%parallel_loop3A_327, %parallel_loop3A_328, %parallel_loop3A_329, %parallel_loop3A_330], %parallel_loop3A_333 {strides = array<i32>} : memref<2x4x64x128xf32, #tpu.memory_space<vmem>>, vector<1x1x1x16xf32>,
        %parallel_loop3A_334 = arith.constant 1 : i32
        %parallel_loop3A_335 = arith.addi %mul3A_47, %parallel_loop3A_334 : i32
        %parallel_loop3A_336 = arith.index_cast %parallel_loop3A_335 : i32 to index
        %parallel_loop3A_337 = arith.constant 80 : index
        %parallel_loop3A_338 = tpu.vector_load %arg5[%parallel_loop3A_336, %parallel_loop3A_337] {strides = array<i32>} : memref<200x128xf32, #tpu.memory_space<vmem>>, vector<1x16xf32>,
        %parallel_loop3A_339 = vector.shape_cast %parallel_loop3A_338 : vector<1x16xf32> to vector<16xf32>
        %parallel_loop3A_340 = arith.mulf %parallel_loop3A_339, %parallel_loop3A_112 : vector<16xf32>
        %parallel_loop3A_341 = arith.addf %parallel_loop3A_105, %parallel_loop3A_340 : vector<16xf32>
        %parallel_loop3A_342 = arith.constant 0 : i32
        %parallel_loop3A_343 = arith.constant 1 : i32
        %parallel_loop3A_344 = arith.index_cast %parallel_loop3A_342 : i32 to index
        %parallel_loop3A_345 = arith.index_cast %parallel_loop3A_343 : i32 to index
        %parallel_loop3A_346 = arith.index_cast %parallel_loop3A_99 : i32 to index
        %parallel_loop3A_347 = arith.constant 80 : index
        %parallel_loop3A_348 = tpu.vector_load %arg7[%parallel_loop3A_344, %parallel_loop3A_345, %parallel_loop3A_346, %parallel_loop3A_347] {strides = array<i32>} : memref<2x4x64x128xf32, #tpu.memory_space<vmem>>, vector<1x1x1x16xf32>,
        %parallel_loop3A_349 = vector.shape_cast %parallel_loop3A_348 : vector<1x1x1x16xf32> to vector<16xf32>
        %parallel_loop3A_350 = vector.shape_cast %parallel_loop3A_341 : vector<16xf32> to vector<1x1x1x16xf32>
        tpu.vector_store %arg7[%parallel_loop3A_344, %parallel_loop3A_345, %parallel_loop3A_346, %parallel_loop3A_347], %parallel_loop3A_350 {strides = array<i32>} : memref<2x4x64x128xf32, #tpu.memory_space<vmem>>, vector<1x1x1x16xf32>,
        %parallel_loop3A_351 = arith.constant 1 : i32
        %parallel_loop3A_352 = arith.addi %mul3A_47, %parallel_loop3A_351 : i32
        %parallel_loop3A_353 = arith.index_cast %parallel_loop3A_352 : i32 to index
        %parallel_loop3A_354 = arith.constant 96 : index
        %parallel_loop3A_355 = tpu.vector_load %arg5[%parallel_loop3A_353, %parallel_loop3A_354] {strides = array<i32>} : memref<200x128xf32, #tpu.memory_space<vmem>>, vector<1x16xf32>,
        %parallel_loop3A_356 = vector.shape_cast %parallel_loop3A_355 : vector<1x16xf32> to vector<16xf32>
        %parallel_loop3A_357 = arith.mulf %parallel_loop3A_356, %parallel_loop3A_112 : vector<16xf32>
        %parallel_loop3A_358 = arith.addf %parallel_loop3A_105, %parallel_loop3A_357 : vector<16xf32>
        %parallel_loop3A_359 = arith.constant 0 : i32
        %parallel_loop3A_360 = arith.constant 1 : i32
        %parallel_loop3A_361 = arith.index_cast %parallel_loop3A_359 : i32 to index
        %parallel_loop3A_362 = arith.index_cast %parallel_loop3A_360 : i32 to index
        %parallel_loop3A_363 = arith.index_cast %parallel_loop3A_99 : i32 to index
        %parallel_loop3A_364 = arith.constant 96 : index
        %parallel_loop3A_365 = tpu.vector_load %arg7[%parallel_loop3A_361, %parallel_loop3A_362, %parallel_loop3A_363, %parallel_loop3A_364] {strides = array<i32>} : memref<2x4x64x128xf32, #tpu.memory_space<vmem>>, vector<1x1x1x16xf32>,
        %parallel_loop3A_366 = vector.shape_cast %parallel_loop3A_365 : vector<1x1x1x16xf32> to vector<16xf32>
        %parallel_loop3A_367 = vector.shape_cast %parallel_loop3A_358 : vector<16xf32> to vector<1x1x1x16xf32>
        tpu.vector_store %arg7[%parallel_loop3A_361, %parallel_loop3A_362, %parallel_loop3A_363, %parallel_loop3A_364], %parallel_loop3A_367 {strides = array<i32>} : memref<2x4x64x128xf32, #tpu.memory_space<vmem>>, vector<1x1x1x16xf32>,
        %parallel_loop3A_368 = arith.constant 1 : i32
        %parallel_loop3A_369 = arith.addi %mul3A_47, %parallel_loop3A_368 : i32
        %parallel_loop3A_370 = arith.index_cast %parallel_loop3A_369 : i32 to index
        %parallel_loop3A_371 = arith.constant 112 : index
        %parallel_loop3A_372 = tpu.vector_load %arg5[%parallel_loop3A_370, %parallel_loop3A_371] {strides = array<i32>} : memref<200x128xf32, #tpu.memory_space<vmem>>, vector<1x16xf32>,
        %parallel_loop3A_373 = vector.shape_cast %parallel_loop3A_372 : vector<1x16xf32> to vector<16xf32>
        %parallel_loop3A_374 = arith.mulf %parallel_loop3A_373, %parallel_loop3A_112 : vector<16xf32>
        %parallel_loop3A_375 = arith.addf %parallel_loop3A_105, %parallel_loop3A_374 : vector<16xf32>
        %parallel_loop3A_376 = arith.constant 0 : i32
        %parallel_loop3A_377 = arith.constant 1 : i32
        %parallel_loop3A_378 = arith.index_cast %parallel_loop3A_376 : i32 to index
        %parallel_loop3A_379 = arith.index_cast %parallel_loop3A_377 : i32 to index
        %parallel_loop3A_380 = arith.index_cast %parallel_loop3A_99 : i32 to index
        %parallel_loop3A_381 = arith.constant 112 : index
        %parallel_loop3A_382 = tpu.vector_load %arg7[%parallel_loop3A_378, %parallel_loop3A_379, %parallel_loop3A_380, %parallel_loop3A_381] {strides = array<i32>} : memref<2x4x64x128xf32, #tpu.memory_space<vmem>>, vector<1x1x1x16xf32>,
        %parallel_loop3A_383 = vector.shape_cast %parallel_loop3A_382 : vector<1x1x1x16xf32> to vector<16xf32>
        %parallel_loop3A_384 = vector.shape_cast %parallel_loop3A_375 : vector<16xf32> to vector<1x1x1x16xf32>
        tpu.vector_store %arg7[%parallel_loop3A_378, %parallel_loop3A_379, %parallel_loop3A_380, %parallel_loop3A_381], %parallel_loop3A_384 {strides = array<i32>} : memref<2x4x64x128xf32, #tpu.memory_space<vmem>>, vector<1x1x1x16xf32>,
        %parallel_loop3A_385 = arith.constant 2 : i32
        %parallel_loop3A_386 = arith.addi %mul3A_47, %parallel_loop3A_385 : i32
        %parallel_loop3A_387 = arith.index_cast %parallel_loop3A_386 : i32 to index
        %parallel_loop3A_388 = arith.constant 0 : index
        %parallel_loop3A_389 = tpu.vector_load %arg5[%parallel_loop3A_387, %parallel_loop3A_388] {strides = array<i32>} : memref<200x128xf32, #tpu.memory_space<vmem>>, vector<1x16xf32>,
        %parallel_loop3A_390 = vector.shape_cast %parallel_loop3A_389 : vector<1x16xf32> to vector<16xf32>
        %parallel_loop3A_391 = arith.mulf %parallel_loop3A_390, %parallel_loop3A_112 : vector<16xf32>
        %parallel_loop3A_392 = arith.addf %parallel_loop3A_105, %parallel_loop3A_391 : vector<16xf32>
        %parallel_loop3A_393 = arith.constant 0 : i32
        %parallel_loop3A_394 = arith.constant 2 : i32
        %parallel_loop3A_395 = arith.index_cast %parallel_loop3A_393 : i32 to index
        %parallel_loop3A_396 = arith.index_cast %parallel_loop3A_394 : i32 to index
        %parallel_loop3A_397 = arith.index_cast %parallel_loop3A_99 : i32 to index
        %parallel_loop3A_398 = arith.constant 0 : index
        %parallel_loop3A_399 = tpu.vector_load %arg7[%parallel_loop3A_395, %parallel_loop3A_396, %parallel_loop3A_397, %parallel_loop3A_398] {strides = array<i32>} : memref<2x4x64x128xf32, #tpu.memory_space<vmem>>, vector<1x1x1x16xf32>,
        %parallel_loop3A_400 = vector.shape_cast %parallel_loop3A_399 : vector<1x1x1x16xf32> to vector<16xf32>
        %parallel_loop3A_401 = vector.shape_cast %parallel_loop3A_392 : vector<16xf32> to vector<1x1x1x16xf32>
        tpu.vector_store %arg7[%parallel_loop3A_395, %parallel_loop3A_396, %parallel_loop3A_397, %parallel_loop3A_398], %parallel_loop3A_401 {strides = array<i32>} : memref<2x4x64x128xf32, #tpu.memory_space<vmem>>, vector<1x1x1x16xf32>,
        %parallel_loop3A_402 = arith.constant 2 : i32
        %parallel_loop3A_403 = arith.addi %mul3A_47, %parallel_loop3A_402 : i32
        %parallel_loop3A_404 = arith.index_cast %parallel_loop3A_403 : i32 to index
        %parallel_loop3A_405 = arith.constant 16 : index
        %parallel_loop3A_406 = tpu.vector_load %arg5[%parallel_loop3A_404, %parallel_loop3A_405] {strides = array<i32>} : memref<200x128xf32, #tpu.memory_space<vmem>>, vector<1x16xf32>,
        %parallel_loop3A_407 = vector.shape_cast %parallel_loop3A_406 : vector<1x16xf32> to vector<16xf32>
        %parallel_loop3A_408 = arith.mulf %parallel_loop3A_407, %parallel_loop3A_112 : vector<16xf32>
        %parallel_loop3A_409 = arith.addf %parallel_loop3A_105, %parallel_loop3A_408 : vector<16xf32>
        %parallel_loop3A_410 = arith.constant 0 : i32
        %parallel_loop3A_411 = arith.constant 2 : i32
        %parallel_loop3A_412 = arith.index_cast %parallel_loop3A_410 : i32 to index
        %parallel_loop3A_413 = arith.index_cast %parallel_loop3A_411 : i32 to index
        %parallel_loop3A_414 = arith.index_cast %parallel_loop3A_99 : i32 to index
        %parallel_loop3A_415 = arith.constant 16 : index
        %parallel_loop3A_416 = tpu.vector_load %arg7[%parallel_loop3A_412, %parallel_loop3A_413, %parallel_loop3A_414, %parallel_loop3A_415] {strides = array<i32>} : memref<2x4x64x128xf32, #tpu.memory_space<vmem>>, vector<1x1x1x16xf32>,
        %parallel_loop3A_417 = vector.shape_cast %parallel_loop3A_416 : vector<1x1x1x16xf32> to vector<16xf32>
        %parallel_loop3A_418 = vector.shape_cast %parallel_loop3A_409 : vector<16xf32> to vector<1x1x1x16xf32>
        tpu.vector_store %arg7[%parallel_loop3A_412, %parallel_loop3A_413, %parallel_loop3A_414, %parallel_loop3A_415], %parallel_loop3A_418 {strides = array<i32>} : memref<2x4x64x128xf32, #tpu.memory_space<vmem>>, vector<1x1x1x16xf32>,
        %parallel_loop3A_419 = arith.constant 2 : i32
        %parallel_loop3A_420 = arith.addi %mul3A_47, %parallel_loop3A_419 : i32
        %parallel_loop3A_421 = arith.index_cast %parallel_loop3A_420 : i32 to index
        %parallel_loop3A_422 = arith.constant 32 : index
        %parallel_loop3A_423 = tpu.vector_load %arg5[%parallel_loop3A_421, %parallel_loop3A_422] {strides = array<i32>} : memref<200x128xf32, #tpu.memory_space<vmem>>, vector<1x16xf32>,
        %parallel_loop3A_424 = vector.shape_cast %parallel_loop3A_423 : vector<1x16xf32> to vector<16xf32>
        %parallel_loop3A_425 = arith.mulf %parallel_loop3A_424, %parallel_loop3A_112 : vector<16xf32>
        %parallel_loop3A_426 = arith.addf %parallel_loop3A_105, %parallel_loop3A_425 : vector<16xf32>
        %parallel_loop3A_427 = arith.constant 0 : i32
        %parallel_loop3A_428 = arith.constant 2 : i32
        %parallel_loop3A_429 = arith.index_cast %parallel_loop3A_427 : i32 to index
        %parallel_loop3A_430 = arith.index_cast %parallel_loop3A_428 : i32 to index
        %parallel_loop3A_431 = arith.index_cast %parallel_loop3A_99 : i32 to index
        %parallel_loop3A_432 = arith.constant 32 : index
        %parallel_loop3A_433 = tpu.vector_load %arg7[%parallel_loop3A_429, %parallel_loop3A_430, %parallel_loop3A_431, %parallel_loop3A_432] {strides = array<i32>} : memref<2x4x64x128xf32, #tpu.memory_space<vmem>>, vector<1x1x1x16xf32>,
        %parallel_loop3A_434 = vector.shape_cast %parallel_loop3A_433 : vector<1x1x1x16xf32> to vector<16xf32>
        %parallel_loop3A_435 = vector.shape_cast %parallel_loop3A_426 : vector<16xf32> to vector<1x1x1x16xf32>
        tpu.vector_store %arg7[%parallel_loop3A_429, %parallel_loop3A_430, %parallel_loop3A_431, %parallel_loop3A_432], %parallel_loop3A_435 {strides = array<i32>} : memref<2x4x64x128xf32, #tpu.memory_space<vmem>>, vector<1x1x1x16xf32>,
        %parallel_loop3A_436 = arith.constant 2 : i32
        %parallel_loop3A_437 = arith.addi %mul3A_47, %parallel_loop3A_436 : i32
        %parallel_loop3A_438 = arith.index_cast %parallel_loop3A_437 : i32 to index
        %parallel_loop3A_439 = arith.constant 48 : index
        %parallel_loop3A_440 = tpu.vector_load %arg5[%parallel_loop3A_438, %parallel_loop3A_439] {strides = array<i32>} : memref<200x128xf32, #tpu.memory_space<vmem>>, vector<1x16xf32>,
        %parallel_loop3A_441 = vector.shape_cast %parallel_loop3A_440 : vector<1x16xf32> to vector<16xf32>
        %parallel_loop3A_442 = arith.mulf %parallel_loop3A_441, %parallel_loop3A_112 : vector<16xf32>
        %parallel_loop3A_443 = arith.addf %parallel_loop3A_105, %parallel_loop3A_442 : vector<16xf32>
        %parallel_loop3A_444 = arith.constant 0 : i32
        %parallel_loop3A_445 = arith.constant 2 : i32
        %parallel_loop3A_446 = arith.index_cast %parallel_loop3A_444 : i32 to index
        %parallel_loop3A_447 = arith.index_cast %parallel_loop3A_445 : i32 to index
        %parallel_loop3A_448 = arith.index_cast %parallel_loop3A_99 : i32 to index
        %parallel_loop3A_449 = arith.constant 48 : index
        %parallel_loop3A_450 = tpu.vector_load %arg7[%parallel_loop3A_446, %parallel_loop3A_447, %parallel_loop3A_448, %parallel_loop3A_449] {strides = array<i32>} : memref<2x4x64x128xf32, #tpu.memory_space<vmem>>, vector<1x1x1x16xf32>,
        %parallel_loop3A_451 = vector.shape_cast %parallel_loop3A_450 : vector<1x1x1x16xf32> to vector<16xf32>
        %parallel_loop3A_452 = vector.shape_cast %parallel_loop3A_443 : vector<16xf32> to vector<1x1x1x16xf32>
        tpu.vector_store %arg7[%parallel_loop3A_446, %parallel_loop3A_447, %parallel_loop3A_448, %parallel_loop3A_449], %parallel_loop3A_452 {strides = array<i32>} : memref<2x4x64x128xf32, #tpu.memory_space<vmem>>, vector<1x1x1x16xf32>,
        %parallel_loop3A_453 = arith.constant 2 : i32
        %parallel_loop3A_454 = arith.addi %mul3A_47, %parallel_loop3A_453 : i32
        %parallel_loop3A_455 = arith.index_cast %parallel_loop3A_454 : i32 to index
        %parallel_loop3A_456 = arith.constant 64 : index
        %parallel_loop3A_457 = tpu.vector_load %arg5[%parallel_loop3A_455, %parallel_loop3A_456] {strides = array<i32>} : memref<200x128xf32, #tpu.memory_space<vmem>>, vector<1x16xf32>,
        %parallel_loop3A_458 = vector.shape_cast %parallel_loop3A_457 : vector<1x16xf32> to vector<16xf32>
        %parallel_loop3A_459 = arith.mulf %parallel_loop3A_458, %parallel_loop3A_112 : vector<16xf32>
        %parallel_loop3A_460 = arith.addf %parallel_loop3A_105, %parallel_loop3A_459 : vector<16xf32>
        %parallel_loop3A_461 = arith.constant 0 : i32
        %parallel_loop3A_462 = arith.constant 2 : i32
        %parallel_loop3A_463 = arith.index_cast %parallel_loop3A_461 : i32 to index
        %parallel_loop3A_464 = arith.index_cast %parallel_loop3A_462 : i32 to index
        %parallel_loop3A_465 = arith.index_cast %parallel_loop3A_99 : i32 to index
        %parallel_loop3A_466 = arith.constant 64 : index
        %parallel_loop3A_467 = tpu.vector_load %arg7[%parallel_loop3A_463, %parallel_loop3A_464, %parallel_loop3A_465, %parallel_loop3A_466] {strides = array<i32>} : memref<2x4x64x128xf32, #tpu.memory_space<vmem>>, vector<1x1x1x16xf32>,
        %parallel_loop3A_468 = vector.shape_cast %parallel_loop3A_467 : vector<1x1x1x16xf32> to vector<16xf32>
        %parallel_loop3A_469 = vector.shape_cast %parallel_loop3A_460 : vector<16xf32> to vector<1x1x1x16xf32>
        tpu.vector_store %arg7[%parallel_loop3A_463, %parallel_loop3A_464, %parallel_loop3A_465, %parallel_loop3A_466], %parallel_loop3A_469 {strides = array<i32>} : memref<2x4x64x128xf32, #tpu.memory_space<vmem>>, vector<1x1x1x16xf32>,
        %parallel_loop3A_470 = arith.constant 2 : i32
        %parallel_loop3A_471 = arith.addi %mul3A_47, %parallel_loop3A_470 : i32
        %parallel_loop3A_472 = arith.index_cast %parallel_loop3A_471 : i32 to index
        %parallel_loop3A_473 = arith.constant 80 : index
        %parallel_loop3A_474 = tpu.vector_load %arg5[%parallel_loop3A_472, %parallel_loop3A_473] {strides = array<i32>} : memref<200x128xf32, #tpu.memory_space<vmem>>, vector<1x16xf32>,
        %parallel_loop3A_475 = vector.shape_cast %parallel_loop3A_474 : vector<1x16xf32> to vector<16xf32>
        %parallel_loop3A_476 = arith.mulf %parallel_loop3A_475, %parallel_loop3A_112 : vector<16xf32>
        %parallel_loop3A_477 = arith.addf %parallel_loop3A_105, %parallel_loop3A_476 : vector<16xf32>
        %parallel_loop3A_478 = arith.constant 0 : i32
        %parallel_loop3A_479 = arith.constant 2 : i32
        %parallel_loop3A_480 = arith.index_cast %parallel_loop3A_478 : i32 to index
        %parallel_loop3A_481 = arith.index_cast %parallel_loop3A_479 : i32 to index
        %parallel_loop3A_482 = arith.index_cast %parallel_loop3A_99 : i32 to index
        %parallel_loop3A_483 = arith.constant 80 : index
        %parallel_loop3A_484 = tpu.vector_load %arg7[%parallel_loop3A_480, %parallel_loop3A_481, %parallel_loop3A_482, %parallel_loop3A_483] {strides = array<i32>} : memref<2x4x64x128xf32, #tpu.memory_space<vmem>>, vector<1x1x1x16xf32>,
        %parallel_loop3A_485 = vector.shape_cast %parallel_loop3A_484 : vector<1x1x1x16xf32> to vector<16xf32>
        %parallel_loop3A_486 = vector.shape_cast %parallel_loop3A_477 : vector<16xf32> to vector<1x1x1x16xf32>
        tpu.vector_store %arg7[%parallel_loop3A_480, %parallel_loop3A_481, %parallel_loop3A_482, %parallel_loop3A_483], %parallel_loop3A_486 {strides = array<i32>} : memref<2x4x64x128xf32, #tpu.memory_space<vmem>>, vector<1x1x1x16xf32>,
        %parallel_loop3A_487 = arith.constant 2 : i32
        %parallel_loop3A_488 = arith.addi %mul3A_47, %parallel_loop3A_487 : i32
        %parallel_loop3A_489 = arith.index_cast %parallel_loop3A_488 : i32 to index
        %parallel_loop3A_490 = arith.constant 96 : index
        %parallel_loop3A_491 = tpu.vector_load %arg5[%parallel_loop3A_489, %parallel_loop3A_490] {strides = array<i32>} : memref<200x128xf32, #tpu.memory_space<vmem>>, vector<1x16xf32>,
        %parallel_loop3A_492 = vector.shape_cast %parallel_loop3A_491 : vector<1x16xf32> to vector<16xf32>
        %parallel_loop3A_493 = arith.mulf %parallel_loop3A_492, %parallel_loop3A_112 : vector<16xf32>
        %parallel_loop3A_494 = arith.addf %parallel_loop3A_105, %parallel_loop3A_493 : vector<16xf32>
        %parallel_loop3A_495 = arith.constant 0 : i32
        %parallel_loop3A_496 = arith.constant 2 : i32
        %parallel_loop3A_497 = arith.index_cast %parallel_loop3A_495 : i32 to index
        %parallel_loop3A_498 = arith.index_cast %parallel_loop3A_496 : i32 to index
        %parallel_loop3A_499 = arith.index_cast %parallel_loop3A_99 : i32 to index
        %parallel_loop3A_500 = arith.constant 96 : index
        %parallel_loop3A_501 = tpu.vector_load %arg7[%parallel_loop3A_497, %parallel_loop3A_498, %parallel_loop3A_499, %parallel_loop3A_500] {strides = array<i32>} : memref<2x4x64x128xf32, #tpu.memory_space<vmem>>, vector<1x1x1x16xf32>,
        %parallel_loop3A_502 = vector.shape_cast %parallel_loop3A_501 : vector<1x1x1x16xf32> to vector<16xf32>
        %parallel_loop3A_503 = vector.shape_cast %parallel_loop3A_494 : vector<16xf32> to vector<1x1x1x16xf32>
        tpu.vector_store %arg7[%parallel_loop3A_497, %parallel_loop3A_498, %parallel_loop3A_499, %parallel_loop3A_500], %parallel_loop3A_503 {strides = array<i32>} : memref<2x4x64x128xf32, #tpu.memory_space<vmem>>, vector<1x1x1x16xf32>,
        %parallel_loop3A_504 = arith.constant 2 : i32
        %parallel_loop3A_505 = arith.addi %mul3A_47, %parallel_loop3A_504 : i32
        %parallel_loop3A_506 = arith.index_cast %parallel_loop3A_505 : i32 to index
        %parallel_loop3A_507 = arith.constant 112 : index
        %parallel_loop3A_508 = tpu.vector_load %arg5[%parallel_loop3A_506, %parallel_loop3A_507] {strides = array<i32>} : memref<200x128xf32, #tpu.memory_space<vmem>>, vector<1x16xf32>,
        %parallel_loop3A_509 = vector.shape_cast %parallel_loop3A_508 : vector<1x16xf32> to vector<16xf32>
        %parallel_loop3A_510 = arith.mulf %parallel_loop3A_509, %parallel_loop3A_112 : vector<16xf32>
        %parallel_loop3A_511 = arith.addf %parallel_loop3A_105, %parallel_loop3A_510 : vector<16xf32>
        %parallel_loop3A_512 = arith.constant 0 : i32
        %parallel_loop3A_513 = arith.constant 2 : i32
        %parallel_loop3A_514 = arith.index_cast %parallel_loop3A_512 : i32 to index
        %parallel_loop3A_515 = arith.index_cast %parallel_loop3A_513 : i32 to index
        %parallel_loop3A_516 = arith.index_cast %parallel_loop3A_99 : i32 to index
        %parallel_loop3A_517 = arith.constant 112 : index
        %parallel_loop3A_518 = tpu.vector_load %arg7[%parallel_loop3A_514, %parallel_loop3A_515, %parallel_loop3A_516, %parallel_loop3A_517] {strides = array<i32>} : memref<2x4x64x128xf32, #tpu.memory_space<vmem>>, vector<1x1x1x16xf32>,
        %parallel_loop3A_519 = vector.shape_cast %parallel_loop3A_518 : vector<1x1x1x16xf32> to vector<16xf32>
        %parallel_loop3A_520 = vector.shape_cast %parallel_loop3A_511 : vector<16xf32> to vector<1x1x1x16xf32>
        tpu.vector_store %arg7[%parallel_loop3A_514, %parallel_loop3A_515, %parallel_loop3A_516, %parallel_loop3A_517], %parallel_loop3A_520 {strides = array<i32>} : memref<2x4x64x128xf32, #tpu.memory_space<vmem>>, vector<1x1x1x16xf32>,
        %parallel_loop3A_521 = arith.constant 3 : i32
        %parallel_loop3A_522 = arith.addi %mul3A_47, %parallel_loop3A_521 : i32
        %parallel_loop3A_523 = arith.index_cast %parallel_loop3A_522 : i32 to index
        %parallel_loop3A_524 = arith.constant 0 : index
        %parallel_loop3A_525 = tpu.vector_load %arg5[%parallel_loop3A_523, %parallel_loop3A_524] {strides = array<i32>} : memref<200x128xf32, #tpu.memory_space<vmem>>, vector<1x16xf32>,
        %parallel_loop3A_526 = vector.shape_cast %parallel_loop3A_525 : vector<1x16xf32> to vector<16xf32>
        %parallel_loop3A_527 = arith.mulf %parallel_loop3A_526, %parallel_loop3A_112 : vector<16xf32>
        %parallel_loop3A_528 = arith.addf %parallel_loop3A_105, %parallel_loop3A_527 : vector<16xf32>
        %parallel_loop3A_529 = arith.constant 0 : i32
        %parallel_loop3A_530 = arith.constant 3 : i32
        %parallel_loop3A_531 = arith.index_cast %parallel_loop3A_529 : i32 to index
        %parallel_loop3A_532 = arith.index_cast %parallel_loop3A_530 : i32 to index
        %parallel_loop3A_533 = arith.index_cast %parallel_loop3A_99 : i32 to index
        %parallel_loop3A_534 = arith.constant 0 : index
        %parallel_loop3A_535 = tpu.vector_load %arg7[%parallel_loop3A_531, %parallel_loop3A_532, %parallel_loop3A_533, %parallel_loop3A_534] {strides = array<i32>} : memref<2x4x64x128xf32, #tpu.memory_space<vmem>>, vector<1x1x1x16xf32>,
        %parallel_loop3A_536 = vector.shape_cast %parallel_loop3A_535 : vector<1x1x1x16xf32> to vector<16xf32>
        %parallel_loop3A_537 = vector.shape_cast %parallel_loop3A_528 : vector<16xf32> to vector<1x1x1x16xf32>
        tpu.vector_store %arg7[%parallel_loop3A_531, %parallel_loop3A_532, %parallel_loop3A_533, %parallel_loop3A_534], %parallel_loop3A_537 {strides = array<i32>} : memref<2x4x64x128xf32, #tpu.memory_space<vmem>>, vector<1x1x1x16xf32>,
        %parallel_loop3A_538 = arith.constant 3 : i32
        %parallel_loop3A_539 = arith.addi %mul3A_47, %parallel_loop3A_538 : i32
        %parallel_loop3A_540 = arith.index_cast %parallel_loop3A_539 : i32 to index
        %parallel_loop3A_541 = arith.constant 16 : index
        %parallel_loop3A_542 = tpu.vector_load %arg5[%parallel_loop3A_540, %parallel_loop3A_541] {strides = array<i32>} : memref<200x128xf32, #tpu.memory_space<vmem>>, vector<1x16xf32>,
        %parallel_loop3A_543 = vector.shape_cast %parallel_loop3A_542 : vector<1x16xf32> to vector<16xf32>
        %parallel_loop3A_544 = arith.mulf %parallel_loop3A_543, %parallel_loop3A_112 : vector<16xf32>
        %parallel_loop3A_545 = arith.addf %parallel_loop3A_105, %parallel_loop3A_544 : vector<16xf32>
        %parallel_loop3A_546 = arith.constant 0 : i32
        %parallel_loop3A_547 = arith.constant 3 : i32
        %parallel_loop3A_548 = arith.index_cast %parallel_loop3A_546 : i32 to index
        %parallel_loop3A_549 = arith.index_cast %parallel_loop3A_547 : i32 to index
        %parallel_loop3A_550 = arith.index_cast %parallel_loop3A_99 : i32 to index
        %parallel_loop3A_551 = arith.constant 16 : index
        %parallel_loop3A_552 = tpu.vector_load %arg7[%parallel_loop3A_548, %parallel_loop3A_549, %parallel_loop3A_550, %parallel_loop3A_551] {strides = array<i32>} : memref<2x4x64x128xf32, #tpu.memory_space<vmem>>, vector<1x1x1x16xf32>,
        %parallel_loop3A_553 = vector.shape_cast %parallel_loop3A_552 : vector<1x1x1x16xf32> to vector<16xf32>
        %parallel_loop3A_554 = vector.shape_cast %parallel_loop3A_545 : vector<16xf32> to vector<1x1x1x16xf32>
        tpu.vector_store %arg7[%parallel_loop3A_548, %parallel_loop3A_549, %parallel_loop3A_550, %parallel_loop3A_551], %parallel_loop3A_554 {strides = array<i32>} : memref<2x4x64x128xf32, #tpu.memory_space<vmem>>, vector<1x1x1x16xf32>,
        %parallel_loop3A_555 = arith.constant 3 : i32
        %parallel_loop3A_556 = arith.addi %mul3A_47, %parallel_loop3A_555 : i32
        %parallel_loop3A_557 = arith.index_cast %parallel_loop3A_556 : i32 to index
        %parallel_loop3A_558 = arith.constant 32 : index
        %parallel_loop3A_559 = tpu.vector_load %arg5[%parallel_loop3A_557, %parallel_loop3A_558] {strides = array<i32>} : memref<200x128xf32, #tpu.memory_space<vmem>>, vector<1x16xf32>,
        %parallel_loop3A_560 = vector.shape_cast %parallel_loop3A_559 : vector<1x16xf32> to vector<16xf32>
        %parallel_loop3A_561 = arith.mulf %parallel_loop3A_560, %parallel_loop3A_112 : vector<16xf32>
        %parallel_loop3A_562 = arith.addf %parallel_loop3A_105, %parallel_loop3A_561 : vector<16xf32>
        %parallel_loop3A_563 = arith.constant 0 : i32
        %parallel_loop3A_564 = arith.constant 3 : i32
        %parallel_loop3A_565 = arith.index_cast %parallel_loop3A_563 : i32 to index
        %parallel_loop3A_566 = arith.index_cast %parallel_loop3A_564 : i32 to index
        %parallel_loop3A_567 = arith.index_cast %parallel_loop3A_99 : i32 to index
        %parallel_loop3A_568 = arith.constant 32 : index
        %parallel_loop3A_569 = tpu.vector_load %arg7[%parallel_loop3A_565, %parallel_loop3A_566, %parallel_loop3A_567, %parallel_loop3A_568] {strides = array<i32>} : memref<2x4x64x128xf32, #tpu.memory_space<vmem>>, vector<1x1x1x16xf32>,
        %parallel_loop3A_570 = vector.shape_cast %parallel_loop3A_569 : vector<1x1x1x16xf32> to vector<16xf32>
        %parallel_loop3A_571 = vector.shape_cast %parallel_loop3A_562 : vector<16xf32> to vector<1x1x1x16xf32>
        tpu.vector_store %arg7[%parallel_loop3A_565, %parallel_loop3A_566, %parallel_loop3A_567, %parallel_loop3A_568], %parallel_loop3A_571 {strides = array<i32>} : memref<2x4x64x128xf32, #tpu.memory_space<vmem>>, vector<1x1x1x16xf32>,
        %parallel_loop3A_572 = arith.constant 3 : i32
        %parallel_loop3A_573 = arith.addi %mul3A_47, %parallel_loop3A_572 : i32
        %parallel_loop3A_574 = arith.index_cast %parallel_loop3A_573 : i32 to index
        %parallel_loop3A_575 = arith.constant 48 : index
        %parallel_loop3A_576 = tpu.vector_load %arg5[%parallel_loop3A_574, %parallel_loop3A_575] {strides = array<i32>} : memref<200x128xf32, #tpu.memory_space<vmem>>, vector<1x16xf32>,
        %parallel_loop3A_577 = vector.shape_cast %parallel_loop3A_576 : vector<1x16xf32> to vector<16xf32>
        %parallel_loop3A_578 = arith.mulf %parallel_loop3A_577, %parallel_loop3A_112 : vector<16xf32>
        %parallel_loop3A_579 = arith.addf %parallel_loop3A_105, %parallel_loop3A_578 : vector<16xf32>
        %parallel_loop3A_580 = arith.constant 0 : i32
        %parallel_loop3A_581 = arith.constant 3 : i32
        %parallel_loop3A_582 = arith.index_cast %parallel_loop3A_580 : i32 to index
        %parallel_loop3A_583 = arith.index_cast %parallel_loop3A_581 : i32 to index
        %parallel_loop3A_584 = arith.index_cast %parallel_loop3A_99 : i32 to index
        %parallel_loop3A_585 = arith.constant 48 : index
        %parallel_loop3A_586 = tpu.vector_load %arg7[%parallel_loop3A_582, %parallel_loop3A_583, %parallel_loop3A_584, %parallel_loop3A_585] {strides = array<i32>} : memref<2x4x64x128xf32, #tpu.memory_space<vmem>>, vector<1x1x1x16xf32>,
        %parallel_loop3A_587 = vector.shape_cast %parallel_loop3A_586 : vector<1x1x1x16xf32> to vector<16xf32>
        %parallel_loop3A_588 = vector.shape_cast %parallel_loop3A_579 : vector<16xf32> to vector<1x1x1x16xf32>
        tpu.vector_store %arg7[%parallel_loop3A_582, %parallel_loop3A_583, %parallel_loop3A_584, %parallel_loop3A_585], %parallel_loop3A_588 {strides = array<i32>} : memref<2x4x64x128xf32, #tpu.memory_space<vmem>>, vector<1x1x1x16xf32>,
        %parallel_loop3A_589 = arith.constant 3 : i32
        %parallel_loop3A_590 = arith.addi %mul3A_47, %parallel_loop3A_589 : i32
        %parallel_loop3A_591 = arith.index_cast %parallel_loop3A_590 : i32 to index
        %parallel_loop3A_592 = arith.constant 64 : index
        %parallel_loop3A_593 = tpu.vector_load %arg5[%parallel_loop3A_591, %parallel_loop3A_592] {strides = array<i32>} : memref<200x128xf32, #tpu.memory_space<vmem>>, vector<1x16xf32>,
        %parallel_loop3A_594 = vector.shape_cast %parallel_loop3A_593 : vector<1x16xf32> to vector<16xf32>
        %parallel_loop3A_595 = arith.mulf %parallel_loop3A_594, %parallel_loop3A_112 : vector<16xf32>
        %parallel_loop3A_596 = arith.addf %parallel_loop3A_105, %parallel_loop3A_595 : vector<16xf32>
        %parallel_loop3A_597 = arith.constant 0 : i32
        %parallel_loop3A_598 = arith.constant 3 : i32
        %parallel_loop3A_599 = arith.index_cast %parallel_loop3A_597 : i32 to index
        %parallel_loop3A_600 = arith.index_cast %parallel_loop3A_598 : i32 to index
        %parallel_loop3A_601 = arith.index_cast %parallel_loop3A_99 : i32 to index
        %parallel_loop3A_602 = arith.constant 64 : index
        %parallel_loop3A_603 = tpu.vector_load %arg7[%parallel_loop3A_599, %parallel_loop3A_600, %parallel_loop3A_601, %parallel_loop3A_602] {strides = array<i32>} : memref<2x4x64x128xf32, #tpu.memory_space<vmem>>, vector<1x1x1x16xf32>,
        %parallel_loop3A_604 = vector.shape_cast %parallel_loop3A_603 : vector<1x1x1x16xf32> to vector<16xf32>
        %parallel_loop3A_605 = vector.shape_cast %parallel_loop3A_596 : vector<16xf32> to vector<1x1x1x16xf32>
        tpu.vector_store %arg7[%parallel_loop3A_599, %parallel_loop3A_600, %parallel_loop3A_601, %parallel_loop3A_602], %parallel_loop3A_605 {strides = array<i32>} : memref<2x4x64x128xf32, #tpu.memory_space<vmem>>, vector<1x1x1x16xf32>,
        %parallel_loop3A_606 = arith.constant 3 : i32
        %parallel_loop3A_607 = arith.addi %mul3A_47, %parallel_loop3A_606 : i32
        %parallel_loop3A_608 = arith.index_cast %parallel_loop3A_607 : i32 to index
        %parallel_loop3A_609 = arith.constant 80 : index
        %parallel_loop3A_610 = tpu.vector_load %arg5[%parallel_loop3A_608, %parallel_loop3A_609] {strides = array<i32>} : memref<200x128xf32, #tpu.memory_space<vmem>>, vector<1x16xf32>,
        %parallel_loop3A_611 = vector.shape_cast %parallel_loop3A_610 : vector<1x16xf32> to vector<16xf32>
        %parallel_loop3A_612 = arith.mulf %parallel_loop3A_611, %parallel_loop3A_112 : vector<16xf32>
        %parallel_loop3A_613 = arith.addf %parallel_loop3A_105, %parallel_loop3A_612 : vector<16xf32>
        %parallel_loop3A_614 = arith.constant 0 : i32
        %parallel_loop3A_615 = arith.constant 3 : i32
        %parallel_loop3A_616 = arith.index_cast %parallel_loop3A_614 : i32 to index
        %parallel_loop3A_617 = arith.index_cast %parallel_loop3A_615 : i32 to index
        %parallel_loop3A_618 = arith.index_cast %parallel_loop3A_99 : i32 to index
        %parallel_loop3A_619 = arith.constant 80 : index
        %parallel_loop3A_620 = tpu.vector_load %arg7[%parallel_loop3A_616, %parallel_loop3A_617, %parallel_loop3A_618, %parallel_loop3A_619] {strides = array<i32>} : memref<2x4x64x128xf32, #tpu.memory_space<vmem>>, vector<1x1x1x16xf32>,
        %parallel_loop3A_621 = vector.shape_cast %parallel_loop3A_620 : vector<1x1x1x16xf32> to vector<16xf32>
        %parallel_loop3A_622 = vector.shape_cast %parallel_loop3A_613 : vector<16xf32> to vector<1x1x1x16xf32>
        tpu.vector_store %arg7[%parallel_loop3A_616, %parallel_loop3A_617, %parallel_loop3A_618, %parallel_loop3A_619], %parallel_loop3A_622 {strides = array<i32>} : memref<2x4x64x128xf32, #tpu.memory_space<vmem>>, vector<1x1x1x16xf32>,
        %parallel_loop3A_623 = arith.constant 3 : i32
        %parallel_loop3A_624 = arith.addi %mul3A_47, %parallel_loop3A_623 : i32
        %parallel_loop3A_625 = arith.index_cast %parallel_loop3A_624 : i32 to index
        %parallel_loop3A_626 = arith.constant 96 : index
        %parallel_loop3A_627 = tpu.vector_load %arg5[%parallel_loop3A_625, %parallel_loop3A_626] {strides = array<i32>} : memref<200x128xf32, #tpu.memory_space<vmem>>, vector<1x16xf32>,
        %parallel_loop3A_628 = vector.shape_cast %parallel_loop3A_627 : vector<1x16xf32> to vector<16xf32>
        %parallel_loop3A_629 = arith.mulf %parallel_loop3A_628, %parallel_loop3A_112 : vector<16xf32>
        %parallel_loop3A_630 = arith.addf %parallel_loop3A_105, %parallel_loop3A_629 : vector<16xf32>
        %parallel_loop3A_631 = arith.constant 0 : i32
        %parallel_loop3A_632 = arith.constant 3 : i32
        %parallel_loop3A_633 = arith.index_cast %parallel_loop3A_631 : i32 to index
        %parallel_loop3A_634 = arith.index_cast %parallel_loop3A_632 : i32 to index
        %parallel_loop3A_635 = arith.index_cast %parallel_loop3A_99 : i32 to index
        %parallel_loop3A_636 = arith.constant 96 : index
        %parallel_loop3A_637 = tpu.vector_load %arg7[%parallel_loop3A_633, %parallel_loop3A_634, %parallel_loop3A_635, %parallel_loop3A_636] {strides = array<i32>} : memref<2x4x64x128xf32, #tpu.memory_space<vmem>>, vector<1x1x1x16xf32>,
        %parallel_loop3A_638 = vector.shape_cast %parallel_loop3A_637 : vector<1x1x1x16xf32> to vector<16xf32>
        %parallel_loop3A_639 = vector.shape_cast %parallel_loop3A_630 : vector<16xf32> to vector<1x1x1x16xf32>
        tpu.vector_store %arg7[%parallel_loop3A_633, %parallel_loop3A_634, %parallel_loop3A_635, %parallel_loop3A_636], %parallel_loop3A_639 {strides = array<i32>} : memref<2x4x64x128xf32, #tpu.memory_space<vmem>>, vector<1x1x1x16xf32>,
        %parallel_loop3A_640 = arith.constant 3 : i32
        %parallel_loop3A_641 = arith.addi %mul3A_47, %parallel_loop3A_640 : i32
        %parallel_loop3A_642 = arith.index_cast %parallel_loop3A_641 : i32 to index
        %parallel_loop3A_643 = arith.constant 112 : index
        %parallel_loop3A_644 = tpu.vector_load %arg5[%parallel_loop3A_642, %parallel_loop3A_643] {strides = array<i32>} : memref<200x128xf32, #tpu.memory_space<vmem>>, vector<1x16xf32>,
        %parallel_loop3A_645 = vector.shape_cast %parallel_loop3A_644 : vector<1x16xf32> to vector<16xf32>
        %parallel_loop3A_646 = arith.mulf %parallel_loop3A_645, %parallel_loop3A_112 : vector<16xf32>
        %parallel_loop3A_647 = arith.addf %parallel_loop3A_105, %parallel_loop3A_646 : vector<16xf32>
        %parallel_loop3A_648 = arith.constant 0 : i32
        %parallel_loop3A_649 = arith.constant 3 : i32
        %parallel_loop3A_650 = arith.index_cast %parallel_loop3A_648 : i32 to index
        %parallel_loop3A_651 = arith.index_cast %parallel_loop3A_649 : i32 to index
        %parallel_loop3A_652 = arith.index_cast %parallel_loop3A_99 : i32 to index
        %parallel_loop3A_653 = arith.constant 112 : index
        %parallel_loop3A_654 = tpu.vector_load %arg7[%parallel_loop3A_650, %parallel_loop3A_651, %parallel_loop3A_652, %parallel_loop3A_653] {strides = array<i32>} : memref<2x4x64x128xf32, #tpu.memory_space<vmem>>, vector<1x1x1x16xf32>,
        %parallel_loop3A_655 = vector.shape_cast %parallel_loop3A_654 : vector<1x1x1x16xf32> to vector<16xf32>
        %parallel_loop3A_656 = vector.shape_cast %parallel_loop3A_647 : vector<16xf32> to vector<1x1x1x16xf32>
        tpu.vector_store %arg7[%parallel_loop3A_650, %parallel_loop3A_651, %parallel_loop3A_652, %parallel_loop3A_653], %parallel_loop3A_656 {strides = array<i32>} : memref<2x4x64x128xf32, #tpu.memory_space<vmem>>, vector<1x1x1x16xf32>,
      } {sc.loop_unroll_factor = 4 : i64, sc.parallel_access}
      %mul3A_52 = arith.constant 4 : i32
      %mul3A_53 = arith.muli %add3A_45, %mul3A_52 : i32
      %dma_start3A = arith.constant 0 : i32
      %dma_start3A_54 = arith.constant 0 : i32
      %dma_start3A_55 = arith.constant 0 : i32
      %dma_start3A_56 = arith.constant 0 : i32
      %dma_start3A_57 = tpu.memref_slice %arg7[%dma_start3A, %dma_start3A_54, %dma_start3A_55, %dma_start3A_56] : memref<2x4x64x128xf32, #tpu.memory_space<vmem>> -> memref<1x4x64x128xf32, #tpu.memory_space<vmem>>
      %dma_start3A_58 = tpu.memref_squeeze %dma_start3A_57 : memref<1x4x64x128xf32, #tpu.memory_space<vmem>> -> memref<4x64x128xf32, #tpu.memory_space<vmem>>
      %dma_start3A_59 = arith.constant 0 : i32
      %dma_start3A_60 = tpu.memref_slice %arg4[%mul3A_53, %dma_start3A_59, %mul3A_2] : memref<200x64x4096xf32, #tpu.memory_space<hbm>> -> memref<4x64x128xf32, #tpu.memory_space<hbm>>
      %dma_start3A_61 = arith.constant 0 : i32
      %dma_start3A_62 = tpu.memref_slice %arg4[%mul3A_53, %dma_start3A_61, %mul3A_2] : memref<200x64x4096xf32, #tpu.memory_space<hbm>> -> memref<4x64x128xf32, #tpu.memory_space<hbm>>
      %dma_start3A_63 = arith.constant 0 : i32
      %dma_start3A_64 = arith.constant 0 : i32
      %dma_start3A_65 = arith.constant 0 : i32
      %dma_start3A_66 = tpu.memref_slice %arg7[%dma_start3A, %dma_start3A_63, %dma_start3A_64, %dma_start3A_65] : memref<2x4x64x128xf32, #tpu.memory_space<vmem>> -> memref<1x4x64x128xf32, #tpu.memory_space<vmem>>
      %dma_start3A_67 = tpu.memref_squeeze %dma_start3A_66 : memref<1x4x64x128xf32, #tpu.memory_space<vmem>> -> memref<4x64x128xf32, #tpu.memory_space<vmem>>
      tpu.enqueue_dma source(%dma_start3A_67 : memref<4x64x128xf32, #tpu.memory_space<vmem>>) target(%dma_start3A_62 : memref<4x64x128xf32, #tpu.memory_space<hbm>>) target_semaphore(%arg8 : memref<!tpu.dma_semaphore, #tpu.memory_space<semaphore_mem>>)
      %mul3A_68 = arith.constant 2 : i32
      %mul3A_69 = arith.muli %mul3A_68, %scan3A_41 : i32
      %add3A_70 = arith.constant 1 : i32
      %add3A_71 = arith.addi %mul3A_69, %add3A_70 : i32
      %mul3A_72 = arith.constant 4 : i32
      %mul3A_73 = arith.muli %add3A_71, %mul3A_72 : i32
      %ge3A_74 = arith.constant 1 : i32
      %ge3A_75 = arith.cmpi sge, %scan3A_41, %ge3A_74 : i32
      %convert_element_type3A_76 = arith.extui %ge3A_75 : i1 to i32
      %cond3A_77 = arith.constant 0 : i32
      %cond3A_78 = arith.cmpi ne, %convert_element_type3A_76, %cond3A_77 : i32
      scf.if %cond3A_78 {
        %sub3A = arith.constant 2 : i32
        %sub3A_99 = arith.subi %add3A_71, %sub3A : i32
        %mul3A_100 = arith.constant 4 : i32
        %mul3A_101 = arith.muli %sub3A_99, %mul3A_100 : i32
        %dma_wait3A_102 = arith.constant 1 : i32
        %dma_wait3A_103 = arith.constant 0 : i32
        %dma_wait3A_104 = arith.constant 0 : i32
        %dma_wait3A_105 = arith.constant 0 : i32
        %dma_wait3A_106 = tpu.memref_slice %arg7[%dma_wait3A_102, %dma_wait3A_103, %dma_wait3A_104, %dma_wait3A_105] : memref<2x4x64x128xf32, #tpu.memory_space<vmem>> -> memref<1x4x64x128xf32, #tpu.memory_space<vmem>>
        %dma_wait3A_107 = tpu.memref_squeeze %dma_wait3A_106 : memref<1x4x64x128xf32, #tpu.memory_space<vmem>> -> memref<4x64x128xf32, #tpu.memory_space<vmem>>
        %dma_wait3A_108 = arith.constant 0 : i32
        %dma_wait3A_109 = tpu.memref_slice %arg4[%mul3A_101, %dma_wait3A_108, %mul3A_2] : memref<200x64x4096xf32, #tpu.memory_space<hbm>> -> memref<4x64x128xf32, #tpu.memory_space<hbm>>
        %dma_wait3A_110 = arith.constant 0 : i32
        %dma_wait3A_111 = tpu.memref_slice %arg4[%mul3A_101, %dma_wait3A_110, %mul3A_2] : memref<200x64x4096xf32, #tpu.memory_space<hbm>> -> memref<4x64x128xf32, #tpu.memory_space<hbm>>
        %dma_wait3A_112 = arith.constant 0 : i32
        %dma_wait3A_113 = arith.constant 0 : i32
        %dma_wait3A_114 = arith.constant 0 : i32
        %dma_wait3A_115 = tpu.memref_slice %arg7[%dma_wait3A_102, %dma_wait3A_112, %dma_wait3A_113, %dma_wait3A_114] : memref<2x4x64x128xf32, #tpu.memory_space<vmem>> -> memref<1x4x64x128xf32, #tpu.memory_space<vmem>>
        %dma_wait3A_116 = tpu.memref_squeeze %dma_wait3A_115 : memref<1x4x64x128xf32, #tpu.memory_space<vmem>> -> memref<4x64x128xf32, #tpu.memory_space<vmem>>
        tpu.wait_dma2 semaphore(%arg9 : memref<!tpu.dma_semaphore, #tpu.memory_space<semaphore_mem>>) src(%dma_wait3A_116 : memref<4x64x128xf32, #tpu.memory_space<vmem>>) dst(%dma_wait3A_111 : memref<4x64x128xf32, #tpu.memory_space<hbm>>)
      } else {
      }
      %parallel_loop3A_79 = arith.constant 0 : i32
      %parallel_loop3A_80 = arith.constant 64 : i32
      %parallel_loop3A_81 = arith.constant 1 : i32
      scf.for %parallel_loop3A_99 = %parallel_loop3A_79 to %parallel_loop3A_80 step %parallel_loop3A_81  : i32 {
        %parallel_loop3A_100 = arith.constant 0 : i32
        %parallel_loop3A_101 = arith.index_cast %parallel_loop3A_100 : i32 to index
        %parallel_loop3A_102 = arith.index_cast %parallel_loop3A_99 : i32 to index
        %parallel_loop3A_103 = arith.constant 0 : index
        %parallel_loop3A_104 = tpu.vector_load %arg6[%parallel_loop3A_101, %parallel_loop3A_102, %parallel_loop3A_103] {strides = array<i32>} : memref<2x64x16xf32, #tpu.memory_space<vmem>>, vector<1x1x16xf32>,
        %parallel_loop3A_105 = vector.shape_cast %parallel_loop3A_104 : vector<1x1x16xf32> to vector<16xf32>
        %parallel_loop3A_106 = arith.constant 1 : i32
        %parallel_loop3A_107 = arith.index_cast %parallel_loop3A_106 : i32 to index
        %parallel_loop3A_108 = arith.index_cast %parallel_loop3A_99 : i32 to index
        %parallel_loop3A_109 = arith.constant 0 : index
        %parallel_loop3A_110 = tpu.vector_load %arg6[%parallel_loop3A_107, %parallel_loop3A_108, %parallel_loop3A_109] {strides = array<i32>} : memref<2x64x16xf32, #tpu.memory_space<vmem>>, vector<1x1x16xf32>,
        %parallel_loop3A_111 = vector.shape_cast %parallel_loop3A_110 : vector<1x1x16xf32> to vector<16xf32>
        %parallel_loop3A_112 = arith.subf %parallel_loop3A_111, %parallel_loop3A_105 : vector<16xf32>
        %parallel_loop3A_113 = arith.constant 0 : i32
        %parallel_loop3A_114 = arith.addi %mul3A_73, %parallel_loop3A_113 : i32
        %parallel_loop3A_115 = arith.index_cast %parallel_loop3A_114 : i32 to index
        %parallel_loop3A_116 = arith.constant 0 : index
        %parallel_loop3A_117 = tpu.vector_load %arg5[%parallel_loop3A_115, %parallel_loop3A_116] {strides = array<i32>} : memref<200x128xf32, #tpu.memory_space<vmem>>, vector<1x16xf32>,
        %parallel_loop3A_118 = vector.shape_cast %parallel_loop3A_117 : vector<1x16xf32> to vector<16xf32>
        %parallel_loop3A_119 = arith.mulf %parallel_loop3A_118, %parallel_loop3A_112 : vector<16xf32>
        %parallel_loop3A_120 = arith.addf %parallel_loop3A_105, %parallel_loop3A_119 : vector<16xf32>
        %parallel_loop3A_121 = arith.constant 1 : i32
        %parallel_loop3A_122 = arith.constant 0 : i32
        %parallel_loop3A_123 = arith.index_cast %parallel_loop3A_121 : i32 to index
        %parallel_loop3A_124 = arith.index_cast %parallel_loop3A_122 : i32 to index
        %parallel_loop3A_125 = arith.index_cast %parallel_loop3A_99 : i32 to index
        %parallel_loop3A_126 = arith.constant 0 : index
        %parallel_loop3A_127 = tpu.vector_load %arg7[%parallel_loop3A_123, %parallel_loop3A_124, %parallel_loop3A_125, %parallel_loop3A_126] {strides = array<i32>} : memref<2x4x64x128xf32, #tpu.memory_space<vmem>>, vector<1x1x1x16xf32>,
        %parallel_loop3A_128 = vector.shape_cast %parallel_loop3A_127 : vector<1x1x1x16xf32> to vector<16xf32>
        %parallel_loop3A_129 = vector.shape_cast %parallel_loop3A_120 : vector<16xf32> to vector<1x1x1x16xf32>
        tpu.vector_store %arg7[%parallel_loop3A_123, %parallel_loop3A_124, %parallel_loop3A_125, %parallel_loop3A_126], %parallel_loop3A_129 {strides = array<i32>} : memref<2x4x64x128xf32, #tpu.memory_space<vmem>>, vector<1x1x1x16xf32>,
        %parallel_loop3A_130 = arith.constant 0 : i32
        %parallel_loop3A_131 = arith.addi %mul3A_73, %parallel_loop3A_130 : i32
        %parallel_loop3A_132 = arith.index_cast %parallel_loop3A_131 : i32 to index
        %parallel_loop3A_133 = arith.constant 16 : index
        %parallel_loop3A_134 = tpu.vector_load %arg5[%parallel_loop3A_132, %parallel_loop3A_133] {strides = array<i32>} : memref<200x128xf32, #tpu.memory_space<vmem>>, vector<1x16xf32>,
        %parallel_loop3A_135 = vector.shape_cast %parallel_loop3A_134 : vector<1x16xf32> to vector<16xf32>
        %parallel_loop3A_136 = arith.mulf %parallel_loop3A_135, %parallel_loop3A_112 : vector<16xf32>
        %parallel_loop3A_137 = arith.addf %parallel_loop3A_105, %parallel_loop3A_136 : vector<16xf32>
        %parallel_loop3A_138 = arith.constant 1 : i32
        %parallel_loop3A_139 = arith.constant 0 : i32
        %parallel_loop3A_140 = arith.index_cast %parallel_loop3A_138 : i32 to index
        %parallel_loop3A_141 = arith.index_cast %parallel_loop3A_139 : i32 to index
        %parallel_loop3A_142 = arith.index_cast %parallel_loop3A_99 : i32 to index
        %parallel_loop3A_143 = arith.constant 16 : index
        %parallel_loop3A_144 = tpu.vector_load %arg7[%parallel_loop3A_140, %parallel_loop3A_141, %parallel_loop3A_142, %parallel_loop3A_143] {strides = array<i32>} : memref<2x4x64x128xf32, #tpu.memory_space<vmem>>, vector<1x1x1x16xf32>,
        %parallel_loop3A_145 = vector.shape_cast %parallel_loop3A_144 : vector<1x1x1x16xf32> to vector<16xf32>
        %parallel_loop3A_146 = vector.shape_cast %parallel_loop3A_137 : vector<16xf32> to vector<1x1x1x16xf32>
        tpu.vector_store %arg7[%parallel_loop3A_140, %parallel_loop3A_141, %parallel_loop3A_142, %parallel_loop3A_143], %parallel_loop3A_146 {strides = array<i32>} : memref<2x4x64x128xf32, #tpu.memory_space<vmem>>, vector<1x1x1x16xf32>,
        %parallel_loop3A_147 = arith.constant 0 : i32
        %parallel_loop3A_148 = arith.addi %mul3A_73, %parallel_loop3A_147 : i32
        %parallel_loop3A_149 = arith.index_cast %parallel_loop3A_148 : i32 to index
        %parallel_loop3A_150 = arith.constant 32 : index
        %parallel_loop3A_151 = tpu.vector_load %arg5[%parallel_loop3A_149, %parallel_loop3A_150] {strides = array<i32>} : memref<200x128xf32, #tpu.memory_space<vmem>>, vector<1x16xf32>,
        %parallel_loop3A_152 = vector.shape_cast %parallel_loop3A_151 : vector<1x16xf32> to vector<16xf32>
        %parallel_loop3A_153 = arith.mulf %parallel_loop3A_152, %parallel_loop3A_112 : vector<16xf32>
        %parallel_loop3A_154 = arith.addf %parallel_loop3A_105, %parallel_loop3A_153 : vector<16xf32>
        %parallel_loop3A_155 = arith.constant 1 : i32
        %parallel_loop3A_156 = arith.constant 0 : i32
        %parallel_loop3A_157 = arith.index_cast %parallel_loop3A_155 : i32 to index
        %parallel_loop3A_158 = arith.index_cast %parallel_loop3A_156 : i32 to index
        %parallel_loop3A_159 = arith.index_cast %parallel_loop3A_99 : i32 to index
        %parallel_loop3A_160 = arith.constant 32 : index
        %parallel_loop3A_161 = tpu.vector_load %arg7[%parallel_loop3A_157, %parallel_loop3A_158, %parallel_loop3A_159, %parallel_loop3A_160] {strides = array<i32>} : memref<2x4x64x128xf32, #tpu.memory_space<vmem>>, vector<1x1x1x16xf32>,
        %parallel_loop3A_162 = vector.shape_cast %parallel_loop3A_161 : vector<1x1x1x16xf32> to vector<16xf32>
        %parallel_loop3A_163 = vector.shape_cast %parallel_loop3A_154 : vector<16xf32> to vector<1x1x1x16xf32>
        tpu.vector_store %arg7[%parallel_loop3A_157, %parallel_loop3A_158, %parallel_loop3A_159, %parallel_loop3A_160], %parallel_loop3A_163 {strides = array<i32>} : memref<2x4x64x128xf32, #tpu.memory_space<vmem>>, vector<1x1x1x16xf32>,
        %parallel_loop3A_164 = arith.constant 0 : i32
        %parallel_loop3A_165 = arith.addi %mul3A_73, %parallel_loop3A_164 : i32
        %parallel_loop3A_166 = arith.index_cast %parallel_loop3A_165 : i32 to index
        %parallel_loop3A_167 = arith.constant 48 : index
        %parallel_loop3A_168 = tpu.vector_load %arg5[%parallel_loop3A_166, %parallel_loop3A_167] {strides = array<i32>} : memref<200x128xf32, #tpu.memory_space<vmem>>, vector<1x16xf32>,
        %parallel_loop3A_169 = vector.shape_cast %parallel_loop3A_168 : vector<1x16xf32> to vector<16xf32>
        %parallel_loop3A_170 = arith.mulf %parallel_loop3A_169, %parallel_loop3A_112 : vector<16xf32>
        %parallel_loop3A_171 = arith.addf %parallel_loop3A_105, %parallel_loop3A_170 : vector<16xf32>
        %parallel_loop3A_172 = arith.constant 1 : i32
        %parallel_loop3A_173 = arith.constant 0 : i32
        %parallel_loop3A_174 = arith.index_cast %parallel_loop3A_172 : i32 to index
        %parallel_loop3A_175 = arith.index_cast %parallel_loop3A_173 : i32 to index
        %parallel_loop3A_176 = arith.index_cast %parallel_loop3A_99 : i32 to index
        %parallel_loop3A_177 = arith.constant 48 : index
        %parallel_loop3A_178 = tpu.vector_load %arg7[%parallel_loop3A_174, %parallel_loop3A_175, %parallel_loop3A_176, %parallel_loop3A_177] {strides = array<i32>} : memref<2x4x64x128xf32, #tpu.memory_space<vmem>>, vector<1x1x1x16xf32>,
        %parallel_loop3A_179 = vector.shape_cast %parallel_loop3A_178 : vector<1x1x1x16xf32> to vector<16xf32>
        %parallel_loop3A_180 = vector.shape_cast %parallel_loop3A_171 : vector<16xf32> to vector<1x1x1x16xf32>
        tpu.vector_store %arg7[%parallel_loop3A_174, %parallel_loop3A_175, %parallel_loop3A_176, %parallel_loop3A_177], %parallel_loop3A_180 {strides = array<i32>} : memref<2x4x64x128xf32, #tpu.memory_space<vmem>>, vector<1x1x1x16xf32>,
        %parallel_loop3A_181 = arith.constant 0 : i32
        %parallel_loop3A_182 = arith.addi %mul3A_73, %parallel_loop3A_181 : i32
        %parallel_loop3A_183 = arith.index_cast %parallel_loop3A_182 : i32 to index
        %parallel_loop3A_184 = arith.constant 64 : index
        %parallel_loop3A_185 = tpu.vector_load %arg5[%parallel_loop3A_183, %parallel_loop3A_184] {strides = array<i32>} : memref<200x128xf32, #tpu.memory_space<vmem>>, vector<1x16xf32>,
        %parallel_loop3A_186 = vector.shape_cast %parallel_loop3A_185 : vector<1x16xf32> to vector<16xf32>
        %parallel_loop3A_187 = arith.mulf %parallel_loop3A_186, %parallel_loop3A_112 : vector<16xf32>
        %parallel_loop3A_188 = arith.addf %parallel_loop3A_105, %parallel_loop3A_187 : vector<16xf32>
        %parallel_loop3A_189 = arith.constant 1 : i32
        %parallel_loop3A_190 = arith.constant 0 : i32
        %parallel_loop3A_191 = arith.index_cast %parallel_loop3A_189 : i32 to index
        %parallel_loop3A_192 = arith.index_cast %parallel_loop3A_190 : i32 to index
        %parallel_loop3A_193 = arith.index_cast %parallel_loop3A_99 : i32 to index
        %parallel_loop3A_194 = arith.constant 64 : index
        %parallel_loop3A_195 = tpu.vector_load %arg7[%parallel_loop3A_191, %parallel_loop3A_192, %parallel_loop3A_193, %parallel_loop3A_194] {strides = array<i32>} : memref<2x4x64x128xf32, #tpu.memory_space<vmem>>, vector<1x1x1x16xf32>,
        %parallel_loop3A_196 = vector.shape_cast %parallel_loop3A_195 : vector<1x1x1x16xf32> to vector<16xf32>
        %parallel_loop3A_197 = vector.shape_cast %parallel_loop3A_188 : vector<16xf32> to vector<1x1x1x16xf32>
        tpu.vector_store %arg7[%parallel_loop3A_191, %parallel_loop3A_192, %parallel_loop3A_193, %parallel_loop3A_194], %parallel_loop3A_197 {strides = array<i32>} : memref<2x4x64x128xf32, #tpu.memory_space<vmem>>, vector<1x1x1x16xf32>,
        %parallel_loop3A_198 = arith.constant 0 : i32
        %parallel_loop3A_199 = arith.addi %mul3A_73, %parallel_loop3A_198 : i32
        %parallel_loop3A_200 = arith.index_cast %parallel_loop3A_199 : i32 to index
        %parallel_loop3A_201 = arith.constant 80 : index
        %parallel_loop3A_202 = tpu.vector_load %arg5[%parallel_loop3A_200, %parallel_loop3A_201] {strides = array<i32>} : memref<200x128xf32, #tpu.memory_space<vmem>>, vector<1x16xf32>,
        %parallel_loop3A_203 = vector.shape_cast %parallel_loop3A_202 : vector<1x16xf32> to vector<16xf32>
        %parallel_loop3A_204 = arith.mulf %parallel_loop3A_203, %parallel_loop3A_112 : vector<16xf32>
        %parallel_loop3A_205 = arith.addf %parallel_loop3A_105, %parallel_loop3A_204 : vector<16xf32>
        %parallel_loop3A_206 = arith.constant 1 : i32
        %parallel_loop3A_207 = arith.constant 0 : i32
        %parallel_loop3A_208 = arith.index_cast %parallel_loop3A_206 : i32 to index
        %parallel_loop3A_209 = arith.index_cast %parallel_loop3A_207 : i32 to index
        %parallel_loop3A_210 = arith.index_cast %parallel_loop3A_99 : i32 to index
        %parallel_loop3A_211 = arith.constant 80 : index
        %parallel_loop3A_212 = tpu.vector_load %arg7[%parallel_loop3A_208, %parallel_loop3A_209, %parallel_loop3A_210, %parallel_loop3A_211] {strides = array<i32>} : memref<2x4x64x128xf32, #tpu.memory_space<vmem>>, vector<1x1x1x16xf32>,
        %parallel_loop3A_213 = vector.shape_cast %parallel_loop3A_212 : vector<1x1x1x16xf32> to vector<16xf32>
        %parallel_loop3A_214 = vector.shape_cast %parallel_loop3A_205 : vector<16xf32> to vector<1x1x1x16xf32>
        tpu.vector_store %arg7[%parallel_loop3A_208, %parallel_loop3A_209, %parallel_loop3A_210, %parallel_loop3A_211], %parallel_loop3A_214 {strides = array<i32>} : memref<2x4x64x128xf32, #tpu.memory_space<vmem>>, vector<1x1x1x16xf32>,
        %parallel_loop3A_215 = arith.constant 0 : i32
        %parallel_loop3A_216 = arith.addi %mul3A_73, %parallel_loop3A_215 : i32
        %parallel_loop3A_217 = arith.index_cast %parallel_loop3A_216 : i32 to index
        %parallel_loop3A_218 = arith.constant 96 : index
        %parallel_loop3A_219 = tpu.vector_load %arg5[%parallel_loop3A_217, %parallel_loop3A_218] {strides = array<i32>} : memref<200x128xf32, #tpu.memory_space<vmem>>, vector<1x16xf32>,
        %parallel_loop3A_220 = vector.shape_cast %parallel_loop3A_219 : vector<1x16xf32> to vector<16xf32>
        %parallel_loop3A_221 = arith.mulf %parallel_loop3A_220, %parallel_loop3A_112 : vector<16xf32>
        %parallel_loop3A_222 = arith.addf %parallel_loop3A_105, %parallel_loop3A_221 : vector<16xf32>
        %parallel_loop3A_223 = arith.constant 1 : i32
        %parallel_loop3A_224 = arith.constant 0 : i32
        %parallel_loop3A_225 = arith.index_cast %parallel_loop3A_223 : i32 to index
        %parallel_loop3A_226 = arith.index_cast %parallel_loop3A_224 : i32 to index
        %parallel_loop3A_227 = arith.index_cast %parallel_loop3A_99 : i32 to index
        %parallel_loop3A_228 = arith.constant 96 : index
        %parallel_loop3A_229 = tpu.vector_load %arg7[%parallel_loop3A_225, %parallel_loop3A_226, %parallel_loop3A_227, %parallel_loop3A_228] {strides = array<i32>} : memref<2x4x64x128xf32, #tpu.memory_space<vmem>>, vector<1x1x1x16xf32>,
        %parallel_loop3A_230 = vector.shape_cast %parallel_loop3A_229 : vector<1x1x1x16xf32> to vector<16xf32>
        %parallel_loop3A_231 = vector.shape_cast %parallel_loop3A_222 : vector<16xf32> to vector<1x1x1x16xf32>
        tpu.vector_store %arg7[%parallel_loop3A_225, %parallel_loop3A_226, %parallel_loop3A_227, %parallel_loop3A_228], %parallel_loop3A_231 {strides = array<i32>} : memref<2x4x64x128xf32, #tpu.memory_space<vmem>>, vector<1x1x1x16xf32>,
        %parallel_loop3A_232 = arith.constant 0 : i32
        %parallel_loop3A_233 = arith.addi %mul3A_73, %parallel_loop3A_232 : i32
        %parallel_loop3A_234 = arith.index_cast %parallel_loop3A_233 : i32 to index
        %parallel_loop3A_235 = arith.constant 112 : index
        %parallel_loop3A_236 = tpu.vector_load %arg5[%parallel_loop3A_234, %parallel_loop3A_235] {strides = array<i32>} : memref<200x128xf32, #tpu.memory_space<vmem>>, vector<1x16xf32>,
        %parallel_loop3A_237 = vector.shape_cast %parallel_loop3A_236 : vector<1x16xf32> to vector<16xf32>
        %parallel_loop3A_238 = arith.mulf %parallel_loop3A_237, %parallel_loop3A_112 : vector<16xf32>
        %parallel_loop3A_239 = arith.addf %parallel_loop3A_105, %parallel_loop3A_238 : vector<16xf32>
        %parallel_loop3A_240 = arith.constant 1 : i32
        %parallel_loop3A_241 = arith.constant 0 : i32
        %parallel_loop3A_242 = arith.index_cast %parallel_loop3A_240 : i32 to index
        %parallel_loop3A_243 = arith.index_cast %parallel_loop3A_241 : i32 to index
        %parallel_loop3A_244 = arith.index_cast %parallel_loop3A_99 : i32 to index
        %parallel_loop3A_245 = arith.constant 112 : index
        %parallel_loop3A_246 = tpu.vector_load %arg7[%parallel_loop3A_242, %parallel_loop3A_243, %parallel_loop3A_244, %parallel_loop3A_245] {strides = array<i32>} : memref<2x4x64x128xf32, #tpu.memory_space<vmem>>, vector<1x1x1x16xf32>,
        %parallel_loop3A_247 = vector.shape_cast %parallel_loop3A_246 : vector<1x1x1x16xf32> to vector<16xf32>
        %parallel_loop3A_248 = vector.shape_cast %parallel_loop3A_239 : vector<16xf32> to vector<1x1x1x16xf32>
        tpu.vector_store %arg7[%parallel_loop3A_242, %parallel_loop3A_243, %parallel_loop3A_244, %parallel_loop3A_245], %parallel_loop3A_248 {strides = array<i32>} : memref<2x4x64x128xf32, #tpu.memory_space<vmem>>, vector<1x1x1x16xf32>,
        %parallel_loop3A_249 = arith.constant 1 : i32
        %parallel_loop3A_250 = arith.addi %mul3A_73, %parallel_loop3A_249 : i32
        %parallel_loop3A_251 = arith.index_cast %parallel_loop3A_250 : i32 to index
        %parallel_loop3A_252 = arith.constant 0 : index
        %parallel_loop3A_253 = tpu.vector_load %arg5[%parallel_loop3A_251, %parallel_loop3A_252] {strides = array<i32>} : memref<200x128xf32, #tpu.memory_space<vmem>>, vector<1x16xf32>,
        %parallel_loop3A_254 = vector.shape_cast %parallel_loop3A_253 : vector<1x16xf32> to vector<16xf32>
        %parallel_loop3A_255 = arith.mulf %parallel_loop3A_254, %parallel_loop3A_112 : vector<16xf32>
        %parallel_loop3A_256 = arith.addf %parallel_loop3A_105, %parallel_loop3A_255 : vector<16xf32>
        %parallel_loop3A_257 = arith.constant 1 : i32
        %parallel_loop3A_258 = arith.constant 1 : i32
        %parallel_loop3A_259 = arith.index_cast %parallel_loop3A_257 : i32 to index
        %parallel_loop3A_260 = arith.index_cast %parallel_loop3A_258 : i32 to index
        %parallel_loop3A_261 = arith.index_cast %parallel_loop3A_99 : i32 to index
        %parallel_loop3A_262 = arith.constant 0 : index
        %parallel_loop3A_263 = tpu.vector_load %arg7[%parallel_loop3A_259, %parallel_loop3A_260, %parallel_loop3A_261, %parallel_loop3A_262] {strides = array<i32>} : memref<2x4x64x128xf32, #tpu.memory_space<vmem>>, vector<1x1x1x16xf32>,
        %parallel_loop3A_264 = vector.shape_cast %parallel_loop3A_263 : vector<1x1x1x16xf32> to vector<16xf32>
        %parallel_loop3A_265 = vector.shape_cast %parallel_loop3A_256 : vector<16xf32> to vector<1x1x1x16xf32>
        tpu.vector_store %arg7[%parallel_loop3A_259, %parallel_loop3A_260, %parallel_loop3A_261, %parallel_loop3A_262], %parallel_loop3A_265 {strides = array<i32>} : memref<2x4x64x128xf32, #tpu.memory_space<vmem>>, vector<1x1x1x16xf32>,
        %parallel_loop3A_266 = arith.constant 1 : i32
        %parallel_loop3A_267 = arith.addi %mul3A_73, %parallel_loop3A_266 : i32
        %parallel_loop3A_268 = arith.index_cast %parallel_loop3A_267 : i32 to index
        %parallel_loop3A_269 = arith.constant 16 : index
        %parallel_loop3A_270 = tpu.vector_load %arg5[%parallel_loop3A_268, %parallel_loop3A_269] {strides = array<i32>} : memref<200x128xf32, #tpu.memory_space<vmem>>, vector<1x16xf32>,
        %parallel_loop3A_271 = vector.shape_cast %parallel_loop3A_270 : vector<1x16xf32> to vector<16xf32>
        %parallel_loop3A_272 = arith.mulf %parallel_loop3A_271, %parallel_loop3A_112 : vector<16xf32>
        %parallel_loop3A_273 = arith.addf %parallel_loop3A_105, %parallel_loop3A_272 : vector<16xf32>
        %parallel_loop3A_274 = arith.constant 1 : i32
        %parallel_loop3A_275 = arith.constant 1 : i32
        %parallel_loop3A_276 = arith.index_cast %parallel_loop3A_274 : i32 to index
        %parallel_loop3A_277 = arith.index_cast %parallel_loop3A_275 : i32 to index
        %parallel_loop3A_278 = arith.index_cast %parallel_loop3A_99 : i32 to index
        %parallel_loop3A_279 = arith.constant 16 : index
        %parallel_loop3A_280 = tpu.vector_load %arg7[%parallel_loop3A_276, %parallel_loop3A_277, %parallel_loop3A_278, %parallel_loop3A_279] {strides = array<i32>} : memref<2x4x64x128xf32, #tpu.memory_space<vmem>>, vector<1x1x1x16xf32>,
        %parallel_loop3A_281 = vector.shape_cast %parallel_loop3A_280 : vector<1x1x1x16xf32> to vector<16xf32>
        %parallel_loop3A_282 = vector.shape_cast %parallel_loop3A_273 : vector<16xf32> to vector<1x1x1x16xf32>
        tpu.vector_store %arg7[%parallel_loop3A_276, %parallel_loop3A_277, %parallel_loop3A_278, %parallel_loop3A_279], %parallel_loop3A_282 {strides = array<i32>} : memref<2x4x64x128xf32, #tpu.memory_space<vmem>>, vector<1x1x1x16xf32>,
        %parallel_loop3A_283 = arith.constant 1 : i32
        %parallel_loop3A_284 = arith.addi %mul3A_73, %parallel_loop3A_283 : i32
        %parallel_loop3A_285 = arith.index_cast %parallel_loop3A_284 : i32 to index
        %parallel_loop3A_286 = arith.constant 32 : index
        %parallel_loop3A_287 = tpu.vector_load %arg5[%parallel_loop3A_285, %parallel_loop3A_286] {strides = array<i32>} : memref<200x128xf32, #tpu.memory_space<vmem>>, vector<1x16xf32>,
        %parallel_loop3A_288 = vector.shape_cast %parallel_loop3A_287 : vector<1x16xf32> to vector<16xf32>
        %parallel_loop3A_289 = arith.mulf %parallel_loop3A_288, %parallel_loop3A_112 : vector<16xf32>
        %parallel_loop3A_290 = arith.addf %parallel_loop3A_105, %parallel_loop3A_289 : vector<16xf32>
        %parallel_loop3A_291 = arith.constant 1 : i32
        %parallel_loop3A_292 = arith.constant 1 : i32
        %parallel_loop3A_293 = arith.index_cast %parallel_loop3A_291 : i32 to index
        %parallel_loop3A_294 = arith.index_cast %parallel_loop3A_292 : i32 to index
        %parallel_loop3A_295 = arith.index_cast %parallel_loop3A_99 : i32 to index
        %parallel_loop3A_296 = arith.constant 32 : index
        %parallel_loop3A_297 = tpu.vector_load %arg7[%parallel_loop3A_293, %parallel_loop3A_294, %parallel_loop3A_295, %parallel_loop3A_296] {strides = array<i32>} : memref<2x4x64x128xf32, #tpu.memory_space<vmem>>, vector<1x1x1x16xf32>,
        %parallel_loop3A_298 = vector.shape_cast %parallel_loop3A_297 : vector<1x1x1x16xf32> to vector<16xf32>
        %parallel_loop3A_299 = vector.shape_cast %parallel_loop3A_290 : vector<16xf32> to vector<1x1x1x16xf32>
        tpu.vector_store %arg7[%parallel_loop3A_293, %parallel_loop3A_294, %parallel_loop3A_295, %parallel_loop3A_296], %parallel_loop3A_299 {strides = array<i32>} : memref<2x4x64x128xf32, #tpu.memory_space<vmem>>, vector<1x1x1x16xf32>,
        %parallel_loop3A_300 = arith.constant 1 : i32
        %parallel_loop3A_301 = arith.addi %mul3A_73, %parallel_loop3A_300 : i32
        %parallel_loop3A_302 = arith.index_cast %parallel_loop3A_301 : i32 to index
        %parallel_loop3A_303 = arith.constant 48 : index
        %parallel_loop3A_304 = tpu.vector_load %arg5[%parallel_loop3A_302, %parallel_loop3A_303] {strides = array<i32>} : memref<200x128xf32, #tpu.memory_space<vmem>>, vector<1x16xf32>,
        %parallel_loop3A_305 = vector.shape_cast %parallel_loop3A_304 : vector<1x16xf32> to vector<16xf32>
        %parallel_loop3A_306 = arith.mulf %parallel_loop3A_305, %parallel_loop3A_112 : vector<16xf32>
        %parallel_loop3A_307 = arith.addf %parallel_loop3A_105, %parallel_loop3A_306 : vector<16xf32>
        %parallel_loop3A_308 = arith.constant 1 : i32
        %parallel_loop3A_309 = arith.constant 1 : i32
        %parallel_loop3A_310 = arith.index_cast %parallel_loop3A_308 : i32 to index
        %parallel_loop3A_311 = arith.index_cast %parallel_loop3A_309 : i32 to index
        %parallel_loop3A_312 = arith.index_cast %parallel_loop3A_99 : i32 to index
        %parallel_loop3A_313 = arith.constant 48 : index
        %parallel_loop3A_314 = tpu.vector_load %arg7[%parallel_loop3A_310, %parallel_loop3A_311, %parallel_loop3A_312, %parallel_loop3A_313] {strides = array<i32>} : memref<2x4x64x128xf32, #tpu.memory_space<vmem>>, vector<1x1x1x16xf32>,
        %parallel_loop3A_315 = vector.shape_cast %parallel_loop3A_314 : vector<1x1x1x16xf32> to vector<16xf32>
        %parallel_loop3A_316 = vector.shape_cast %parallel_loop3A_307 : vector<16xf32> to vector<1x1x1x16xf32>
        tpu.vector_store %arg7[%parallel_loop3A_310, %parallel_loop3A_311, %parallel_loop3A_312, %parallel_loop3A_313], %parallel_loop3A_316 {strides = array<i32>} : memref<2x4x64x128xf32, #tpu.memory_space<vmem>>, vector<1x1x1x16xf32>,
        %parallel_loop3A_317 = arith.constant 1 : i32
        %parallel_loop3A_318 = arith.addi %mul3A_73, %parallel_loop3A_317 : i32
        %parallel_loop3A_319 = arith.index_cast %parallel_loop3A_318 : i32 to index
        %parallel_loop3A_320 = arith.constant 64 : index
        %parallel_loop3A_321 = tpu.vector_load %arg5[%parallel_loop3A_319, %parallel_loop3A_320] {strides = array<i32>} : memref<200x128xf32, #tpu.memory_space<vmem>>, vector<1x16xf32>,
        %parallel_loop3A_322 = vector.shape_cast %parallel_loop3A_321 : vector<1x16xf32> to vector<16xf32>
        %parallel_loop3A_323 = arith.mulf %parallel_loop3A_322, %parallel_loop3A_112 : vector<16xf32>
        %parallel_loop3A_324 = arith.addf %parallel_loop3A_105, %parallel_loop3A_323 : vector<16xf32>
        %parallel_loop3A_325 = arith.constant 1 : i32
        %parallel_loop3A_326 = arith.constant 1 : i32
        %parallel_loop3A_327 = arith.index_cast %parallel_loop3A_325 : i32 to index
        %parallel_loop3A_328 = arith.index_cast %parallel_loop3A_326 : i32 to index
        %parallel_loop3A_329 = arith.index_cast %parallel_loop3A_99 : i32 to index
        %parallel_loop3A_330 = arith.constant 64 : index
        %parallel_loop3A_331 = tpu.vector_load %arg7[%parallel_loop3A_327, %parallel_loop3A_328, %parallel_loop3A_329, %parallel_loop3A_330] {strides = array<i32>} : memref<2x4x64x128xf32, #tpu.memory_space<vmem>>, vector<1x1x1x16xf32>,
        %parallel_loop3A_332 = vector.shape_cast %parallel_loop3A_331 : vector<1x1x1x16xf32> to vector<16xf32>
        %parallel_loop3A_333 = vector.shape_cast %parallel_loop3A_324 : vector<16xf32> to vector<1x1x1x16xf32>
        tpu.vector_store %arg7[%parallel_loop3A_327, %parallel_loop3A_328, %parallel_loop3A_329, %parallel_loop3A_330], %parallel_loop3A_333 {strides = array<i32>} : memref<2x4x64x128xf32, #tpu.memory_space<vmem>>, vector<1x1x1x16xf32>,
        %parallel_loop3A_334 = arith.constant 1 : i32
        %parallel_loop3A_335 = arith.addi %mul3A_73, %parallel_loop3A_334 : i32
        %parallel_loop3A_336 = arith.index_cast %parallel_loop3A_335 : i32 to index
        %parallel_loop3A_337 = arith.constant 80 : index
        %parallel_loop3A_338 = tpu.vector_load %arg5[%parallel_loop3A_336, %parallel_loop3A_337] {strides = array<i32>} : memref<200x128xf32, #tpu.memory_space<vmem>>, vector<1x16xf32>,
        %parallel_loop3A_339 = vector.shape_cast %parallel_loop3A_338 : vector<1x16xf32> to vector<16xf32>
        %parallel_loop3A_340 = arith.mulf %parallel_loop3A_339, %parallel_loop3A_112 : vector<16xf32>
        %parallel_loop3A_341 = arith.addf %parallel_loop3A_105, %parallel_loop3A_340 : vector<16xf32>
        %parallel_loop3A_342 = arith.constant 1 : i32
        %parallel_loop3A_343 = arith.constant 1 : i32
        %parallel_loop3A_344 = arith.index_cast %parallel_loop3A_342 : i32 to index
        %parallel_loop3A_345 = arith.index_cast %parallel_loop3A_343 : i32 to index
        %parallel_loop3A_346 = arith.index_cast %parallel_loop3A_99 : i32 to index
        %parallel_loop3A_347 = arith.constant 80 : index
        %parallel_loop3A_348 = tpu.vector_load %arg7[%parallel_loop3A_344, %parallel_loop3A_345, %parallel_loop3A_346, %parallel_loop3A_347] {strides = array<i32>} : memref<2x4x64x128xf32, #tpu.memory_space<vmem>>, vector<1x1x1x16xf32>,
        %parallel_loop3A_349 = vector.shape_cast %parallel_loop3A_348 : vector<1x1x1x16xf32> to vector<16xf32>
        %parallel_loop3A_350 = vector.shape_cast %parallel_loop3A_341 : vector<16xf32> to vector<1x1x1x16xf32>
        tpu.vector_store %arg7[%parallel_loop3A_344, %parallel_loop3A_345, %parallel_loop3A_346, %parallel_loop3A_347], %parallel_loop3A_350 {strides = array<i32>} : memref<2x4x64x128xf32, #tpu.memory_space<vmem>>, vector<1x1x1x16xf32>,
        %parallel_loop3A_351 = arith.constant 1 : i32
        %parallel_loop3A_352 = arith.addi %mul3A_73, %parallel_loop3A_351 : i32
        %parallel_loop3A_353 = arith.index_cast %parallel_loop3A_352 : i32 to index
        %parallel_loop3A_354 = arith.constant 96 : index
        %parallel_loop3A_355 = tpu.vector_load %arg5[%parallel_loop3A_353, %parallel_loop3A_354] {strides = array<i32>} : memref<200x128xf32, #tpu.memory_space<vmem>>, vector<1x16xf32>,
        %parallel_loop3A_356 = vector.shape_cast %parallel_loop3A_355 : vector<1x16xf32> to vector<16xf32>
        %parallel_loop3A_357 = arith.mulf %parallel_loop3A_356, %parallel_loop3A_112 : vector<16xf32>
        %parallel_loop3A_358 = arith.addf %parallel_loop3A_105, %parallel_loop3A_357 : vector<16xf32>
        %parallel_loop3A_359 = arith.constant 1 : i32
        %parallel_loop3A_360 = arith.constant 1 : i32
        %parallel_loop3A_361 = arith.index_cast %parallel_loop3A_359 : i32 to index
        %parallel_loop3A_362 = arith.index_cast %parallel_loop3A_360 : i32 to index
        %parallel_loop3A_363 = arith.index_cast %parallel_loop3A_99 : i32 to index
        %parallel_loop3A_364 = arith.constant 96 : index
        %parallel_loop3A_365 = tpu.vector_load %arg7[%parallel_loop3A_361, %parallel_loop3A_362, %parallel_loop3A_363, %parallel_loop3A_364] {strides = array<i32>} : memref<2x4x64x128xf32, #tpu.memory_space<vmem>>, vector<1x1x1x16xf32>,
        %parallel_loop3A_366 = vector.shape_cast %parallel_loop3A_365 : vector<1x1x1x16xf32> to vector<16xf32>
        %parallel_loop3A_367 = vector.shape_cast %parallel_loop3A_358 : vector<16xf32> to vector<1x1x1x16xf32>
        tpu.vector_store %arg7[%parallel_loop3A_361, %parallel_loop3A_362, %parallel_loop3A_363, %parallel_loop3A_364], %parallel_loop3A_367 {strides = array<i32>} : memref<2x4x64x128xf32, #tpu.memory_space<vmem>>, vector<1x1x1x16xf32>,
        %parallel_loop3A_368 = arith.constant 1 : i32
        %parallel_loop3A_369 = arith.addi %mul3A_73, %parallel_loop3A_368 : i32
        %parallel_loop3A_370 = arith.index_cast %parallel_loop3A_369 : i32 to index
        %parallel_loop3A_371 = arith.constant 112 : index
        %parallel_loop3A_372 = tpu.vector_load %arg5[%parallel_loop3A_370, %parallel_loop3A_371] {strides = array<i32>} : memref<200x128xf32, #tpu.memory_space<vmem>>, vector<1x16xf32>,
        %parallel_loop3A_373 = vector.shape_cast %parallel_loop3A_372 : vector<1x16xf32> to vector<16xf32>
        %parallel_loop3A_374 = arith.mulf %parallel_loop3A_373, %parallel_loop3A_112 : vector<16xf32>
        %parallel_loop3A_375 = arith.addf %parallel_loop3A_105, %parallel_loop3A_374 : vector<16xf32>
        %parallel_loop3A_376 = arith.constant 1 : i32
        %parallel_loop3A_377 = arith.constant 1 : i32
        %parallel_loop3A_378 = arith.index_cast %parallel_loop3A_376 : i32 to index
        %parallel_loop3A_379 = arith.index_cast %parallel_loop3A_377 : i32 to index
        %parallel_loop3A_380 = arith.index_cast %parallel_loop3A_99 : i32 to index
        %parallel_loop3A_381 = arith.constant 112 : index
        %parallel_loop3A_382 = tpu.vector_load %arg7[%parallel_loop3A_378, %parallel_loop3A_379, %parallel_loop3A_380, %parallel_loop3A_381] {strides = array<i32>} : memref<2x4x64x128xf32, #tpu.memory_space<vmem>>, vector<1x1x1x16xf32>,
        %parallel_loop3A_383 = vector.shape_cast %parallel_loop3A_382 : vector<1x1x1x16xf32> to vector<16xf32>
        %parallel_loop3A_384 = vector.shape_cast %parallel_loop3A_375 : vector<16xf32> to vector<1x1x1x16xf32>
        tpu.vector_store %arg7[%parallel_loop3A_378, %parallel_loop3A_379, %parallel_loop3A_380, %parallel_loop3A_381], %parallel_loop3A_384 {strides = array<i32>} : memref<2x4x64x128xf32, #tpu.memory_space<vmem>>, vector<1x1x1x16xf32>,
        %parallel_loop3A_385 = arith.constant 2 : i32
        %parallel_loop3A_386 = arith.addi %mul3A_73, %parallel_loop3A_385 : i32
        %parallel_loop3A_387 = arith.index_cast %parallel_loop3A_386 : i32 to index
        %parallel_loop3A_388 = arith.constant 0 : index
        %parallel_loop3A_389 = tpu.vector_load %arg5[%parallel_loop3A_387, %parallel_loop3A_388] {strides = array<i32>} : memref<200x128xf32, #tpu.memory_space<vmem>>, vector<1x16xf32>,
        %parallel_loop3A_390 = vector.shape_cast %parallel_loop3A_389 : vector<1x16xf32> to vector<16xf32>
        %parallel_loop3A_391 = arith.mulf %parallel_loop3A_390, %parallel_loop3A_112 : vector<16xf32>
        %parallel_loop3A_392 = arith.addf %parallel_loop3A_105, %parallel_loop3A_391 : vector<16xf32>
        %parallel_loop3A_393 = arith.constant 1 : i32
        %parallel_loop3A_394 = arith.constant 2 : i32
        %parallel_loop3A_395 = arith.index_cast %parallel_loop3A_393 : i32 to index
        %parallel_loop3A_396 = arith.index_cast %parallel_loop3A_394 : i32 to index
        %parallel_loop3A_397 = arith.index_cast %parallel_loop3A_99 : i32 to index
        %parallel_loop3A_398 = arith.constant 0 : index
        %parallel_loop3A_399 = tpu.vector_load %arg7[%parallel_loop3A_395, %parallel_loop3A_396, %parallel_loop3A_397, %parallel_loop3A_398] {strides = array<i32>} : memref<2x4x64x128xf32, #tpu.memory_space<vmem>>, vector<1x1x1x16xf32>,
        %parallel_loop3A_400 = vector.shape_cast %parallel_loop3A_399 : vector<1x1x1x16xf32> to vector<16xf32>
        %parallel_loop3A_401 = vector.shape_cast %parallel_loop3A_392 : vector<16xf32> to vector<1x1x1x16xf32>
        tpu.vector_store %arg7[%parallel_loop3A_395, %parallel_loop3A_396, %parallel_loop3A_397, %parallel_loop3A_398], %parallel_loop3A_401 {strides = array<i32>} : memref<2x4x64x128xf32, #tpu.memory_space<vmem>>, vector<1x1x1x16xf32>,
        %parallel_loop3A_402 = arith.constant 2 : i32
        %parallel_loop3A_403 = arith.addi %mul3A_73, %parallel_loop3A_402 : i32
        %parallel_loop3A_404 = arith.index_cast %parallel_loop3A_403 : i32 to index
        %parallel_loop3A_405 = arith.constant 16 : index
        %parallel_loop3A_406 = tpu.vector_load %arg5[%parallel_loop3A_404, %parallel_loop3A_405] {strides = array<i32>} : memref<200x128xf32, #tpu.memory_space<vmem>>, vector<1x16xf32>,
        %parallel_loop3A_407 = vector.shape_cast %parallel_loop3A_406 : vector<1x16xf32> to vector<16xf32>
        %parallel_loop3A_408 = arith.mulf %parallel_loop3A_407, %parallel_loop3A_112 : vector<16xf32>
        %parallel_loop3A_409 = arith.addf %parallel_loop3A_105, %parallel_loop3A_408 : vector<16xf32>
        %parallel_loop3A_410 = arith.constant 1 : i32
        %parallel_loop3A_411 = arith.constant 2 : i32
        %parallel_loop3A_412 = arith.index_cast %parallel_loop3A_410 : i32 to index
        %parallel_loop3A_413 = arith.index_cast %parallel_loop3A_411 : i32 to index
        %parallel_loop3A_414 = arith.index_cast %parallel_loop3A_99 : i32 to index
        %parallel_loop3A_415 = arith.constant 16 : index
        %parallel_loop3A_416 = tpu.vector_load %arg7[%parallel_loop3A_412, %parallel_loop3A_413, %parallel_loop3A_414, %parallel_loop3A_415] {strides = array<i32>} : memref<2x4x64x128xf32, #tpu.memory_space<vmem>>, vector<1x1x1x16xf32>,
        %parallel_loop3A_417 = vector.shape_cast %parallel_loop3A_416 : vector<1x1x1x16xf32> to vector<16xf32>
        %parallel_loop3A_418 = vector.shape_cast %parallel_loop3A_409 : vector<16xf32> to vector<1x1x1x16xf32>
        tpu.vector_store %arg7[%parallel_loop3A_412, %parallel_loop3A_413, %parallel_loop3A_414, %parallel_loop3A_415], %parallel_loop3A_418 {strides = array<i32>} : memref<2x4x64x128xf32, #tpu.memory_space<vmem>>, vector<1x1x1x16xf32>,
        %parallel_loop3A_419 = arith.constant 2 : i32
        %parallel_loop3A_420 = arith.addi %mul3A_73, %parallel_loop3A_419 : i32
        %parallel_loop3A_421 = arith.index_cast %parallel_loop3A_420 : i32 to index
        %parallel_loop3A_422 = arith.constant 32 : index
        %parallel_loop3A_423 = tpu.vector_load %arg5[%parallel_loop3A_421, %parallel_loop3A_422] {strides = array<i32>} : memref<200x128xf32, #tpu.memory_space<vmem>>, vector<1x16xf32>,
        %parallel_loop3A_424 = vector.shape_cast %parallel_loop3A_423 : vector<1x16xf32> to vector<16xf32>
        %parallel_loop3A_425 = arith.mulf %parallel_loop3A_424, %parallel_loop3A_112 : vector<16xf32>
        %parallel_loop3A_426 = arith.addf %parallel_loop3A_105, %parallel_loop3A_425 : vector<16xf32>
        %parallel_loop3A_427 = arith.constant 1 : i32
        %parallel_loop3A_428 = arith.constant 2 : i32
        %parallel_loop3A_429 = arith.index_cast %parallel_loop3A_427 : i32 to index
        %parallel_loop3A_430 = arith.index_cast %parallel_loop3A_428 : i32 to index
        %parallel_loop3A_431 = arith.index_cast %parallel_loop3A_99 : i32 to index
        %parallel_loop3A_432 = arith.constant 32 : index
        %parallel_loop3A_433 = tpu.vector_load %arg7[%parallel_loop3A_429, %parallel_loop3A_430, %parallel_loop3A_431, %parallel_loop3A_432] {strides = array<i32>} : memref<2x4x64x128xf32, #tpu.memory_space<vmem>>, vector<1x1x1x16xf32>,
        %parallel_loop3A_434 = vector.shape_cast %parallel_loop3A_433 : vector<1x1x1x16xf32> to vector<16xf32>
        %parallel_loop3A_435 = vector.shape_cast %parallel_loop3A_426 : vector<16xf32> to vector<1x1x1x16xf32>
        tpu.vector_store %arg7[%parallel_loop3A_429, %parallel_loop3A_430, %parallel_loop3A_431, %parallel_loop3A_432], %parallel_loop3A_435 {strides = array<i32>} : memref<2x4x64x128xf32, #tpu.memory_space<vmem>>, vector<1x1x1x16xf32>,
        %parallel_loop3A_436 = arith.constant 2 : i32
        %parallel_loop3A_437 = arith.addi %mul3A_73, %parallel_loop3A_436 : i32
        %parallel_loop3A_438 = arith.index_cast %parallel_loop3A_437 : i32 to index
        %parallel_loop3A_439 = arith.constant 48 : index
        %parallel_loop3A_440 = tpu.vector_load %arg5[%parallel_loop3A_438, %parallel_loop3A_439] {strides = array<i32>} : memref<200x128xf32, #tpu.memory_space<vmem>>, vector<1x16xf32>,
        %parallel_loop3A_441 = vector.shape_cast %parallel_loop3A_440 : vector<1x16xf32> to vector<16xf32>
        %parallel_loop3A_442 = arith.mulf %parallel_loop3A_441, %parallel_loop3A_112 : vector<16xf32>
        %parallel_loop3A_443 = arith.addf %parallel_loop3A_105, %parallel_loop3A_442 : vector<16xf32>
        %parallel_loop3A_444 = arith.constant 1 : i32
        %parallel_loop3A_445 = arith.constant 2 : i32
        %parallel_loop3A_446 = arith.index_cast %parallel_loop3A_444 : i32 to index
        %parallel_loop3A_447 = arith.index_cast %parallel_loop3A_445 : i32 to index
        %parallel_loop3A_448 = arith.index_cast %parallel_loop3A_99 : i32 to index
        %parallel_loop3A_449 = arith.constant 48 : index
        %parallel_loop3A_450 = tpu.vector_load %arg7[%parallel_loop3A_446, %parallel_loop3A_447, %parallel_loop3A_448, %parallel_loop3A_449] {strides = array<i32>} : memref<2x4x64x128xf32, #tpu.memory_space<vmem>>, vector<1x1x1x16xf32>,
        %parallel_loop3A_451 = vector.shape_cast %parallel_loop3A_450 : vector<1x1x1x16xf32> to vector<16xf32>
        %parallel_loop3A_452 = vector.shape_cast %parallel_loop3A_443 : vector<16xf32> to vector<1x1x1x16xf32>
        tpu.vector_store %arg7[%parallel_loop3A_446, %parallel_loop3A_447, %parallel_loop3A_448, %parallel_loop3A_449], %parallel_loop3A_452 {strides = array<i32>} : memref<2x4x64x128xf32, #tpu.memory_space<vmem>>, vector<1x1x1x16xf32>,
        %parallel_loop3A_453 = arith.constant 2 : i32
        %parallel_loop3A_454 = arith.addi %mul3A_73, %parallel_loop3A_453 : i32
        %parallel_loop3A_455 = arith.index_cast %parallel_loop3A_454 : i32 to index
        %parallel_loop3A_456 = arith.constant 64 : index
        %parallel_loop3A_457 = tpu.vector_load %arg5[%parallel_loop3A_455, %parallel_loop3A_456] {strides = array<i32>} : memref<200x128xf32, #tpu.memory_space<vmem>>, vector<1x16xf32>,
        %parallel_loop3A_458 = vector.shape_cast %parallel_loop3A_457 : vector<1x16xf32> to vector<16xf32>
        %parallel_loop3A_459 = arith.mulf %parallel_loop3A_458, %parallel_loop3A_112 : vector<16xf32>
        %parallel_loop3A_460 = arith.addf %parallel_loop3A_105, %parallel_loop3A_459 : vector<16xf32>
        %parallel_loop3A_461 = arith.constant 1 : i32
        %parallel_loop3A_462 = arith.constant 2 : i32
        %parallel_loop3A_463 = arith.index_cast %parallel_loop3A_461 : i32 to index
        %parallel_loop3A_464 = arith.index_cast %parallel_loop3A_462 : i32 to index
        %parallel_loop3A_465 = arith.index_cast %parallel_loop3A_99 : i32 to index
        %parallel_loop3A_466 = arith.constant 64 : index
        %parallel_loop3A_467 = tpu.vector_load %arg7[%parallel_loop3A_463, %parallel_loop3A_464, %parallel_loop3A_465, %parallel_loop3A_466] {strides = array<i32>} : memref<2x4x64x128xf32, #tpu.memory_space<vmem>>, vector<1x1x1x16xf32>,
        %parallel_loop3A_468 = vector.shape_cast %parallel_loop3A_467 : vector<1x1x1x16xf32> to vector<16xf32>
        %parallel_loop3A_469 = vector.shape_cast %parallel_loop3A_460 : vector<16xf32> to vector<1x1x1x16xf32>
        tpu.vector_store %arg7[%parallel_loop3A_463, %parallel_loop3A_464, %parallel_loop3A_465, %parallel_loop3A_466], %parallel_loop3A_469 {strides = array<i32>} : memref<2x4x64x128xf32, #tpu.memory_space<vmem>>, vector<1x1x1x16xf32>,
        %parallel_loop3A_470 = arith.constant 2 : i32
        %parallel_loop3A_471 = arith.addi %mul3A_73, %parallel_loop3A_470 : i32
        %parallel_loop3A_472 = arith.index_cast %parallel_loop3A_471 : i32 to index
        %parallel_loop3A_473 = arith.constant 80 : index
        %parallel_loop3A_474 = tpu.vector_load %arg5[%parallel_loop3A_472, %parallel_loop3A_473] {strides = array<i32>} : memref<200x128xf32, #tpu.memory_space<vmem>>, vector<1x16xf32>,
        %parallel_loop3A_475 = vector.shape_cast %parallel_loop3A_474 : vector<1x16xf32> to vector<16xf32>
        %parallel_loop3A_476 = arith.mulf %parallel_loop3A_475, %parallel_loop3A_112 : vector<16xf32>
        %parallel_loop3A_477 = arith.addf %parallel_loop3A_105, %parallel_loop3A_476 : vector<16xf32>
        %parallel_loop3A_478 = arith.constant 1 : i32
        %parallel_loop3A_479 = arith.constant 2 : i32
        %parallel_loop3A_480 = arith.index_cast %parallel_loop3A_478 : i32 to index
        %parallel_loop3A_481 = arith.index_cast %parallel_loop3A_479 : i32 to index
        %parallel_loop3A_482 = arith.index_cast %parallel_loop3A_99 : i32 to index
        %parallel_loop3A_483 = arith.constant 80 : index
        %parallel_loop3A_484 = tpu.vector_load %arg7[%parallel_loop3A_480, %parallel_loop3A_481, %parallel_loop3A_482, %parallel_loop3A_483] {strides = array<i32>} : memref<2x4x64x128xf32, #tpu.memory_space<vmem>>, vector<1x1x1x16xf32>,
        %parallel_loop3A_485 = vector.shape_cast %parallel_loop3A_484 : vector<1x1x1x16xf32> to vector<16xf32>
        %parallel_loop3A_486 = vector.shape_cast %parallel_loop3A_477 : vector<16xf32> to vector<1x1x1x16xf32>
        tpu.vector_store %arg7[%parallel_loop3A_480, %parallel_loop3A_481, %parallel_loop3A_482, %parallel_loop3A_483], %parallel_loop3A_486 {strides = array<i32>} : memref<2x4x64x128xf32, #tpu.memory_space<vmem>>, vector<1x1x1x16xf32>,
        %parallel_loop3A_487 = arith.constant 2 : i32
        %parallel_loop3A_488 = arith.addi %mul3A_73, %parallel_loop3A_487 : i32
        %parallel_loop3A_489 = arith.index_cast %parallel_loop3A_488 : i32 to index
        %parallel_loop3A_490 = arith.constant 96 : index
        %parallel_loop3A_491 = tpu.vector_load %arg5[%parallel_loop3A_489, %parallel_loop3A_490] {strides = array<i32>} : memref<200x128xf32, #tpu.memory_space<vmem>>, vector<1x16xf32>,
        %parallel_loop3A_492 = vector.shape_cast %parallel_loop3A_491 : vector<1x16xf32> to vector<16xf32>
        %parallel_loop3A_493 = arith.mulf %parallel_loop3A_492, %parallel_loop3A_112 : vector<16xf32>
        %parallel_loop3A_494 = arith.addf %parallel_loop3A_105, %parallel_loop3A_493 : vector<16xf32>
        %parallel_loop3A_495 = arith.constant 1 : i32
        %parallel_loop3A_496 = arith.constant 2 : i32
        %parallel_loop3A_497 = arith.index_cast %parallel_loop3A_495 : i32 to index
        %parallel_loop3A_498 = arith.index_cast %parallel_loop3A_496 : i32 to index
        %parallel_loop3A_499 = arith.index_cast %parallel_loop3A_99 : i32 to index
        %parallel_loop3A_500 = arith.constant 96 : index
        %parallel_loop3A_501 = tpu.vector_load %arg7[%parallel_loop3A_497, %parallel_loop3A_498, %parallel_loop3A_499, %parallel_loop3A_500] {strides = array<i32>} : memref<2x4x64x128xf32, #tpu.memory_space<vmem>>, vector<1x1x1x16xf32>,
        %parallel_loop3A_502 = vector.shape_cast %parallel_loop3A_501 : vector<1x1x1x16xf32> to vector<16xf32>
        %parallel_loop3A_503 = vector.shape_cast %parallel_loop3A_494 : vector<16xf32> to vector<1x1x1x16xf32>
        tpu.vector_store %arg7[%parallel_loop3A_497, %parallel_loop3A_498, %parallel_loop3A_499, %parallel_loop3A_500], %parallel_loop3A_503 {strides = array<i32>} : memref<2x4x64x128xf32, #tpu.memory_space<vmem>>, vector<1x1x1x16xf32>,
        %parallel_loop3A_504 = arith.constant 2 : i32
        %parallel_loop3A_505 = arith.addi %mul3A_73, %parallel_loop3A_504 : i32
        %parallel_loop3A_506 = arith.index_cast %parallel_loop3A_505 : i32 to index
        %parallel_loop3A_507 = arith.constant 112 : index
        %parallel_loop3A_508 = tpu.vector_load %arg5[%parallel_loop3A_506, %parallel_loop3A_507] {strides = array<i32>} : memref<200x128xf32, #tpu.memory_space<vmem>>, vector<1x16xf32>,
        %parallel_loop3A_509 = vector.shape_cast %parallel_loop3A_508 : vector<1x16xf32> to vector<16xf32>
        %parallel_loop3A_510 = arith.mulf %parallel_loop3A_509, %parallel_loop3A_112 : vector<16xf32>
        %parallel_loop3A_511 = arith.addf %parallel_loop3A_105, %parallel_loop3A_510 : vector<16xf32>
        %parallel_loop3A_512 = arith.constant 1 : i32
        %parallel_loop3A_513 = arith.constant 2 : i32
        %parallel_loop3A_514 = arith.index_cast %parallel_loop3A_512 : i32 to index
        %parallel_loop3A_515 = arith.index_cast %parallel_loop3A_513 : i32 to index
        %parallel_loop3A_516 = arith.index_cast %parallel_loop3A_99 : i32 to index
        %parallel_loop3A_517 = arith.constant 112 : index
        %parallel_loop3A_518 = tpu.vector_load %arg7[%parallel_loop3A_514, %parallel_loop3A_515, %parallel_loop3A_516, %parallel_loop3A_517] {strides = array<i32>} : memref<2x4x64x128xf32, #tpu.memory_space<vmem>>, vector<1x1x1x16xf32>,
        %parallel_loop3A_519 = vector.shape_cast %parallel_loop3A_518 : vector<1x1x1x16xf32> to vector<16xf32>
        %parallel_loop3A_520 = vector.shape_cast %parallel_loop3A_511 : vector<16xf32> to vector<1x1x1x16xf32>
        tpu.vector_store %arg7[%parallel_loop3A_514, %parallel_loop3A_515, %parallel_loop3A_516, %parallel_loop3A_517], %parallel_loop3A_520 {strides = array<i32>} : memref<2x4x64x128xf32, #tpu.memory_space<vmem>>, vector<1x1x1x16xf32>,
        %parallel_loop3A_521 = arith.constant 3 : i32
        %parallel_loop3A_522 = arith.addi %mul3A_73, %parallel_loop3A_521 : i32
        %parallel_loop3A_523 = arith.index_cast %parallel_loop3A_522 : i32 to index
        %parallel_loop3A_524 = arith.constant 0 : index
        %parallel_loop3A_525 = tpu.vector_load %arg5[%parallel_loop3A_523, %parallel_loop3A_524] {strides = array<i32>} : memref<200x128xf32, #tpu.memory_space<vmem>>, vector<1x16xf32>,
        %parallel_loop3A_526 = vector.shape_cast %parallel_loop3A_525 : vector<1x16xf32> to vector<16xf32>
        %parallel_loop3A_527 = arith.mulf %parallel_loop3A_526, %parallel_loop3A_112 : vector<16xf32>
        %parallel_loop3A_528 = arith.addf %parallel_loop3A_105, %parallel_loop3A_527 : vector<16xf32>
        %parallel_loop3A_529 = arith.constant 1 : i32
        %parallel_loop3A_530 = arith.constant 3 : i32
        %parallel_loop3A_531 = arith.index_cast %parallel_loop3A_529 : i32 to index
        %parallel_loop3A_532 = arith.index_cast %parallel_loop3A_530 : i32 to index
        %parallel_loop3A_533 = arith.index_cast %parallel_loop3A_99 : i32 to index
        %parallel_loop3A_534 = arith.constant 0 : index
        %parallel_loop3A_535 = tpu.vector_load %arg7[%parallel_loop3A_531, %parallel_loop3A_532, %parallel_loop3A_533, %parallel_loop3A_534] {strides = array<i32>} : memref<2x4x64x128xf32, #tpu.memory_space<vmem>>, vector<1x1x1x16xf32>,
        %parallel_loop3A_536 = vector.shape_cast %parallel_loop3A_535 : vector<1x1x1x16xf32> to vector<16xf32>
        %parallel_loop3A_537 = vector.shape_cast %parallel_loop3A_528 : vector<16xf32> to vector<1x1x1x16xf32>
        tpu.vector_store %arg7[%parallel_loop3A_531, %parallel_loop3A_532, %parallel_loop3A_533, %parallel_loop3A_534], %parallel_loop3A_537 {strides = array<i32>} : memref<2x4x64x128xf32, #tpu.memory_space<vmem>>, vector<1x1x1x16xf32>,
        %parallel_loop3A_538 = arith.constant 3 : i32
        %parallel_loop3A_539 = arith.addi %mul3A_73, %parallel_loop3A_538 : i32
        %parallel_loop3A_540 = arith.index_cast %parallel_loop3A_539 : i32 to index
        %parallel_loop3A_541 = arith.constant 16 : index
        %parallel_loop3A_542 = tpu.vector_load %arg5[%parallel_loop3A_540, %parallel_loop3A_541] {strides = array<i32>} : memref<200x128xf32, #tpu.memory_space<vmem>>, vector<1x16xf32>,
        %parallel_loop3A_543 = vector.shape_cast %parallel_loop3A_542 : vector<1x16xf32> to vector<16xf32>
        %parallel_loop3A_544 = arith.mulf %parallel_loop3A_543, %parallel_loop3A_112 : vector<16xf32>
        %parallel_loop3A_545 = arith.addf %parallel_loop3A_105, %parallel_loop3A_544 : vector<16xf32>
        %parallel_loop3A_546 = arith.constant 1 : i32
        %parallel_loop3A_547 = arith.constant 3 : i32
        %parallel_loop3A_548 = arith.index_cast %parallel_loop3A_546 : i32 to index
        %parallel_loop3A_549 = arith.index_cast %parallel_loop3A_547 : i32 to index
        %parallel_loop3A_550 = arith.index_cast %parallel_loop3A_99 : i32 to index
        %parallel_loop3A_551 = arith.constant 16 : index
        %parallel_loop3A_552 = tpu.vector_load %arg7[%parallel_loop3A_548, %parallel_loop3A_549, %parallel_loop3A_550, %parallel_loop3A_551] {strides = array<i32>} : memref<2x4x64x128xf32, #tpu.memory_space<vmem>>, vector<1x1x1x16xf32>,
        %parallel_loop3A_553 = vector.shape_cast %parallel_loop3A_552 : vector<1x1x1x16xf32> to vector<16xf32>
        %parallel_loop3A_554 = vector.shape_cast %parallel_loop3A_545 : vector<16xf32> to vector<1x1x1x16xf32>
        tpu.vector_store %arg7[%parallel_loop3A_548, %parallel_loop3A_549, %parallel_loop3A_550, %parallel_loop3A_551], %parallel_loop3A_554 {strides = array<i32>} : memref<2x4x64x128xf32, #tpu.memory_space<vmem>>, vector<1x1x1x16xf32>,
        %parallel_loop3A_555 = arith.constant 3 : i32
        %parallel_loop3A_556 = arith.addi %mul3A_73, %parallel_loop3A_555 : i32
        %parallel_loop3A_557 = arith.index_cast %parallel_loop3A_556 : i32 to index
        %parallel_loop3A_558 = arith.constant 32 : index
        %parallel_loop3A_559 = tpu.vector_load %arg5[%parallel_loop3A_557, %parallel_loop3A_558] {strides = array<i32>} : memref<200x128xf32, #tpu.memory_space<vmem>>, vector<1x16xf32>,
        %parallel_loop3A_560 = vector.shape_cast %parallel_loop3A_559 : vector<1x16xf32> to vector<16xf32>
        %parallel_loop3A_561 = arith.mulf %parallel_loop3A_560, %parallel_loop3A_112 : vector<16xf32>
        %parallel_loop3A_562 = arith.addf %parallel_loop3A_105, %parallel_loop3A_561 : vector<16xf32>
        %parallel_loop3A_563 = arith.constant 1 : i32
        %parallel_loop3A_564 = arith.constant 3 : i32
        %parallel_loop3A_565 = arith.index_cast %parallel_loop3A_563 : i32 to index
        %parallel_loop3A_566 = arith.index_cast %parallel_loop3A_564 : i32 to index
        %parallel_loop3A_567 = arith.index_cast %parallel_loop3A_99 : i32 to index
        %parallel_loop3A_568 = arith.constant 32 : index
        %parallel_loop3A_569 = tpu.vector_load %arg7[%parallel_loop3A_565, %parallel_loop3A_566, %parallel_loop3A_567, %parallel_loop3A_568] {strides = array<i32>} : memref<2x4x64x128xf32, #tpu.memory_space<vmem>>, vector<1x1x1x16xf32>,
        %parallel_loop3A_570 = vector.shape_cast %parallel_loop3A_569 : vector<1x1x1x16xf32> to vector<16xf32>
        %parallel_loop3A_571 = vector.shape_cast %parallel_loop3A_562 : vector<16xf32> to vector<1x1x1x16xf32>
        tpu.vector_store %arg7[%parallel_loop3A_565, %parallel_loop3A_566, %parallel_loop3A_567, %parallel_loop3A_568], %parallel_loop3A_571 {strides = array<i32>} : memref<2x4x64x128xf32, #tpu.memory_space<vmem>>, vector<1x1x1x16xf32>,
        %parallel_loop3A_572 = arith.constant 3 : i32
        %parallel_loop3A_573 = arith.addi %mul3A_73, %parallel_loop3A_572 : i32
        %parallel_loop3A_574 = arith.index_cast %parallel_loop3A_573 : i32 to index
        %parallel_loop3A_575 = arith.constant 48 : index
        %parallel_loop3A_576 = tpu.vector_load %arg5[%parallel_loop3A_574, %parallel_loop3A_575] {strides = array<i32>} : memref<200x128xf32, #tpu.memory_space<vmem>>, vector<1x16xf32>,
        %parallel_loop3A_577 = vector.shape_cast %parallel_loop3A_576 : vector<1x16xf32> to vector<16xf32>
        %parallel_loop3A_578 = arith.mulf %parallel_loop3A_577, %parallel_loop3A_112 : vector<16xf32>
        %parallel_loop3A_579 = arith.addf %parallel_loop3A_105, %parallel_loop3A_578 : vector<16xf32>
        %parallel_loop3A_580 = arith.constant 1 : i32
        %parallel_loop3A_581 = arith.constant 3 : i32
        %parallel_loop3A_582 = arith.index_cast %parallel_loop3A_580 : i32 to index
        %parallel_loop3A_583 = arith.index_cast %parallel_loop3A_581 : i32 to index
        %parallel_loop3A_584 = arith.index_cast %parallel_loop3A_99 : i32 to index
        %parallel_loop3A_585 = arith.constant 48 : index
        %parallel_loop3A_586 = tpu.vector_load %arg7[%parallel_loop3A_582, %parallel_loop3A_583, %parallel_loop3A_584, %parallel_loop3A_585] {strides = array<i32>} : memref<2x4x64x128xf32, #tpu.memory_space<vmem>>, vector<1x1x1x16xf32>,
        %parallel_loop3A_587 = vector.shape_cast %parallel_loop3A_586 : vector<1x1x1x16xf32> to vector<16xf32>
        %parallel_loop3A_588 = vector.shape_cast %parallel_loop3A_579 : vector<16xf32> to vector<1x1x1x16xf32>
        tpu.vector_store %arg7[%parallel_loop3A_582, %parallel_loop3A_583, %parallel_loop3A_584, %parallel_loop3A_585], %parallel_loop3A_588 {strides = array<i32>} : memref<2x4x64x128xf32, #tpu.memory_space<vmem>>, vector<1x1x1x16xf32>,
        %parallel_loop3A_589 = arith.constant 3 : i32
        %parallel_loop3A_590 = arith.addi %mul3A_73, %parallel_loop3A_589 : i32
        %parallel_loop3A_591 = arith.index_cast %parallel_loop3A_590 : i32 to index
        %parallel_loop3A_592 = arith.constant 64 : index
        %parallel_loop3A_593 = tpu.vector_load %arg5[%parallel_loop3A_591, %parallel_loop3A_592] {strides = array<i32>} : memref<200x128xf32, #tpu.memory_space<vmem>>, vector<1x16xf32>,
        %parallel_loop3A_594 = vector.shape_cast %parallel_loop3A_593 : vector<1x16xf32> to vector<16xf32>
        %parallel_loop3A_595 = arith.mulf %parallel_loop3A_594, %parallel_loop3A_112 : vector<16xf32>
        %parallel_loop3A_596 = arith.addf %parallel_loop3A_105, %parallel_loop3A_595 : vector<16xf32>
        %parallel_loop3A_597 = arith.constant 1 : i32
        %parallel_loop3A_598 = arith.constant 3 : i32
        %parallel_loop3A_599 = arith.index_cast %parallel_loop3A_597 : i32 to index
        %parallel_loop3A_600 = arith.index_cast %parallel_loop3A_598 : i32 to index
        %parallel_loop3A_601 = arith.index_cast %parallel_loop3A_99 : i32 to index
        %parallel_loop3A_602 = arith.constant 64 : index
        %parallel_loop3A_603 = tpu.vector_load %arg7[%parallel_loop3A_599, %parallel_loop3A_600, %parallel_loop3A_601, %parallel_loop3A_602] {strides = array<i32>} : memref<2x4x64x128xf32, #tpu.memory_space<vmem>>, vector<1x1x1x16xf32>,
        %parallel_loop3A_604 = vector.shape_cast %parallel_loop3A_603 : vector<1x1x1x16xf32> to vector<16xf32>
        %parallel_loop3A_605 = vector.shape_cast %parallel_loop3A_596 : vector<16xf32> to vector<1x1x1x16xf32>
        tpu.vector_store %arg7[%parallel_loop3A_599, %parallel_loop3A_600, %parallel_loop3A_601, %parallel_loop3A_602], %parallel_loop3A_605 {strides = array<i32>} : memref<2x4x64x128xf32, #tpu.memory_space<vmem>>, vector<1x1x1x16xf32>,
        %parallel_loop3A_606 = arith.constant 3 : i32
        %parallel_loop3A_607 = arith.addi %mul3A_73, %parallel_loop3A_606 : i32
        %parallel_loop3A_608 = arith.index_cast %parallel_loop3A_607 : i32 to index
        %parallel_loop3A_609 = arith.constant 80 : index
        %parallel_loop3A_610 = tpu.vector_load %arg5[%parallel_loop3A_608, %parallel_loop3A_609] {strides = array<i32>} : memref<200x128xf32, #tpu.memory_space<vmem>>, vector<1x16xf32>,
        %parallel_loop3A_611 = vector.shape_cast %parallel_loop3A_610 : vector<1x16xf32> to vector<16xf32>
        %parallel_loop3A_612 = arith.mulf %parallel_loop3A_611, %parallel_loop3A_112 : vector<16xf32>
        %parallel_loop3A_613 = arith.addf %parallel_loop3A_105, %parallel_loop3A_612 : vector<16xf32>
        %parallel_loop3A_614 = arith.constant 1 : i32
        %parallel_loop3A_615 = arith.constant 3 : i32
        %parallel_loop3A_616 = arith.index_cast %parallel_loop3A_614 : i32 to index
        %parallel_loop3A_617 = arith.index_cast %parallel_loop3A_615 : i32 to index
        %parallel_loop3A_618 = arith.index_cast %parallel_loop3A_99 : i32 to index
        %parallel_loop3A_619 = arith.constant 80 : index
        %parallel_loop3A_620 = tpu.vector_load %arg7[%parallel_loop3A_616, %parallel_loop3A_617, %parallel_loop3A_618, %parallel_loop3A_619] {strides = array<i32>} : memref<2x4x64x128xf32, #tpu.memory_space<vmem>>, vector<1x1x1x16xf32>,
        %parallel_loop3A_621 = vector.shape_cast %parallel_loop3A_620 : vector<1x1x1x16xf32> to vector<16xf32>
        %parallel_loop3A_622 = vector.shape_cast %parallel_loop3A_613 : vector<16xf32> to vector<1x1x1x16xf32>
        tpu.vector_store %arg7[%parallel_loop3A_616, %parallel_loop3A_617, %parallel_loop3A_618, %parallel_loop3A_619], %parallel_loop3A_622 {strides = array<i32>} : memref<2x4x64x128xf32, #tpu.memory_space<vmem>>, vector<1x1x1x16xf32>,
        %parallel_loop3A_623 = arith.constant 3 : i32
        %parallel_loop3A_624 = arith.addi %mul3A_73, %parallel_loop3A_623 : i32
        %parallel_loop3A_625 = arith.index_cast %parallel_loop3A_624 : i32 to index
        %parallel_loop3A_626 = arith.constant 96 : index
        %parallel_loop3A_627 = tpu.vector_load %arg5[%parallel_loop3A_625, %parallel_loop3A_626] {strides = array<i32>} : memref<200x128xf32, #tpu.memory_space<vmem>>, vector<1x16xf32>,
        %parallel_loop3A_628 = vector.shape_cast %parallel_loop3A_627 : vector<1x16xf32> to vector<16xf32>
        %parallel_loop3A_629 = arith.mulf %parallel_loop3A_628, %parallel_loop3A_112 : vector<16xf32>
        %parallel_loop3A_630 = arith.addf %parallel_loop3A_105, %parallel_loop3A_629 : vector<16xf32>
        %parallel_loop3A_631 = arith.constant 1 : i32
        %parallel_loop3A_632 = arith.constant 3 : i32
        %parallel_loop3A_633 = arith.index_cast %parallel_loop3A_631 : i32 to index
        %parallel_loop3A_634 = arith.index_cast %parallel_loop3A_632 : i32 to index
        %parallel_loop3A_635 = arith.index_cast %parallel_loop3A_99 : i32 to index
        %parallel_loop3A_636 = arith.constant 96 : index
        %parallel_loop3A_637 = tpu.vector_load %arg7[%parallel_loop3A_633, %parallel_loop3A_634, %parallel_loop3A_635, %parallel_loop3A_636] {strides = array<i32>} : memref<2x4x64x128xf32, #tpu.memory_space<vmem>>, vector<1x1x1x16xf32>,
        %parallel_loop3A_638 = vector.shape_cast %parallel_loop3A_637 : vector<1x1x1x16xf32> to vector<16xf32>
        %parallel_loop3A_639 = vector.shape_cast %parallel_loop3A_630 : vector<16xf32> to vector<1x1x1x16xf32>
        tpu.vector_store %arg7[%parallel_loop3A_633, %parallel_loop3A_634, %parallel_loop3A_635, %parallel_loop3A_636], %parallel_loop3A_639 {strides = array<i32>} : memref<2x4x64x128xf32, #tpu.memory_space<vmem>>, vector<1x1x1x16xf32>,
        %parallel_loop3A_640 = arith.constant 3 : i32
        %parallel_loop3A_641 = arith.addi %mul3A_73, %parallel_loop3A_640 : i32
        %parallel_loop3A_642 = arith.index_cast %parallel_loop3A_641 : i32 to index
        %parallel_loop3A_643 = arith.constant 112 : index
        %parallel_loop3A_644 = tpu.vector_load %arg5[%parallel_loop3A_642, %parallel_loop3A_643] {strides = array<i32>} : memref<200x128xf32, #tpu.memory_space<vmem>>, vector<1x16xf32>,
        %parallel_loop3A_645 = vector.shape_cast %parallel_loop3A_644 : vector<1x16xf32> to vector<16xf32>
        %parallel_loop3A_646 = arith.mulf %parallel_loop3A_645, %parallel_loop3A_112 : vector<16xf32>
        %parallel_loop3A_647 = arith.addf %parallel_loop3A_105, %parallel_loop3A_646 : vector<16xf32>
        %parallel_loop3A_648 = arith.constant 1 : i32
        %parallel_loop3A_649 = arith.constant 3 : i32
        %parallel_loop3A_650 = arith.index_cast %parallel_loop3A_648 : i32 to index
        %parallel_loop3A_651 = arith.index_cast %parallel_loop3A_649 : i32 to index
        %parallel_loop3A_652 = arith.index_cast %parallel_loop3A_99 : i32 to index
        %parallel_loop3A_653 = arith.constant 112 : index
        %parallel_loop3A_654 = tpu.vector_load %arg7[%parallel_loop3A_650, %parallel_loop3A_651, %parallel_loop3A_652, %parallel_loop3A_653] {strides = array<i32>} : memref<2x4x64x128xf32, #tpu.memory_space<vmem>>, vector<1x1x1x16xf32>,
        %parallel_loop3A_655 = vector.shape_cast %parallel_loop3A_654 : vector<1x1x1x16xf32> to vector<16xf32>
        %parallel_loop3A_656 = vector.shape_cast %parallel_loop3A_647 : vector<16xf32> to vector<1x1x1x16xf32>
        tpu.vector_store %arg7[%parallel_loop3A_650, %parallel_loop3A_651, %parallel_loop3A_652, %parallel_loop3A_653], %parallel_loop3A_656 {strides = array<i32>} : memref<2x4x64x128xf32, #tpu.memory_space<vmem>>, vector<1x1x1x16xf32>,
      } {sc.loop_unroll_factor = 4 : i64, sc.parallel_access}
      %mul3A_82 = arith.constant 4 : i32
      %mul3A_83 = arith.muli %add3A_71, %mul3A_82 : i32
      %dma_start3A_84 = arith.constant 1 : i32
      %dma_start3A_85 = arith.constant 0 : i32
      %dma_start3A_86 = arith.constant 0 : i32
      %dma_start3A_87 = arith.constant 0 : i32
      %dma_start3A_88 = tpu.memref_slice %arg7[%dma_start3A_84, %dma_start3A_85, %dma_start3A_86, %dma_start3A_87] : memref<2x4x64x128xf32, #tpu.memory_space<vmem>> -> memref<1x4x64x128xf32, #tpu.memory_space<vmem>>
      %dma_start3A_89 = tpu.memref_squeeze %dma_start3A_88 : memref<1x4x64x128xf32, #tpu.memory_space<vmem>> -> memref<4x64x128xf32, #tpu.memory_space<vmem>>
      %dma_start3A_90 = arith.constant 0 : i32
      %dma_start3A_91 = tpu.memref_slice %arg4[%mul3A_83, %dma_start3A_90, %mul3A_2] : memref<200x64x4096xf32, #tpu.memory_space<hbm>> -> memref<4x64x128xf32, #tpu.memory_space<hbm>>
      %dma_start3A_92 = arith.constant 0 : i32
      %dma_start3A_93 = tpu.memref_slice %arg4[%mul3A_83, %dma_start3A_92, %mul3A_2] : memref<200x64x4096xf32, #tpu.memory_space<hbm>> -> memref<4x64x128xf32, #tpu.memory_space<hbm>>
      %dma_start3A_94 = arith.constant 0 : i32
      %dma_start3A_95 = arith.constant 0 : i32
      %dma_start3A_96 = arith.constant 0 : i32
      %dma_start3A_97 = tpu.memref_slice %arg7[%dma_start3A_84, %dma_start3A_94, %dma_start3A_95, %dma_start3A_96] : memref<2x4x64x128xf32, #tpu.memory_space<vmem>> -> memref<1x4x64x128xf32, #tpu.memory_space<vmem>>
      %dma_start3A_98 = tpu.memref_squeeze %dma_start3A_97 : memref<1x4x64x128xf32, #tpu.memory_space<vmem>> -> memref<4x64x128xf32, #tpu.memory_space<vmem>>
      tpu.enqueue_dma source(%dma_start3A_98 : memref<4x64x128xf32, #tpu.memory_space<vmem>>) target(%dma_start3A_93 : memref<4x64x128xf32, #tpu.memory_space<hbm>>) target_semaphore(%arg9 : memref<!tpu.dma_semaphore, #tpu.memory_space<semaphore_mem>>)
    }
    %scan3A_7 = arith.constant 25 : i32
    %dma_wait3A = arith.constant 0 : i32
    %dma_wait3A_8 = arith.constant 0 : i32
    %dma_wait3A_9 = arith.constant 0 : i32
    %dma_wait3A_10 = arith.constant 0 : i32
    %dma_wait3A_11 = tpu.memref_slice %arg7[%dma_wait3A, %dma_wait3A_8, %dma_wait3A_9, %dma_wait3A_10] : memref<2x4x64x128xf32, #tpu.memory_space<vmem>> -> memref<1x4x64x128xf32, #tpu.memory_space<vmem>>
    %dma_wait3A_12 = tpu.memref_squeeze %dma_wait3A_11 : memref<1x4x64x128xf32, #tpu.memory_space<vmem>> -> memref<4x64x128xf32, #tpu.memory_space<vmem>>
    %dma_wait3A_13 = arith.constant 192 : i32
    %dma_wait3A_14 = arith.constant 0 : i32
    %dma_wait3A_15 = tpu.memref_slice %arg4[%dma_wait3A_13, %dma_wait3A_14, %mul3A_2] : memref<200x64x4096xf32, #tpu.memory_space<hbm>> -> memref<4x64x128xf32, #tpu.memory_space<hbm>>
    %dma_wait3A_16 = arith.constant 192 : i32
    %dma_wait3A_17 = arith.constant 0 : i32
    %dma_wait3A_18 = tpu.memref_slice %arg4[%dma_wait3A_16, %dma_wait3A_17, %mul3A_2] : memref<200x64x4096xf32, #tpu.memory_space<hbm>> -> memref<4x64x128xf32, #tpu.memory_space<hbm>>
    %dma_wait3A_19 = arith.constant 0 : i32
    %dma_wait3A_20 = arith.constant 0 : i32
    %dma_wait3A_21 = arith.constant 0 : i32
    %dma_wait3A_22 = tpu.memref_slice %arg7[%dma_wait3A, %dma_wait3A_19, %dma_wait3A_20, %dma_wait3A_21] : memref<2x4x64x128xf32, #tpu.memory_space<vmem>> -> memref<1x4x64x128xf32, #tpu.memory_space<vmem>>
    %dma_wait3A_23 = tpu.memref_squeeze %dma_wait3A_22 : memref<1x4x64x128xf32, #tpu.memory_space<vmem>> -> memref<4x64x128xf32, #tpu.memory_space<vmem>>
    tpu.wait_dma2 semaphore(%arg8 : memref<!tpu.dma_semaphore, #tpu.memory_space<semaphore_mem>>) src(%dma_wait3A_23 : memref<4x64x128xf32, #tpu.memory_space<vmem>>) dst(%dma_wait3A_18 : memref<4x64x128xf32, #tpu.memory_space<hbm>>)
    %dma_wait3A_24 = arith.constant 1 : i32
    %dma_wait3A_25 = arith.constant 0 : i32
    %dma_wait3A_26 = arith.constant 0 : i32
    %dma_wait3A_27 = arith.constant 0 : i32
    %dma_wait3A_28 = tpu.memref_slice %arg7[%dma_wait3A_24, %dma_wait3A_25, %dma_wait3A_26, %dma_wait3A_27] : memref<2x4x64x128xf32, #tpu.memory_space<vmem>> -> memref<1x4x64x128xf32, #tpu.memory_space<vmem>>
    %dma_wait3A_29 = tpu.memref_squeeze %dma_wait3A_28 : memref<1x4x64x128xf32, #tpu.memory_space<vmem>> -> memref<4x64x128xf32, #tpu.memory_space<vmem>>
    %dma_wait3A_30 = arith.constant 196 : i32
    %dma_wait3A_31 = arith.constant 0 : i32
    %dma_wait3A_32 = tpu.memref_slice %arg4[%dma_wait3A_30, %dma_wait3A_31, %mul3A_2] : memref<200x64x4096xf32, #tpu.memory_space<hbm>> -> memref<4x64x128xf32, #tpu.memory_space<hbm>>
    %dma_wait3A_33 = arith.constant 196 : i32
    %dma_wait3A_34 = arith.constant 0 : i32
    %dma_wait3A_35 = tpu.memref_slice %arg4[%dma_wait3A_33, %dma_wait3A_34, %mul3A_2] : memref<200x64x4096xf32, #tpu.memory_space<hbm>> -> memref<4x64x128xf32, #tpu.memory_space<hbm>>
    %dma_wait3A_36 = arith.constant 0 : i32
    %dma_wait3A_37 = arith.constant 0 : i32
    %dma_wait3A_38 = arith.constant 0 : i32
    %dma_wait3A_39 = tpu.memref_slice %arg7[%dma_wait3A_24, %dma_wait3A_36, %dma_wait3A_37, %dma_wait3A_38] : memref<2x4x64x128xf32, #tpu.memory_space<vmem>> -> memref<1x4x64x128xf32, #tpu.memory_space<vmem>>
    %dma_wait3A_40 = tpu.memref_squeeze %dma_wait3A_39 : memref<1x4x64x128xf32, #tpu.memory_space<vmem>> -> memref<4x64x128xf32, #tpu.memory_space<vmem>>
    tpu.wait_dma2 semaphore(%arg9 : memref<!tpu.dma_semaphore, #tpu.memory_space<semaphore_mem>>) src(%dma_wait3A_40 : memref<4x64x128xf32, #tpu.memory_space<vmem>>) dst(%dma_wait3A_35 : memref<4x64x128xf32, #tpu.memory_space<hbm>>)
    return
  }
}

</mosaic_0001>

<sc_bundles>
// kernel: kernel.3.cloned.1.call-start
scs
__scs_entry_jumppad:
0x0: {  	(pc) =	sbr.rel $0x88, $3  }
0x1: {  	(tag) =	ssettag $0x0;
	lr =	simm.s32 $0x1  }
0x2: {  	[smem:$0x3F9F] =	sst lr;
	_ =	strace $0xD0000000  }
0x3: {  	_ = 	snop  }
0x4: {  	_ = 	snop  }
0x5: {  	_ = 	snop  }
0x6: {  	_ = 	snop  }
0x7: {  	_ = 	snop  }
__scs_overlays_trampoline_lowered:
0x8: {  	[smem:$0x3FAE] =	sst s0  }
0x9: {  	[smem:$0x3FAF] =	sst s1  }
0xa: {  	[smem:$0x3FB0] =	sst s2  }
0xb: {  	[smem:$0x3FB1] =	sst s3  }
0xc: {  	[smem:$0x3FB2] =	sst s4  }
0xd: {  	[smem:$0x3FB3] =	sst s5  }
0xe: {  	[smem:$0x3FB4] =	sst s6  }
0xf: {  	[smem:$0x3FB5] =	sst s7  }
0x10: {  	[smem:$0x3FB6] =	sst s8  }
0x11: {  	[smem:$0x3FB7] =	sst s9;
	s0 =	simm.s32 @!p0 $0x0  }
0x12: {  	s1 =	sld [smem:$0x3F9D];
	s0 =	simm.s32 @p0 $0x1  }
0x13: {  	[smem:$0x3FB8] =	sst s0;
	s0 =	simm.s32 @!p1 $0x0  }
0x14: {  	s2 =	sld [smem:$0x3F9C];
	s0 =	simm.s32 @p1 $0x1  }
0x15: {  	[smem:$0x3FB9] =	sst s0;
	s0 =	simm.s32 @!p2 $0x0  }
0x16: {  	s3 =	sld [smem:$0x3FDB];
	s0 =	simm.s32 @p2 $0x1  }
0x17: {  	s4 =	simm.s32 $0x1BF5;
	[smem:$0x3FBB] =	sst s0  }
0x18: {  	s0 =	sld [smem:$0x3F9E];
	_ =	swait.ge [sflag:s4], $0x0  }
0x19: {  	s7 =	sld [smem:$0x3F9F]  }
0x1a: {  	s8 =	sadd.s32 $0xFFFFE003, lr  }
0x1b: {  	s9 =	sadd.s32 $0xFFFFFEF7, lr;
	s5 =	simm.s32 $0xFFFFFFFF;
	p2 =	slt.u32 s8, $0xFFFFF086  }
0x1c: {  	p1 =	slt.u32 s9, $0xF7A;
	s5 =	simm.s32 @!p2 $0x0  }
0x1d: {  	s5 =	simm.s32 @p1 $0x1;
	p0 =	seq.s32 s7, s2  }
0x1e: {  	s7 =	smul.u32 @!p0 $0xF7A, s2;
	p2 =	seq.s32 @!p0 s5, $0x0  }
0x1f: {  	s9 =	smul.u32 $0xF7A, s1;
	s8 =	simm.s32 @!p0 $0x1BF5;
	p2 =	por !p2, p0  }
0x20: {  	[sflag:s8] =	ssyncset.s32 @!p0 $0xFFFFF086;
	s6 =	sadd.s32 @!p0 s3, s7;
	s7 =	simm.s32 @!p0 $0x108  }
0x21: {  	s3 =	sadd.s32 s3, s9;
	s6 =	sadd.s32 @!p0 $0x88, s6;
	s7 =	simm.s32 @p2 $0x1082  }
0x22: {  	[simem:s7], [sflag:s8] =	dma.local @!p0 [hbm:s6], $0xF7A  }
0x23: {  	s9 =	sor.u32 $0xD0000000, s2;
	s6 =	simm.s32 $0x108;
	_ =	swait.ge @!p0 [sflag:s8], $0x0  }
0x24: {  	s3 =	sadd.s32 $0x88, s3;
	s6 =	simm.s32 @!p1 $0x1082;
	[sflag:s4] =	ssyncset.s32 $0xFFFFF086  }
0x25: {  	[simem:s6], [sflag:s4] =	dma.local [hbm:s3], $0xF7A  }
0x26: {  	[smem:$0x3F9F] =	sst s1;
	(tag) =	ssettag s2;
	_ =	strace s9  }
0x27: {  	s1 =	sld [smem:$0x3FAF]  }
0x28: {  	s2 =	sld [smem:$0x3FB0]  }
0x29: {  	s4 =	sld [smem:$0x3FB2]  }
0x2a: {  	p0 =	seq.s32 s5, $0x0;
	s5 =	sld [smem:$0x3FB3]  }
0x2b: {  	s6 =	sld [smem:$0x3FB4]  }
0x2c: {  	s7 =	sld [smem:$0x3FB5]  }
0x2d: {  	s3 =	simm.s32 $0x108;
	s8 =	sld [smem:$0x3FB6]  }
0x2e: {  	s3 =	simm.s32 @!p0 $0x1082;
	s9 =	sld [smem:$0x3FB7]  }
0x2f: {  	lr =	sadd.s32 s0, s3;
	s0 =	sld [smem:$0x3FAE]  }
0x30: {  	s3 =	sld [smem:$0x3FB1]  }
0x31: {  	[smem:$0x3FBA] =	sst s10  }
0x32: {  	s10 =	sld [smem:$0x3FB8];
	_ =	sdelay $0x3  }
0x33: {  	p0 =	seq.s32 s10, $0x1;
	s10 =	sld [smem:$0x3FBA];
	_ =	sdelay $0x3  }
0x34: {  	[smem:$0x3FBA] =	sst s10  }
0x35: {  	s10 =	sld [smem:$0x3FB9];
	_ =	sdelay $0x3  }
0x36: {  	p1 =	seq.s32 s10, $0x1;
	s10 =	sld [smem:$0x3FBA];
	_ =	sdelay $0x3  }
0x37: {  	[smem:$0x3FBA] =	sst s10  }
0x38: {  	s10 =	sld [smem:$0x3FBB]  }
0x39: {  	_ = 	snop;
	(pc) =	sbr.ind lr, $3  }
0x3a: {  	_ = 	snop  }
0x3b: {  	_ = 	snop  }
0x3c: {  	p2 =	seq.s32 s10, $0x1;
	s10 =	sld [smem:$0x3FBA]  }
0x3d: {  	_ =	shalt  }
0x3e: {  	_ =	shalt  }
0x3f: {  	_ =	shalt  }
0x40: {  	_ =	shalt  }
0x41: {  	_ =	shalt  }
0x42: {  	_ =	shalt  }
0x43: {  	_ =	shalt  }
0x44: {  	_ =	shalt  }
0x45: {  	_ =	shalt  }
0x46: {  	_ =	shalt  }
0x47: {  	_ =	shalt  }
0x48: {  	_ =	shalt  }
0x49: {  	_ =	shalt  }
0x4a: {  	_ =	shalt  }
0x4b: {  	_ =	shalt  }
0x4c: {  	_ =	shalt  }
0x4d: {  	_ =	shalt  }
0x4e: {  	_ =	shalt  }
0x4f: {  	_ =	shalt  }
0x50: {  	_ =	shalt  }
0x51: {  	_ =	shalt  }
0x52: {  	_ =	shalt  }
0x53: {  	_ =	shalt  }
0x54: {  	_ =	shalt  }
0x55: {  	_ =	shalt  }
0x56: {  	_ =	shalt  }
0x57: {  	_ =	shalt  }
0x58: {  	_ =	shalt  }
0x59: {  	_ =	shalt  }
0x5a: {  	_ =	shalt  }
0x5b: {  	_ =	shalt  }
0x5c: {  	_ =	shalt  }
0x5d: {  	_ =	shalt  }
0x5e: {  	_ =	shalt  }
0x5f: {  	_ =	shalt  }
0x60: {  	_ =	shalt  }
0x61: {  	_ =	shalt  }
0x62: {  	_ =	shalt  }
0x63: {  	_ =	shalt  }
0x64: {  	_ =	shalt  }
0x65: {  	_ =	shalt  }
0x66: {  	_ =	shalt  }
0x67: {  	_ =	shalt  }
0x68: {  	_ =	shalt  }
0x69: {  	_ =	shalt  }
0x6a: {  	_ =	shalt  }
0x6b: {  	_ =	shalt  }
0x6c: {  	_ =	shalt  }
0x6d: {  	_ =	shalt  }
0x6e: {  	_ =	shalt  }
0x6f: {  	_ =	shalt  }
0x70: {  	_ =	shalt  }
0x71: {  	_ =	shalt  }
0x72: {  	_ =	shalt  }
0x73: {  	_ =	shalt  }
0x74: {  	_ =	shalt  }
0x75: {  	_ =	shalt  }
0x76: {  	_ =	shalt  }
0x77: {  	_ =	shalt  }
0x78: {  	_ =	shalt  }
0x79: {  	_ =	shalt  }
0x7a: {  	_ =	shalt  }
0x7b: {  	_ =	shalt  }
0x7c: {  	_ =	shalt  }
0x7d: {  	_ =	shalt  }
0x7e: {  	_ =	shalt  }
0x7f: {  	_ =	shalt  }
0x80: {  	_ =	shalt  }
0x81: {  	_ =	shalt  }
0x82: {  	_ =	shalt  }
0x83: {  	_ =	shalt  }
0x84: {  	_ =	shalt  }
0x85: {  	_ =	shalt  }
0x86: {  	_ =	shalt  }
0x87: {  	_ =	shalt  }
.Lfunc_end0:
.L_simem_size_0:
called_computation_lowered:
.L_overlay_start_0:
0x88: {  	s2 =	sld [smem:$0x3FD9]  }
0x89: {  	s3 =	sld [smem:$0x3FFE];
	_ =	sdelay $0x1  }
0x8a: {  	s1 =	srdreg.scid  }
0x8b: {  	s0 =	sand.u32 $0x1, s1  }
0x8c: {  	s17 =	sshll.u32 s0, $0xA;
	s2 =	sadd.s32 s3, s2  }
0x8d: {  	s2 =	sadd.s32 s2, s17  }
0x8e: {  	[smem:$0x3FC6] =	sst s2  }
0x8f: {  	_ = 	snop  }
0x90: {  	s2 =	sld [smem:$0x3FD0];
	(tm) =	ssettm $0x1  }
0x91: {  	s18 =	sld [smem:$0x3FFB];
	_ =	sdelay $0x3  }
0x92: {  	_ =	strace s18  }
0x93: {  	s3 =	sld [smem:$0x3FFC];
	_ =	sdelay $0x3  }
0x94: {  	_ =	strace s3  }
0x95: {  	s3 =	sld [smem:$0x3FFD];
	_ =	sdelay $0x3  }
0x96: {  	_ =	strace s3  }
0x97: {  	_ =	strace $0x8FFFFFFF  }
0x98: {  	s19 =	sld [smem:$0x3FDB];
	_ =	sdelay $0x1  }
0x99: {  	s4 =	simm.s32 $_scs_section_size  }
0x9a: {  	s5 =	simm.s32 $_size__tile_overlayer_lowered;
	s6 =	simm.s32 $_tile_overlayer_lowered  }
0x9b: {  	s22 =	simm.s32 $0x1BFF;
	s21 =	sshll.u32 s6, $0x1;
	s3 =	sadd.s32 s4, s19  }
0x9c: {  	s7 =	simm.s32 $0x0;
	s20 =	sshll.u32 s5, $0x1;
	s5 =	sadd.s32 s21, s3  }
0x9d: {  	[timem:s7], [sflag:s22] =	dma.local [hbm:s5], s20  }
0x9e: {  	_ =	swait.ge [sflag:s22], s20  }
0x9f: {  	s4 =	ssub.s32 $0x0, s20;
	[sflag:s22] =	ssyncset.done $0x0  }
0xa0: {  	[sflag:s22] =	ssyncadd.s32 s4;
	_ =	sdelay $0x1  }
0xa1: {  	s23 =	simm.s32 $0x1B8B  }
0xa2: {  	_ =	swait.ge [sflag:s23], $0x1  }
0xa3: {  	[sflag:s23] =	ssyncset.done $0x0  }
0xa4: {  	s25 =	simm.s32 $0x1B8E;
	s24 =	sld [smem:$0x3FFE];
	[sflag:s23] =	ssyncadd.s32 $0xFFFFFFFF  }
0xa5: {  	s26 =	simm.s32 $execute0_lowered;
	[smem:$0x3FD2] =	sst s25  }
0xa6: {  	s5 =	sshll.u32 s26, $0x1;
	_ =	strace $0x80000046;
	[dreg:$0x1] =	wrdreg $0xFFFFFFFF  }
0xa7: {  	s28 =	simm.s32 $_size_execute0_lowered;
	s3 =	sadd.s32 s3, s5;
	[dreg:$0x0] =	wrdreg $0x0  }
0xa8: {  	s5 =	sshll.u32 s28, $0x1;
	[dreg:$0x2] =	wrdreg s3  }
0xa9: {  	[dreg:$0x3] =	wrdreg s5  }
0xaa: {  	[dreg:$0x4] =	wrdreg $0xC0  }
0xab: {  	_ =	task [dreg:s7], $0x5FFFF  }
0xac: {  	[dreg:$0x1] =	wrdreg $0xFFFFFFFF  }
0xad: {  	[dreg:$0x0] =	wrdreg $0x60  }
0xae: {  	[dreg:$0x2] =	wrdreg s24  }
0xaf: {  	[dreg:$0x3] =	wrdreg s2  }
0xb0: {  	[dreg:$0x4] =	wrdreg $0x9  }
0xb1: {  	_ =	task.clear_ibuf [dreg:s7], $0x5FFFF;
	_ =	strace $0x90000046  }
0xb2: {  	s29 =	simm.s32 $0x9;
	_ =	strace $0x80000048  }
0xb3: {  	_ =	swait.ge [sflag:s29], $0x1  }
0xb4: {  	[sflag:s29] =	ssyncadd.s32 $0xFFFFFFFF  }
0xb5: {  	_ =	strace $0x90000048  }
0xb6: {  	_ =	sfence  }
0xb7: {  	s30 =	sld [smem:$0x0];
	_ =	sdelay $0x2  }
0xb8: {  	s31 =	sshll.u32 s1, $0xD;
	s1 =	sshrl.u32 s1, $0x2  }
0xb9: {  	s3 =	sand.u32 $0x4000, s31;
	s1 =	sadd.s32 s1, s30  }
0xba: {  	s0 =	sor.u32 s3, s0;
	s1 =	sshll.u32 s1, $0x11  }
0xbb: {  	s0 =	sor.u32 s1, s0  }
0xbc: {  	s0 =	sadd.s32 $0x8F2B, s0  }
0xbd: {  	[sflag:s0] =	ssyncadd.remote.s32 $0x1  }
0xbe: {  	_ =	sfence.sel $0xFFFF  }
0xbf: {  	[dreg:$0x0] =	wrdreg $0xFFFFFFFF;
	(pc) =	sbr.abs _section_cstart, $3  }
0xc0: {  	[dreg:$0x1] =	wrdreg $0xFFFFFFFF  }
0xc1: {  	_ =	task.clear_ibuf [dreg:s7], $0x2FFFF;
	_ =	strace $0x9FFFFFFF  }
0xc2: {  	(tm) =	ssettm $0x7FFFFFFF  }
0xc3: {  	_ =	shalt  }
tec
execute0_lowered:
.L_overlay_start_1:
0x0: {  	(tag) =	ssettag $0x1  }
0x1: {  	s5 =	rddreg [dreg:$0x0];
	s0 =	srdreg.scid  }
0x2: {  	s2 =	rddreg [dreg:$0x1];
	s1 =	stileid.u32;
	s3 =	simm.s32 $0x0  }
0x3: {  	s9 =	simm.s32 $0x8000;
	s10 =	simm.s32 $0x3;
	s11 =	simm.s32 $0x6400  }
0x4: {  	s12 =	simm.s32 $0xA400;
	s13 =	simm.s32 $0x12400;
	s14 =	simm.s32 $0x1  }
0x5: {  	s15 =	simm.s32 $0x2;
	s16 =	simm.s32 $0x0;
	s6 =	sand.u32 $0x1, s0  }
0x6: {  	s0 =	rddreg [dreg:$0x2];
	s4 =	sshll.u32 s1, $0xB;
	s7 =	sshll.u32 s6, $0xA  }
0x7: {  	[smem:$0x7FF] =	sst s3;
	s6 =	ssub.s32 $0x2, s6;
	s4 =	sor.u32 s7, s4  }
0x8: {  	_ =	strace $0x80000047;
	s8 =	sshrl.u32 s6, $0x1;
	s7 =	sshrl.u32 s4, $0x3  }
0x9: {  	s8 =	ssub.s32 s6, s8;
	s7 =	sadd.s32 s7, s5;
	s5 =	sadd.s32 $0x19600, s5  }
0xa: {  	s6 =	sadd.s32 $0x600, s7;
	s7 =	smax.u32 s8, $0x1;
	s8 =	simm.s32 $0x400  }
.LBB2_1:
0xb: {  	[tilespmem:s3], [sflag:$0x3] =	stream.strided.gather [hbm4b:s6+s8], $0x6400, s9, s8, $0x38;
	[tilespmem:$0x1A400] =	vst v63  }
0xc: {  	_ =	swait.ge [sflag:s10], $0x6400  }
0xd: {  	[sflag:s10] =	ssyncset.done $0x0  }
0xe: {  	[sflag:s10] =	ssyncadd.s32 $0xFFFF9C00  }
0xf: {  	[tilespmem:s11], [sflag:$0x3] =	stream.linear.gather [hbm4b:s5+s3], $0x4000, $0x38;
	[tilespmem:$0x1A400] =	vst v63  }
0x10: {  	_ =	swait.ge [sflag:s10], $0x4000  }
0x11: {  	[sflag:s10] =	ssyncset.done $0x0  }
0x12: {  	s17 =	simm.s32 $0x0;
	[sflag:s10] =	ssyncadd.s32 $0xFFFFC000  }
.LBB2_2:
0x13: {  	p0 =	seq.s32 s17, $0x0  }
0x14: {  	s18 =	simm.s32 @!p0 $0x1  }
0x15: {  	_ =	swait.ge @!p0 [sflag:s18], $0x8000  }
0x16: {  	[sflag:s18] =	ssyncset.done @!p0 $0x0  }
0x17: {  	s19 =	simm.s32 $0x0;
	[sflag:s18] =	ssyncadd.s32 @!p0 $0xFFFF8000  }
0x18: {  	v22 =	vld [tilespmem:s19+$0x6580]  }
0x19: {  	s31 =	sshll.u32 s17, $0xC;
	v0 =	vld [tilespmem:s19+$0x8580]  }
0x1a: {  	s18 =	sshra.s32 s31, $0x2  }
0x1b: {  	v4 =	vld [tilespmem:s18+$0x0];
	_ =	sdelay $0x2  }
0x1c: {  	v23 =	vsub.f32 v0, v22  }
0x1d: {  	v20 =	vld [tilespmem:s19+$0x6400]  }
0x1e: {  	v2 =	vld [tilespmem:s19+$0x8400];
	v0 =	vmul.f32 v23, v4  }
0x1f: {  	v1 =	vld [tilespmem:s19+$0x6480]  }
0x20: {  	v3 =	vld [tilespmem:s19+$0x8480];
	v5 =	vadd.f32 v0, v22  }
0x21: {  	v6 =	vld [tilespmem:s19+$0x8500]  }
0x22: {  	v0 =	vld [tilespmem:s19+$0x6500];
	[tilespmem:s19+$0xA580] =	vst v5  }
0x23: {  	v21 =	vsub.f32 v2, v20;
	v5 =	vld [tilespmem:s18+$0x10];
	_ =	sdelay $0x1  }
0x24: {  	v2 =	vsub.f32 v3, v1;
	v3 =	vmul.f32 v21, v4;
	_ =	sdelay $0x1  }
0x25: {  	v7 =	vmul.f32 v2, v4;
	v8 =	vadd.f32 v3, v20  }
0x26: {  	v3 =	vsub.f32 v6, v0;
	v5 =	vmul.f32 v5, v23  }
0x27: {  	[tilespmem:s19+$0xA400] =	vst v8;
	v6 =	vadd.f32 v7, v1  }
0x28: {  	v7 =	vld [tilespmem:s18+$0x10];
	v4 =	vmul.f32 v3, v4;
	v5 =	vadd.f32 v5, v22  }
0x29: {  	[tilespmem:s19+$0xA480] =	vst v6  }
0x2a: {  	v6 =	vld [tilespmem:s18+$0x10];
	v4 =	vadd.f32 v4, v0;
	[tilespmem:s19+$0xA590] =	vst v5  }
0x2b: {  	v5 =	vld [tilespmem:s18+$0x20]  }
0x2c: {  	[tilespmem:s19+$0xA500] =	vst v4  }
0x2d: {  	v4 =	vmul.f32 v7, v21;
	v7 =	vld [tilespmem:s18+$0x10];
	_ =	sdelay $0x1  }
0x2e: {  	v6 =	vmul.f32 v6, v2  }
0x2f: {  	v4 =	vadd.f32 v4, v20;
	v5 =	vmul.f32 v5, v23  }
0x30: {  	v6 =	vadd.f32 v6, v1  }
0x31: {  	[tilespmem:s19+$0xA410] =	vst v4;
	v7 =	vmul.f32 v7, v3;
	v5 =	vadd.f32 v5, v22  }
0x32: {  	v4 =	vld [tilespmem:s18+$0x20];
	[tilespmem:s19+$0xA490] =	vst v6  }
0x33: {  	v6 =	vld [tilespmem:s18+$0x20];
	v7 =	vadd.f32 v7, v0;
	[tilespmem:s19+$0xA5A0] =	vst v5  }
0x34: {  	v5 =	vld [tilespmem:s18+$0x30]  }
0x35: {  	[tilespmem:s19+$0xA510] =	vst v7  }
0x36: {  	v7 =	vld [tilespmem:s18+$0x20]  }
0x37: {  	v4 =	vmul.f32 v4, v21  }
0x38: {  	v6 =	vmul.f32 v6, v2  }
0x39: {  	v4 =	vadd.f32 v4, v20;
	v5 =	vmul.f32 v5, v23  }
0x3a: {  	v6 =	vadd.f32 v6, v1  }
0x3b: {  	[tilespmem:s19+$0xA420] =	vst v4;
	v7 =	vmul.f32 v7, v3;
	v5 =	vadd.f32 v5, v22  }
0x3c: {  	v4 =	vld [tilespmem:s18+$0x30];
	[tilespmem:s19+$0xA4A0] =	vst v6  }
0x3d: {  	v6 =	vld [tilespmem:s18+$0x30];
	v7 =	vadd.f32 v7, v0;
	[tilespmem:s19+$0xA5B0] =	vst v5  }
0x3e: {  	v5 =	vld [tilespmem:s18+$0x40]  }
0x3f: {  	[tilespmem:s19+$0xA520] =	vst v7  }
0x40: {  	v7 =	vld [tilespmem:s18+$0x30]  }
0x41: {  	v4 =	vmul.f32 v4, v21  }
0x42: {  	v6 =	vmul.f32 v6, v2  }
0x43: {  	v4 =	vadd.f32 v4, v20;
	v5 =	vmul.f32 v5, v23  }
0x44: {  	v6 =	vadd.f32 v6, v1  }
0x45: {  	[tilespmem:s19+$0xA430] =	vst v4;
	v7 =	vmul.f32 v7, v3;
	v5 =	vadd.f32 v5, v22  }
0x46: {  	v4 =	vld [tilespmem:s18+$0x40];
	[tilespmem:s19+$0xA4B0] =	vst v6  }
0x47: {  	v6 =	vld [tilespmem:s18+$0x40];
	v7 =	vadd.f32 v7, v0;
	[tilespmem:s19+$0xA5C0] =	vst v5  }
0x48: {  	v5 =	vld [tilespmem:s18+$0x50]  }
0x49: {  	[tilespmem:s19+$0xA530] =	vst v7  }
0x4a: {  	v7 =	vld [tilespmem:s18+$0x40]  }
0x4b: {  	v4 =	vmul.f32 v4, v21  }
0x4c: {  	v6 =	vmul.f32 v6, v2  }
0x4d: {  	v4 =	vadd.f32 v4, v20;
	v5 =	vmul.f32 v5, v23  }
0x4e: {  	v6 =	vadd.f32 v6, v1  }
0x4f: {  	[tilespmem:s19+$0xA440] =	vst v4;
	v7 =	vmul.f32 v7, v3;
	v5 =	vadd.f32 v5, v22  }
0x50: {  	v4 =	vld [tilespmem:s18+$0x50];
	[tilespmem:s19+$0xA4C0] =	vst v6  }
0x51: {  	v6 =	vld [tilespmem:s18+$0x50];
	v7 =	vadd.f32 v7, v0;
	[tilespmem:s19+$0xA5D0] =	vst v5  }
0x52: {  	v5 =	vld [tilespmem:s18+$0x60]  }
0x53: {  	[tilespmem:s19+$0xA540] =	vst v7  }
0x54: {  	v7 =	vld [tilespmem:s18+$0x50]  }
0x55: {  	v4 =	vmul.f32 v4, v21  }
0x56: {  	v6 =	vmul.f32 v6, v2  }
0x57: {  	v4 =	vadd.f32 v4, v20;
	v5 =	vmul.f32 v5, v23  }
0x58: {  	v6 =	vadd.f32 v6, v1  }
0x59: {  	[tilespmem:s19+$0xA450] =	vst v4;
	v7 =	vmul.f32 v7, v3;
	v5 =	vadd.f32 v5, v22  }
0x5a: {  	v4 =	vld [tilespmem:s18+$0x60];
	[tilespmem:s19+$0xA4D0] =	vst v6  }
0x5b: {  	v6 =	vld [tilespmem:s18+$0x60];
	v7 =	vadd.f32 v7, v0;
	[tilespmem:s19+$0xA5E0] =	vst v5  }
0x5c: {  	v5 =	vld [tilespmem:s18+$0x70]  }
0x5d: {  	[tilespmem:s19+$0xA550] =	vst v7  }
0x5e: {  	v7 =	vld [tilespmem:s18+$0x60]  }
0x5f: {  	v4 =	vmul.f32 v4, v21  }
0x60: {  	v6 =	vmul.f32 v6, v2  }
0x61: {  	v4 =	vadd.f32 v4, v20;
	v5 =	vmul.f32 v5, v23  }
0x62: {  	v6 =	vadd.f32 v6, v1  }
0x63: {  	[tilespmem:s19+$0xA460] =	vst v4;
	v7 =	vmul.f32 v7, v3;
	v5 =	vadd.f32 v5, v22  }
0x64: {  	v4 =	vld [tilespmem:s18+$0x70];
	[tilespmem:s19+$0xA4E0] =	vst v6  }
0x65: {  	v6 =	vld [tilespmem:s18+$0x70];
	v7 =	vadd.f32 v7, v0;
	[tilespmem:s19+$0xA5F0] =	vst v5  }
0x66: {  	v5 =	vld [tilespmem:s18+$0x80]  }
0x67: {  	[tilespmem:s19+$0xA560] =	vst v7  }
0x68: {  	v7 =	vld [tilespmem:s18+$0x70]  }
0x69: {  	v4 =	vmul.f32 v4, v21  }
0x6a: {  	v6 =	vmul.f32 v6, v2  }
0x6b: {  	v4 =	vadd.f32 v4, v20;
	v5 =	vmul.f32 v5, v23  }
0x6c: {  	v6 =	vadd.f32 v6, v1  }
0x6d: {  	[tilespmem:s19+$0xA470] =	vst v4;
	v7 =	vmul.f32 v7, v3;
	v5 =	vadd.f32 v5, v22  }
0x6e: {  	v4 =	vld [tilespmem:s18+$0x80];
	[tilespmem:s19+$0xA4F0] =	vst v6  }
0x6f: {  	v6 =	vld [tilespmem:s18+$0x80];
	v7 =	vadd.f32 v7, v0;
	[tilespmem:s19+$0xC580] =	vst v5  }
0x70: {  	v5 =	vld [tilespmem:s18+$0x90]  }
0x71: {  	[tilespmem:s19+$0xA570] =	vst v7  }
0x72: {  	v7 =	vld [tilespmem:s18+$0x80]  }
0x73: {  	v4 =	vmul.f32 v4, v21  }
0x74: {  	v6 =	vmul.f32 v6, v2  }
0x75: {  	v4 =	vadd.f32 v4, v20;
	v5 =	vmul.f32 v5, v23  }
0x76: {  	v6 =	vadd.f32 v6, v1  }
0x77: {  	[tilespmem:s19+$0xC400] =	vst v4;
	v7 =	vmul.f32 v7, v3;
	v5 =	vadd.f32 v5, v22  }
0x78: {  	v4 =	vld [tilespmem:s18+$0x90];
	[tilespmem:s19+$0xC480] =	vst v6  }
0x79: {  	v6 =	vld [tilespmem:s18+$0x90];
	v7 =	vadd.f32 v7, v0;
	[tilespmem:s19+$0xC590] =	vst v5  }
0x7a: {  	v5 =	vld [tilespmem:s18+$0xA0]  }
0x7b: {  	[tilespmem:s19+$0xC500] =	vst v7  }
0x7c: {  	v7 =	vld [tilespmem:s18+$0x90]  }
0x7d: {  	v4 =	vmul.f32 v4, v21  }
0x7e: {  	v6 =	vmul.f32 v6, v2  }
0x7f: {  	v4 =	vadd.f32 v4, v20;
	v5 =	vmul.f32 v5, v23  }
0x80: {  	v6 =	vadd.f32 v6, v1  }
0x81: {  	[tilespmem:s19+$0xC410] =	vst v4;
	v7 =	vmul.f32 v7, v3;
	v5 =	vadd.f32 v5, v22  }
0x82: {  	v4 =	vld [tilespmem:s18+$0xA0];
	[tilespmem:s19+$0xC490] =	vst v6  }
0x83: {  	v6 =	vld [tilespmem:s18+$0xA0];
	v7 =	vadd.f32 v7, v0;
	[tilespmem:s19+$0xC5A0] =	vst v5  }
0x84: {  	v5 =	vld [tilespmem:s18+$0xB0]  }
0x85: {  	[tilespmem:s19+$0xC510] =	vst v7  }
0x86: {  	v7 =	vld [tilespmem:s18+$0xA0]  }
0x87: {  	v4 =	vmul.f32 v4, v21  }
0x88: {  	v6 =	vmul.f32 v6, v2  }
0x89: {  	v4 =	vadd.f32 v4, v20;
	v5 =	vmul.f32 v5, v23  }
0x8a: {  	v6 =	vadd.f32 v6, v1  }
0x8b: {  	[tilespmem:s19+$0xC420] =	vst v4;
	v7 =	vmul.f32 v7, v3;
	v5 =	vadd.f32 v5, v22  }
0x8c: {  	v4 =	vld [tilespmem:s18+$0xB0];
	[tilespmem:s19+$0xC4A0] =	vst v6  }
0x8d: {  	v6 =	vld [tilespmem:s18+$0xB0];
	v7 =	vadd.f32 v7, v0;
	[tilespmem:s19+$0xC5B0] =	vst v5  }
0x8e: {  	v5 =	vld [tilespmem:s18+$0xC0]  }
0x8f: {  	[tilespmem:s19+$0xC520] =	vst v7  }
0x90: {  	v7 =	vld [tilespmem:s18+$0xB0]  }
0x91: {  	v4 =	vmul.f32 v4, v21  }
0x92: {  	v6 =	vmul.f32 v6, v2  }
0x93: {  	v4 =	vadd.f32 v4, v20;
	v5 =	vmul.f32 v5, v23  }
0x94: {  	v6 =	vadd.f32 v6, v1  }
0x95: {  	s20 =	simm.s32 $0x200;
	v12 =	vld [tilespmem:s18+$0x0];
	[tilespmem:s19+$0xC430] =	vst v4;
	v4 =	vmul.f32 v7, v3;
	v5 =	vadd.f32 v5, v22  }
0x96: {  	v13 =	vld [tilespmem:s20+$0x8400];
	[tilespmem:s19+$0xC4B0] =	vst v6  }
0x97: {  	v6 =	vadd.f32 v4, v0;
	v4 =	vld [tilespmem:s20+$0x6580];
	[tilespmem:s19+$0xC5C0] =	vst v5  }
0x98: {  	v5 =	vld [tilespmem:s18+$0xD0]  }
0x99: {  	[tilespmem:s19+$0xC530] =	vst v6;
	v6 =	vld [tilespmem:s20+$0x8580]  }
0x9a: {  	v15 =	vld [tilespmem:s20+$0x8480]  }
0x9b: {  	v9 =	vld [tilespmem:s18+$0xC0]  }
0x9c: {  	v7 =	vld [tilespmem:s20+$0x6400]  }
0x9d: {  	v10 =	vld [tilespmem:s18+$0xC0];
	v14 =	vmul.f32 v5, v23  }
0x9e: {  	v11 =	vld [tilespmem:s18+$0xC0];
	v8 =	vsub.f32 v6, v4  }
0x9f: {  	v5 =	vld [tilespmem:s20+$0x6480];
	v14 =	vadd.f32 v14, v22  }
0xa0: {  	v17 =	vld [tilespmem:s20+$0x8500];
	v16 =	vmul.f32 v8, v12  }
0xa1: {  	v6 =	vld [tilespmem:s20+$0x6500];
	[tilespmem:s19+$0xC5D0] =	vst v14  }
0xa2: {  	v9 =	vmul.f32 v9, v21;
	v14 =	vadd.f32 v16, v4;
	v16 =	vld [tilespmem:s18+$0xE0]  }
0xa3: {  	v18 =	vmul.f32 v10, v2;
	v10 =	vsub.f32 v13, v7  }
0xa4: {  	v13 =	vadd.f32 v9, v20;
	v11 =	vmul.f32 v11, v3;
	v9 =	vsub.f32 v15, v5;
	[tilespmem:s20+$0xA580] =	vst v14  }
0xa5: {  	v15 =	vmul.f32 v10, v12;
	v14 =	vadd.f32 v18, v1;
	v18 =	vld [tilespmem:s18+$0x10]  }
0xa6: {  	[tilespmem:s19+$0xC440] =	vst v13;
	v13 =	vadd.f32 v11, v0;
	v11 =	vsub.f32 v17, v6;
	v19 =	vmul.f32 v9, v12  }
0xa7: {  	v15 =	vadd.f32 v15, v7;
	[tilespmem:s19+$0xC4C0] =	vst v14;
	v14 =	vld [tilespmem:s18+$0xD0];
	v16 =	vmul.f32 v16, v23  }
0xa8: {  	[tilespmem:s19+$0xC540] =	vst v13;
	v12 =	vmul.f32 v11, v12;
	v13 =	vld [tilespmem:s18+$0xD0];
	v17 =	vadd.f32 v19, v5  }
0xa9: {  	v19 =	vld [tilespmem:s18+$0xD0];
	[tilespmem:s20+$0xA400] =	vst v15;
	v15 =	vadd.f32 v16, v22  }
0xaa: {  	v12 =	vadd.f32 v12, v6;
	[tilespmem:s20+$0xA480] =	vst v17;
	v16 =	vld [tilespmem:s18+$0x10];
	v17 =	vmul.f32 v18, v8  }
0xab: {  	v18 =	vld [tilespmem:s18+$0x10];
	[tilespmem:s19+$0xC5E0] =	vst v15  }
0xac: {  	[tilespmem:s20+$0xA500] =	vst v12;
	v14 =	vmul.f32 v14, v21;
	v12 =	vadd.f32 v17, v4;
	v15 =	vld [tilespmem:s18+$0xF0]  }
0xad: {  	v13 =	vmul.f32 v13, v2;
	v17 =	vld [tilespmem:s18+$0x10]  }
0xae: {  	v19 =	vmul.f32 v19, v3;
	v14 =	vadd.f32 v14, v20;
	[tilespmem:s20+$0xA590] =	vst v12  }
0xaf: {  	v12 =	vadd.f32 v13, v1;
	v13 =	vmul.f32 v16, v10;
	v16 =	vld [tilespmem:s18+$0x20]  }
0xb0: {  	[tilespmem:s19+$0xC450] =	vst v14;
	v14 =	vadd.f32 v19, v0;
	v18 =	vmul.f32 v18, v9  }
0xb1: {  	v19 =	vld [tilespmem:s18+$0xE0];
	[tilespmem:s19+$0xC4D0] =	vst v12;
	v13 =	vadd.f32 v13, v7;
	v12 =	vmul.f32 v15, v23  }
0xb2: {  	[tilespmem:s19+$0xC550] =	vst v14;
	v14 =	vadd.f32 v18, v5;
	v17 =	vmul.f32 v17, v11;
	v15 =	vld [tilespmem:s18+$0xE0]  }
0xb3: {  	[tilespmem:s20+$0xA410] =	vst v13;
	v13 =	vld [tilespmem:s18+$0xE0];
	v12 =	vadd.f32 v12, v22  }
0xb4: {  	[tilespmem:s20+$0xA490] =	vst v14;
	v14 =	vadd.f32 v17, v6;
	v18 =	vld [tilespmem:s18+$0x20];
	v16 =	vmul.f32 v16, v8  }
0xb5: {  	v17 =	vld [tilespmem:s18+$0x20];
	[tilespmem:s19+$0xC5F0] =	vst v12  }
0xb6: {  	[tilespmem:s20+$0xA510] =	vst v14;
	v12 =	vmul.f32 v19, v21;
	v14 =	vadd.f32 v16, v4;
	v16 =	vld [tilespmem:s18+$0x100]  }
0xb7: {  	v19 =	vld [tilespmem:s18+$0x20];
	v15 =	vmul.f32 v15, v2  }
0xb8: {  	v12 =	vadd.f32 v12, v20;
	v13 =	vmul.f32 v13, v3;
	[tilespmem:s20+$0xA5A0] =	vst v14  }
0xb9: {  	v14 =	vmul.f32 v18, v10;
	v15 =	vadd.f32 v15, v1;
	v18 =	vld [tilespmem:s18+$0x30]  }
0xba: {  	[tilespmem:s19+$0xC460] =	vst v12;
	v12 =	vadd.f32 v13, v0;
	v13 =	vmul.f32 v17, v9  }
0xbb: {  	v17 =	vld [tilespmem:s18+$0xF0];
	v14 =	vadd.f32 v14, v7;
	[tilespmem:s19+$0xC4E0] =	vst v15;
	v15 =	vmul.f32 v16, v23  }
0xbc: {  	v16 =	vld [tilespmem:s18+$0xF0];
	[tilespmem:s19+$0xC560] =	vst v12;
	v12 =	vadd.f32 v13, v5;
	v13 =	vmul.f32 v19, v11  }
0xbd: {  	[tilespmem:s20+$0xA420] =	vst v14;
	v14 =	vld [tilespmem:s18+$0xF0];
	v15 =	vadd.f32 v15, v22  }
0xbe: {  	v19 =	vld [tilespmem:s18+$0x30];
	[tilespmem:s20+$0xA4A0] =	vst v12;
	v12 =	vadd.f32 v13, v6;
	v13 =	vmul.f32 v18, v8  }
0xbf: {  	v18 =	vld [tilespmem:s18+$0x30];
	[tilespmem:s19+$0xE580] =	vst v15  }
0xc0: {  	v15 =	vmul.f32 v17, v21;
	[tilespmem:s20+$0xA520] =	vst v12;
	v12 =	vadd.f32 v13, v4;
	v13 =	vld [tilespmem:s18+$0x110]  }
0xc1: {  	v16 =	vmul.f32 v16, v2;
	v17 =	vld [tilespmem:s18+$0x30]  }
0xc2: {  	v15 =	vadd.f32 v15, v20;
	v14 =	vmul.f32 v14, v3;
	[tilespmem:s20+$0xA5B0] =	vst v12  }
0xc3: {  	v12 =	vmul.f32 v19, v10;
	v16 =	vadd.f32 v16, v1;
	v19 =	vld [tilespmem:s18+$0x40]  }
0xc4: {  	[tilespmem:s19+$0xC470] =	vst v15;
	v14 =	vadd.f32 v14, v0;
	v15 =	vmul.f32 v18, v9  }
0xc5: {  	v18 =	vld [tilespmem:s18+$0x100];
	v12 =	vadd.f32 v12, v7;
	[tilespmem:s19+$0xC4F0] =	vst v16;
	v13 =	vmul.f32 v13, v23  }
0xc6: {  	v16 =	vld [tilespmem:s18+$0x100];
	[tilespmem:s19+$0xC570] =	vst v14;
	v14 =	vadd.f32 v15, v5;
	v15 =	vmul.f32 v17, v11  }
0xc7: {  	[tilespmem:s20+$0xA430] =	vst v12;
	v12 =	vld [tilespmem:s18+$0x100];
	v13 =	vadd.f32 v13, v22  }
0xc8: {  	v17 =	vld [tilespmem:s18+$0x40];
	[tilespmem:s20+$0xA4B0] =	vst v14;
	v14 =	vadd.f32 v15, v6;
	v15 =	vmul.f32 v19, v8  }
0xc9: {  	v19 =	vld [tilespmem:s18+$0x40];
	[tilespmem:s19+$0xE590] =	vst v13  }
0xca: {  	v13 =	vmul.f32 v18, v21;
	[tilespmem:s20+$0xA530] =	vst v14;
	v14 =	vadd.f32 v15, v4;
	v15 =	vld [tilespmem:s18+$0x120]  }
0xcb: {  	v16 =	vmul.f32 v16, v2;
	v18 =	vld [tilespmem:s18+$0x40]  }
0xcc: {  	v13 =	vadd.f32 v13, v20;
	v12 =	vmul.f32 v12, v3;
	[tilespmem:s20+$0xA5C0] =	vst v14  }
0xcd: {  	v14 =	vmul.f32 v17, v10;
	v16 =	vadd.f32 v16, v1;
	v17 =	vld [tilespmem:s18+$0x50]  }
0xce: {  	[tilespmem:s19+$0xE400] =	vst v13;
	v12 =	vadd.f32 v12, v0;
	v13 =	vmul.f32 v19, v9  }
0xcf: {  	v19 =	vld [tilespmem:s18+$0x110];
	v14 =	vadd.f32 v14, v7;
	[tilespmem:s19+$0xE480] =	vst v16;
	v15 =	vmul.f32 v15, v23  }
0xd0: {  	v16 =	vld [tilespmem:s18+$0x110];
	[tilespmem:s19+$0xE500] =	vst v12;
	v12 =	vadd.f32 v13, v5;
	v13 =	vmul.f32 v18, v11  }
0xd1: {  	[tilespmem:s20+$0xA440] =	vst v14;
	v14 =	vld [tilespmem:s18+$0x110];
	v15 =	vadd.f32 v15, v22  }
0xd2: {  	v18 =	vld [tilespmem:s18+$0x50];
	[tilespmem:s20+$0xA4C0] =	vst v12;
	v12 =	vadd.f32 v13, v6;
	v13 =	vmul.f32 v17, v8  }
0xd3: {  	v17 =	vld [tilespmem:s18+$0x50];
	[tilespmem:s19+$0xE5A0] =	vst v15  }
0xd4: {  	v15 =	vmul.f32 v19, v21;
	[tilespmem:s20+$0xA540] =	vst v12;
	v12 =	vadd.f32 v13, v4;
	v13 =	vld [tilespmem:s18+$0x130]  }
0xd5: {  	v16 =	vmul.f32 v16, v2;
	v19 =	vld [tilespmem:s18+$0x50]  }
0xd6: {  	v15 =	vadd.f32 v15, v20;
	v14 =	vmul.f32 v14, v3;
	[tilespmem:s20+$0xA5D0] =	vst v12  }
0xd7: {  	v12 =	vmul.f32 v18, v10;
	v16 =	vadd.f32 v16, v1;
	v18 =	vld [tilespmem:s18+$0x60]  }
0xd8: {  	[tilespmem:s19+$0xE410] =	vst v15;
	v14 =	vadd.f32 v14, v0;
	v15 =	vmul.f32 v17, v9  }
0xd9: {  	v17 =	vld [tilespmem:s18+$0x120];
	v12 =	vadd.f32 v12, v7;
	[tilespmem:s19+$0xE490] =	vst v16;
	v13 =	vmul.f32 v13, v23  }
0xda: {  	v16 =	vld [tilespmem:s18+$0x120];
	[tilespmem:s19+$0xE510] =	vst v14;
	v14 =	vadd.f32 v15, v5;
	v15 =	vmul.f32 v19, v11  }
0xdb: {  	[tilespmem:s20+$0xA450] =	vst v12;
	v12 =	vld [tilespmem:s18+$0x120];
	v13 =	vadd.f32 v13, v22  }
0xdc: {  	v19 =	vld [tilespmem:s18+$0x60];
	[tilespmem:s20+$0xA4D0] =	vst v14;
	v14 =	vadd.f32 v15, v6;
	v15 =	vmul.f32 v18, v8  }
0xdd: {  	v18 =	vld [tilespmem:s18+$0x60];
	[tilespmem:s19+$0xE5B0] =	vst v13  }
0xde: {  	v13 =	vmul.f32 v17, v21;
	[tilespmem:s20+$0xA550] =	vst v14;
	v14 =	vadd.f32 v15, v4;
	v15 =	vld [tilespmem:s18+$0x140]  }
0xdf: {  	v16 =	vmul.f32 v16, v2;
	v17 =	vld [tilespmem:s18+$0x60]  }
0xe0: {  	v13 =	vadd.f32 v13, v20;
	v12 =	vmul.f32 v12, v3;
	[tilespmem:s20+$0xA5E0] =	vst v14  }
0xe1: {  	v14 =	vmul.f32 v19, v10;
	v16 =	vadd.f32 v16, v1;
	v19 =	vld [tilespmem:s18+$0x70]  }
0xe2: {  	[tilespmem:s19+$0xE420] =	vst v13;
	v12 =	vadd.f32 v12, v0;
	v13 =	vmul.f32 v18, v9  }
0xe3: {  	v18 =	vld [tilespmem:s18+$0x130];
	v14 =	vadd.f32 v14, v7;
	[tilespmem:s19+$0xE4A0] =	vst v16;
	v15 =	vmul.f32 v15, v23  }
0xe4: {  	v16 =	vld [tilespmem:s18+$0x130];
	[tilespmem:s19+$0xE520] =	vst v12;
	v12 =	vadd.f32 v13, v5;
	v13 =	vmul.f32 v17, v11  }
0xe5: {  	[tilespmem:s20+$0xA460] =	vst v14;
	v14 =	vld [tilespmem:s18+$0x130];
	v15 =	vadd.f32 v15, v22  }
0xe6: {  	v17 =	vld [tilespmem:s18+$0x70];
	[tilespmem:s20+$0xA4E0] =	vst v12;
	v12 =	vadd.f32 v13, v6;
	v13 =	vmul.f32 v19, v8  }
0xe7: {  	v19 =	vld [tilespmem:s18+$0x70];
	[tilespmem:s19+$0xE5C0] =	vst v15  }
0xe8: {  	v15 =	vmul.f32 v18, v21;
	[tilespmem:s20+$0xA560] =	vst v12;
	v12 =	vadd.f32 v13, v4;
	v13 =	vld [tilespmem:s18+$0x150]  }
0xe9: {  	v16 =	vmul.f32 v16, v2;
	v18 =	vld [tilespmem:s18+$0x70]  }
0xea: {  	v15 =	vadd.f32 v15, v20;
	v14 =	vmul.f32 v14, v3;
	[tilespmem:s20+$0xA5F0] =	vst v12  }
0xeb: {  	v12 =	vmul.f32 v17, v10;
	v16 =	vadd.f32 v16, v1;
	v17 =	vld [tilespmem:s18+$0x80]  }
0xec: {  	[tilespmem:s19+$0xE430] =	vst v15;
	v14 =	vadd.f32 v14, v0;
	v15 =	vmul.f32 v19, v9  }
0xed: {  	v19 =	vld [tilespmem:s18+$0x140];
	v12 =	vadd.f32 v12, v7;
	[tilespmem:s19+$0xE4B0] =	vst v16;
	v13 =	vmul.f32 v13, v23  }
0xee: {  	v16 =	vld [tilespmem:s18+$0x140];
	[tilespmem:s19+$0xE530] =	vst v14;
	v14 =	vadd.f32 v15, v5;
	v15 =	vmul.f32 v18, v11  }
0xef: {  	[tilespmem:s20+$0xA470] =	vst v12;
	v12 =	vld [tilespmem:s18+$0x140];
	v13 =	vadd.f32 v13, v22  }
0xf0: {  	v18 =	vld [tilespmem:s18+$0x80];
	[tilespmem:s20+$0xA4F0] =	vst v14;
	v14 =	vadd.f32 v15, v6;
	v15 =	vmul.f32 v17, v8  }
0xf1: {  	v17 =	vld [tilespmem:s18+$0x80];
	[tilespmem:s19+$0xE5D0] =	vst v13  }
0xf2: {  	v13 =	vmul.f32 v19, v21;
	[tilespmem:s20+$0xA570] =	vst v14;
	v14 =	vadd.f32 v15, v4;
	v15 =	vld [tilespmem:s18+$0x160]  }
0xf3: {  	v16 =	vmul.f32 v16, v2;
	v19 =	vld [tilespmem:s18+$0x80]  }
0xf4: {  	v13 =	vadd.f32 v13, v20;
	v12 =	vmul.f32 v12, v3;
	[tilespmem:s20+$0xC580] =	vst v14  }
0xf5: {  	v14 =	vmul.f32 v18, v10;
	v16 =	vadd.f32 v16, v1;
	v18 =	vld [tilespmem:s18+$0x90]  }
0xf6: {  	[tilespmem:s19+$0xE440] =	vst v13;
	v12 =	vadd.f32 v12, v0;
	v13 =	vmul.f32 v17, v9  }
0xf7: {  	v17 =	vld [tilespmem:s18+$0x150];
	v14 =	vadd.f32 v14, v7;
	[tilespmem:s19+$0xE4C0] =	vst v16;
	v15 =	vmul.f32 v15, v23  }
0xf8: {  	v16 =	vld [tilespmem:s18+$0x150];
	[tilespmem:s19+$0xE540] =	vst v12;
	v12 =	vadd.f32 v13, v5;
	v13 =	vmul.f32 v19, v11  }
0xf9: {  	[tilespmem:s20+$0xC400] =	vst v14;
	v14 =	vld [tilespmem:s18+$0x150];
	v15 =	vadd.f32 v15, v22  }
0xfa: {  	v19 =	vld [tilespmem:s18+$0x90];
	[tilespmem:s20+$0xC480] =	vst v12;
	v12 =	vadd.f32 v13, v6;
	v13 =	vmul.f32 v18, v8  }
0xfb: {  	v18 =	vld [tilespmem:s18+$0x90];
	[tilespmem:s19+$0xE5E0] =	vst v15  }
0xfc: {  	v15 =	vmul.f32 v17, v21;
	[tilespmem:s20+$0xC500] =	vst v12;
	v12 =	vadd.f32 v13, v4;
	v13 =	vld [tilespmem:s18+$0x170]  }
0xfd: {  	v16 =	vmul.f32 v16, v2;
	v17 =	vld [tilespmem:s18+$0x90]  }
0xfe: {  	v15 =	vadd.f32 v15, v20;
	v14 =	vmul.f32 v14, v3;
	[tilespmem:s20+$0xC590] =	vst v12  }
0xff: {  	v12 =	vmul.f32 v19, v10;
	v16 =	vadd.f32 v16, v1;
	v19 =	vld [tilespmem:s18+$0xA0]  }
0x100: {  	[tilespmem:s19+$0xE450] =	vst v15;
	v14 =	vadd.f32 v14, v0;
	v15 =	vmul.f32 v18, v9  }
0x101: {  	v18 =	vld [tilespmem:s18+$0x160];
	v12 =	vadd.f32 v12, v7;
	[tilespmem:s19+$0xE4D0] =	vst v16;
	v13 =	vmul.f32 v13, v23  }
0x102: {  	v16 =	vld [tilespmem:s18+$0x160];
	[tilespmem:s19+$0xE550] =	vst v14;
	v14 =	vadd.f32 v15, v5;
	v15 =	vmul.f32 v17, v11  }
0x103: {  	[tilespmem:s20+$0xC410] =	vst v12;
	v12 =	vld [tilespmem:s18+$0x160];
	v13 =	vadd.f32 v13, v22  }
0x104: {  	v17 =	vld [tilespmem:s18+$0xA0];
	[tilespmem:s20+$0xC490] =	vst v14;
	v14 =	vadd.f32 v15, v6;
	v15 =	vmul.f32 v19, v8  }
0x105: {  	v19 =	vld [tilespmem:s18+$0xA0];
	[tilespmem:s19+$0xE5F0] =	vst v13  }
0x106: {  	v13 =	vmul.f32 v18, v21;
	[tilespmem:s20+$0xC510] =	vst v14;
	v14 =	vadd.f32 v15, v4;
	v15 =	vld [tilespmem:s18+$0x180]  }
0x107: {  	v16 =	vmul.f32 v16, v2;
	v18 =	vld [tilespmem:s18+$0xA0]  }
0x108: {  	v13 =	vadd.f32 v13, v20;
	v12 =	vmul.f32 v12, v3;
	[tilespmem:s20+$0xC5A0] =	vst v14  }
0x109: {  	v14 =	vmul.f32 v17, v10;
	v16 =	vadd.f32 v16, v1;
	v17 =	vld [tilespmem:s18+$0xB0]  }
0x10a: {  	[tilespmem:s19+$0xE460] =	vst v13;
	v12 =	vadd.f32 v12, v0;
	v13 =	vmul.f32 v19, v9  }
0x10b: {  	v19 =	vld [tilespmem:s18+$0x170];
	v14 =	vadd.f32 v14, v7;
	[tilespmem:s19+$0xE4E0] =	vst v16;
	v15 =	vmul.f32 v15, v23  }
0x10c: {  	v16 =	vld [tilespmem:s18+$0x170];
	[tilespmem:s19+$0xE560] =	vst v12;
	v12 =	vadd.f32 v13, v5;
	v13 =	vmul.f32 v18, v11  }
0x10d: {  	[tilespmem:s20+$0xC420] =	vst v14;
	v14 =	vld [tilespmem:s18+$0x170];
	v15 =	vadd.f32 v15, v22  }
0x10e: {  	v18 =	vld [tilespmem:s18+$0xB0];
	[tilespmem:s20+$0xC4A0] =	vst v12;
	v12 =	vadd.f32 v13, v6;
	v13 =	vmul.f32 v17, v8  }
0x10f: {  	v17 =	vld [tilespmem:s18+$0xB0];
	[tilespmem:s19+$0x10580] =	vst v15  }
0x110: {  	v15 =	vmul.f32 v19, v21;
	[tilespmem:s20+$0xC520] =	vst v12;
	v12 =	vadd.f32 v13, v4;
	v13 =	vld [tilespmem:s18+$0x190]  }
0x111: {  	v16 =	vmul.f32 v16, v2;
	v19 =	vld [tilespmem:s18+$0xB0]  }
0x112: {  	v15 =	vadd.f32 v15, v20;
	v14 =	vmul.f32 v14, v3;
	[tilespmem:s20+$0xC5B0] =	vst v12  }
0x113: {  	v12 =	vmul.f32 v18, v10;
	v16 =	vadd.f32 v16, v1;
	v18 =	vld [tilespmem:s18+$0xC0]  }
0x114: {  	s21 =	simm.s32 $0x400;
	[tilespmem:s19+$0xE470] =	vst v15;
	v14 =	vadd.f32 v14, v0;
	v15 =	vmul.f32 v17, v9  }
0x115: {  	v27 =	vld [tilespmem:s21+$0x8580];
	v12 =	vadd.f32 v12, v7;
	[tilespmem:s19+$0xE4F0] =	vst v16;
	v13 =	vmul.f32 v13, v23  }
0x116: {  	v28 =	vld [tilespmem:s18+$0x0];
	[tilespmem:s19+$0xE570] =	vst v14;
	v14 =	vadd.f32 v15, v5;
	v15 =	vmul.f32 v19, v11  }
0x117: {  	v29 =	vld [tilespmem:s21+$0x8400];
	[tilespmem:s20+$0xC430] =	vst v12;
	v12 =	vadd.f32 v13, v22  }
0x118: {  	v31 =	vld [tilespmem:s21+$0x8480];
	[tilespmem:s20+$0xC4B0] =	vst v14;
	v13 =	vadd.f32 v15, v6;
	v14 =	vmul.f32 v18, v8  }
0x119: {  	v17 =	vld [tilespmem:s18+$0x180];
	[tilespmem:s19+$0x10590] =	vst v12  }
0x11a: {  	[tilespmem:s20+$0xC530] =	vst v13;
	v13 =	vadd.f32 v14, v4;
	v14 =	vld [tilespmem:s18+$0x1A0]  }
0x11b: {  	v24 =	vld [tilespmem:s18+$0x180]  }
0x11c: {  	v16 =	vld [tilespmem:s18+$0xC0];
	[tilespmem:s20+$0xC5C0] =	vst v13  }
0x11d: {  	v26 =	vld [tilespmem:s18+$0xD0]  }
0x11e: {  	v12 =	vld [tilespmem:s21+$0x6580]  }
0x11f: {  	v18 =	vld [tilespmem:s18+$0xC0];
	v14 =	vmul.f32 v14, v23  }
0x120: {  	v19 =	vld [tilespmem:s18+$0xC0]  }
0x121: {  	v17 =	vmul.f32 v17, v21;
	v13 =	vld [tilespmem:s21+$0x6400];
	v30 =	vadd.f32 v14, v22  }
0x122: {  	v25 =	vld [tilespmem:s18+$0x180];
	v26 =	vmul.f32 v26, v8  }
0x123: {  	v15 =	vld [tilespmem:s21+$0x6480];
	v17 =	vadd.f32 v17, v20;
	v16 =	vmul.f32 v16, v10;
	v14 =	vsub.f32 v27, v12;
	[tilespmem:s19+$0x105A0] =	vst v30  }
0x124: {  	v18 =	vmul.f32 v18, v9;
	v26 =	vadd.f32 v26, v4;
	v27 =	vld [tilespmem:s18+$0x1B0]  }
0x125: {  	v24 =	vmul.f32 v24, v2;
	[tilespmem:s19+$0x10400] =	vst v17;
	v17 =	vld [tilespmem:s21+$0x6500];
	v30 =	vadd.f32 v16, v7;
	v32 =	vmul.f32 v14, v28  }
0x126: {  	v18 =	vadd.f32 v18, v5;
	v19 =	vmul.f32 v19, v11;
	v16 =	vsub.f32 v29, v13;
	v29 =	vld [tilespmem:s21+$0x8500];
	[tilespmem:s20+$0xC5D0] =	vst v26  }
0x127: {  	v24 =	vadd.f32 v24, v1;
	[tilespmem:s20+$0xC440] =	vst v30;
	v26 =	vadd.f32 v32, v12;
	v30 =	vld [tilespmem:s18+$0xE0]  }
0x128: {  	v50 =	vld [tilespmem:s18+$0x190];
	[tilespmem:s20+$0xC4C0] =	vst v18;
	v18 =	vadd.f32 v19, v6;
	v19 =	vsub.f32 v31, v15;
	v49 =	vmul.f32 v16, v28  }
0x129: {  	v31 =	vld [tilespmem:s18+$0xD0];
	[tilespmem:s21+$0xA580] =	vst v26;
	v27 =	vmul.f32 v27, v23  }
0x12a: {  	[tilespmem:s19+$0x10480] =	vst v24;
	v33 =	vmul.f32 v19, v28;
	v32 =	vadd.f32 v49, v13;
	v34 =	vld [tilespmem:s18+$0x10]  }
0x12b: {  	v25 =	vmul.f32 v25, v3;
	[tilespmem:s20+$0xC540] =	vst v18;
	v26 =	vld [tilespmem:s18+$0xD0];
	v18 =	vsub.f32 v29, v17;
	v27 =	vadd.f32 v27, v22  }
0x12c: {  	v24 =	vld [tilespmem:s18+$0xD0];
	v29 =	vadd.f32 v33, v15;
	[tilespmem:s21+$0xA400] =	vst v32;
	v30 =	vmul.f32 v30, v8  }
0x12d: {  	v25 =	vadd.f32 v25, v0;
	v51 =	vld [tilespmem:s18+$0x10];
	v28 =	vmul.f32 v18, v28;
	[tilespmem:s19+$0x105B0] =	vst v27  }
0x12e: {  	[tilespmem:s21+$0xA480] =	vst v29;
	v27 =	vmul.f32 v31, v10;
	v29 =	vadd.f32 v30, v4;
	v30 =	vld [tilespmem:s18+$0x1C0]  }
0x12f: {  	[tilespmem:s19+$0x10500] =	vst v25;
	v25 =	vld [tilespmem:s18+$0x10];
	v28 =	vadd.f32 v28, v17;
	v31 =	vmul.f32 v34, v14  }
0x130: {  	v26 =	vmul.f32 v26, v9;
	v27 =	vadd.f32 v27, v7;
	[tilespmem:s20+$0xC5E0] =	vst v29;
	v29 =	vld [tilespmem:s18+$0x190]  }
0x131: {  	v24 =	vmul.f32 v24, v11;
	[tilespmem:s21+$0xA500] =	vst v28;
	v28 =	vadd.f32 v31, v12;
	v31 =	vld [tilespmem:s18+$0xF0]  }
0x132: {  	v26 =	vadd.f32 v26, v5;
	v33 =	vmul.f32 v51, v16;
	v52 =	vld [tilespmem:s18+$0x10];
	[tilespmem:s20+$0xC450] =	vst v27  }
0x133: {  	v24 =	vadd.f32 v24, v6;
	[tilespmem:s21+$0xA590] =	vst v28;
	v27 =	vld [tilespmem:s18+$0xE0];
	v28 =	vmul.f32 v30, v23  }
0x134: {  	v25 =	vmul.f32 v25, v19;
	[tilespmem:s20+$0xC4D0] =	vst v26;
	v53 =	vld [tilespmem:s18+$0x20];
	v30 =	vadd.f32 v33, v13  }
0x135: {  	[tilespmem:s20+$0xC550] =	vst v24;
	v26 =	vmul.f32 v50, v21;
	v54 =	vld [tilespmem:s18+$0xE0];
	v24 =	vadd.f32 v28, v22  }
0x136: {  	v25 =	vadd.f32 v25, v15;
	[tilespmem:s21+$0xA410] =	vst v30;
	v28 =	vld [tilespmem:s18+$0xE0];
	v30 =	vmul.f32 v31, v8  }
0x137: {  	v26 =	vadd.f32 v26, v20;
	v34 =	vmul.f32 v52, v18;
	v31 =	vld [tilespmem:s18+$0x20];
	[tilespmem:s19+$0x105C0] =	vst v24  }
0x138: {  	[tilespmem:s21+$0xA490] =	vst v25;
	v24 =	vmul.f32 v27, v10;
	v25 =	vadd.f32 v30, v4;
	v27 =	vld [tilespmem:s18+$0x1D0]  }
0x139: {  	[tilespmem:s19+$0x10410] =	vst v26;
	v34 =	vadd.f32 v34, v17;
	v30 =	vld [tilespmem:s18+$0x20];
	v33 =	vmul.f32 v53, v14  }
0x13a: {  	v26 =	vmul.f32 v54, v9;
	v24 =	vadd.f32 v24, v7;
	[tilespmem:s20+$0xC5F0] =	vst v25;
	v25 =	vld [tilespmem:s18+$0x190]  }
0x13b: {  	[tilespmem:s21+$0xA510] =	vst v34;
	v55 =	vadd.f32 v33, v12;
	v28 =	vmul.f32 v28, v11;
	v56 =	vld [tilespmem:s18+$0x100]  }
0x13c: {  	v34 =	vld [tilespmem:s18+$0x20];
	v31 =	vmul.f32 v31, v16;
	[tilespmem:s20+$0xC460] =	vst v24;
	v24 =	vadd.f32 v26, v5  }
0x13d: {  	[tilespmem:s21+$0xA5A0] =	vst v55;
	v26 =	vld [tilespmem:s18+$0xF0];
	v28 =	vadd.f32 v28, v6;
	v27 =	vmul.f32 v27, v23  }
0x13e: {  	v30 =	vmul.f32 v30, v19;
	v32 =	vld [tilespmem:s18+$0x30];
	v31 =	vadd.f32 v31, v13;
	[tilespmem:s20+$0xC4E0] =	vst v24  }
0x13f: {  	v24 =	vmul.f32 v29, v2;
	v29 =	vld [tilespmem:s18+$0xF0];
	[tilespmem:s20+$0xC560] =	vst v28;
	v27 =	vadd.f32 v27, v22  }
0x140: {  	v28 =	vadd.f32 v30, v15;
	[tilespmem:s21+$0xA420] =	vst v31;
	v30 =	vld [tilespmem:s18+$0xF0];
	v31 =	vmul.f32 v56, v8  }
0x141: {  	v34 =	vmul.f32 v34, v18;
	v24 =	vadd.f32 v24, v1;
	v57 =	vld [tilespmem:s18+$0x30];
	[tilespmem:s19+$0x105D0] =	vst v27  }
0x142: {  	[tilespmem:s21+$0xA4A0] =	vst v28;
	v26 =	vmul.f32 v26, v10;
	v27 =	vadd.f32 v31, v4;
	v28 =	vld [tilespmem:s18+$0x1E0]  }
0x143: {  	v34 =	vadd.f32 v34, v17;
	v31 =	vld [tilespmem:s18+$0x30];
	v32 =	vmul.f32 v32, v14;
	[tilespmem:s19+$0x10490] =	vst v24  }
0x144: {  	v24 =	vadd.f32 v26, v7;
	v26 =	vmul.f32 v29, v9;
	[tilespmem:s20+$0xE580] =	vst v27;
	v27 =	vld [tilespmem:s18+$0x1A0]  }
0x145: {  	[tilespmem:s21+$0xA520] =	vst v34;
	v29 =	vadd.f32 v32, v12;
	v30 =	vmul.f32 v30, v11;
	v58 =	vld [tilespmem:s18+$0x110]  }
0x146: {  	v34 =	vld [tilespmem:s18+$0x30];
	v33 =	vmul.f32 v57, v16;
	[tilespmem:s20+$0xC470] =	vst v24;
	v24 =	vadd.f32 v26, v5  }
0x147: {  	[tilespmem:s21+$0xA5B0] =	vst v29;
	v26 =	vld [tilespmem:s18+$0x100];
	v29 =	vadd.f32 v30, v6;
	v28 =	vmul.f32 v28, v23  }
0x148: {  	v31 =	vmul.f32 v31, v19;
	v59 =	vld [tilespmem:s18+$0x40];
	v30 =	vadd.f32 v33, v13;
	[tilespmem:s20+$0xC4F0] =	vst v24  }
0x149: {  	v24 =	vmul.f32 v25, v3;
	v25 =	vld [tilespmem:s18+$0x100];
	[tilespmem:s20+$0xC570] =	vst v29;
	v28 =	vadd.f32 v28, v22  }
0x14a: {  	v29 =	vadd.f32 v31, v15;
	[tilespmem:s21+$0xA430] =	vst v30;
	v30 =	vld [tilespmem:s18+$0x100];
	v31 =	vmul.f32 v58, v8  }
0x14b: {  	v34 =	vmul.f32 v34, v18;
	v24 =	vadd.f32 v24, v0;
	v60 =	vld [tilespmem:s18+$0x40];
	[tilespmem:s19+$0x105E0] =	vst v28  }
0x14c: {  	[tilespmem:s21+$0xA4B0] =	vst v29;
	v26 =	vmul.f32 v26, v10;
	v28 =	vadd.f32 v31, v4;
	v29 =	vld [tilespmem:s18+$0x1F0]  }
0x14d: {  	v34 =	vadd.f32 v34, v17;
	v31 =	vld [tilespmem:s18+$0x40];
	v33 =	vmul.f32 v59, v14;
	[tilespmem:s19+$0x10510] =	vst v24  }
0x14e: {  	v24 =	vadd.f32 v26, v7;
	v25 =	vmul.f32 v25, v9;
	[tilespmem:s20+$0xE590] =	vst v28;
	v26 =	vld [tilespmem:s18+$0x1A0]  }
0x14f: {  	[tilespmem:s21+$0xA530] =	vst v34;
	v28 =	vadd.f32 v33, v12;
	v30 =	vmul.f32 v30, v11;
	v61 =	vld [tilespmem:s18+$0x120]  }
0x150: {  	v34 =	vld [tilespmem:s18+$0x40];
	v32 =	vmul.f32 v60, v16;
	[tilespmem:s20+$0xE400] =	vst v24;
	v24 =	vadd.f32 v25, v5  }
0x151: {  	[tilespmem:s21+$0xA5C0] =	vst v28;
	v25 =	vld [tilespmem:s18+$0x110];
	v28 =	vadd.f32 v30, v6;
	v23 =	vmul.f32 v29, v23  }
0x152: {  	v30 =	vmul.f32 v31, v19;
	v31 =	vld [tilespmem:s18+$0x50];
	v29 =	vadd.f32 v32, v13;
	[tilespmem:s20+$0xE480] =	vst v24  }
0x153: {  	v24 =	vmul.f32 v27, v21;
	v27 =	vld [tilespmem:s18+$0x110];
	[tilespmem:s20+$0xE500] =	vst v28;
	v22 =	vadd.f32 v23, v22  }
0x154: {  	[tilespmem:s21+$0xA440] =	vst v29;
	v23 =	vadd.f32 v30, v15;
	v28 =	vld [tilespmem:s18+$0x110];
	v29 =	vmul.f32 v61, v8  }
0x155: {  	v62 =	vmul.f32 v34, v18;
	v24 =	vadd.f32 v24, v20;
	v30 =	vld [tilespmem:s18+$0x50];
	[tilespmem:s19+$0x105F0] =	vst v22  }
0x156: {  	[tilespmem:s21+$0xA4C0] =	vst v23;
	v22 =	vmul.f32 v25, v10;
	v23 =	vadd.f32 v29, v4;
	v25 =	vld [tilespmem:s18+$0x1A0]  }
0x157: {  	v32 =	vadd.f32 v62, v17;
	v31 =	vmul.f32 v31, v14;
	[tilespmem:s19+$0x10420] =	vst v24;
	v29 =	vld [tilespmem:s18+$0x50]  }
0x158: {  	v22 =	vadd.f32 v22, v7;
	v24 =	vmul.f32 v27, v9;
	[tilespmem:s20+$0xE5A0] =	vst v23;
	v23 =	vld [tilespmem:s18+$0x1B0]  }
0x159: {  	[tilespmem:s21+$0xA540] =	vst v32;
	v27 =	vadd.f32 v31, v12;
	v28 =	vmul.f32 v28, v11;
	v31 =	vld [tilespmem:s18+$0x130]  }
0x15a: {  	v32 =	vld [tilespmem:s18+$0x50];
	v30 =	vmul.f32 v30, v16;
	[tilespmem:s20+$0xE410] =	vst v22;
	v22 =	vadd.f32 v24, v5  }
0x15b: {  	v24 =	vmul.f32 v26, v2;
	[tilespmem:s21+$0xA5D0] =	vst v27;
	v26 =	vld [tilespmem:s18+$0x120];
	v27 =	vadd.f32 v28, v6  }
0x15c: {  	v28 =	vadd.f32 v30, v13;
	v29 =	vmul.f32 v29, v19;
	v30 =	vld [tilespmem:s18+$0x60];
	[tilespmem:s20+$0xE490] =	vst v22  }
0x15d: {  	v22 =	vadd.f32 v24, v1;
	v24 =	vmul.f32 v25, v3;
	v25 =	vld [tilespmem:s18+$0x120];
	[tilespmem:s20+$0xE510] =	vst v27  }
0x15e: {  	[tilespmem:s21+$0xA450] =	vst v28;
	v27 =	vadd.f32 v29, v15;
	v28 =	vld [tilespmem:s18+$0x120];
	v29 =	vmul.f32 v31, v8  }
0x15f: {  	v32 =	vmul.f32 v32, v18;
	v24 =	vadd.f32 v24, v0;
	[tilespmem:s19+$0x104A0] =	vst v22;
	v31 =	vld [tilespmem:s18+$0x60]  }
0x160: {  	[tilespmem:s21+$0xA4D0] =	vst v27;
	v22 =	vmul.f32 v26, v10;
	v26 =	vadd.f32 v29, v4;
	v27 =	vld [tilespmem:s18+$0x1B0]  }
0x161: {  	v32 =	vadd.f32 v32, v17;
	[tilespmem:s19+$0x10520] =	vst v24;
	v29 =	vld [tilespmem:s18+$0x60];
	v30 =	vmul.f32 v30, v14  }
0x162: {  	v22 =	vadd.f32 v22, v7;
	v24 =	vmul.f32 v25, v9;
	[tilespmem:s20+$0xE5B0] =	vst v26;
	v25 =	vld [tilespmem:s18+$0x1B0]  }
0x163: {  	[tilespmem:s21+$0xA550] =	vst v32;
	v26 =	vadd.f32 v30, v12;
	v28 =	vmul.f32 v28, v11;
	v30 =	vld [tilespmem:s18+$0x140]  }
0x164: {  	v32 =	vld [tilespmem:s18+$0x60];
	v31 =	vmul.f32 v31, v16;
	[tilespmem:s20+$0xE420] =	vst v22;
	v22 =	vadd.f32 v24, v5  }
0x165: {  	v23 =	vmul.f32 v23, v21;
	[tilespmem:s21+$0xA5E0] =	vst v26;
	v24 =	vld [tilespmem:s18+$0x130];
	v26 =	vadd.f32 v28, v6  }
0x166: {  	v28 =	vadd.f32 v31, v13;
	v29 =	vmul.f32 v29, v19;
	v31 =	vld [tilespmem:s18+$0x70];
	[tilespmem:s20+$0xE4A0] =	vst v22  }
0x167: {  	v22 =	vadd.f32 v23, v20;
	v23 =	vmul.f32 v27, v2;
	v27 =	vld [tilespmem:s18+$0x130];
	[tilespmem:s20+$0xE520] =	vst v26  }
0x168: {  	[tilespmem:s21+$0xA460] =	vst v28;
	v26 =	vadd.f32 v29, v15;
	v28 =	vld [tilespmem:s18+$0x130];
	v29 =	vmul.f32 v30, v8  }
0x169: {  	v32 =	vmul.f32 v32, v18;
	v23 =	vadd.f32 v23, v1;
	[tilespmem:s19+$0x10430] =	vst v22;
	v30 =	vld [tilespmem:s18+$0x70]  }
0x16a: {  	[tilespmem:s21+$0xA4E0] =	vst v26;
	v22 =	vmul.f32 v24, v10;
	v24 =	vadd.f32 v29, v4;
	v26 =	vld [tilespmem:s18+$0x1C0]  }
0x16b: {  	v32 =	vadd.f32 v32, v17;
	[tilespmem:s19+$0x104B0] =	vst v23;
	v29 =	vld [tilespmem:s18+$0x70];
	v31 =	vmul.f32 v31, v14  }
0x16c: {  	v22 =	vadd.f32 v22, v7;
	v23 =	vmul.f32 v27, v9;
	[tilespmem:s20+$0xE5C0] =	vst v24;
	v24 =	vld [tilespmem:s18+$0x1C0]  }
0x16d: {  	[tilespmem:s21+$0xA560] =	vst v32;
	v27 =	vadd.f32 v31, v12;
	v28 =	vmul.f32 v28, v11;
	v31 =	vld [tilespmem:s18+$0x150]  }
0x16e: {  	v32 =	vld [tilespmem:s18+$0x70];
	v30 =	vmul.f32 v30, v16;
	[tilespmem:s20+$0xE430] =	vst v22;
	v22 =	vadd.f32 v23, v5  }
0x16f: {  	v23 =	vmul.f32 v25, v3;
	[tilespmem:s21+$0xA5F0] =	vst v27;
	v25 =	vld [tilespmem:s18+$0x140];
	v27 =	vadd.f32 v28, v6  }
0x170: {  	v28 =	vadd.f32 v30, v13;
	v29 =	vmul.f32 v29, v19;
	v30 =	vld [tilespmem:s18+$0x80];
	[tilespmem:s20+$0xE4B0] =	vst v22  }
0x171: {  	v22 =	vadd.f32 v23, v0;
	v23 =	vmul.f32 v26, v21;
	v26 =	vld [tilespmem:s18+$0x140];
	[tilespmem:s20+$0xE530] =	vst v27  }
0x172: {  	[tilespmem:s21+$0xA470] =	vst v28;
	v27 =	vadd.f32 v29, v15;
	v28 =	vld [tilespmem:s18+$0x140];
	v29 =	vmul.f32 v31, v8  }
0x173: {  	v32 =	vmul.f32 v32, v18;
	v23 =	vadd.f32 v23, v20;
	[tilespmem:s19+$0x10530] =	vst v22;
	v31 =	vld [tilespmem:s18+$0x80]  }
0x174: {  	[tilespmem:s21+$0xA4F0] =	vst v27;
	v22 =	vmul.f32 v25, v10;
	v25 =	vadd.f32 v29, v4;
	v27 =	vld [tilespmem:s18+$0x1C0]  }
0x175: {  	v32 =	vadd.f32 v32, v17;
	[tilespmem:s19+$0x10440] =	vst v23;
	v29 =	vld [tilespmem:s18+$0x80];
	v30 =	vmul.f32 v30, v14  }
0x176: {  	v22 =	vadd.f32 v22, v7;
	v23 =	vmul.f32 v26, v9;
	[tilespmem:s20+$0xE5D0] =	vst v25;
	v25 =	vld [tilespmem:s18+$0x1D0]  }
0x177: {  	[tilespmem:s21+$0xA570] =	vst v32;
	v26 =	vadd.f32 v30, v12;
	v28 =	vmul.f32 v28, v11;
	v30 =	vld [tilespmem:s18+$0x160]  }
0x178: {  	v32 =	vld [tilespmem:s18+$0x80];
	v31 =	vmul.f32 v31, v16;
	[tilespmem:s20+$0xE440] =	vst v22;
	v22 =	vadd.f32 v23, v5  }
0x179: {  	v23 =	vmul.f32 v24, v2;
	[tilespmem:s21+$0xC580] =	vst v26;
	v24 =	vld [tilespmem:s18+$0x150];
	v26 =	vadd.f32 v28, v6  }
0x17a: {  	v28 =	vadd.f32 v31, v13;
	v29 =	vmul.f32 v29, v19;
	v31 =	vld [tilespmem:s18+$0x90];
	[tilespmem:s20+$0xE4C0] =	vst v22  }
0x17b: {  	v22 =	vadd.f32 v23, v1;
	v23 =	vmul.f32 v27, v3;
	v27 =	vld [tilespmem:s18+$0x150];
	[tilespmem:s20+$0xE540] =	vst v26  }
0x17c: {  	[tilespmem:s21+$0xC400] =	vst v28;
	v26 =	vadd.f32 v29, v15;
	v28 =	vld [tilespmem:s18+$0x150];
	v29 =	vmul.f32 v30, v8  }
0x17d: {  	v32 =	vmul.f32 v32, v18;
	v23 =	vadd.f32 v23, v0;
	[tilespmem:s19+$0x104C0] =	vst v22;
	v30 =	vld [tilespmem:s18+$0x90]  }
0x17e: {  	[tilespmem:s21+$0xC480] =	vst v26;
	v22 =	vmul.f32 v24, v10;
	v24 =	vadd.f32 v29, v4;
	v26 =	vld [tilespmem:s18+$0x1D0]  }
0x17f: {  	v32 =	vadd.f32 v32, v17;
	[tilespmem:s19+$0x10540] =	vst v23;
	v29 =	vld [tilespmem:s18+$0x90];
	v31 =	vmul.f32 v31, v14  }
0x180: {  	v22 =	vadd.f32 v22, v7;
	v23 =	vmul.f32 v27, v9;
	[tilespmem:s20+$0xE5E0] =	vst v24;
	v24 =	vld [tilespmem:s18+$0x1D0]  }
0x181: {  	[tilespmem:s21+$0xC500] =	vst v32;
	v27 =	vadd.f32 v31, v12;
	v28 =	vmul.f32 v28, v11;
	v31 =	vld [tilespmem:s18+$0x170]  }
0x182: {  	v32 =	vld [tilespmem:s18+$0x90];
	v30 =	vmul.f32 v30, v16;
	[tilespmem:s20+$0xE450] =	vst v22;
	v22 =	vadd.f32 v23, v5  }
0x183: {  	v23 =	vmul.f32 v25, v21;
	[tilespmem:s21+$0xC590] =	vst v27;
	v25 =	vld [tilespmem:s18+$0x160];
	v27 =	vadd.f32 v28, v6  }
0x184: {  	v28 =	vadd.f32 v30, v13;
	v29 =	vmul.f32 v29, v19;
	v30 =	vld [tilespmem:s18+$0xA0];
	[tilespmem:s20+$0xE4D0] =	vst v22  }
0x185: {  	v22 =	vadd.f32 v23, v20;
	v23 =	vmul.f32 v26, v2;
	v26 =	vld [tilespmem:s18+$0x160];
	[tilespmem:s20+$0xE550] =	vst v27  }
0x186: {  	[tilespmem:s21+$0xC410] =	vst v28;
	v27 =	vadd.f32 v29, v15;
	v28 =	vld [tilespmem:s18+$0x160];
	v29 =	vmul.f32 v31, v8  }
0x187: {  	v32 =	vmul.f32 v32, v18;
	v23 =	vadd.f32 v23, v1;
	[tilespmem:s19+$0x10450] =	vst v22;
	v31 =	vld [tilespmem:s18+$0xA0]  }
0x188: {  	[tilespmem:s21+$0xC490] =	vst v27;
	v22 =	vmul.f32 v25, v10;
	v25 =	vadd.f32 v29, v4;
	v27 =	vld [tilespmem:s18+$0x1E0]  }
0x189: {  	v32 =	vadd.f32 v32, v17;
	[tilespmem:s19+$0x104D0] =	vst v23;
	v29 =	vld [tilespmem:s18+$0xA0];
	v30 =	vmul.f32 v30, v14  }
0x18a: {  	v22 =	vadd.f32 v22, v7;
	v23 =	vmul.f32 v26, v9;
	[tilespmem:s20+$0xE5F0] =	vst v25;
	v25 =	vld [tilespmem:s18+$0x1E0]  }
0x18b: {  	[tilespmem:s21+$0xC510] =	vst v32;
	v26 =	vadd.f32 v30, v12;
	v28 =	vmul.f32 v28, v11;
	v30 =	vld [tilespmem:s18+$0x180]  }
0x18c: {  	v32 =	vld [tilespmem:s18+$0xA0];
	v31 =	vmul.f32 v31, v16;
	[tilespmem:s20+$0xE460] =	vst v22;
	v22 =	vadd.f32 v23, v5  }
0x18d: {  	v23 =	vmul.f32 v24, v3;
	[tilespmem:s21+$0xC5A0] =	vst v26;
	v24 =	vld [tilespmem:s18+$0x170];
	v26 =	vadd.f32 v28, v6  }
0x18e: {  	v28 =	vadd.f32 v31, v13;
	v29 =	vmul.f32 v29, v19;
	v31 =	vld [tilespmem:s18+$0xB0];
	[tilespmem:s20+$0xE4E0] =	vst v22  }
0x18f: {  	v22 =	vadd.f32 v23, v0;
	v23 =	vmul.f32 v27, v21;
	v27 =	vld [tilespmem:s18+$0x170];
	[tilespmem:s20+$0xE560] =	vst v26  }
0x190: {  	[tilespmem:s21+$0xC420] =	vst v28;
	v26 =	vadd.f32 v29, v15;
	v28 =	vld [tilespmem:s18+$0x170];
	v29 =	vmul.f32 v30, v8  }
0x191: {  	v32 =	vmul.f32 v32, v18;
	v23 =	vadd.f32 v23, v20;
	[tilespmem:s19+$0x10550] =	vst v22;
	v30 =	vld [tilespmem:s18+$0xB0]  }
0x192: {  	[tilespmem:s21+$0xC4A0] =	vst v26;
	v22 =	vmul.f32 v24, v10;
	v24 =	vadd.f32 v29, v4;
	v26 =	vld [tilespmem:s18+$0x1E0]  }
0x193: {  	v32 =	vadd.f32 v32, v17;
	[tilespmem:s19+$0x10460] =	vst v23;
	v29 =	vld [tilespmem:s18+$0xB0];
	v31 =	vmul.f32 v31, v14  }
0x194: {  	v22 =	vadd.f32 v22, v7;
	v23 =	vmul.f32 v27, v9;
	[tilespmem:s20+$0x10580] =	vst v24;
	v24 =	vld [tilespmem:s18+$0x1F0]  }
0x195: {  	[tilespmem:s21+$0xC520] =	vst v32;
	v27 =	vadd.f32 v31, v12;
	v28 =	vmul.f32 v28, v11;
	v31 =	vld [tilespmem:s18+$0x190]  }
0x196: {  	v32 =	vld [tilespmem:s18+$0xB0];
	v30 =	vmul.f32 v30, v16;
	[tilespmem:s20+$0xE470] =	vst v22;
	v22 =	vadd.f32 v23, v5  }
0x197: {  	v23 =	vmul.f32 v25, v2;
	[tilespmem:s21+$0xC5B0] =	vst v27;
	v25 =	vld [tilespmem:s18+$0x180];
	v27 =	vadd.f32 v28, v6  }
0x198: {  	v28 =	vadd.f32 v30, v13;
	v29 =	vmul.f32 v29, v19;
	v30 =	vld [tilespmem:s18+$0xC0];
	[tilespmem:s20+$0xE4F0] =	vst v22  }
0x199: {  	v22 =	vadd.f32 v23, v1;
	v23 =	vmul.f32 v26, v3;
	v26 =	vld [tilespmem:s18+$0x180];
	[tilespmem:s20+$0xE570] =	vst v27  }
0x19a: {  	[tilespmem:s21+$0xC430] =	vst v28;
	v28 =	vadd.f32 v29, v15;
	v63 =	vld [tilespmem:s18+$0x180];
	v29 =	vmul.f32 v31, v8  }
0x19b: {  	v23 =	vadd.f32 v23, v0;
	v31 =	vmul.f32 v32, v18;
	[tilespmem:s19+$0x104E0] =	vst v22;
	v27 =	vld [tilespmem:s18+$0xC0]  }
0x19c: {  	v21 =	vmul.f32 v24, v21;
	v22 =	vld [tilespmem:s18+$0x1F0];
	[tilespmem:s21+$0xC4B0] =	vst v28;
	v24 =	vmul.f32 v25, v10;
	v25 =	vadd.f32 v29, v4  }
0x19d: {  	v29 =	vadd.f32 v31, v17;
	[tilespmem:s19+$0x10560] =	vst v23;
	v28 =	vld [tilespmem:s18+$0xC0];
	v30 =	vmul.f32 v30, v14  }
0x19e: {  	v21 =	vadd.f32 v21, v20;
	v20 =	vld [tilespmem:s18+$0x1F0];
	v23 =	vadd.f32 v24, v7;
	[tilespmem:s20+$0x10590] =	vst v25;
	v25 =	vmul.f32 v26, v9  }
0x19f: {  	s22 =	sshll.u32 s17, $0x3;
	s23 =	simm.s32 $0x8;
	s24 =	simm.s32 $0x1800;
	[tilespmem:s21+$0xC530] =	vst v29;
	v29 =	vadd.f32 v30, v12;
	v26 =	vmul.f32 v63, v11;
	v24 =	vld [tilespmem:s18+$0x1A0]  }
.LBB2_3:
0x1a0: {  	s25 =	sshra.s32 s24, $0x2;
	v27 =	vmul.f32 v27, v16;
	v30 =	vld [tilespmem:s18+$0xC0];
	[tilespmem:s20+$0x10400] =	vst v23;
	v25 =	vadd.f32 v25, v5  }
0x1a1: {  	v23 =	vld [tilespmem:s25+$0x6580];
	[tilespmem:s21+$0xC5C0] =	vst v29;
	v26 =	vadd.f32 v26, v6;
	v22 =	vmul.f32 v22, v2;
	v2 =	vmovc v9;
	v9 =	vmov v19  }
0x1a2: {  	s23 =	sadd.s32 $0x4, s23;
	v19 =	vadd.f32 v27, v13;
	v27 =	vmul.f32 v28, v9;
	v28 =	vld [tilespmem:s18+$0xD0];
	[tilespmem:s20+$0x10480] =	vst v25  }
0x1a3: {  	p1 =	slt.u32 s23, $0x3C;
	v25 =	vld [tilespmem:s25+$0x8580];
	[tilespmem:s20+$0x10500] =	vst v26;
	v22 =	vadd.f32 v22, v1;
	v26 =	vmul.f32 v20, v3;
	v1 =	vmovc v5;
	v5 =	vmov v15  }
0x1a4: {  	v3 =	vmovc v11;
	v11 =	vmov v18;
	v20 =	vld [tilespmem:s25+$0x6400];
	[tilespmem:s21+$0xC440] =	vst v19;
	v15 =	vadd.f32 v27, v5;
	v19 =	vmul.f32 v24, v8  }
0x1a5: {  	v24 =	vld [tilespmem:s18+$0x0];
	v18 =	vmul.f32 v30, v11;
	[tilespmem:s19+$0x10470] =	vst v21;
	v21 =	vadd.f32 v26, v0;
	v0 =	vmovc v6;
	v6 =	vmov v17  }
0x1a6: {  	v26 =	vld [tilespmem:s25+$0x8400];
	[tilespmem:s21+$0xC4C0] =	vst v15;
	v17 =	vadd.f32 v19, v4  }
0x1a7: {  	v15 =	vld [tilespmem:s25+$0x6480];
	v18 =	vadd.f32 v18, v6;
	v19 =	vmul.f32 v28, v14;
	[tilespmem:s19+$0x104F0] =	vst v22  }
0x1a8: {  	v27 =	vld [tilespmem:s25+$0x8480];
	v22 =	vsub.f32 v25, v23;
	[tilespmem:s20+$0x105A0] =	vst v17  }
0x1a9: {  	[tilespmem:s21+$0xC540] =	vst v18;
	v18 =	vadd.f32 v19, v12;
	v25 =	vld [tilespmem:s18+$0x1B0]  }
0x1aa: {  	v17 =	vld [tilespmem:s25+$0x6500];
	v19 =	vmul.f32 v22, v24;
	[tilespmem:s19+$0x10570] =	vst v21;
	s19 =	smov.u32 s20;
	s20 =	smov.u32 s21;
	s21 =	smov.u32 s25  }
0x1ab: {  	v21 =	vsub.f32 v26, v20;
	v26 =	vld [tilespmem:s21+$0x8500];
	[tilespmem:s20+$0xC5D0] =	vst v18  }
0x1ac: {  	v18 =	vadd.f32 v19, v23;
	v28 =	vld [tilespmem:s18+$0xE0]  }
0x1ad: {  	v29 =	vmul.f32 v21, v24;
	v19 =	vsub.f32 v27, v15;
	v27 =	vld [tilespmem:s18+$0xD0]  }
0x1ae: {  	[tilespmem:s21+$0xA580] =	vst v18;
	v30 =	vld [tilespmem:s18+$0xD0];
	v25 =	vmul.f32 v25, v8  }
0x1af: {  	v29 =	vadd.f32 v29, v20;
	v31 =	vmul.f32 v19, v24;
	v32 =	vld [tilespmem:s18+$0x10]  }
0x1b0: {  	v18 =	vsub.f32 v26, v17;
	v26 =	vld [tilespmem:s18+$0xD0];
	v25 =	vadd.f32 v25, v4  }
0x1b1: {  	[tilespmem:s21+$0xA400] =	vst v29;
	v29 =	vadd.f32 v31, v15;
	v28 =	vmul.f32 v28, v14;
	v31 =	vld [tilespmem:s18+$0x190]  }
0x1b2: {  	v33 =	vld [tilespmem:s18+$0x10];
	v24 =	vmul.f32 v18, v24;
	v27 =	vmul.f32 v27, v16;
	[tilespmem:s19+$0x105B0] =	vst v25  }
0x1b3: {  	[tilespmem:s21+$0xA480] =	vst v29;
	v25 =	vmul.f32 v30, v9;
	v28 =	vadd.f32 v28, v12;
	v29 =	vld [tilespmem:s18+$0x1C0]  }
0x1b4: {  	v30 =	vld [tilespmem:s18+$0x10];
	v24 =	vadd.f32 v24, v17;
	v32 =	vmul.f32 v32, v22;
	v27 =	vadd.f32 v27, v13  }
0x1b5: {  	v25 =	vadd.f32 v25, v5;
	v26 =	vmul.f32 v26, v11;
	[tilespmem:s20+$0xC5E0] =	vst v28;
	v28 =	vld [tilespmem:s18+$0x190]  }
0x1b6: {  	[tilespmem:s21+$0xA500] =	vst v24;
	v24 =	vadd.f32 v32, v23;
	v32 =	vld [tilespmem:s18+$0xF0];
	v31 =	vmul.f32 v31, v10  }
0x1b7: {  	v33 =	vmul.f32 v33, v21;
	v34 =	vld [tilespmem:s18+$0x10];
	[tilespmem:s20+$0xC450] =	vst v27;
	v26 =	vadd.f32 v26, v6  }
0x1b8: {  	[tilespmem:s21+$0xA590] =	vst v24;
	v24 =	vld [tilespmem:s18+$0xE0];
	v27 =	vadd.f32 v31, v7;
	v29 =	vmul.f32 v29, v8  }
0x1b9: {  	v31 =	vadd.f32 v33, v20;
	v30 =	vmul.f32 v30, v19;
	v33 =	vld [tilespmem:s18+$0x20];
	[tilespmem:s20+$0xC4D0] =	vst v25  }
0x1ba: {  	v25 =	vld [tilespmem:s18+$0xE0];
	[tilespmem:s20+$0xC550] =	vst v26;
	v26 =	vmul.f32 v28, v2;
	v28 =	vadd.f32 v29, v4  }
0x1bb: {  	[tilespmem:s21+$0xA410] =	vst v31;
	v29 =	vadd.f32 v30, v15;
	v30 =	vld [tilespmem:s18+$0xE0];
	v31 =	vmul.f32 v32, v14  }
0x1bc: {  	v32 =	vld [tilespmem:s18+$0x20];
	v34 =	vmul.f32 v34, v18;
	v26 =	vadd.f32 v26, v1;
	[tilespmem:s19+$0x105C0] =	vst v28  }
0x1bd: {  	[tilespmem:s21+$0xA490] =	vst v29;
	v24 =	vmul.f32 v24, v16;
	v28 =	vadd.f32 v31, v12;
	v29 =	vld [tilespmem:s18+$0x1D0]  }
0x1be: {  	v31 =	vld [tilespmem:s18+$0x20];
	v34 =	vadd.f32 v34, v17;
	v33 =	vmul.f32 v33, v22;
	[tilespmem:s19+$0x10410] =	vst v27  }
0x1bf: {  	v24 =	vadd.f32 v24, v13;
	v25 =	vmul.f32 v25, v9;
	[tilespmem:s20+$0xC5F0] =	vst v28;
	v27 =	vld [tilespmem:s18+$0x190]  }
0x1c0: {  	[tilespmem:s21+$0xA510] =	vst v34;
	v28 =	vadd.f32 v33, v23;
	v30 =	vmul.f32 v30, v11;
	v33 =	vld [tilespmem:s18+$0x100]  }
0x1c1: {  	v32 =	vmul.f32 v32, v21;
	v34 =	vld [tilespmem:s18+$0x20];
	[tilespmem:s20+$0xC460] =	vst v24;
	v24 =	vadd.f32 v25, v5  }
0x1c2: {  	[tilespmem:s21+$0xA5A0] =	vst v28;
	v25 =	vld [tilespmem:s18+$0xF0];
	v28 =	vadd.f32 v30, v6;
	v29 =	vmul.f32 v29, v8  }
0x1c3: {  	v30 =	vadd.f32 v32, v20;
	v31 =	vmul.f32 v31, v19;
	v32 =	vld [tilespmem:s18+$0x30];
	[tilespmem:s20+$0xC4E0] =	vst v24  }
0x1c4: {  	v24 =	vld [tilespmem:s18+$0xF0];
	[tilespmem:s20+$0xC560] =	vst v28;
	v27 =	vmul.f32 v27, v3;
	v28 =	vadd.f32 v29, v4  }
0x1c5: {  	[tilespmem:s21+$0xA420] =	vst v30;
	v29 =	vadd.f32 v31, v15;
	v30 =	vld [tilespmem:s18+$0xF0];
	v31 =	vmul.f32 v33, v14  }
0x1c6: {  	v33 =	vld [tilespmem:s18+$0x30];
	v34 =	vmul.f32 v34, v18;
	v27 =	vadd.f32 v27, v0;
	[tilespmem:s19+$0x105D0] =	vst v28  }
0x1c7: {  	[tilespmem:s21+$0xA4A0] =	vst v29;
	v25 =	vmul.f32 v25, v16;
	v28 =	vadd.f32 v31, v12;
	v29 =	vld [tilespmem:s18+$0x1E0]  }
0x1c8: {  	v31 =	vld [tilespmem:s18+$0x30];
	v34 =	vadd.f32 v34, v17;
	v32 =	vmul.f32 v32, v22;
	[tilespmem:s19+$0x10490] =	vst v26  }
0x1c9: {  	v25 =	vadd.f32 v25, v13;
	v24 =	vmul.f32 v24, v9;
	[tilespmem:s20+$0xE580] =	vst v28;
	v26 =	vld [tilespmem:s18+$0x1A0]  }
0x1ca: {  	[tilespmem:s21+$0xA520] =	vst v34;
	v28 =	vadd.f32 v32, v23;
	v30 =	vmul.f32 v30, v11;
	v32 =	vld [tilespmem:s18+$0x110]  }
0x1cb: {  	v33 =	vmul.f32 v33, v21;
	v34 =	vld [tilespmem:s18+$0x30];
	[tilespmem:s20+$0xC470] =	vst v25;
	v24 =	vadd.f32 v24, v5  }
0x1cc: {  	[tilespmem:s21+$0xA5B0] =	vst v28;
	v25 =	vld [tilespmem:s18+$0x100];
	v28 =	vadd.f32 v30, v6;
	v29 =	vmul.f32 v29, v8  }
0x1cd: {  	v30 =	vadd.f32 v33, v20;
	v31 =	vmul.f32 v31, v19;
	v33 =	vld [tilespmem:s18+$0x40];
	[tilespmem:s20+$0xC4F0] =	vst v24  }
0x1ce: {  	v24 =	vld [tilespmem:s18+$0x100];
	[tilespmem:s20+$0xC570] =	vst v28;
	v26 =	vmul.f32 v26, v10;
	v28 =	vadd.f32 v29, v4  }
0x1cf: {  	[tilespmem:s21+$0xA430] =	vst v30;
	v29 =	vadd.f32 v31, v15;
	v30 =	vld [tilespmem:s18+$0x100];
	v31 =	vmul.f32 v32, v14  }
0x1d0: {  	v32 =	vld [tilespmem:s18+$0x40];
	v34 =	vmul.f32 v34, v18;
	v26 =	vadd.f32 v26, v7;
	[tilespmem:s19+$0x105E0] =	vst v28  }
0x1d1: {  	[tilespmem:s21+$0xA4B0] =	vst v29;
	v25 =	vmul.f32 v25, v16;
	v28 =	vadd.f32 v31, v12;
	v29 =	vld [tilespmem:s18+$0x1F0]  }
0x1d2: {  	v31 =	vld [tilespmem:s18+$0x40];
	v34 =	vadd.f32 v34, v17;
	v33 =	vmul.f32 v33, v22;
	[tilespmem:s19+$0x10510] =	vst v27  }
0x1d3: {  	v25 =	vadd.f32 v25, v13;
	v24 =	vmul.f32 v24, v9;
	[tilespmem:s20+$0xE590] =	vst v28;
	v27 =	vld [tilespmem:s18+$0x1A0]  }
0x1d4: {  	[tilespmem:s21+$0xA530] =	vst v34;
	v28 =	vadd.f32 v33, v23;
	v30 =	vmul.f32 v30, v11;
	v33 =	vld [tilespmem:s18+$0x120]  }
0x1d5: {  	v32 =	vmul.f32 v32, v21;
	v34 =	vld [tilespmem:s18+$0x40];
	[tilespmem:s20+$0xE400] =	vst v25;
	v24 =	vadd.f32 v24, v5  }
0x1d6: {  	[tilespmem:s21+$0xA5C0] =	vst v28;
	v25 =	vld [tilespmem:s18+$0x110];
	v28 =	vadd.f32 v30, v6;
	v29 =	vmul.f32 v29, v8;
	v8 =	vmovc v14;
	v14 =	vmov v22  }
0x1d7: {  	v22 =	vadd.f32 v32, v20;
	v30 =	vmul.f32 v31, v19;
	v31 =	vld [tilespmem:s18+$0x50];
	[tilespmem:s20+$0xE480] =	vst v24  }
0x1d8: {  	v24 =	vld [tilespmem:s18+$0x110];
	[tilespmem:s20+$0xE500] =	vst v28;
	v27 =	vmul.f32 v27, v2;
	v28 =	vadd.f32 v29, v4;
	v4 =	vmovc v12;
	v12 =	vmov v23  }
0x1d9: {  	[tilespmem:s21+$0xA440] =	vst v22;
	v22 =	vadd.f32 v30, v15;
	v23 =	vld [tilespmem:s18+$0x110];
	v29 =	vmul.f32 v33, v8  }
0x1da: {  	v30 =	vld [tilespmem:s18+$0x50];
	v32 =	vmul.f32 v34, v18;
	v27 =	vadd.f32 v27, v1;
	[tilespmem:s19+$0x105F0] =	vst v28  }
0x1db: {  	[tilespmem:s21+$0xA4C0] =	vst v22;
	v22 =	vmul.f32 v25, v16;
	v25 =	vadd.f32 v29, v4;
	v28 =	vld [tilespmem:s18+$0x1A0]  }
0x1dc: {  	v29 =	vld [tilespmem:s18+$0x50];
	v32 =	vadd.f32 v32, v17;
	v31 =	vmul.f32 v31, v14;
	[tilespmem:s19+$0x10420] =	vst v26  }
0x1dd: {  	v22 =	vadd.f32 v22, v13;
	v24 =	vmul.f32 v24, v9;
	[tilespmem:s20+$0xE5A0] =	vst v25;
	v25 =	vld [tilespmem:s18+$0x1B0]  }
0x1de: {  	[tilespmem:s21+$0xA540] =	vst v32;
	v26 =	vadd.f32 v31, v12;
	v23 =	vmul.f32 v23, v11;
	v31 =	vld [tilespmem:s18+$0x130]  }
0x1df: {  	v30 =	vmul.f32 v30, v21;
	v32 =	vld [tilespmem:s18+$0x50];
	[tilespmem:s20+$0xE410] =	vst v22;
	v22 =	vadd.f32 v24, v5  }
0x1e0: {  	[tilespmem:s21+$0xA5D0] =	vst v26;
	v24 =	vld [tilespmem:s18+$0x120];
	v23 =	vadd.f32 v23, v6;
	v26 =	vmul.f32 v28, v3  }
0x1e1: {  	v28 =	vadd.f32 v30, v20;
	v29 =	vmul.f32 v29, v19;
	v30 =	vld [tilespmem:s18+$0x60];
	[tilespmem:s20+$0xE490] =	vst v22  }
0x1e2: {  	v22 =	vld [tilespmem:s18+$0x120];
	[tilespmem:s20+$0xE510] =	vst v23;
	v23 =	vmul.f32 v25, v10;
	v25 =	vadd.f32 v26, v0  }
0x1e3: {  	[tilespmem:s21+$0xA450] =	vst v28;
	v26 =	vadd.f32 v29, v15;
	v28 =	vld [tilespmem:s18+$0x120];
	v29 =	vmul.f32 v31, v8  }
0x1e4: {  	v31 =	vld [tilespmem:s18+$0x60];
	v32 =	vmul.f32 v32, v18;
	v23 =	vadd.f32 v23, v7;
	[tilespmem:s19+$0x104A0] =	vst v27  }
0x1e5: {  	[tilespmem:s21+$0xA4D0] =	vst v26;
	v24 =	vmul.f32 v24, v16;
	v26 =	vadd.f32 v29, v4;
	v27 =	vld [tilespmem:s18+$0x1B0]  }
0x1e6: {  	v29 =	vld [tilespmem:s18+$0x60];
	v32 =	vadd.f32 v32, v17;
	v30 =	vmul.f32 v30, v14;
	[tilespmem:s19+$0x10520] =	vst v25  }
0x1e7: {  	v24 =	vadd.f32 v24, v13;
	v22 =	vmul.f32 v22, v9;
	[tilespmem:s20+$0xE5B0] =	vst v26;
	v25 =	vld [tilespmem:s18+$0x1B0]  }
0x1e8: {  	[tilespmem:s21+$0xA550] =	vst v32;
	v26 =	vadd.f32 v30, v12;
	v28 =	vmul.f32 v28, v11;
	v30 =	vld [tilespmem:s18+$0x140]  }
0x1e9: {  	v31 =	vmul.f32 v31, v21;
	v32 =	vld [tilespmem:s18+$0x60];
	[tilespmem:s20+$0xE420] =	vst v24;
	v22 =	vadd.f32 v22, v5  }
0x1ea: {  	[tilespmem:s21+$0xA5E0] =	vst v26;
	v24 =	vld [tilespmem:s18+$0x130];
	v26 =	vadd.f32 v28, v6;
	v27 =	vmul.f32 v27, v2  }
0x1eb: {  	v28 =	vadd.f32 v31, v20;
	v29 =	vmul.f32 v29, v19;
	v31 =	vld [tilespmem:s18+$0x70];
	[tilespmem:s20+$0xE4A0] =	vst v22  }
0x1ec: {  	v22 =	vld [tilespmem:s18+$0x130];
	[tilespmem:s20+$0xE520] =	vst v26;
	v26 =	vadd.f32 v27, v1;
	v25 =	vmul.f32 v25, v3  }
0x1ed: {  	[tilespmem:s21+$0xA460] =	vst v28;
	v27 =	vadd.f32 v29, v15;
	v28 =	vld [tilespmem:s18+$0x130];
	v29 =	vmul.f32 v30, v8  }
0x1ee: {  	v30 =	vld [tilespmem:s18+$0x70];
	v32 =	vmul.f32 v32, v18;
	[tilespmem:s19+$0x10430] =	vst v23;
	v23 =	vadd.f32 v25, v0  }
0x1ef: {  	[tilespmem:s21+$0xA4E0] =	vst v27;
	v24 =	vmul.f32 v24, v16;
	v25 =	vadd.f32 v29, v4;
	v27 =	vld [tilespmem:s18+$0x1C0]  }
0x1f0: {  	v29 =	vld [tilespmem:s18+$0x70];
	v32 =	vadd.f32 v32, v17;
	v31 =	vmul.f32 v31, v14;
	[tilespmem:s19+$0x104B0] =	vst v26  }
0x1f1: {  	v24 =	vadd.f32 v24, v13;
	v22 =	vmul.f32 v22, v9;
	[tilespmem:s20+$0xE5C0] =	vst v25;
	v25 =	vld [tilespmem:s18+$0x1C0]  }
0x1f2: {  	[tilespmem:s21+$0xA560] =	vst v32;
	v26 =	vadd.f32 v31, v12;
	v28 =	vmul.f32 v28, v11;
	v31 =	vld [tilespmem:s18+$0x150]  }
0x1f3: {  	v30 =	vmul.f32 v30, v21;
	v32 =	vld [tilespmem:s18+$0x70];
	[tilespmem:s20+$0xE430] =	vst v24;
	v22 =	vadd.f32 v22, v5  }
0x1f4: {  	[tilespmem:s21+$0xA5F0] =	vst v26;
	v24 =	vld [tilespmem:s18+$0x140];
	v26 =	vadd.f32 v28, v6;
	v27 =	vmul.f32 v27, v10  }
0x1f5: {  	v28 =	vadd.f32 v30, v20;
	v29 =	vmul.f32 v29, v19;
	v30 =	vld [tilespmem:s18+$0x80];
	[tilespmem:s20+$0xE4B0] =	vst v22  }
0x1f6: {  	v22 =	vld [tilespmem:s18+$0x140];
	[tilespmem:s20+$0xE530] =	vst v26;
	v26 =	vadd.f32 v27, v7;
	v25 =	vmul.f32 v25, v2  }
0x1f7: {  	[tilespmem:s21+$0xA470] =	vst v28;
	v27 =	vadd.f32 v29, v15;
	v28 =	vld [tilespmem:s18+$0x140];
	v29 =	vmul.f32 v31, v8  }
0x1f8: {  	v31 =	vld [tilespmem:s18+$0x80];
	v32 =	vmul.f32 v32, v18;
	v25 =	vadd.f32 v25, v1;
	[tilespmem:s19+$0x10530] =	vst v23  }
0x1f9: {  	[tilespmem:s21+$0xA4F0] =	vst v27;
	v23 =	vmul.f32 v24, v16;
	v24 =	vadd.f32 v29, v4;
	v27 =	vld [tilespmem:s18+$0x1C0]  }
0x1fa: {  	v29 =	vld [tilespmem:s18+$0x80];
	v32 =	vadd.f32 v32, v17;
	v30 =	vmul.f32 v30, v14;
	[tilespmem:s19+$0x10440] =	vst v26  }
0x1fb: {  	v23 =	vadd.f32 v23, v13;
	v22 =	vmul.f32 v22, v9;
	[tilespmem:s20+$0xE5D0] =	vst v24;
	v24 =	vld [tilespmem:s18+$0x1D0]  }
0x1fc: {  	[tilespmem:s21+$0xA570] =	vst v32;
	v26 =	vadd.f32 v30, v12;
	v28 =	vmul.f32 v28, v11;
	v30 =	vld [tilespmem:s18+$0x160]  }
0x1fd: {  	v31 =	vmul.f32 v31, v21;
	v32 =	vld [tilespmem:s18+$0x80];
	[tilespmem:s20+$0xE440] =	vst v23;
	v22 =	vadd.f32 v22, v5  }
0x1fe: {  	[tilespmem:s21+$0xC580] =	vst v26;
	v23 =	vld [tilespmem:s18+$0x150];
	v26 =	vadd.f32 v28, v6;
	v27 =	vmul.f32 v27, v3  }
0x1ff: {  	v28 =	vadd.f32 v31, v20;
	v29 =	vmul.f32 v29, v19;
	v31 =	vld [tilespmem:s18+$0x90];
	[tilespmem:s20+$0xE4C0] =	vst v22  }
0x200: {  	v22 =	vld [tilespmem:s18+$0x150];
	[tilespmem:s20+$0xE540] =	vst v26;
	v24 =	vmul.f32 v24, v10;
	v26 =	vadd.f32 v27, v0  }
0x201: {  	[tilespmem:s21+$0xC400] =	vst v28;
	v27 =	vadd.f32 v29, v15;
	v28 =	vld [tilespmem:s18+$0x150];
	v29 =	vmul.f32 v30, v8  }
0x202: {  	v30 =	vld [tilespmem:s18+$0x90];
	v32 =	vmul.f32 v32, v18;
	v24 =	vadd.f32 v24, v7;
	[tilespmem:s19+$0x104C0] =	vst v25  }
0x203: {  	[tilespmem:s21+$0xC480] =	vst v27;
	v23 =	vmul.f32 v23, v16;
	v25 =	vadd.f32 v29, v4;
	v27 =	vld [tilespmem:s18+$0x1D0]  }
0x204: {  	v29 =	vld [tilespmem:s18+$0x90];
	v32 =	vadd.f32 v32, v17;
	v31 =	vmul.f32 v31, v14;
	[tilespmem:s19+$0x10540] =	vst v26  }
0x205: {  	v23 =	vadd.f32 v23, v13;
	v22 =	vmul.f32 v22, v9;
	[tilespmem:s20+$0xE5E0] =	vst v25;
	v25 =	vld [tilespmem:s18+$0x1D0]  }
0x206: {  	[tilespmem:s21+$0xC500] =	vst v32;
	v26 =	vadd.f32 v31, v12;
	v28 =	vmul.f32 v28, v11;
	v31 =	vld [tilespmem:s18+$0x170]  }
0x207: {  	v30 =	vmul.f32 v30, v21;
	v32 =	vld [tilespmem:s18+$0x90];
	[tilespmem:s20+$0xE450] =	vst v23;
	v22 =	vadd.f32 v22, v5  }
0x208: {  	[tilespmem:s21+$0xC590] =	vst v26;
	v23 =	vld [tilespmem:s18+$0x160];
	v26 =	vadd.f32 v28, v6;
	v27 =	vmul.f32 v27, v2  }
0x209: {  	v28 =	vadd.f32 v30, v20;
	v29 =	vmul.f32 v29, v19;
	v30 =	vld [tilespmem:s18+$0xA0];
	[tilespmem:s20+$0xE4D0] =	vst v22  }
0x20a: {  	v22 =	vld [tilespmem:s18+$0x160];
	[tilespmem:s20+$0xE550] =	vst v26;
	v26 =	vadd.f32 v27, v1;
	v25 =	vmul.f32 v25, v3  }
0x20b: {  	[tilespmem:s21+$0xC410] =	vst v28;
	v27 =	vadd.f32 v29, v15;
	v28 =	vld [tilespmem:s18+$0x160];
	v29 =	vmul.f32 v31, v8  }
0x20c: {  	v31 =	vld [tilespmem:s18+$0xA0];
	v32 =	vmul.f32 v32, v18;
	[tilespmem:s19+$0x10450] =	vst v24;
	v24 =	vadd.f32 v25, v0  }
0x20d: {  	[tilespmem:s21+$0xC490] =	vst v27;
	v23 =	vmul.f32 v23, v16;
	v25 =	vadd.f32 v29, v4;
	v27 =	vld [tilespmem:s18+$0x1E0]  }
0x20e: {  	v29 =	vld [tilespmem:s18+$0xA0];
	v32 =	vadd.f32 v32, v17;
	v30 =	vmul.f32 v30, v14;
	[tilespmem:s19+$0x104D0] =	vst v26  }
0x20f: {  	v23 =	vadd.f32 v23, v13;
	v22 =	vmul.f32 v22, v9;
	[tilespmem:s20+$0xE5F0] =	vst v25;
	v25 =	vld [tilespmem:s18+$0x1E0]  }
0x210: {  	[tilespmem:s21+$0xC510] =	vst v32;
	v26 =	vadd.f32 v30, v12;
	v28 =	vmul.f32 v28, v11;
	v30 =	vld [tilespmem:s18+$0x180]  }
0x211: {  	v31 =	vmul.f32 v31, v21;
	v32 =	vld [tilespmem:s18+$0xA0];
	[tilespmem:s20+$0xE460] =	vst v23;
	v22 =	vadd.f32 v22, v5  }
0x212: {  	[tilespmem:s21+$0xC5A0] =	vst v26;
	v23 =	vld [tilespmem:s18+$0x170];
	v26 =	vadd.f32 v28, v6;
	v27 =	vmul.f32 v27, v10  }
0x213: {  	v28 =	vadd.f32 v31, v20;
	v29 =	vmul.f32 v29, v19;
	v31 =	vld [tilespmem:s18+$0xB0];
	[tilespmem:s20+$0xE4E0] =	vst v22  }
0x214: {  	v22 =	vld [tilespmem:s18+$0x170];
	[tilespmem:s20+$0xE560] =	vst v26;
	v26 =	vadd.f32 v27, v7;
	v25 =	vmul.f32 v25, v2  }
0x215: {  	[tilespmem:s21+$0xC420] =	vst v28;
	v27 =	vadd.f32 v29, v15;
	v28 =	vld [tilespmem:s18+$0x170];
	v29 =	vmul.f32 v30, v8  }
0x216: {  	v30 =	vld [tilespmem:s18+$0xB0];
	v32 =	vmul.f32 v32, v18;
	v25 =	vadd.f32 v25, v1;
	[tilespmem:s19+$0x10550] =	vst v24  }
0x217: {  	[tilespmem:s21+$0xC4A0] =	vst v27;
	v23 =	vmul.f32 v23, v16;
	v24 =	vadd.f32 v29, v4;
	v27 =	vld [tilespmem:s18+$0x1E0]  }
0x218: {  	v29 =	vld [tilespmem:s18+$0xB0];
	v32 =	vadd.f32 v32, v17;
	v31 =	vmul.f32 v31, v14;
	[tilespmem:s19+$0x10460] =	vst v26  }
0x219: {  	v23 =	vadd.f32 v23, v13;
	v22 =	vmul.f32 v22, v9;
	[tilespmem:s20+$0x10580] =	vst v24;
	v24 =	vld [tilespmem:s18+$0x1F0]  }
0x21a: {  	[tilespmem:s21+$0xC520] =	vst v32;
	v26 =	vadd.f32 v31, v12;
	v28 =	vmul.f32 v28, v11;
	v31 =	vld [tilespmem:s18+$0x190]  }
0x21b: {  	v30 =	vmul.f32 v30, v21;
	v32 =	vld [tilespmem:s18+$0xB0];
	[tilespmem:s20+$0xE470] =	vst v23;
	v22 =	vadd.f32 v22, v5  }
0x21c: {  	[tilespmem:s21+$0xC5B0] =	vst v26;
	v23 =	vld [tilespmem:s18+$0x180];
	v26 =	vadd.f32 v28, v6;
	v27 =	vmul.f32 v27, v3  }
0x21d: {  	v28 =	vadd.f32 v30, v20;
	v29 =	vmul.f32 v29, v19;
	v30 =	vld [tilespmem:s18+$0xC0];
	[tilespmem:s20+$0xE4F0] =	vst v22  }
0x21e: {  	v33 =	vld [tilespmem:s18+$0x180];
	[tilespmem:s20+$0xE570] =	vst v26;
	v22 =	vmul.f32 v24, v10;
	v24 =	vadd.f32 v27, v0;
	v10 =	vmovc v16;
	v16 =	vmov v21  }
0x21f: {  	[tilespmem:s21+$0xC430] =	vst v28;
	v26 =	vadd.f32 v29, v15;
	v34 =	vld [tilespmem:s18+$0x180];
	v28 =	vmul.f32 v31, v8  }
.Ltmp0:
0x220: {  	v27 =	vld [tilespmem:s18+$0xC0];
	v29 =	vmul.f32 v32, v18;
	v21 =	vadd.f32 v22, v7;
	[tilespmem:s19+$0x104E0] =	vst v25;
	v7 =	vmovc v13;
	v13 =	vmov v20;
	(pc) =	sbr.rel @p1 .LBB2_3-.Ltmp0, $4  }
0x221: {  	[tilespmem:s21+$0xC4B0] =	vst v26;
	v20 =	vmul.f32 v23, v10;
	v26 =	vadd.f32 v28, v4;
	v22 =	vld [tilespmem:s18+$0x1F0]  }
0x222: {  	v28 =	vld [tilespmem:s18+$0xC0];
	v29 =	vadd.f32 v29, v17;
	v30 =	vmul.f32 v30, v14;
	[tilespmem:s19+$0x10560] =	vst v24  }
0x223: {  	v23 =	vadd.f32 v20, v7;
	v25 =	vmul.f32 v33, v9;
	[tilespmem:s20+$0x10590] =	vst v26;
	v20 =	vld [tilespmem:s18+$0x1F0]  }
0x224: {  	s24 =	sadd.s32 $0x800, s24;
	[tilespmem:s21+$0xC530] =	vst v29;
	v29 =	vadd.f32 v30, v12;
	v26 =	vmul.f32 v34, v11;
	v24 =	vld [tilespmem:s18+$0x1A0]  }
0x225: {  	v30 =	vld [tilespmem:s18+$0xC0];
	_ =	sdelay $0x2  }
0x226: {  	v27 =	vmul.f32 v27, v16  }
0x227: {  	v28 =	vmul.f32 v28, v19  }
0x228: {  	v27 =	vadd.f32 v27, v13;
	v30 =	vmul.f32 v30, v18  }
0x229: {  	[tilespmem:s21+$0xC5C0] =	vst v29;
	v28 =	vadd.f32 v28, v15  }
0x22a: {  	v29 =	vld [tilespmem:s18+$0xD0];
	[tilespmem:s21+$0xC440] =	vst v27;
	v27 =	vadd.f32 v30, v17  }
0x22b: {  	[tilespmem:s21+$0xC4C0] =	vst v28;
	v28 =	vld [tilespmem:s18+$0xD0]  }
0x22c: {  	[tilespmem:s21+$0xC540] =	vst v27;
	v27 =	vld [tilespmem:s18+$0xD0]  }
0x22d: {  	v30 =	vld [tilespmem:s18+$0xD0];
	_ =	sdelay $0x1  }
0x22e: {  	v29 =	vmul.f32 v29, v14  }
0x22f: {  	v28 =	vmul.f32 v28, v16  }
0x230: {  	v29 =	vadd.f32 v29, v12;
	v27 =	vmul.f32 v27, v19  }
0x231: {  	v28 =	vadd.f32 v28, v13;
	v30 =	vmul.f32 v30, v18  }
0x232: {  	[tilespmem:s21+$0xC5D0] =	vst v29;
	v27 =	vadd.f32 v27, v15  }
0x233: {  	v29 =	vld [tilespmem:s18+$0xE0];
	[tilespmem:s21+$0xC450] =	vst v28;
	v28 =	vadd.f32 v30, v17  }
0x234: {  	v30 =	vld [tilespmem:s18+$0xE0];
	[tilespmem:s21+$0xC4D0] =	vst v27  }
0x235: {  	v27 =	vld [tilespmem:s18+$0xE0];
	[tilespmem:s21+$0xC550] =	vst v28  }
0x236: {  	v28 =	vld [tilespmem:s18+$0xE0];
	_ =	sdelay $0x1  }
0x237: {  	v29 =	vmul.f32 v29, v14  }
0x238: {  	v30 =	vmul.f32 v30, v16  }
0x239: {  	v29 =	vadd.f32 v29, v12;
	v27 =	vmul.f32 v27, v19  }
0x23a: {  	v30 =	vadd.f32 v30, v13;
	v28 =	vmul.f32 v28, v18  }
0x23b: {  	[tilespmem:s21+$0xC5E0] =	vst v29;
	v27 =	vadd.f32 v27, v15  }
0x23c: {  	v29 =	vld [tilespmem:s18+$0xF0];
	[tilespmem:s21+$0xC460] =	vst v30;
	v28 =	vadd.f32 v28, v17  }
0x23d: {  	v30 =	vld [tilespmem:s18+$0xF0];
	[tilespmem:s21+$0xC4E0] =	vst v27  }
0x23e: {  	v27 =	vld [tilespmem:s18+$0xF0];
	[tilespmem:s21+$0xC560] =	vst v28  }
0x23f: {  	v28 =	vld [tilespmem:s18+$0xF0];
	_ =	sdelay $0x1  }
0x240: {  	v29 =	vmul.f32 v29, v14  }
0x241: {  	v30 =	vmul.f32 v30, v16  }
0x242: {  	v29 =	vadd.f32 v29, v12;
	v27 =	vmul.f32 v27, v19  }
0x243: {  	v30 =	vadd.f32 v30, v13;
	v28 =	vmul.f32 v28, v18  }
0x244: {  	[tilespmem:s21+$0xC5F0] =	vst v29;
	v27 =	vadd.f32 v27, v15  }
0x245: {  	v29 =	vld [tilespmem:s18+$0x100];
	[tilespmem:s21+$0xC470] =	vst v30;
	v28 =	vadd.f32 v28, v17  }
0x246: {  	v30 =	vld [tilespmem:s18+$0x100];
	[tilespmem:s21+$0xC4F0] =	vst v27  }
0x247: {  	v27 =	vld [tilespmem:s18+$0x100];
	[tilespmem:s21+$0xC570] =	vst v28  }
0x248: {  	v28 =	vld [tilespmem:s18+$0x100];
	_ =	sdelay $0x1  }
0x249: {  	v29 =	vmul.f32 v29, v14  }
0x24a: {  	v30 =	vmul.f32 v30, v16  }
0x24b: {  	v29 =	vadd.f32 v29, v12;
	v27 =	vmul.f32 v27, v19  }
0x24c: {  	v30 =	vadd.f32 v30, v13;
	v28 =	vmul.f32 v28, v18  }
0x24d: {  	[tilespmem:s21+$0xE580] =	vst v29;
	v27 =	vadd.f32 v27, v15  }
0x24e: {  	v29 =	vld [tilespmem:s18+$0x110];
	[tilespmem:s21+$0xE400] =	vst v30;
	v28 =	vadd.f32 v28, v17  }
0x24f: {  	v30 =	vld [tilespmem:s18+$0x110];
	[tilespmem:s21+$0xE480] =	vst v27  }
0x250: {  	v27 =	vld [tilespmem:s18+$0x110];
	[tilespmem:s21+$0xE500] =	vst v28  }
0x251: {  	v28 =	vld [tilespmem:s18+$0x110];
	_ =	sdelay $0x1  }
0x252: {  	v29 =	vmul.f32 v29, v14  }
0x253: {  	v30 =	vmul.f32 v30, v16  }
0x254: {  	v29 =	vadd.f32 v29, v12;
	v27 =	vmul.f32 v27, v19  }
0x255: {  	v30 =	vadd.f32 v30, v13;
	v28 =	vmul.f32 v28, v18  }
0x256: {  	[tilespmem:s21+$0xE590] =	vst v29;
	v27 =	vadd.f32 v27, v15  }
0x257: {  	v29 =	vld [tilespmem:s18+$0x120];
	[tilespmem:s21+$0xE410] =	vst v30;
	v28 =	vadd.f32 v28, v17  }
0x258: {  	v30 =	vld [tilespmem:s18+$0x120];
	[tilespmem:s21+$0xE490] =	vst v27  }
0x259: {  	v27 =	vld [tilespmem:s18+$0x120];
	[tilespmem:s21+$0xE510] =	vst v28  }
0x25a: {  	v28 =	vld [tilespmem:s18+$0x120];
	_ =	sdelay $0x1  }
0x25b: {  	v29 =	vmul.f32 v29, v14  }
0x25c: {  	v30 =	vmul.f32 v30, v16  }
0x25d: {  	v29 =	vadd.f32 v29, v12;
	v27 =	vmul.f32 v27, v19  }
0x25e: {  	v30 =	vadd.f32 v30, v13;
	v28 =	vmul.f32 v28, v18  }
0x25f: {  	[tilespmem:s21+$0xE5A0] =	vst v29;
	v27 =	vadd.f32 v27, v15  }
0x260: {  	v29 =	vld [tilespmem:s18+$0x130];
	[tilespmem:s21+$0xE420] =	vst v30;
	v28 =	vadd.f32 v28, v17  }
0x261: {  	v30 =	vld [tilespmem:s18+$0x130];
	[tilespmem:s21+$0xE4A0] =	vst v27  }
0x262: {  	v27 =	vld [tilespmem:s18+$0x130];
	[tilespmem:s21+$0xE520] =	vst v28  }
0x263: {  	v28 =	vld [tilespmem:s18+$0x130];
	_ =	sdelay $0x1  }
0x264: {  	v29 =	vmul.f32 v29, v14  }
0x265: {  	v30 =	vmul.f32 v30, v16  }
0x266: {  	v29 =	vadd.f32 v29, v12;
	v27 =	vmul.f32 v27, v19  }
0x267: {  	v30 =	vadd.f32 v30, v13;
	v28 =	vmul.f32 v28, v18  }
0x268: {  	[tilespmem:s21+$0xE5B0] =	vst v29;
	v27 =	vadd.f32 v27, v15  }
0x269: {  	v29 =	vld [tilespmem:s18+$0x140];
	[tilespmem:s21+$0xE430] =	vst v30;
	v28 =	vadd.f32 v28, v17  }
0x26a: {  	v30 =	vld [tilespmem:s18+$0x140];
	[tilespmem:s21+$0xE4B0] =	vst v27  }
0x26b: {  	v27 =	vld [tilespmem:s18+$0x140];
	[tilespmem:s21+$0xE530] =	vst v28  }
0x26c: {  	v28 =	vld [tilespmem:s18+$0x140];
	_ =	sdelay $0x1  }
0x26d: {  	v29 =	vmul.f32 v29, v14  }
0x26e: {  	v30 =	vmul.f32 v30, v16  }
0x26f: {  	v29 =	vadd.f32 v29, v12;
	v27 =	vmul.f32 v27, v19  }
0x270: {  	v30 =	vadd.f32 v30, v13;
	v28 =	vmul.f32 v28, v18  }
0x271: {  	[tilespmem:s21+$0xE5C0] =	vst v29;
	v27 =	vadd.f32 v27, v15  }
0x272: {  	v29 =	vld [tilespmem:s18+$0x150];
	[tilespmem:s21+$0xE440] =	vst v30;
	v28 =	vadd.f32 v28, v17  }
0x273: {  	v30 =	vld [tilespmem:s18+$0x150];
	[tilespmem:s21+$0xE4C0] =	vst v27  }
0x274: {  	v27 =	vld [tilespmem:s18+$0x150];
	[tilespmem:s21+$0xE540] =	vst v28  }
0x275: {  	v28 =	vld [tilespmem:s18+$0x150];
	_ =	sdelay $0x1  }
0x276: {  	v29 =	vmul.f32 v29, v14  }
0x277: {  	v30 =	vmul.f32 v30, v16  }
0x278: {  	v29 =	vadd.f32 v29, v12;
	v27 =	vmul.f32 v27, v19  }
0x279: {  	v30 =	vadd.f32 v30, v13;
	v28 =	vmul.f32 v28, v18  }
0x27a: {  	[tilespmem:s21+$0xE5D0] =	vst v29;
	v27 =	vadd.f32 v27, v15  }
0x27b: {  	v29 =	vld [tilespmem:s18+$0x160];
	[tilespmem:s21+$0xE450] =	vst v30;
	v28 =	vadd.f32 v28, v17  }
0x27c: {  	v30 =	vld [tilespmem:s18+$0x160];
	[tilespmem:s21+$0xE4D0] =	vst v27  }
0x27d: {  	v27 =	vld [tilespmem:s18+$0x160];
	[tilespmem:s21+$0xE550] =	vst v28  }
0x27e: {  	v28 =	vld [tilespmem:s18+$0x160];
	_ =	sdelay $0x1  }
0x27f: {  	v29 =	vmul.f32 v29, v14  }
0x280: {  	v30 =	vmul.f32 v30, v16  }
0x281: {  	v29 =	vadd.f32 v29, v12;
	v27 =	vmul.f32 v27, v19  }
0x282: {  	v30 =	vadd.f32 v30, v13;
	v28 =	vmul.f32 v28, v18  }
0x283: {  	[tilespmem:s21+$0xE5E0] =	vst v29;
	v27 =	vadd.f32 v27, v15  }
0x284: {  	v29 =	vld [tilespmem:s18+$0x170];
	[tilespmem:s21+$0xE460] =	vst v30;
	v28 =	vadd.f32 v28, v17  }
0x285: {  	v30 =	vld [tilespmem:s18+$0x170];
	[tilespmem:s21+$0xE4E0] =	vst v27  }
0x286: {  	v27 =	vld [tilespmem:s18+$0x170];
	[tilespmem:s21+$0xE560] =	vst v28  }
0x287: {  	v28 =	vld [tilespmem:s18+$0x170];
	_ =	sdelay $0x1  }
0x288: {  	v29 =	vmul.f32 v29, v14  }
0x289: {  	v30 =	vmul.f32 v30, v16  }
0x28a: {  	v29 =	vadd.f32 v29, v12;
	v27 =	vmul.f32 v27, v19  }
0x28b: {  	v30 =	vadd.f32 v30, v13;
	v28 =	vmul.f32 v28, v18  }
0x28c: {  	[tilespmem:s21+$0xE5F0] =	vst v29;
	v27 =	vadd.f32 v27, v15  }
0x28d: {  	v29 =	vld [tilespmem:s18+$0x180];
	[tilespmem:s21+$0xE470] =	vst v30;
	v28 =	vadd.f32 v28, v17  }
0x28e: {  	v30 =	vld [tilespmem:s18+$0x180];
	[tilespmem:s21+$0xE4F0] =	vst v27  }
0x28f: {  	v27 =	vld [tilespmem:s18+$0x180];
	[tilespmem:s21+$0xE570] =	vst v28  }
0x290: {  	v28 =	vld [tilespmem:s18+$0x180];
	_ =	sdelay $0x1  }
0x291: {  	v25 =	vadd.f32 v25, v5;
	v29 =	vmul.f32 v29, v14  }
0x292: {  	[tilespmem:s20+$0x10400] =	vst v23;
	v23 =	vadd.f32 v26, v6;
	v26 =	vmul.f32 v30, v16  }
0x293: {  	[tilespmem:s20+$0x10480] =	vst v25;
	v25 =	vld [tilespmem:s18+$0x190];
	v29 =	vadd.f32 v29, v12;
	v27 =	vmul.f32 v27, v19  }
0x294: {  	[tilespmem:s20+$0x10500] =	vst v23;
	v23 =	vld [tilespmem:s18+$0x190];
	v26 =	vadd.f32 v26, v13;
	v28 =	vmul.f32 v28, v18  }
0x295: {  	[tilespmem:s21+$0x10580] =	vst v29;
	v30 =	vld [tilespmem:s18+$0x190];
	v27 =	vadd.f32 v27, v15  }
0x296: {  	v29 =	vld [tilespmem:s18+$0x190];
	[tilespmem:s21+$0x10400] =	vst v26;
	v26 =	vadd.f32 v28, v17  }
0x297: {  	[tilespmem:s21+$0x10480] =	vst v27;
	v27 =	vld [tilespmem:s18+$0x190]  }
0x298: {  	v25 =	vmul.f32 v25, v10;
	[tilespmem:s21+$0x10500] =	vst v26;
	v26 =	vld [tilespmem:s18+$0x190]  }
0x299: {  	v23 =	vmul.f32 v23, v9;
	v28 =	vld [tilespmem:s18+$0x190]  }
0x29a: {  	v25 =	vadd.f32 v25, v7;
	v30 =	vmul.f32 v30, v11  }
0x29b: {  	v23 =	vadd.f32 v23, v5;
	v29 =	vmul.f32 v29, v14  }
0x29c: {  	[tilespmem:s20+$0x10410] =	vst v25;
	v25 =	vadd.f32 v30, v6;
	v27 =	vmul.f32 v27, v16  }
0x29d: {  	[tilespmem:s20+$0x10490] =	vst v23;
	v23 =	vld [tilespmem:s18+$0x1A0];
	v29 =	vadd.f32 v29, v12;
	v26 =	vmul.f32 v26, v19  }
0x29e: {  	[tilespmem:s20+$0x10510] =	vst v25;
	v25 =	vld [tilespmem:s18+$0x1A0];
	v27 =	vadd.f32 v27, v13;
	v28 =	vmul.f32 v28, v18  }
0x29f: {  	[tilespmem:s21+$0x10590] =	vst v29;
	v30 =	vld [tilespmem:s18+$0x1A0];
	v26 =	vadd.f32 v26, v15  }
0x2a0: {  	v29 =	vld [tilespmem:s18+$0x1A0];
	[tilespmem:s21+$0x10410] =	vst v27;
	v27 =	vadd.f32 v28, v17  }
0x2a1: {  	v24 =	vmul.f32 v24, v8;
	[tilespmem:s21+$0x10490] =	vst v26;
	v26 =	vld [tilespmem:s18+$0x1A0]  }
0x2a2: {  	v23 =	vmul.f32 v23, v10;
	[tilespmem:s21+$0x10510] =	vst v27;
	v27 =	vld [tilespmem:s18+$0x1A0]  }
0x2a3: {  	v24 =	vadd.f32 v24, v4;
	v25 =	vmul.f32 v25, v9;
	v28 =	vld [tilespmem:s18+$0x1A0]  }
0x2a4: {  	v23 =	vadd.f32 v23, v7;
	v30 =	vmul.f32 v30, v11  }
0x2a5: {  	[tilespmem:s20+$0x105A0] =	vst v24;
	v24 =	vadd.f32 v25, v5;
	v25 =	vmul.f32 v29, v14  }
0x2a6: {  	[tilespmem:s20+$0x10420] =	vst v23;
	v29 =	vld [tilespmem:s18+$0x1B0];
	v23 =	vadd.f32 v30, v6;
	v26 =	vmul.f32 v26, v16  }
0x2a7: {  	v30 =	vld [tilespmem:s18+$0x1B0];
	[tilespmem:s20+$0x104A0] =	vst v24;
	v24 =	vadd.f32 v25, v12;
	v25 =	vmul.f32 v27, v19  }
0x2a8: {  	[tilespmem:s20+$0x10520] =	vst v23;
	v27 =	vld [tilespmem:s18+$0x1B0];
	v23 =	vadd.f32 v26, v13;
	v26 =	vmul.f32 v28, v18  }
0x2a9: {  	[tilespmem:s21+$0x105A0] =	vst v24;
	v28 =	vld [tilespmem:s18+$0x1B0];
	v24 =	vadd.f32 v25, v15  }
0x2aa: {  	v25 =	vld [tilespmem:s18+$0x1B0];
	[tilespmem:s21+$0x10420] =	vst v23;
	v23 =	vadd.f32 v26, v17  }
0x2ab: {  	v26 =	vmul.f32 v29, v8;
	v29 =	vld [tilespmem:s18+$0x1B0];
	[tilespmem:s21+$0x104A0] =	vst v24  }
0x2ac: {  	v24 =	vmul.f32 v30, v10;
	v30 =	vld [tilespmem:s18+$0x1B0];
	[tilespmem:s21+$0x10520] =	vst v23  }
0x2ad: {  	v23 =	vadd.f32 v26, v4;
	v26 =	vmul.f32 v27, v9;
	v27 =	vld [tilespmem:s18+$0x1B0]  }
0x2ae: {  	v24 =	vadd.f32 v24, v7;
	v28 =	vmul.f32 v28, v11  }
0x2af: {  	[tilespmem:s20+$0x105B0] =	vst v23;
	v23 =	vadd.f32 v26, v5;
	v25 =	vmul.f32 v25, v14  }
0x2b0: {  	v26 =	vld [tilespmem:s18+$0x1C0];
	[tilespmem:s20+$0x10430] =	vst v24;
	v24 =	vadd.f32 v28, v6;
	v28 =	vmul.f32 v29, v16  }
0x2b1: {  	v29 =	vld [tilespmem:s18+$0x1C0];
	[tilespmem:s20+$0x104B0] =	vst v23;
	v23 =	vadd.f32 v25, v12;
	v25 =	vmul.f32 v30, v19  }
0x2b2: {  	v30 =	vld [tilespmem:s18+$0x1C0];
	[tilespmem:s20+$0x10530] =	vst v24;
	v24 =	vadd.f32 v28, v13;
	v27 =	vmul.f32 v27, v18  }
0x2b3: {  	v28 =	vld [tilespmem:s18+$0x1C0];
	[tilespmem:s21+$0x105B0] =	vst v23;
	v23 =	vadd.f32 v25, v15  }
0x2b4: {  	v25 =	vld [tilespmem:s18+$0x1C0];
	[tilespmem:s21+$0x10430] =	vst v24;
	v24 =	vadd.f32 v27, v17  }
0x2b5: {  	v26 =	vmul.f32 v26, v8;
	v27 =	vld [tilespmem:s18+$0x1C0];
	[tilespmem:s21+$0x104B0] =	vst v23  }
0x2b6: {  	v23 =	vmul.f32 v29, v10;
	v29 =	vld [tilespmem:s18+$0x1C0];
	[tilespmem:s21+$0x10530] =	vst v24  }
0x2b7: {  	v24 =	vadd.f32 v26, v4;
	v26 =	vmul.f32 v30, v9;
	v30 =	vld [tilespmem:s18+$0x1C0]  }
0x2b8: {  	v23 =	vadd.f32 v23, v7;
	v28 =	vmul.f32 v28, v11  }
0x2b9: {  	[tilespmem:s20+$0x105C0] =	vst v24;
	v24 =	vadd.f32 v26, v5;
	v25 =	vmul.f32 v25, v14  }
0x2ba: {  	v26 =	vld [tilespmem:s18+$0x1D0];
	[tilespmem:s20+$0x10440] =	vst v23;
	v23 =	vadd.f32 v28, v6;
	v27 =	vmul.f32 v27, v16  }
0x2bb: {  	v28 =	vld [tilespmem:s18+$0x1D0];
	[tilespmem:s20+$0x104C0] =	vst v24;
	v24 =	vadd.f32 v25, v12;
	v25 =	vmul.f32 v29, v19  }
0x2bc: {  	v29 =	vld [tilespmem:s18+$0x1D0];
	[tilespmem:s20+$0x10540] =	vst v23;
	v23 =	vadd.f32 v27, v13;
	v27 =	vmul.f32 v30, v18  }
0x2bd: {  	v30 =	vld [tilespmem:s18+$0x1D0];
	[tilespmem:s21+$0x105C0] =	vst v24;
	v24 =	vadd.f32 v25, v15  }
0x2be: {  	v25 =	vld [tilespmem:s18+$0x1D0];
	[tilespmem:s21+$0x10440] =	vst v23;
	v23 =	vadd.f32 v27, v17  }
0x2bf: {  	v26 =	vmul.f32 v26, v8;
	v27 =	vld [tilespmem:s18+$0x1D0];
	[tilespmem:s21+$0x104C0] =	vst v24  }
0x2c0: {  	v24 =	vmul.f32 v28, v10;
	v28 =	vld [tilespmem:s18+$0x1D0];
	[tilespmem:s21+$0x10540] =	vst v23  }
0x2c1: {  	v23 =	vadd.f32 v26, v4;
	v26 =	vmul.f32 v29, v9;
	v29 =	vld [tilespmem:s18+$0x1D0]  }
0x2c2: {  	v24 =	vadd.f32 v24, v7;
	v30 =	vmul.f32 v30, v11  }
0x2c3: {  	[tilespmem:s20+$0x105D0] =	vst v23;
	v23 =	vadd.f32 v26, v5;
	v25 =	vmul.f32 v25, v14  }
0x2c4: {  	v26 =	vld [tilespmem:s18+$0x1E0];
	[tilespmem:s20+$0x10450] =	vst v24;
	v24 =	vadd.f32 v30, v6;
	v27 =	vmul.f32 v27, v16  }
0x2c5: {  	v30 =	vld [tilespmem:s18+$0x1E0];
	[tilespmem:s20+$0x104D0] =	vst v23;
	v23 =	vadd.f32 v25, v12;
	v25 =	vmul.f32 v28, v19  }
0x2c6: {  	v28 =	vld [tilespmem:s18+$0x1E0];
	[tilespmem:s20+$0x10550] =	vst v24;
	v24 =	vadd.f32 v27, v13;
	v27 =	vmul.f32 v29, v18  }
0x2c7: {  	v29 =	vld [tilespmem:s18+$0x1E0];
	[tilespmem:s21+$0x105D0] =	vst v23;
	v23 =	vadd.f32 v25, v15  }
0x2c8: {  	v25 =	vld [tilespmem:s18+$0x1E0];
	[tilespmem:s21+$0x10450] =	vst v24;
	v24 =	vadd.f32 v27, v17  }
0x2c9: {  	v26 =	vmul.f32 v26, v8;
	v27 =	vld [tilespmem:s18+$0x1E0];
	[tilespmem:s21+$0x104D0] =	vst v23  }
0x2ca: {  	v23 =	vmul.f32 v30, v10;
	v30 =	vld [tilespmem:s18+$0x1E0];
	[tilespmem:s21+$0x10550] =	vst v24  }
0x2cb: {  	v24 =	vadd.f32 v26, v4;
	v26 =	vmul.f32 v28, v9;
	v28 =	vld [tilespmem:s18+$0x1E0]  }
0x2cc: {  	[tilespmem:s19+$0x10470] =	vst v21;
	v21 =	vadd.f32 v23, v7;
	v23 =	vmul.f32 v29, v11  }
0x2cd: {  	[tilespmem:s20+$0x105E0] =	vst v24;
	v24 =	vadd.f32 v26, v5;
	v25 =	vmul.f32 v25, v14  }
0x2ce: {  	v26 =	vld [tilespmem:s18+$0x1F0];
	[tilespmem:s20+$0x10460] =	vst v21;
	v21 =	vadd.f32 v23, v6;
	v23 =	vmul.f32 v27, v16  }
0x2cf: {  	v27 =	vld [tilespmem:s18+$0x1F0];
	[tilespmem:s20+$0x104E0] =	vst v24;
	v24 =	vadd.f32 v25, v12;
	v25 =	vmul.f32 v30, v19  }
0x2d0: {  	v29 =	vld [tilespmem:s18+$0x1F0];
	[tilespmem:s20+$0x10560] =	vst v21;
	v21 =	vadd.f32 v23, v13;
	v23 =	vmul.f32 v28, v18  }
0x2d1: {  	v2 =	vmul.f32 v22, v2;
	v22 =	vld [tilespmem:s18+$0x1F0];
	[tilespmem:s21+$0x105E0] =	vst v24;
	v24 =	vadd.f32 v25, v15  }
0x2d2: {  	v3 =	vmul.f32 v20, v3;
	v20 =	vld [tilespmem:s18+$0x1F0];
	[tilespmem:s21+$0x10460] =	vst v21;
	v21 =	vadd.f32 v23, v17  }
0x2d3: {  	v1 =	vadd.f32 v2, v1;
	v2 =	vmul.f32 v26, v8;
	v8 =	vld [tilespmem:s18+$0x1F0];
	[tilespmem:s21+$0x104E0] =	vst v24  }
0x2d4: {  	v0 =	vadd.f32 v3, v0;
	v3 =	vmul.f32 v27, v10;
	v10 =	vld [tilespmem:s18+$0x1F0];
	[tilespmem:s21+$0x10560] =	vst v21  }
0x2d5: {  	[tilespmem:s19+$0x104F0] =	vst v1;
	v1 =	vadd.f32 v2, v4;
	v2 =	vmul.f32 v29, v9;
	v4 =	vld [tilespmem:s18+$0x1F0]  }
0x2d6: {  	[tilespmem:s19+$0x10570] =	vst v0;
	v0 =	vadd.f32 v3, v7;
	v3 =	vmul.f32 v22, v11  }
0x2d7: {  	[tilespmem:s20+$0x105F0] =	vst v1;
	v1 =	vadd.f32 v2, v5;
	v2 =	vmul.f32 v20, v14  }
0x2d8: {  	[tilespmem:s20+$0x10470] =	vst v0;
	v0 =	vadd.f32 v3, v6;
	v3 =	vmul.f32 v8, v16  }
0x2d9: {  	[tilespmem:s20+$0x104F0] =	vst v1;
	v1 =	vadd.f32 v2, v12;
	v2 =	vmul.f32 v10, v19  }
0x2da: {  	[tilespmem:s20+$0x10570] =	vst v0;
	v0 =	vadd.f32 v3, v13;
	v3 =	vmul.f32 v4, v18  }
0x2db: {  	s30 =	sshll.u32 s17, $0x15;
	[tilespmem:s21+$0x105F0] =	vst v1;
	v1 =	vadd.f32 v2, v15  }
0x2dc: {  	s19 =	sor.u32 s4, s30;
	[tilespmem:s21+$0x10470] =	vst v0;
	v0 =	vadd.f32 v3, v17  }
0x2dd: {  	s19 =	sshrl.u32 s19, $0x3;
	[tilespmem:s21+$0x104F0] =	vst v1  }
0x2de: {  	s19 =	sadd.s32 s2, s19;
	[tilespmem:s21+$0x10570] =	vst v0  }
0x2df: {  	[hbm4b:s19+s8] =	stream.strided.scatter [tilespmem:s12], [sflag:$0x1], $0x8000, s9, s8, $0x38;
	[tilespmem:$0x1A400] =	vst v63  }
0x2e0: {  	s19 =	simm.s32 @!p0 $0x2  }
0x2e1: {  	_ =	swait.ge @!p0 [sflag:s19], $0x8000  }
0x2e2: {  	[sflag:s19] =	ssyncset.done @!p0 $0x0  }
0x2e3: {  	s20 =	simm.s32 $0x0;
	[sflag:s19] =	ssyncadd.s32 @!p0 $0xFFFF8000  }
0x2e4: {  	s19 =	sor.u32 $0x4, s22;
	v22 =	vld [tilespmem:s20+$0x6580]  }
0x2e5: {  	s31 =	sshll.u32 s19, $0x7;
	v0 =	vld [tilespmem:s20+$0x8580]  }
0x2e6: {  	s22 =	sand.u32 $0x3FFFFF80, s31  }
0x2e7: {  	v4 =	vld [tilespmem:s22+$0x0];
	_ =	sdelay $0x2  }
0x2e8: {  	v23 =	vsub.f32 v0, v22  }
0x2e9: {  	v20 =	vld [tilespmem:s20+$0x6400]  }
0x2ea: {  	v2 =	vld [tilespmem:s20+$0x8400];
	v0 =	vmul.f32 v23, v4  }
0x2eb: {  	v1 =	vld [tilespmem:s20+$0x6480]  }
0x2ec: {  	v3 =	vld [tilespmem:s20+$0x8480];
	v5 =	vadd.f32 v0, v22  }
0x2ed: {  	v6 =	vld [tilespmem:s20+$0x8500]  }
0x2ee: {  	v0 =	vld [tilespmem:s20+$0x6500];
	[tilespmem:s20+$0x12580] =	vst v5  }
0x2ef: {  	v21 =	vsub.f32 v2, v20;
	v5 =	vld [tilespmem:s22+$0x10];
	_ =	sdelay $0x1  }
0x2f0: {  	v2 =	vsub.f32 v3, v1;
	v3 =	vmul.f32 v21, v4;
	_ =	sdelay $0x1  }
0x2f1: {  	v7 =	vmul.f32 v2, v4;
	v8 =	vadd.f32 v3, v20  }
0x2f2: {  	v3 =	vsub.f32 v6, v0;
	v5 =	vmul.f32 v5, v23  }
0x2f3: {  	[tilespmem:s20+$0x12400] =	vst v8;
	v6 =	vadd.f32 v7, v1  }
0x2f4: {  	v7 =	vld [tilespmem:s22+$0x10];
	v4 =	vmul.f32 v3, v4;
	v5 =	vadd.f32 v5, v22  }
0x2f5: {  	[tilespmem:s20+$0x12480] =	vst v6  }
0x2f6: {  	v6 =	vld [tilespmem:s22+$0x10];
	v4 =	vadd.f32 v4, v0;
	[tilespmem:s20+$0x12590] =	vst v5  }
0x2f7: {  	v5 =	vld [tilespmem:s22+$0x20]  }
0x2f8: {  	[tilespmem:s20+$0x12500] =	vst v4  }
0x2f9: {  	v4 =	vmul.f32 v7, v21;
	v7 =	vld [tilespmem:s22+$0x10];
	_ =	sdelay $0x1  }
0x2fa: {  	v6 =	vmul.f32 v6, v2  }
0x2fb: {  	v4 =	vadd.f32 v4, v20;
	v5 =	vmul.f32 v5, v23  }
0x2fc: {  	v6 =	vadd.f32 v6, v1  }
0x2fd: {  	[tilespmem:s20+$0x12410] =	vst v4;
	v7 =	vmul.f32 v7, v3;
	v5 =	vadd.f32 v5, v22  }
0x2fe: {  	v4 =	vld [tilespmem:s22+$0x20];
	[tilespmem:s20+$0x12490] =	vst v6  }
0x2ff: {  	v6 =	vld [tilespmem:s22+$0x20];
	v7 =	vadd.f32 v7, v0;
	[tilespmem:s20+$0x125A0] =	vst v5  }
0x300: {  	v5 =	vld [tilespmem:s22+$0x30]  }
0x301: {  	[tilespmem:s20+$0x12510] =	vst v7  }
0x302: {  	v7 =	vld [tilespmem:s22+$0x20]  }
0x303: {  	v4 =	vmul.f32 v4, v21  }
0x304: {  	v6 =	vmul.f32 v6, v2  }
0x305: {  	v4 =	vadd.f32 v4, v20;
	v5 =	vmul.f32 v5, v23  }
0x306: {  	v6 =	vadd.f32 v6, v1  }
0x307: {  	[tilespmem:s20+$0x12420] =	vst v4;
	v7 =	vmul.f32 v7, v3;
	v5 =	vadd.f32 v5, v22  }
0x308: {  	v4 =	vld [tilespmem:s22+$0x30];
	[tilespmem:s20+$0x124A0] =	vst v6  }
0x309: {  	v6 =	vld [tilespmem:s22+$0x30];
	v7 =	vadd.f32 v7, v0;
	[tilespmem:s20+$0x125B0] =	vst v5  }
0x30a: {  	v5 =	vld [tilespmem:s22+$0x40]  }
0x30b: {  	[tilespmem:s20+$0x12520] =	vst v7  }
0x30c: {  	v7 =	vld [tilespmem:s22+$0x30]  }
0x30d: {  	v4 =	vmul.f32 v4, v21  }
0x30e: {  	v6 =	vmul.f32 v6, v2  }
0x30f: {  	v4 =	vadd.f32 v4, v20;
	v5 =	vmul.f32 v5, v23  }
0x310: {  	v6 =	vadd.f32 v6, v1  }
0x311: {  	[tilespmem:s20+$0x12430] =	vst v4;
	v7 =	vmul.f32 v7, v3;
	v5 =	vadd.f32 v5, v22  }
0x312: {  	v4 =	vld [tilespmem:s22+$0x40];
	[tilespmem:s20+$0x124B0] =	vst v6  }
0x313: {  	v6 =	vld [tilespmem:s22+$0x40];
	v7 =	vadd.f32 v7, v0;
	[tilespmem:s20+$0x125C0] =	vst v5  }
0x314: {  	v5 =	vld [tilespmem:s22+$0x50]  }
0x315: {  	[tilespmem:s20+$0x12530] =	vst v7  }
0x316: {  	v7 =	vld [tilespmem:s22+$0x40]  }
0x317: {  	v4 =	vmul.f32 v4, v21  }
0x318: {  	v6 =	vmul.f32 v6, v2  }
0x319: {  	v4 =	vadd.f32 v4, v20;
	v5 =	vmul.f32 v5, v23  }
0x31a: {  	v6 =	vadd.f32 v6, v1  }
0x31b: {  	[tilespmem:s20+$0x12440] =	vst v4;
	v7 =	vmul.f32 v7, v3;
	v5 =	vadd.f32 v5, v22  }
0x31c: {  	v4 =	vld [tilespmem:s22+$0x50];
	[tilespmem:s20+$0x124C0] =	vst v6  }
0x31d: {  	v6 =	vld [tilespmem:s22+$0x50];
	v7 =	vadd.f32 v7, v0;
	[tilespmem:s20+$0x125D0] =	vst v5  }
0x31e: {  	v5 =	vld [tilespmem:s22+$0x60]  }
0x31f: {  	[tilespmem:s20+$0x12540] =	vst v7  }
0x320: {  	v7 =	vld [tilespmem:s22+$0x50]  }
0x321: {  	v4 =	vmul.f32 v4, v21  }
0x322: {  	v6 =	vmul.f32 v6, v2  }
0x323: {  	v4 =	vadd.f32 v4, v20;
	v5 =	vmul.f32 v5, v23  }
0x324: {  	v6 =	vadd.f32 v6, v1  }
0x325: {  	[tilespmem:s20+$0x12450] =	vst v4;
	v7 =	vmul.f32 v7, v3;
	v5 =	vadd.f32 v5, v22  }
0x326: {  	v4 =	vld [tilespmem:s22+$0x60];
	[tilespmem:s20+$0x124D0] =	vst v6  }
0x327: {  	v6 =	vld [tilespmem:s22+$0x60];
	v7 =	vadd.f32 v7, v0;
	[tilespmem:s20+$0x125E0] =	vst v5  }
0x328: {  	v5 =	vld [tilespmem:s22+$0x70]  }
0x329: {  	[tilespmem:s20+$0x12550] =	vst v7  }
0x32a: {  	v7 =	vld [tilespmem:s22+$0x60]  }
0x32b: {  	v4 =	vmul.f32 v4, v21  }
0x32c: {  	v6 =	vmul.f32 v6, v2  }
0x32d: {  	v4 =	vadd.f32 v4, v20;
	v5 =	vmul.f32 v5, v23  }
0x32e: {  	v6 =	vadd.f32 v6, v1  }
0x32f: {  	[tilespmem:s20+$0x12460] =	vst v4;
	v7 =	vmul.f32 v7, v3;
	v5 =	vadd.f32 v5, v22  }
0x330: {  	v4 =	vld [tilespmem:s22+$0x70];
	[tilespmem:s20+$0x124E0] =	vst v6  }
0x331: {  	v6 =	vld [tilespmem:s22+$0x70];
	v7 =	vadd.f32 v7, v0;
	[tilespmem:s20+$0x125F0] =	vst v5  }
0x332: {  	v5 =	vld [tilespmem:s18+$0x280]  }
0x333: {  	[tilespmem:s20+$0x12560] =	vst v7  }
0x334: {  	v7 =	vld [tilespmem:s22+$0x70]  }
0x335: {  	v4 =	vmul.f32 v4, v21  }
0x336: {  	v6 =	vmul.f32 v6, v2  }
0x337: {  	v4 =	vadd.f32 v4, v20;
	v5 =	vmul.f32 v5, v23  }
0x338: {  	v6 =	vadd.f32 v6, v1  }
0x339: {  	[tilespmem:s20+$0x12470] =	vst v4;
	v7 =	vmul.f32 v7, v3;
	v5 =	vadd.f32 v5, v22  }
0x33a: {  	v4 =	vld [tilespmem:s18+$0x280];
	[tilespmem:s20+$0x124F0] =	vst v6  }
0x33b: {  	v6 =	vld [tilespmem:s18+$0x280];
	v7 =	vadd.f32 v7, v0;
	[tilespmem:s20+$0x14580] =	vst v5  }
0x33c: {  	v5 =	vld [tilespmem:s18+$0x290]  }
0x33d: {  	[tilespmem:s20+$0x12570] =	vst v7  }
0x33e: {  	v7 =	vld [tilespmem:s18+$0x280]  }
0x33f: {  	v4 =	vmul.f32 v4, v21  }
0x340: {  	v6 =	vmul.f32 v6, v2  }
0x341: {  	v4 =	vadd.f32 v4, v20;
	v5 =	vmul.f32 v5, v23  }
0x342: {  	v6 =	vadd.f32 v6, v1  }
0x343: {  	[tilespmem:s20+$0x14400] =	vst v4;
	v7 =	vmul.f32 v7, v3;
	v5 =	vadd.f32 v5, v22  }
0x344: {  	v4 =	vld [tilespmem:s18+$0x290];
	[tilespmem:s20+$0x14480] =	vst v6  }
0x345: {  	v6 =	vld [tilespmem:s18+$0x290];
	v7 =	vadd.f32 v7, v0;
	[tilespmem:s20+$0x14590] =	vst v5  }
0x346: {  	v5 =	vld [tilespmem:s18+$0x2A0]  }
0x347: {  	[tilespmem:s20+$0x14500] =	vst v7  }
0x348: {  	v7 =	vld [tilespmem:s18+$0x290]  }
0x349: {  	v4 =	vmul.f32 v4, v21  }
0x34a: {  	v6 =	vmul.f32 v6, v2  }
0x34b: {  	v4 =	vadd.f32 v4, v20;
	v5 =	vmul.f32 v5, v23  }
0x34c: {  	v6 =	vadd.f32 v6, v1  }
0x34d: {  	[tilespmem:s20+$0x14410] =	vst v4;
	v7 =	vmul.f32 v7, v3;
	v5 =	vadd.f32 v5, v22  }
0x34e: {  	v4 =	vld [tilespmem:s18+$0x2A0];
	[tilespmem:s20+$0x14490] =	vst v6  }
0x34f: {  	v6 =	vld [tilespmem:s18+$0x2A0];
	v7 =	vadd.f32 v7, v0;
	[tilespmem:s20+$0x145A0] =	vst v5  }
0x350: {  	v5 =	vld [tilespmem:s18+$0x2B0]  }
0x351: {  	[tilespmem:s20+$0x14510] =	vst v7  }
0x352: {  	v7 =	vld [tilespmem:s18+$0x2A0]  }
0x353: {  	v4 =	vmul.f32 v4, v21  }
0x354: {  	v6 =	vmul.f32 v6, v2  }
0x355: {  	v4 =	vadd.f32 v4, v20;
	v5 =	vmul.f32 v5, v23  }
0x356: {  	v6 =	vadd.f32 v6, v1  }
0x357: {  	[tilespmem:s20+$0x14420] =	vst v4;
	v7 =	vmul.f32 v7, v3;
	v5 =	vadd.f32 v5, v22  }
0x358: {  	v4 =	vld [tilespmem:s18+$0x2B0];
	[tilespmem:s20+$0x144A0] =	vst v6  }
0x359: {  	v6 =	vld [tilespmem:s18+$0x2B0];
	v7 =	vadd.f32 v7, v0;
	[tilespmem:s20+$0x145B0] =	vst v5  }
0x35a: {  	v5 =	vld [tilespmem:s18+$0x2C0]  }
0x35b: {  	[tilespmem:s20+$0x14520] =	vst v7  }
0x35c: {  	v7 =	vld [tilespmem:s18+$0x2B0]  }
0x35d: {  	v4 =	vmul.f32 v4, v21  }
0x35e: {  	v6 =	vmul.f32 v6, v2  }
0x35f: {  	v4 =	vadd.f32 v4, v20;
	v5 =	vmul.f32 v5, v23  }
0x360: {  	v6 =	vadd.f32 v6, v1  }
0x361: {  	s21 =	simm.s32 $0x200;
	v12 =	vld [tilespmem:s22+$0x0];
	[tilespmem:s20+$0x14430] =	vst v4;
	v4 =	vmul.f32 v7, v3;
	v5 =	vadd.f32 v5, v22  }
0x362: {  	v13 =	vld [tilespmem:s21+$0x8400];
	[tilespmem:s20+$0x144B0] =	vst v6  }
0x363: {  	v6 =	vadd.f32 v4, v0;
	v4 =	vld [tilespmem:s21+$0x6580];
	[tilespmem:s20+$0x145C0] =	vst v5  }
0x364: {  	v5 =	vld [tilespmem:s18+$0x2D0]  }
0x365: {  	[tilespmem:s20+$0x14530] =	vst v6;
	v6 =	vld [tilespmem:s21+$0x8580]  }
0x366: {  	v15 =	vld [tilespmem:s21+$0x8480]  }
0x367: {  	v9 =	vld [tilespmem:s18+$0x2C0]  }
0x368: {  	v7 =	vld [tilespmem:s21+$0x6400]  }
0x369: {  	v10 =	vld [tilespmem:s18+$0x2C0];
	v14 =	vmul.f32 v5, v23  }
0x36a: {  	v11 =	vld [tilespmem:s18+$0x2C0];
	v8 =	vsub.f32 v6, v4  }
0x36b: {  	v5 =	vld [tilespmem:s21+$0x6480];
	v14 =	vadd.f32 v14, v22  }
0x36c: {  	v17 =	vld [tilespmem:s21+$0x8500];
	v16 =	vmul.f32 v8, v12  }
0x36d: {  	v6 =	vld [tilespmem:s21+$0x6500];
	[tilespmem:s20+$0x145D0] =	vst v14  }
0x36e: {  	v9 =	vmul.f32 v9, v21;
	v14 =	vadd.f32 v16, v4;
	v16 =	vld [tilespmem:s18+$0x2E0]  }
0x36f: {  	v18 =	vmul.f32 v10, v2;
	v10 =	vsub.f32 v13, v7  }
0x370: {  	v13 =	vadd.f32 v9, v20;
	v11 =	vmul.f32 v11, v3;
	v9 =	vsub.f32 v15, v5;
	[tilespmem:s21+$0x12580] =	vst v14  }
0x371: {  	v15 =	vmul.f32 v10, v12;
	v14 =	vadd.f32 v18, v1;
	v18 =	vld [tilespmem:s22+$0x10]  }
0x372: {  	[tilespmem:s20+$0x14440] =	vst v13;
	v13 =	vadd.f32 v11, v0;
	v11 =	vsub.f32 v17, v6;
	v19 =	vmul.f32 v9, v12  }
0x373: {  	v15 =	vadd.f32 v15, v7;
	[tilespmem:s20+$0x144C0] =	vst v14;
	v14 =	vld [tilespmem:s18+$0x2D0];
	v16 =	vmul.f32 v16, v23  }
0x374: {  	[tilespmem:s20+$0x14540] =	vst v13;
	v12 =	vmul.f32 v11, v12;
	v13 =	vld [tilespmem:s18+$0x2D0];
	v17 =	vadd.f32 v19, v5  }
0x375: {  	v19 =	vld [tilespmem:s18+$0x2D0];
	[tilespmem:s21+$0x12400] =	vst v15;
	v15 =	vadd.f32 v16, v22  }
0x376: {  	v12 =	vadd.f32 v12, v6;
	[tilespmem:s21+$0x12480] =	vst v17;
	v16 =	vld [tilespmem:s22+$0x10];
	v17 =	vmul.f32 v18, v8  }
0x377: {  	v18 =	vld [tilespmem:s22+$0x10];
	[tilespmem:s20+$0x145E0] =	vst v15  }
0x378: {  	[tilespmem:s21+$0x12500] =	vst v12;
	v14 =	vmul.f32 v14, v21;
	v12 =	vadd.f32 v17, v4;
	v15 =	vld [tilespmem:s18+$0x2F0]  }
0x379: {  	v13 =	vmul.f32 v13, v2;
	v17 =	vld [tilespmem:s22+$0x10]  }
0x37a: {  	v19 =	vmul.f32 v19, v3;
	v14 =	vadd.f32 v14, v20;
	[tilespmem:s21+$0x12590] =	vst v12  }
0x37b: {  	v12 =	vadd.f32 v13, v1;
	v13 =	vmul.f32 v16, v10;
	v16 =	vld [tilespmem:s22+$0x20]  }
0x37c: {  	[tilespmem:s20+$0x14450] =	vst v14;
	v14 =	vadd.f32 v19, v0;
	v18 =	vmul.f32 v18, v9  }
0x37d: {  	v19 =	vld [tilespmem:s18+$0x2E0];
	[tilespmem:s20+$0x144D0] =	vst v12;
	v13 =	vadd.f32 v13, v7;
	v12 =	vmul.f32 v15, v23  }
0x37e: {  	[tilespmem:s20+$0x14550] =	vst v14;
	v14 =	vadd.f32 v18, v5;
	v17 =	vmul.f32 v17, v11;
	v15 =	vld [tilespmem:s18+$0x2E0]  }
0x37f: {  	[tilespmem:s21+$0x12410] =	vst v13;
	v13 =	vld [tilespmem:s18+$0x2E0];
	v12 =	vadd.f32 v12, v22  }
0x380: {  	[tilespmem:s21+$0x12490] =	vst v14;
	v14 =	vadd.f32 v17, v6;
	v18 =	vld [tilespmem:s22+$0x20];
	v16 =	vmul.f32 v16, v8  }
0x381: {  	v17 =	vld [tilespmem:s22+$0x20];
	[tilespmem:s20+$0x145F0] =	vst v12  }
0x382: {  	[tilespmem:s21+$0x12510] =	vst v14;
	v12 =	vmul.f32 v19, v21;
	v14 =	vadd.f32 v16, v4;
	v16 =	vld [tilespmem:s18+$0x300]  }
0x383: {  	v19 =	vld [tilespmem:s22+$0x20];
	v15 =	vmul.f32 v15, v2  }
0x384: {  	v12 =	vadd.f32 v12, v20;
	v13 =	vmul.f32 v13, v3;
	[tilespmem:s21+$0x125A0] =	vst v14  }
0x385: {  	v14 =	vmul.f32 v18, v10;
	v15 =	vadd.f32 v15, v1;
	v18 =	vld [tilespmem:s22+$0x30]  }
0x386: {  	[tilespmem:s20+$0x14460] =	vst v12;
	v12 =	vadd.f32 v13, v0;
	v13 =	vmul.f32 v17, v9  }
0x387: {  	v17 =	vld [tilespmem:s18+$0x2F0];
	v14 =	vadd.f32 v14, v7;
	[tilespmem:s20+$0x144E0] =	vst v15;
	v15 =	vmul.f32 v16, v23  }
0x388: {  	v16 =	vld [tilespmem:s18+$0x2F0];
	[tilespmem:s20+$0x14560] =	vst v12;
	v12 =	vadd.f32 v13, v5;
	v13 =	vmul.f32 v19, v11  }
0x389: {  	[tilespmem:s21+$0x12420] =	vst v14;
	v14 =	vld [tilespmem:s18+$0x2F0];
	v15 =	vadd.f32 v15, v22  }
0x38a: {  	v19 =	vld [tilespmem:s22+$0x30];
	[tilespmem:s21+$0x124A0] =	vst v12;
	v12 =	vadd.f32 v13, v6;
	v13 =	vmul.f32 v18, v8  }
0x38b: {  	v18 =	vld [tilespmem:s22+$0x30];
	[tilespmem:s20+$0x16580] =	vst v15  }
0x38c: {  	v15 =	vmul.f32 v17, v21;
	[tilespmem:s21+$0x12520] =	vst v12;
	v12 =	vadd.f32 v13, v4;
	v13 =	vld [tilespmem:s18+$0x310]  }
0x38d: {  	v16 =	vmul.f32 v16, v2;
	v17 =	vld [tilespmem:s22+$0x30]  }
0x38e: {  	v15 =	vadd.f32 v15, v20;
	v14 =	vmul.f32 v14, v3;
	[tilespmem:s21+$0x125B0] =	vst v12  }
0x38f: {  	v12 =	vmul.f32 v19, v10;
	v16 =	vadd.f32 v16, v1;
	v19 =	vld [tilespmem:s22+$0x40]  }
0x390: {  	[tilespmem:s20+$0x14470] =	vst v15;
	v14 =	vadd.f32 v14, v0;
	v15 =	vmul.f32 v18, v9  }
0x391: {  	v18 =	vld [tilespmem:s18+$0x300];
	v12 =	vadd.f32 v12, v7;
	[tilespmem:s20+$0x144F0] =	vst v16;
	v13 =	vmul.f32 v13, v23  }
0x392: {  	v16 =	vld [tilespmem:s18+$0x300];
	[tilespmem:s20+$0x14570] =	vst v14;
	v14 =	vadd.f32 v15, v5;
	v15 =	vmul.f32 v17, v11  }
0x393: {  	[tilespmem:s21+$0x12430] =	vst v12;
	v12 =	vld [tilespmem:s18+$0x300];
	v13 =	vadd.f32 v13, v22  }
0x394: {  	v17 =	vld [tilespmem:s22+$0x40];
	[tilespmem:s21+$0x124B0] =	vst v14;
	v14 =	vadd.f32 v15, v6;
	v15 =	vmul.f32 v19, v8  }
0x395: {  	v19 =	vld [tilespmem:s22+$0x40];
	[tilespmem:s20+$0x16590] =	vst v13  }
0x396: {  	v13 =	vmul.f32 v18, v21;
	[tilespmem:s21+$0x12530] =	vst v14;
	v14 =	vadd.f32 v15, v4;
	v15 =	vld [tilespmem:s18+$0x320]  }
0x397: {  	v16 =	vmul.f32 v16, v2;
	v18 =	vld [tilespmem:s22+$0x40]  }
0x398: {  	v13 =	vadd.f32 v13, v20;
	v12 =	vmul.f32 v12, v3;
	[tilespmem:s21+$0x125C0] =	vst v14  }
0x399: {  	v14 =	vmul.f32 v17, v10;
	v16 =	vadd.f32 v16, v1;
	v17 =	vld [tilespmem:s22+$0x50]  }
0x39a: {  	[tilespmem:s20+$0x16400] =	vst v13;
	v12 =	vadd.f32 v12, v0;
	v13 =	vmul.f32 v19, v9  }
0x39b: {  	v19 =	vld [tilespmem:s18+$0x310];
	v14 =	vadd.f32 v14, v7;
	[tilespmem:s20+$0x16480] =	vst v16;
	v15 =	vmul.f32 v15, v23  }
0x39c: {  	v16 =	vld [tilespmem:s18+$0x310];
	[tilespmem:s20+$0x16500] =	vst v12;
	v12 =	vadd.f32 v13, v5;
	v13 =	vmul.f32 v18, v11  }
0x39d: {  	[tilespmem:s21+$0x12440] =	vst v14;
	v14 =	vld [tilespmem:s18+$0x310];
	v15 =	vadd.f32 v15, v22  }
0x39e: {  	v18 =	vld [tilespmem:s22+$0x50];
	[tilespmem:s21+$0x124C0] =	vst v12;
	v12 =	vadd.f32 v13, v6;
	v13 =	vmul.f32 v17, v8  }
0x39f: {  	v17 =	vld [tilespmem:s22+$0x50];
	[tilespmem:s20+$0x165A0] =	vst v15  }
0x3a0: {  	v15 =	vmul.f32 v19, v21;
	[tilespmem:s21+$0x12540] =	vst v12;
	v12 =	vadd.f32 v13, v4;
	v13 =	vld [tilespmem:s18+$0x330]  }
0x3a1: {  	v16 =	vmul.f32 v16, v2;
	v19 =	vld [tilespmem:s22+$0x50]  }
0x3a2: {  	v15 =	vadd.f32 v15, v20;
	v14 =	vmul.f32 v14, v3;
	[tilespmem:s21+$0x125D0] =	vst v12  }
0x3a3: {  	v12 =	vmul.f32 v18, v10;
	v16 =	vadd.f32 v16, v1;
	v18 =	vld [tilespmem:s22+$0x60]  }
0x3a4: {  	[tilespmem:s20+$0x16410] =	vst v15;
	v14 =	vadd.f32 v14, v0;
	v15 =	vmul.f32 v17, v9  }
0x3a5: {  	v17 =	vld [tilespmem:s18+$0x320];
	v12 =	vadd.f32 v12, v7;
	[tilespmem:s20+$0x16490] =	vst v16;
	v13 =	vmul.f32 v13, v23  }
0x3a6: {  	v16 =	vld [tilespmem:s18+$0x320];
	[tilespmem:s20+$0x16510] =	vst v14;
	v14 =	vadd.f32 v15, v5;
	v15 =	vmul.f32 v19, v11  }
0x3a7: {  	[tilespmem:s21+$0x12450] =	vst v12;
	v12 =	vld [tilespmem:s18+$0x320];
	v13 =	vadd.f32 v13, v22  }
0x3a8: {  	v19 =	vld [tilespmem:s22+$0x60];
	[tilespmem:s21+$0x124D0] =	vst v14;
	v14 =	vadd.f32 v15, v6;
	v15 =	vmul.f32 v18, v8  }
0x3a9: {  	v18 =	vld [tilespmem:s22+$0x60];
	[tilespmem:s20+$0x165B0] =	vst v13  }
0x3aa: {  	v13 =	vmul.f32 v17, v21;
	[tilespmem:s21+$0x12550] =	vst v14;
	v14 =	vadd.f32 v15, v4;
	v15 =	vld [tilespmem:s18+$0x340]  }
0x3ab: {  	v16 =	vmul.f32 v16, v2;
	v17 =	vld [tilespmem:s22+$0x60]  }
0x3ac: {  	v13 =	vadd.f32 v13, v20;
	v12 =	vmul.f32 v12, v3;
	[tilespmem:s21+$0x125E0] =	vst v14  }
0x3ad: {  	v14 =	vmul.f32 v19, v10;
	v16 =	vadd.f32 v16, v1;
	v19 =	vld [tilespmem:s22+$0x70]  }
0x3ae: {  	[tilespmem:s20+$0x16420] =	vst v13;
	v12 =	vadd.f32 v12, v0;
	v13 =	vmul.f32 v18, v9  }
0x3af: {  	v18 =	vld [tilespmem:s18+$0x330];
	v14 =	vadd.f32 v14, v7;
	[tilespmem:s20+$0x164A0] =	vst v16;
	v15 =	vmul.f32 v15, v23  }
0x3b0: {  	v16 =	vld [tilespmem:s18+$0x330];
	[tilespmem:s20+$0x16520] =	vst v12;
	v12 =	vadd.f32 v13, v5;
	v13 =	vmul.f32 v17, v11  }
0x3b1: {  	[tilespmem:s21+$0x12460] =	vst v14;
	v14 =	vld [tilespmem:s18+$0x330];
	v15 =	vadd.f32 v15, v22  }
0x3b2: {  	v17 =	vld [tilespmem:s22+$0x70];
	[tilespmem:s21+$0x124E0] =	vst v12;
	v12 =	vadd.f32 v13, v6;
	v13 =	vmul.f32 v19, v8  }
0x3b3: {  	v19 =	vld [tilespmem:s22+$0x70];
	[tilespmem:s20+$0x165C0] =	vst v15  }
0x3b4: {  	v15 =	vmul.f32 v18, v21;
	[tilespmem:s21+$0x12560] =	vst v12;
	v12 =	vadd.f32 v13, v4;
	v13 =	vld [tilespmem:s18+$0x350]  }
0x3b5: {  	v16 =	vmul.f32 v16, v2;
	v18 =	vld [tilespmem:s22+$0x70]  }
0x3b6: {  	v15 =	vadd.f32 v15, v20;
	v14 =	vmul.f32 v14, v3;
	[tilespmem:s21+$0x125F0] =	vst v12  }
0x3b7: {  	v12 =	vmul.f32 v17, v10;
	v16 =	vadd.f32 v16, v1;
	v17 =	vld [tilespmem:s18+$0x280]  }
0x3b8: {  	[tilespmem:s20+$0x16430] =	vst v15;
	v14 =	vadd.f32 v14, v0;
	v15 =	vmul.f32 v19, v9  }
0x3b9: {  	v19 =	vld [tilespmem:s18+$0x340];
	v12 =	vadd.f32 v12, v7;
	[tilespmem:s20+$0x164B0] =	vst v16;
	v13 =	vmul.f32 v13, v23  }
0x3ba: {  	v16 =	vld [tilespmem:s18+$0x340];
	[tilespmem:s20+$0x16530] =	vst v14;
	v14 =	vadd.f32 v15, v5;
	v15 =	vmul.f32 v18, v11  }
0x3bb: {  	[tilespmem:s21+$0x12470] =	vst v12;
	v12 =	vld [tilespmem:s18+$0x340];
	v13 =	vadd.f32 v13, v22  }
0x3bc: {  	v18 =	vld [tilespmem:s18+$0x280];
	[tilespmem:s21+$0x124F0] =	vst v14;
	v14 =	vadd.f32 v15, v6;
	v15 =	vmul.f32 v17, v8  }
0x3bd: {  	v17 =	vld [tilespmem:s18+$0x280];
	[tilespmem:s20+$0x165D0] =	vst v13  }
0x3be: {  	v13 =	vmul.f32 v19, v21;
	[tilespmem:s21+$0x12570] =	vst v14;
	v14 =	vadd.f32 v15, v4;
	v15 =	vld [tilespmem:s18+$0x360]  }
0x3bf: {  	v16 =	vmul.f32 v16, v2;
	v19 =	vld [tilespmem:s18+$0x280]  }
0x3c0: {  	v13 =	vadd.f32 v13, v20;
	v12 =	vmul.f32 v12, v3;
	[tilespmem:s21+$0x14580] =	vst v14  }
0x3c1: {  	v14 =	vmul.f32 v18, v10;
	v16 =	vadd.f32 v16, v1;
	v18 =	vld [tilespmem:s18+$0x290]  }
0x3c2: {  	[tilespmem:s20+$0x16440] =	vst v13;
	v12 =	vadd.f32 v12, v0;
	v13 =	vmul.f32 v17, v9  }
0x3c3: {  	v17 =	vld [tilespmem:s18+$0x350];
	v14 =	vadd.f32 v14, v7;
	[tilespmem:s20+$0x164C0] =	vst v16;
	v15 =	vmul.f32 v15, v23  }
0x3c4: {  	v16 =	vld [tilespmem:s18+$0x350];
	[tilespmem:s20+$0x16540] =	vst v12;
	v12 =	vadd.f32 v13, v5;
	v13 =	vmul.f32 v19, v11  }
0x3c5: {  	[tilespmem:s21+$0x14400] =	vst v14;
	v14 =	vld [tilespmem:s18+$0x350];
	v15 =	vadd.f32 v15, v22  }
0x3c6: {  	v19 =	vld [tilespmem:s18+$0x290];
	[tilespmem:s21+$0x14480] =	vst v12;
	v12 =	vadd.f32 v13, v6;
	v13 =	vmul.f32 v18, v8  }
0x3c7: {  	v18 =	vld [tilespmem:s18+$0x290];
	[tilespmem:s20+$0x165E0] =	vst v15  }
0x3c8: {  	v15 =	vmul.f32 v17, v21;
	[tilespmem:s21+$0x14500] =	vst v12;
	v12 =	vadd.f32 v13, v4;
	v13 =	vld [tilespmem:s18+$0x370]  }
0x3c9: {  	v16 =	vmul.f32 v16, v2;
	v17 =	vld [tilespmem:s18+$0x290]  }
0x3ca: {  	v15 =	vadd.f32 v15, v20;
	v14 =	vmul.f32 v14, v3;
	[tilespmem:s21+$0x14590] =	vst v12  }
0x3cb: {  	v12 =	vmul.f32 v19, v10;
	v16 =	vadd.f32 v16, v1;
	v19 =	vld [tilespmem:s18+$0x2A0]  }
0x3cc: {  	[tilespmem:s20+$0x16450] =	vst v15;
	v14 =	vadd.f32 v14, v0;
	v15 =	vmul.f32 v18, v9  }
0x3cd: {  	v18 =	vld [tilespmem:s18+$0x360];
	v12 =	vadd.f32 v12, v7;
	[tilespmem:s20+$0x164D0] =	vst v16;
	v13 =	vmul.f32 v13, v23  }
0x3ce: {  	v16 =	vld [tilespmem:s18+$0x360];
	[tilespmem:s20+$0x16550] =	vst v14;
	v14 =	vadd.f32 v15, v5;
	v15 =	vmul.f32 v17, v11  }
0x3cf: {  	[tilespmem:s21+$0x14410] =	vst v12;
	v12 =	vld [tilespmem:s18+$0x360];
	v13 =	vadd.f32 v13, v22  }
0x3d0: {  	v17 =	vld [tilespmem:s18+$0x2A0];
	[tilespmem:s21+$0x14490] =	vst v14;
	v14 =	vadd.f32 v15, v6;
	v15 =	vmul.f32 v19, v8  }
0x3d1: {  	v19 =	vld [tilespmem:s18+$0x2A0];
	[tilespmem:s20+$0x165F0] =	vst v13  }
0x3d2: {  	v13 =	vmul.f32 v18, v21;
	[tilespmem:s21+$0x14510] =	vst v14;
	v14 =	vadd.f32 v15, v4;
	v15 =	vld [tilespmem:s18+$0x380]  }
0x3d3: {  	v16 =	vmul.f32 v16, v2;
	v18 =	vld [tilespmem:s18+$0x2A0]  }
0x3d4: {  	v13 =	vadd.f32 v13, v20;
	v12 =	vmul.f32 v12, v3;
	[tilespmem:s21+$0x145A0] =	vst v14  }
0x3d5: {  	v14 =	vmul.f32 v17, v10;
	v16 =	vadd.f32 v16, v1;
	v17 =	vld [tilespmem:s18+$0x2B0]  }
0x3d6: {  	[tilespmem:s20+$0x16460] =	vst v13;
	v12 =	vadd.f32 v12, v0;
	v13 =	vmul.f32 v19, v9  }
0x3d7: {  	v19 =	vld [tilespmem:s18+$0x370];
	v14 =	vadd.f32 v14, v7;
	[tilespmem:s20+$0x164E0] =	vst v16;
	v15 =	vmul.f32 v15, v23  }
0x3d8: {  	v16 =	vld [tilespmem:s18+$0x370];
	[tilespmem:s20+$0x16560] =	vst v12;
	v12 =	vadd.f32 v13, v5;
	v13 =	vmul.f32 v18, v11  }
0x3d9: {  	[tilespmem:s21+$0x14420] =	vst v14;
	v14 =	vld [tilespmem:s18+$0x370];
	v15 =	vadd.f32 v15, v22  }
0x3da: {  	v18 =	vld [tilespmem:s18+$0x2B0];
	[tilespmem:s21+$0x144A0] =	vst v12;
	v12 =	vadd.f32 v13, v6;
	v13 =	vmul.f32 v17, v8  }
0x3db: {  	v17 =	vld [tilespmem:s18+$0x2B0];
	[tilespmem:s20+$0x18580] =	vst v15  }
0x3dc: {  	v15 =	vmul.f32 v19, v21;
	[tilespmem:s21+$0x14520] =	vst v12;
	v12 =	vadd.f32 v13, v4;
	v13 =	vld [tilespmem:s18+$0x390]  }
0x3dd: {  	v16 =	vmul.f32 v16, v2;
	v19 =	vld [tilespmem:s18+$0x2B0]  }
0x3de: {  	v15 =	vadd.f32 v15, v20;
	v14 =	vmul.f32 v14, v3;
	[tilespmem:s21+$0x145B0] =	vst v12  }
0x3df: {  	v12 =	vmul.f32 v18, v10;
	v16 =	vadd.f32 v16, v1;
	v18 =	vld [tilespmem:s18+$0x2C0]  }
0x3e0: {  	s23 =	simm.s32 $0x400;
	[tilespmem:s20+$0x16470] =	vst v15;
	v14 =	vadd.f32 v14, v0;
	v15 =	vmul.f32 v17, v9  }
0x3e1: {  	v27 =	vld [tilespmem:s23+$0x8580];
	v12 =	vadd.f32 v12, v7;
	[tilespmem:s20+$0x164F0] =	vst v16;
	v13 =	vmul.f32 v13, v23  }
0x3e2: {  	v28 =	vld [tilespmem:s22+$0x0];
	[tilespmem:s20+$0x16570] =	vst v14;
	v14 =	vadd.f32 v15, v5;
	v15 =	vmul.f32 v19, v11  }
0x3e3: {  	v29 =	vld [tilespmem:s23+$0x8400];
	[tilespmem:s21+$0x14430] =	vst v12;
	v12 =	vadd.f32 v13, v22  }
0x3e4: {  	v31 =	vld [tilespmem:s23+$0x8480];
	[tilespmem:s21+$0x144B0] =	vst v14;
	v13 =	vadd.f32 v15, v6;
	v14 =	vmul.f32 v18, v8  }
0x3e5: {  	v17 =	vld [tilespmem:s18+$0x380];
	[tilespmem:s20+$0x18590] =	vst v12  }
0x3e6: {  	[tilespmem:s21+$0x14530] =	vst v13;
	v13 =	vadd.f32 v14, v4;
	v14 =	vld [tilespmem:s18+$0x3A0]  }
0x3e7: {  	v24 =	vld [tilespmem:s18+$0x380]  }
0x3e8: {  	v16 =	vld [tilespmem:s18+$0x2C0];
	[tilespmem:s21+$0x145C0] =	vst v13  }
0x3e9: {  	v26 =	vld [tilespmem:s18+$0x2D0]  }
0x3ea: {  	v12 =	vld [tilespmem:s23+$0x6580]  }
0x3eb: {  	v18 =	vld [tilespmem:s18+$0x2C0];
	v14 =	vmul.f32 v14, v23  }
0x3ec: {  	v19 =	vld [tilespmem:s18+$0x2C0]  }
0x3ed: {  	v17 =	vmul.f32 v17, v21;
	v13 =	vld [tilespmem:s23+$0x6400];
	v30 =	vadd.f32 v14, v22  }
0x3ee: {  	v25 =	vld [tilespmem:s18+$0x380];
	v26 =	vmul.f32 v26, v8  }
0x3ef: {  	v15 =	vld [tilespmem:s23+$0x6480];
	v17 =	vadd.f32 v17, v20;
	v16 =	vmul.f32 v16, v10;
	v14 =	vsub.f32 v27, v12;
	[tilespmem:s20+$0x185A0] =	vst v30  }
0x3f0: {  	v18 =	vmul.f32 v18, v9;
	v26 =	vadd.f32 v26, v4;
	v27 =	vld [tilespmem:s18+$0x3B0]  }
0x3f1: {  	v24 =	vmul.f32 v24, v2;
	[tilespmem:s20+$0x18400] =	vst v17;
	v17 =	vld [tilespmem:s23+$0x6500];
	v30 =	vadd.f32 v16, v7;
	v32 =	vmul.f32 v14, v28  }
0x3f2: {  	v18 =	vadd.f32 v18, v5;
	v19 =	vmul.f32 v19, v11;
	v16 =	vsub.f32 v29, v13;
	v29 =	vld [tilespmem:s23+$0x8500];
	[tilespmem:s21+$0x145D0] =	vst v26  }
0x3f3: {  	v24 =	vadd.f32 v24, v1;
	[tilespmem:s21+$0x14440] =	vst v30;
	v26 =	vadd.f32 v32, v12;
	v30 =	vld [tilespmem:s18+$0x2E0]  }
0x3f4: {  	v50 =	vld [tilespmem:s18+$0x390];
	[tilespmem:s21+$0x144C0] =	vst v18;
	v18 =	vadd.f32 v19, v6;
	v19 =	vsub.f32 v31, v15;
	v49 =	vmul.f32 v16, v28  }
0x3f5: {  	v31 =	vld [tilespmem:s18+$0x2D0];
	[tilespmem:s23+$0x12580] =	vst v26;
	v27 =	vmul.f32 v27, v23  }
0x3f6: {  	[tilespmem:s20+$0x18480] =	vst v24;
	v33 =	vmul.f32 v19, v28;
	v32 =	vadd.f32 v49, v13;
	v34 =	vld [tilespmem:s22+$0x10]  }
0x3f7: {  	v25 =	vmul.f32 v25, v3;
	[tilespmem:s21+$0x14540] =	vst v18;
	v26 =	vld [tilespmem:s18+$0x2D0];
	v18 =	vsub.f32 v29, v17;
	v27 =	vadd.f32 v27, v22  }
0x3f8: {  	v24 =	vld [tilespmem:s18+$0x2D0];
	v29 =	vadd.f32 v33, v15;
	[tilespmem:s23+$0x12400] =	vst v32;
	v30 =	vmul.f32 v30, v8  }
0x3f9: {  	v25 =	vadd.f32 v25, v0;
	v51 =	vld [tilespmem:s22+$0x10];
	v28 =	vmul.f32 v18, v28;
	[tilespmem:s20+$0x185B0] =	vst v27  }
0x3fa: {  	[tilespmem:s23+$0x12480] =	vst v29;
	v27 =	vmul.f32 v31, v10;
	v29 =	vadd.f32 v30, v4;
	v30 =	vld [tilespmem:s18+$0x3C0]  }
0x3fb: {  	[tilespmem:s20+$0x18500] =	vst v25;
	v25 =	vld [tilespmem:s22+$0x10];
	v28 =	vadd.f32 v28, v17;
	v31 =	vmul.f32 v34, v14  }
0x3fc: {  	v26 =	vmul.f32 v26, v9;
	v27 =	vadd.f32 v27, v7;
	[tilespmem:s21+$0x145E0] =	vst v29;
	v29 =	vld [tilespmem:s18+$0x390]  }
0x3fd: {  	v24 =	vmul.f32 v24, v11;
	[tilespmem:s23+$0x12500] =	vst v28;
	v28 =	vadd.f32 v31, v12;
	v31 =	vld [tilespmem:s18+$0x2F0]  }
0x3fe: {  	v26 =	vadd.f32 v26, v5;
	v33 =	vmul.f32 v51, v16;
	v52 =	vld [tilespmem:s22+$0x10];
	[tilespmem:s21+$0x14450] =	vst v27  }
0x3ff: {  	v24 =	vadd.f32 v24, v6;
	[tilespmem:s23+$0x12590] =	vst v28;
	v27 =	vld [tilespmem:s18+$0x2E0];
	v28 =	vmul.f32 v30, v23  }
0x400: {  	v25 =	vmul.f32 v25, v19;
	[tilespmem:s21+$0x144D0] =	vst v26;
	v53 =	vld [tilespmem:s22+$0x20];
	v30 =	vadd.f32 v33, v13  }
0x401: {  	[tilespmem:s21+$0x14550] =	vst v24;
	v26 =	vmul.f32 v50, v21;
	v54 =	vld [tilespmem:s18+$0x2E0];
	v24 =	vadd.f32 v28, v22  }
0x402: {  	v25 =	vadd.f32 v25, v15;
	[tilespmem:s23+$0x12410] =	vst v30;
	v28 =	vld [tilespmem:s18+$0x2E0];
	v30 =	vmul.f32 v31, v8  }
0x403: {  	v26 =	vadd.f32 v26, v20;
	v34 =	vmul.f32 v52, v18;
	v31 =	vld [tilespmem:s22+$0x20];
	[tilespmem:s20+$0x185C0] =	vst v24  }
0x404: {  	[tilespmem:s23+$0x12490] =	vst v25;
	v24 =	vmul.f32 v27, v10;
	v25 =	vadd.f32 v30, v4;
	v27 =	vld [tilespmem:s18+$0x3D0]  }
0x405: {  	[tilespmem:s20+$0x18410] =	vst v26;
	v34 =	vadd.f32 v34, v17;
	v30 =	vld [tilespmem:s22+$0x20];
	v33 =	vmul.f32 v53, v14  }
0x406: {  	v26 =	vmul.f32 v54, v9;
	v24 =	vadd.f32 v24, v7;
	[tilespmem:s21+$0x145F0] =	vst v25;
	v25 =	vld [tilespmem:s18+$0x390]  }
0x407: {  	[tilespmem:s23+$0x12510] =	vst v34;
	v55 =	vadd.f32 v33, v12;
	v28 =	vmul.f32 v28, v11;
	v56 =	vld [tilespmem:s18+$0x300]  }
0x408: {  	v34 =	vld [tilespmem:s22+$0x20];
	v31 =	vmul.f32 v31, v16;
	[tilespmem:s21+$0x14460] =	vst v24;
	v24 =	vadd.f32 v26, v5  }
0x409: {  	[tilespmem:s23+$0x125A0] =	vst v55;
	v26 =	vld [tilespmem:s18+$0x2F0];
	v28 =	vadd.f32 v28, v6;
	v27 =	vmul.f32 v27, v23  }
0x40a: {  	v30 =	vmul.f32 v30, v19;
	v32 =	vld [tilespmem:s22+$0x30];
	v31 =	vadd.f32 v31, v13;
	[tilespmem:s21+$0x144E0] =	vst v24  }
0x40b: {  	v24 =	vmul.f32 v29, v2;
	v29 =	vld [tilespmem:s18+$0x2F0];
	[tilespmem:s21+$0x14560] =	vst v28;
	v27 =	vadd.f32 v27, v22  }
0x40c: {  	v28 =	vadd.f32 v30, v15;
	[tilespmem:s23+$0x12420] =	vst v31;
	v30 =	vld [tilespmem:s18+$0x2F0];
	v31 =	vmul.f32 v56, v8  }
0x40d: {  	v34 =	vmul.f32 v34, v18;
	v24 =	vadd.f32 v24, v1;
	v57 =	vld [tilespmem:s22+$0x30];
	[tilespmem:s20+$0x185D0] =	vst v27  }
0x40e: {  	[tilespmem:s23+$0x124A0] =	vst v28;
	v26 =	vmul.f32 v26, v10;
	v27 =	vadd.f32 v31, v4;
	v28 =	vld [tilespmem:s18+$0x3E0]  }
0x40f: {  	v34 =	vadd.f32 v34, v17;
	v31 =	vld [tilespmem:s22+$0x30];
	v32 =	vmul.f32 v32, v14;
	[tilespmem:s20+$0x18490] =	vst v24  }
0x410: {  	v24 =	vadd.f32 v26, v7;
	v26 =	vmul.f32 v29, v9;
	[tilespmem:s21+$0x16580] =	vst v27;
	v27 =	vld [tilespmem:s18+$0x3A0]  }
0x411: {  	[tilespmem:s23+$0x12520] =	vst v34;
	v29 =	vadd.f32 v32, v12;
	v30 =	vmul.f32 v30, v11;
	v58 =	vld [tilespmem:s18+$0x310]  }
0x412: {  	v34 =	vld [tilespmem:s22+$0x30];
	v33 =	vmul.f32 v57, v16;
	[tilespmem:s21+$0x14470] =	vst v24;
	v24 =	vadd.f32 v26, v5  }
0x413: {  	[tilespmem:s23+$0x125B0] =	vst v29;
	v26 =	vld [tilespmem:s18+$0x300];
	v29 =	vadd.f32 v30, v6;
	v28 =	vmul.f32 v28, v23  }
0x414: {  	v31 =	vmul.f32 v31, v19;
	v59 =	vld [tilespmem:s22+$0x40];
	v30 =	vadd.f32 v33, v13;
	[tilespmem:s21+$0x144F0] =	vst v24  }
0x415: {  	v24 =	vmul.f32 v25, v3;
	v25 =	vld [tilespmem:s18+$0x300];
	[tilespmem:s21+$0x14570] =	vst v29;
	v28 =	vadd.f32 v28, v22  }
0x416: {  	v29 =	vadd.f32 v31, v15;
	[tilespmem:s23+$0x12430] =	vst v30;
	v30 =	vld [tilespmem:s18+$0x300];
	v31 =	vmul.f32 v58, v8  }
0x417: {  	v34 =	vmul.f32 v34, v18;
	v24 =	vadd.f32 v24, v0;
	v60 =	vld [tilespmem:s22+$0x40];
	[tilespmem:s20+$0x185E0] =	vst v28  }
0x418: {  	[tilespmem:s23+$0x124B0] =	vst v29;
	v26 =	vmul.f32 v26, v10;
	v28 =	vadd.f32 v31, v4;
	v29 =	vld [tilespmem:s18+$0x3F0]  }
0x419: {  	v34 =	vadd.f32 v34, v17;
	v31 =	vld [tilespmem:s22+$0x40];
	v33 =	vmul.f32 v59, v14;
	[tilespmem:s20+$0x18510] =	vst v24  }
0x41a: {  	v24 =	vadd.f32 v26, v7;
	v25 =	vmul.f32 v25, v9;
	[tilespmem:s21+$0x16590] =	vst v28;
	v26 =	vld [tilespmem:s18+$0x3A0]  }
0x41b: {  	[tilespmem:s23+$0x12530] =	vst v34;
	v28 =	vadd.f32 v33, v12;
	v30 =	vmul.f32 v30, v11;
	v61 =	vld [tilespmem:s18+$0x320]  }
0x41c: {  	v34 =	vld [tilespmem:s22+$0x40];
	v32 =	vmul.f32 v60, v16;
	[tilespmem:s21+$0x16400] =	vst v24;
	v24 =	vadd.f32 v25, v5  }
0x41d: {  	[tilespmem:s23+$0x125C0] =	vst v28;
	v25 =	vld [tilespmem:s18+$0x310];
	v28 =	vadd.f32 v30, v6;
	v23 =	vmul.f32 v29, v23  }
0x41e: {  	v30 =	vmul.f32 v31, v19;
	v31 =	vld [tilespmem:s22+$0x50];
	v29 =	vadd.f32 v32, v13;
	[tilespmem:s21+$0x16480] =	vst v24  }
0x41f: {  	v24 =	vmul.f32 v27, v21;
	v27 =	vld [tilespmem:s18+$0x310];
	[tilespmem:s21+$0x16500] =	vst v28;
	v22 =	vadd.f32 v23, v22  }
0x420: {  	[tilespmem:s23+$0x12440] =	vst v29;
	v23 =	vadd.f32 v30, v15;
	v28 =	vld [tilespmem:s18+$0x310];
	v29 =	vmul.f32 v61, v8  }
0x421: {  	v62 =	vmul.f32 v34, v18;
	v24 =	vadd.f32 v24, v20;
	v30 =	vld [tilespmem:s22+$0x50];
	[tilespmem:s20+$0x185F0] =	vst v22  }
0x422: {  	[tilespmem:s23+$0x124C0] =	vst v23;
	v22 =	vmul.f32 v25, v10;
	v23 =	vadd.f32 v29, v4;
	v25 =	vld [tilespmem:s18+$0x3A0]  }
0x423: {  	v32 =	vadd.f32 v62, v17;
	v31 =	vmul.f32 v31, v14;
	[tilespmem:s20+$0x18420] =	vst v24;
	v29 =	vld [tilespmem:s22+$0x50]  }
0x424: {  	v22 =	vadd.f32 v22, v7;
	v24 =	vmul.f32 v27, v9;
	[tilespmem:s21+$0x165A0] =	vst v23;
	v23 =	vld [tilespmem:s18+$0x3B0]  }
0x425: {  	[tilespmem:s23+$0x12540] =	vst v32;
	v27 =	vadd.f32 v31, v12;
	v28 =	vmul.f32 v28, v11;
	v31 =	vld [tilespmem:s18+$0x330]  }
0x426: {  	v32 =	vld [tilespmem:s22+$0x50];
	v30 =	vmul.f32 v30, v16;
	[tilespmem:s21+$0x16410] =	vst v22;
	v22 =	vadd.f32 v24, v5  }
0x427: {  	v24 =	vmul.f32 v26, v2;
	[tilespmem:s23+$0x125D0] =	vst v27;
	v26 =	vld [tilespmem:s18+$0x320];
	v27 =	vadd.f32 v28, v6  }
0x428: {  	v28 =	vadd.f32 v30, v13;
	v29 =	vmul.f32 v29, v19;
	v30 =	vld [tilespmem:s22+$0x60];
	[tilespmem:s21+$0x16490] =	vst v22  }
0x429: {  	v22 =	vadd.f32 v24, v1;
	v24 =	vmul.f32 v25, v3;
	v25 =	vld [tilespmem:s18+$0x320];
	[tilespmem:s21+$0x16510] =	vst v27  }
0x42a: {  	[tilespmem:s23+$0x12450] =	vst v28;
	v27 =	vadd.f32 v29, v15;
	v28 =	vld [tilespmem:s18+$0x320];
	v29 =	vmul.f32 v31, v8  }
0x42b: {  	v32 =	vmul.f32 v32, v18;
	v24 =	vadd.f32 v24, v0;
	[tilespmem:s20+$0x184A0] =	vst v22;
	v31 =	vld [tilespmem:s22+$0x60]  }
0x42c: {  	[tilespmem:s23+$0x124D0] =	vst v27;
	v22 =	vmul.f32 v26, v10;
	v26 =	vadd.f32 v29, v4;
	v27 =	vld [tilespmem:s18+$0x3B0]  }
0x42d: {  	v32 =	vadd.f32 v32, v17;
	[tilespmem:s20+$0x18520] =	vst v24;
	v29 =	vld [tilespmem:s22+$0x60];
	v30 =	vmul.f32 v30, v14  }
0x42e: {  	v22 =	vadd.f32 v22, v7;
	v24 =	vmul.f32 v25, v9;
	[tilespmem:s21+$0x165B0] =	vst v26;
	v25 =	vld [tilespmem:s18+$0x3B0]  }
0x42f: {  	[tilespmem:s23+$0x12550] =	vst v32;
	v26 =	vadd.f32 v30, v12;
	v28 =	vmul.f32 v28, v11;
	v30 =	vld [tilespmem:s18+$0x340]  }
0x430: {  	v32 =	vld [tilespmem:s22+$0x60];
	v31 =	vmul.f32 v31, v16;
	[tilespmem:s21+$0x16420] =	vst v22;
	v22 =	vadd.f32 v24, v5  }
0x431: {  	v23 =	vmul.f32 v23, v21;
	[tilespmem:s23+$0x125E0] =	vst v26;
	v24 =	vld [tilespmem:s18+$0x330];
	v26 =	vadd.f32 v28, v6  }
0x432: {  	v28 =	vadd.f32 v31, v13;
	v29 =	vmul.f32 v29, v19;
	v31 =	vld [tilespmem:s22+$0x70];
	[tilespmem:s21+$0x164A0] =	vst v22  }
0x433: {  	v22 =	vadd.f32 v23, v20;
	v23 =	vmul.f32 v27, v2;
	v27 =	vld [tilespmem:s18+$0x330];
	[tilespmem:s21+$0x16520] =	vst v26  }
0x434: {  	[tilespmem:s23+$0x12460] =	vst v28;
	v26 =	vadd.f32 v29, v15;
	v28 =	vld [tilespmem:s18+$0x330];
	v29 =	vmul.f32 v30, v8  }
0x435: {  	v32 =	vmul.f32 v32, v18;
	v23 =	vadd.f32 v23, v1;
	[tilespmem:s20+$0x18430] =	vst v22;
	v30 =	vld [tilespmem:s22+$0x70]  }
0x436: {  	[tilespmem:s23+$0x124E0] =	vst v26;
	v22 =	vmul.f32 v24, v10;
	v24 =	vadd.f32 v29, v4;
	v26 =	vld [tilespmem:s18+$0x3C0]  }
0x437: {  	v32 =	vadd.f32 v32, v17;
	[tilespmem:s20+$0x184B0] =	vst v23;
	v29 =	vld [tilespmem:s22+$0x70];
	v31 =	vmul.f32 v31, v14  }
0x438: {  	v22 =	vadd.f32 v22, v7;
	v23 =	vmul.f32 v27, v9;
	[tilespmem:s21+$0x165C0] =	vst v24;
	v24 =	vld [tilespmem:s18+$0x3C0]  }
0x439: {  	[tilespmem:s23+$0x12560] =	vst v32;
	v27 =	vadd.f32 v31, v12;
	v28 =	vmul.f32 v28, v11;
	v31 =	vld [tilespmem:s18+$0x350]  }
0x43a: {  	v32 =	vld [tilespmem:s22+$0x70];
	v30 =	vmul.f32 v30, v16;
	[tilespmem:s21+$0x16430] =	vst v22;
	v22 =	vadd.f32 v23, v5  }
0x43b: {  	v23 =	vmul.f32 v25, v3;
	[tilespmem:s23+$0x125F0] =	vst v27;
	v25 =	vld [tilespmem:s18+$0x340];
	v27 =	vadd.f32 v28, v6  }
0x43c: {  	v28 =	vadd.f32 v30, v13;
	v29 =	vmul.f32 v29, v19;
	v30 =	vld [tilespmem:s18+$0x280];
	[tilespmem:s21+$0x164B0] =	vst v22  }
0x43d: {  	v22 =	vadd.f32 v23, v0;
	v23 =	vmul.f32 v26, v21;
	v26 =	vld [tilespmem:s18+$0x340];
	[tilespmem:s21+$0x16530] =	vst v27  }
0x43e: {  	[tilespmem:s23+$0x12470] =	vst v28;
	v27 =	vadd.f32 v29, v15;
	v28 =	vld [tilespmem:s18+$0x340];
	v29 =	vmul.f32 v31, v8  }
0x43f: {  	v32 =	vmul.f32 v32, v18;
	v23 =	vadd.f32 v23, v20;
	[tilespmem:s20+$0x18530] =	vst v22;
	v31 =	vld [tilespmem:s18+$0x280]  }
0x440: {  	[tilespmem:s23+$0x124F0] =	vst v27;
	v22 =	vmul.f32 v25, v10;
	v25 =	vadd.f32 v29, v4;
	v27 =	vld [tilespmem:s18+$0x3C0]  }
0x441: {  	v32 =	vadd.f32 v32, v17;
	[tilespmem:s20+$0x18440] =	vst v23;
	v29 =	vld [tilespmem:s18+$0x280];
	v30 =	vmul.f32 v30, v14  }
0x442: {  	v22 =	vadd.f32 v22, v7;
	v23 =	vmul.f32 v26, v9;
	[tilespmem:s21+$0x165D0] =	vst v25;
	v25 =	vld [tilespmem:s18+$0x3D0]  }
0x443: {  	[tilespmem:s23+$0x12570] =	vst v32;
	v26 =	vadd.f32 v30, v12;
	v28 =	vmul.f32 v28, v11;
	v30 =	vld [tilespmem:s18+$0x360]  }
0x444: {  	v32 =	vld [tilespmem:s18+$0x280];
	v31 =	vmul.f32 v31, v16;
	[tilespmem:s21+$0x16440] =	vst v22;
	v22 =	vadd.f32 v23, v5  }
0x445: {  	v23 =	vmul.f32 v24, v2;
	[tilespmem:s23+$0x14580] =	vst v26;
	v24 =	vld [tilespmem:s18+$0x350];
	v26 =	vadd.f32 v28, v6  }
0x446: {  	v28 =	vadd.f32 v31, v13;
	v29 =	vmul.f32 v29, v19;
	v31 =	vld [tilespmem:s18+$0x290];
	[tilespmem:s21+$0x164C0] =	vst v22  }
0x447: {  	v22 =	vadd.f32 v23, v1;
	v23 =	vmul.f32 v27, v3;
	v27 =	vld [tilespmem:s18+$0x350];
	[tilespmem:s21+$0x16540] =	vst v26  }
0x448: {  	[tilespmem:s23+$0x14400] =	vst v28;
	v26 =	vadd.f32 v29, v15;
	v28 =	vld [tilespmem:s18+$0x350];
	v29 =	vmul.f32 v30, v8  }
0x449: {  	v32 =	vmul.f32 v32, v18;
	v23 =	vadd.f32 v23, v0;
	[tilespmem:s20+$0x184C0] =	vst v22;
	v30 =	vld [tilespmem:s18+$0x290]  }
0x44a: {  	[tilespmem:s23+$0x14480] =	vst v26;
	v22 =	vmul.f32 v24, v10;
	v24 =	vadd.f32 v29, v4;
	v26 =	vld [tilespmem:s18+$0x3D0]  }
0x44b: {  	v32 =	vadd.f32 v32, v17;
	[tilespmem:s20+$0x18540] =	vst v23;
	v29 =	vld [tilespmem:s18+$0x290];
	v31 =	vmul.f32 v31, v14  }
0x44c: {  	v22 =	vadd.f32 v22, v7;
	v23 =	vmul.f32 v27, v9;
	[tilespmem:s21+$0x165E0] =	vst v24;
	v24 =	vld [tilespmem:s18+$0x3D0]  }
0x44d: {  	[tilespmem:s23+$0x14500] =	vst v32;
	v27 =	vadd.f32 v31, v12;
	v28 =	vmul.f32 v28, v11;
	v31 =	vld [tilespmem:s18+$0x370]  }
0x44e: {  	v32 =	vld [tilespmem:s18+$0x290];
	v30 =	vmul.f32 v30, v16;
	[tilespmem:s21+$0x16450] =	vst v22;
	v22 =	vadd.f32 v23, v5  }
0x44f: {  	v23 =	vmul.f32 v25, v21;
	[tilespmem:s23+$0x14590] =	vst v27;
	v25 =	vld [tilespmem:s18+$0x360];
	v27 =	vadd.f32 v28, v6  }
0x450: {  	v28 =	vadd.f32 v30, v13;
	v29 =	vmul.f32 v29, v19;
	v30 =	vld [tilespmem:s18+$0x2A0];
	[tilespmem:s21+$0x164D0] =	vst v22  }
0x451: {  	v22 =	vadd.f32 v23, v20;
	v23 =	vmul.f32 v26, v2;
	v26 =	vld [tilespmem:s18+$0x360];
	[tilespmem:s21+$0x16550] =	vst v27  }
0x452: {  	[tilespmem:s23+$0x14410] =	vst v28;
	v27 =	vadd.f32 v29, v15;
	v28 =	vld [tilespmem:s18+$0x360];
	v29 =	vmul.f32 v31, v8  }
0x453: {  	v32 =	vmul.f32 v32, v18;
	v23 =	vadd.f32 v23, v1;
	[tilespmem:s20+$0x18450] =	vst v22;
	v31 =	vld [tilespmem:s18+$0x2A0]  }
0x454: {  	[tilespmem:s23+$0x14490] =	vst v27;
	v22 =	vmul.f32 v25, v10;
	v25 =	vadd.f32 v29, v4;
	v27 =	vld [tilespmem:s18+$0x3E0]  }
0x455: {  	v32 =	vadd.f32 v32, v17;
	[tilespmem:s20+$0x184D0] =	vst v23;
	v29 =	vld [tilespmem:s18+$0x2A0];
	v30 =	vmul.f32 v30, v14  }
0x456: {  	v22 =	vadd.f32 v22, v7;
	v23 =	vmul.f32 v26, v9;
	[tilespmem:s21+$0x165F0] =	vst v25;
	v25 =	vld [tilespmem:s18+$0x3E0]  }
0x457: {  	[tilespmem:s23+$0x14510] =	vst v32;
	v26 =	vadd.f32 v30, v12;
	v28 =	vmul.f32 v28, v11;
	v30 =	vld [tilespmem:s18+$0x380]  }
0x458: {  	v32 =	vld [tilespmem:s18+$0x2A0];
	v31 =	vmul.f32 v31, v16;
	[tilespmem:s21+$0x16460] =	vst v22;
	v22 =	vadd.f32 v23, v5  }
0x459: {  	v23 =	vmul.f32 v24, v3;
	[tilespmem:s23+$0x145A0] =	vst v26;
	v24 =	vld [tilespmem:s18+$0x370];
	v26 =	vadd.f32 v28, v6  }
0x45a: {  	v28 =	vadd.f32 v31, v13;
	v29 =	vmul.f32 v29, v19;
	v31 =	vld [tilespmem:s18+$0x2B0];
	[tilespmem:s21+$0x164E0] =	vst v22  }
0x45b: {  	v22 =	vadd.f32 v23, v0;
	v23 =	vmul.f32 v27, v21;
	v27 =	vld [tilespmem:s18+$0x370];
	[tilespmem:s21+$0x16560] =	vst v26  }
0x45c: {  	[tilespmem:s23+$0x14420] =	vst v28;
	v26 =	vadd.f32 v29, v15;
	v28 =	vld [tilespmem:s18+$0x370];
	v29 =	vmul.f32 v30, v8  }
0x45d: {  	v32 =	vmul.f32 v32, v18;
	v23 =	vadd.f32 v23, v20;
	[tilespmem:s20+$0x18550] =	vst v22;
	v30 =	vld [tilespmem:s18+$0x2B0]  }
0x45e: {  	[tilespmem:s23+$0x144A0] =	vst v26;
	v22 =	vmul.f32 v24, v10;
	v24 =	vadd.f32 v29, v4;
	v26 =	vld [tilespmem:s18+$0x3E0]  }
0x45f: {  	v32 =	vadd.f32 v32, v17;
	[tilespmem:s20+$0x18460] =	vst v23;
	v29 =	vld [tilespmem:s18+$0x2B0];
	v31 =	vmul.f32 v31, v14  }
0x460: {  	v22 =	vadd.f32 v22, v7;
	v23 =	vmul.f32 v27, v9;
	[tilespmem:s21+$0x18580] =	vst v24;
	v24 =	vld [tilespmem:s18+$0x3F0]  }
0x461: {  	[tilespmem:s23+$0x14520] =	vst v32;
	v27 =	vadd.f32 v31, v12;
	v28 =	vmul.f32 v28, v11;
	v31 =	vld [tilespmem:s18+$0x390]  }
0x462: {  	v32 =	vld [tilespmem:s18+$0x2B0];
	v30 =	vmul.f32 v30, v16;
	[tilespmem:s21+$0x16470] =	vst v22;
	v22 =	vadd.f32 v23, v5  }
0x463: {  	v23 =	vmul.f32 v25, v2;
	[tilespmem:s23+$0x145B0] =	vst v27;
	v25 =	vld [tilespmem:s18+$0x380];
	v27 =	vadd.f32 v28, v6  }
0x464: {  	v28 =	vadd.f32 v30, v13;
	v29 =	vmul.f32 v29, v19;
	v30 =	vld [tilespmem:s18+$0x2C0];
	[tilespmem:s21+$0x164F0] =	vst v22  }
0x465: {  	v22 =	vadd.f32 v23, v1;
	v23 =	vmul.f32 v26, v3;
	v26 =	vld [tilespmem:s18+$0x380];
	[tilespmem:s21+$0x16570] =	vst v27  }
0x466: {  	[tilespmem:s23+$0x14430] =	vst v28;
	v28 =	vadd.f32 v29, v15;
	v63 =	vld [tilespmem:s18+$0x380];
	v29 =	vmul.f32 v31, v8  }
0x467: {  	v23 =	vadd.f32 v23, v0;
	v31 =	vmul.f32 v32, v18;
	[tilespmem:s20+$0x184E0] =	vst v22;
	v27 =	vld [tilespmem:s18+$0x2C0]  }
0x468: {  	v21 =	vmul.f32 v24, v21;
	v22 =	vld [tilespmem:s18+$0x3F0];
	[tilespmem:s23+$0x144B0] =	vst v28;
	v24 =	vmul.f32 v25, v10;
	v25 =	vadd.f32 v29, v4  }
0x469: {  	v29 =	vadd.f32 v31, v17;
	[tilespmem:s20+$0x18560] =	vst v23;
	v28 =	vld [tilespmem:s18+$0x2C0];
	v30 =	vmul.f32 v30, v14  }
0x46a: {  	v21 =	vadd.f32 v21, v20;
	v20 =	vld [tilespmem:s18+$0x3F0];
	v23 =	vadd.f32 v24, v7;
	[tilespmem:s21+$0x18590] =	vst v25;
	v25 =	vmul.f32 v26, v9  }
0x46b: {  	s24 =	simm.s32 $0x8;
	s25 =	simm.s32 $0x1800;
	[tilespmem:s23+$0x14530] =	vst v29;
	v29 =	vadd.f32 v30, v12;
	v26 =	vmul.f32 v63, v11;
	v24 =	vld [tilespmem:s18+$0x3A0]  }
.LBB2_5:
0x46c: {  	s26 =	sshra.s32 s25, $0x2;
	v27 =	vmul.f32 v27, v16;
	v30 =	vld [tilespmem:s18+$0x2C0];
	[tilespmem:s21+$0x18400] =	vst v23;
	v25 =	vadd.f32 v25, v5  }
0x46d: {  	v23 =	vld [tilespmem:s26+$0x6580];
	[tilespmem:s23+$0x145C0] =	vst v29;
	v26 =	vadd.f32 v26, v6;
	v22 =	vmul.f32 v22, v2;
	v2 =	vmovc v9;
	v9 =	vmov v19  }
0x46e: {  	s24 =	sadd.s32 $0x4, s24;
	v19 =	vadd.f32 v27, v13;
	v27 =	vmul.f32 v28, v9;
	v28 =	vld [tilespmem:s18+$0x2D0];
	[tilespmem:s21+$0x18480] =	vst v25  }
0x46f: {  	p0 =	slt.u32 s24, $0x3C;
	v25 =	vld [tilespmem:s26+$0x8580];
	[tilespmem:s21+$0x18500] =	vst v26;
	v22 =	vadd.f32 v22, v1;
	v26 =	vmul.f32 v20, v3;
	v1 =	vmovc v5;
	v5 =	vmov v15  }
0x470: {  	v3 =	vmovc v11;
	v11 =	vmov v18;
	v20 =	vld [tilespmem:s26+$0x6400];
	[tilespmem:s23+$0x14440] =	vst v19;
	v15 =	vadd.f32 v27, v5;
	v19 =	vmul.f32 v24, v8  }
0x471: {  	v24 =	vld [tilespmem:s22+$0x0];
	v18 =	vmul.f32 v30, v11;
	[tilespmem:s20+$0x18470] =	vst v21;
	v21 =	vadd.f32 v26, v0;
	v0 =	vmovc v6;
	v6 =	vmov v17  }
0x472: {  	v26 =	vld [tilespmem:s26+$0x8400];
	[tilespmem:s23+$0x144C0] =	vst v15;
	v17 =	vadd.f32 v19, v4  }
0x473: {  	v15 =	vld [tilespmem:s26+$0x6480];
	v18 =	vadd.f32 v18, v6;
	v19 =	vmul.f32 v28, v14;
	[tilespmem:s20+$0x184F0] =	vst v22  }
0x474: {  	v27 =	vld [tilespmem:s26+$0x8480];
	v22 =	vsub.f32 v25, v23;
	[tilespmem:s21+$0x185A0] =	vst v17  }
0x475: {  	[tilespmem:s23+$0x14540] =	vst v18;
	v18 =	vadd.f32 v19, v12;
	v25 =	vld [tilespmem:s18+$0x3B0]  }
0x476: {  	v17 =	vld [tilespmem:s26+$0x6500];
	v19 =	vmul.f32 v22, v24;
	[tilespmem:s20+$0x18570] =	vst v21;
	s20 =	smov.u32 s21;
	s21 =	smov.u32 s23;
	s23 =	smov.u32 s26  }
0x477: {  	v21 =	vsub.f32 v26, v20;
	v26 =	vld [tilespmem:s23+$0x8500];
	[tilespmem:s21+$0x145D0] =	vst v18  }
0x478: {  	v18 =	vadd.f32 v19, v23;
	v28 =	vld [tilespmem:s18+$0x2E0]  }
0x479: {  	v29 =	vmul.f32 v21, v24;
	v19 =	vsub.f32 v27, v15;
	v27 =	vld [tilespmem:s18+$0x2D0]  }
0x47a: {  	[tilespmem:s23+$0x12580] =	vst v18;
	v30 =	vld [tilespmem:s18+$0x2D0];
	v25 =	vmul.f32 v25, v8  }
0x47b: {  	v29 =	vadd.f32 v29, v20;
	v31 =	vmul.f32 v19, v24;
	v32 =	vld [tilespmem:s22+$0x10]  }
0x47c: {  	v18 =	vsub.f32 v26, v17;
	v26 =	vld [tilespmem:s18+$0x2D0];
	v25 =	vadd.f32 v25, v4  }
0x47d: {  	[tilespmem:s23+$0x12400] =	vst v29;
	v29 =	vadd.f32 v31, v15;
	v28 =	vmul.f32 v28, v14;
	v31 =	vld [tilespmem:s18+$0x390]  }
0x47e: {  	v33 =	vld [tilespmem:s22+$0x10];
	v24 =	vmul.f32 v18, v24;
	v27 =	vmul.f32 v27, v16;
	[tilespmem:s20+$0x185B0] =	vst v25  }
0x47f: {  	[tilespmem:s23+$0x12480] =	vst v29;
	v25 =	vmul.f32 v30, v9;
	v28 =	vadd.f32 v28, v12;
	v29 =	vld [tilespmem:s18+$0x3C0]  }
0x480: {  	v30 =	vld [tilespmem:s22+$0x10];
	v24 =	vadd.f32 v24, v17;
	v32 =	vmul.f32 v32, v22;
	v27 =	vadd.f32 v27, v13  }
0x481: {  	v25 =	vadd.f32 v25, v5;
	v26 =	vmul.f32 v26, v11;
	[tilespmem:s21+$0x145E0] =	vst v28;
	v28 =	vld [tilespmem:s18+$0x390]  }
0x482: {  	[tilespmem:s23+$0x12500] =	vst v24;
	v24 =	vadd.f32 v32, v23;
	v32 =	vld [tilespmem:s18+$0x2F0];
	v31 =	vmul.f32 v31, v10  }
0x483: {  	v33 =	vmul.f32 v33, v21;
	v34 =	vld [tilespmem:s22+$0x10];
	[tilespmem:s21+$0x14450] =	vst v27;
	v26 =	vadd.f32 v26, v6  }
0x484: {  	[tilespmem:s23+$0x12590] =	vst v24;
	v24 =	vld [tilespmem:s18+$0x2E0];
	v27 =	vadd.f32 v31, v7;
	v29 =	vmul.f32 v29, v8  }
0x485: {  	v31 =	vadd.f32 v33, v20;
	v30 =	vmul.f32 v30, v19;
	v33 =	vld [tilespmem:s22+$0x20];
	[tilespmem:s21+$0x144D0] =	vst v25  }
0x486: {  	v25 =	vld [tilespmem:s18+$0x2E0];
	[tilespmem:s21+$0x14550] =	vst v26;
	v26 =	vmul.f32 v28, v2;
	v28 =	vadd.f32 v29, v4  }
0x487: {  	[tilespmem:s23+$0x12410] =	vst v31;
	v29 =	vadd.f32 v30, v15;
	v30 =	vld [tilespmem:s18+$0x2E0];
	v31 =	vmul.f32 v32, v14  }
0x488: {  	v32 =	vld [tilespmem:s22+$0x20];
	v34 =	vmul.f32 v34, v18;
	v26 =	vadd.f32 v26, v1;
	[tilespmem:s20+$0x185C0] =	vst v28  }
0x489: {  	[tilespmem:s23+$0x12490] =	vst v29;
	v24 =	vmul.f32 v24, v16;
	v28 =	vadd.f32 v31, v12;
	v29 =	vld [tilespmem:s18+$0x3D0]  }
0x48a: {  	v31 =	vld [tilespmem:s22+$0x20];
	v34 =	vadd.f32 v34, v17;
	v33 =	vmul.f32 v33, v22;
	[tilespmem:s20+$0x18410] =	vst v27  }
0x48b: {  	v24 =	vadd.f32 v24, v13;
	v25 =	vmul.f32 v25, v9;
	[tilespmem:s21+$0x145F0] =	vst v28;
	v27 =	vld [tilespmem:s18+$0x390]  }
0x48c: {  	[tilespmem:s23+$0x12510] =	vst v34;
	v28 =	vadd.f32 v33, v23;
	v30 =	vmul.f32 v30, v11;
	v33 =	vld [tilespmem:s18+$0x300]  }
0x48d: {  	v32 =	vmul.f32 v32, v21;
	v34 =	vld [tilespmem:s22+$0x20];
	[tilespmem:s21+$0x14460] =	vst v24;
	v24 =	vadd.f32 v25, v5  }
0x48e: {  	[tilespmem:s23+$0x125A0] =	vst v28;
	v25 =	vld [tilespmem:s18+$0x2F0];
	v28 =	vadd.f32 v30, v6;
	v29 =	vmul.f32 v29, v8  }
0x48f: {  	v30 =	vadd.f32 v32, v20;
	v31 =	vmul.f32 v31, v19;
	v32 =	vld [tilespmem:s22+$0x30];
	[tilespmem:s21+$0x144E0] =	vst v24  }
0x490: {  	v24 =	vld [tilespmem:s18+$0x2F0];
	[tilespmem:s21+$0x14560] =	vst v28;
	v27 =	vmul.f32 v27, v3;
	v28 =	vadd.f32 v29, v4  }
0x491: {  	[tilespmem:s23+$0x12420] =	vst v30;
	v29 =	vadd.f32 v31, v15;
	v30 =	vld [tilespmem:s18+$0x2F0];
	v31 =	vmul.f32 v33, v14  }
0x492: {  	v33 =	vld [tilespmem:s22+$0x30];
	v34 =	vmul.f32 v34, v18;
	v27 =	vadd.f32 v27, v0;
	[tilespmem:s20+$0x185D0] =	vst v28  }
0x493: {  	[tilespmem:s23+$0x124A0] =	vst v29;
	v25 =	vmul.f32 v25, v16;
	v28 =	vadd.f32 v31, v12;
	v29 =	vld [tilespmem:s18+$0x3E0]  }
0x494: {  	v31 =	vld [tilespmem:s22+$0x30];
	v34 =	vadd.f32 v34, v17;
	v32 =	vmul.f32 v32, v22;
	[tilespmem:s20+$0x18490] =	vst v26  }
0x495: {  	v25 =	vadd.f32 v25, v13;
	v24 =	vmul.f32 v24, v9;
	[tilespmem:s21+$0x16580] =	vst v28;
	v26 =	vld [tilespmem:s18+$0x3A0]  }
0x496: {  	[tilespmem:s23+$0x12520] =	vst v34;
	v28 =	vadd.f32 v32, v23;
	v30 =	vmul.f32 v30, v11;
	v32 =	vld [tilespmem:s18+$0x310]  }
0x497: {  	v33 =	vmul.f32 v33, v21;
	v34 =	vld [tilespmem:s22+$0x30];
	[tilespmem:s21+$0x14470] =	vst v25;
	v24 =	vadd.f32 v24, v5  }
0x498: {  	[tilespmem:s23+$0x125B0] =	vst v28;
	v25 =	vld [tilespmem:s18+$0x300];
	v28 =	vadd.f32 v30, v6;
	v29 =	vmul.f32 v29, v8  }
0x499: {  	v30 =	vadd.f32 v33, v20;
	v31 =	vmul.f32 v31, v19;
	v33 =	vld [tilespmem:s22+$0x40];
	[tilespmem:s21+$0x144F0] =	vst v24  }
0x49a: {  	v24 =	vld [tilespmem:s18+$0x300];
	[tilespmem:s21+$0x14570] =	vst v28;
	v26 =	vmul.f32 v26, v10;
	v28 =	vadd.f32 v29, v4  }
0x49b: {  	[tilespmem:s23+$0x12430] =	vst v30;
	v29 =	vadd.f32 v31, v15;
	v30 =	vld [tilespmem:s18+$0x300];
	v31 =	vmul.f32 v32, v14  }
0x49c: {  	v32 =	vld [tilespmem:s22+$0x40];
	v34 =	vmul.f32 v34, v18;
	v26 =	vadd.f32 v26, v7;
	[tilespmem:s20+$0x185E0] =	vst v28  }
0x49d: {  	[tilespmem:s23+$0x124B0] =	vst v29;
	v25 =	vmul.f32 v25, v16;
	v28 =	vadd.f32 v31, v12;
	v29 =	vld [tilespmem:s18+$0x3F0]  }
0x49e: {  	v31 =	vld [tilespmem:s22+$0x40];
	v34 =	vadd.f32 v34, v17;
	v33 =	vmul.f32 v33, v22;
	[tilespmem:s20+$0x18510] =	vst v27  }
0x49f: {  	v25 =	vadd.f32 v25, v13;
	v24 =	vmul.f32 v24, v9;
	[tilespmem:s21+$0x16590] =	vst v28;
	v27 =	vld [tilespmem:s18+$0x3A0]  }
0x4a0: {  	[tilespmem:s23+$0x12530] =	vst v34;
	v28 =	vadd.f32 v33, v23;
	v30 =	vmul.f32 v30, v11;
	v33 =	vld [tilespmem:s18+$0x320]  }
0x4a1: {  	v32 =	vmul.f32 v32, v21;
	v34 =	vld [tilespmem:s22+$0x40];
	[tilespmem:s21+$0x16400] =	vst v25;
	v24 =	vadd.f32 v24, v5  }
0x4a2: {  	[tilespmem:s23+$0x125C0] =	vst v28;
	v25 =	vld [tilespmem:s18+$0x310];
	v28 =	vadd.f32 v30, v6;
	v29 =	vmul.f32 v29, v8;
	v8 =	vmovc v14;
	v14 =	vmov v22  }
0x4a3: {  	v22 =	vadd.f32 v32, v20;
	v30 =	vmul.f32 v31, v19;
	v31 =	vld [tilespmem:s22+$0x50];
	[tilespmem:s21+$0x16480] =	vst v24  }
0x4a4: {  	v24 =	vld [tilespmem:s18+$0x310];
	[tilespmem:s21+$0x16500] =	vst v28;
	v27 =	vmul.f32 v27, v2;
	v28 =	vadd.f32 v29, v4;
	v4 =	vmovc v12;
	v12 =	vmov v23  }
0x4a5: {  	[tilespmem:s23+$0x12440] =	vst v22;
	v22 =	vadd.f32 v30, v15;
	v23 =	vld [tilespmem:s18+$0x310];
	v29 =	vmul.f32 v33, v8  }
0x4a6: {  	v30 =	vld [tilespmem:s22+$0x50];
	v32 =	vmul.f32 v34, v18;
	v27 =	vadd.f32 v27, v1;
	[tilespmem:s20+$0x185F0] =	vst v28  }
0x4a7: {  	[tilespmem:s23+$0x124C0] =	vst v22;
	v22 =	vmul.f32 v25, v16;
	v25 =	vadd.f32 v29, v4;
	v28 =	vld [tilespmem:s18+$0x3A0]  }
0x4a8: {  	v29 =	vld [tilespmem:s22+$0x50];
	v32 =	vadd.f32 v32, v17;
	v31 =	vmul.f32 v31, v14;
	[tilespmem:s20+$0x18420] =	vst v26  }
0x4a9: {  	v22 =	vadd.f32 v22, v13;
	v24 =	vmul.f32 v24, v9;
	[tilespmem:s21+$0x165A0] =	vst v25;
	v25 =	vld [tilespmem:s18+$0x3B0]  }
0x4aa: {  	[tilespmem:s23+$0x12540] =	vst v32;
	v26 =	vadd.f32 v31, v12;
	v23 =	vmul.f32 v23, v11;
	v31 =	vld [tilespmem:s18+$0x330]  }
0x4ab: {  	v30 =	vmul.f32 v30, v21;
	v32 =	vld [tilespmem:s22+$0x50];
	[tilespmem:s21+$0x16410] =	vst v22;
	v22 =	vadd.f32 v24, v5  }
0x4ac: {  	[tilespmem:s23+$0x125D0] =	vst v26;
	v24 =	vld [tilespmem:s18+$0x320];
	v23 =	vadd.f32 v23, v6;
	v26 =	vmul.f32 v28, v3  }
0x4ad: {  	v28 =	vadd.f32 v30, v20;
	v29 =	vmul.f32 v29, v19;
	v30 =	vld [tilespmem:s22+$0x60];
	[tilespmem:s21+$0x16490] =	vst v22  }
0x4ae: {  	v22 =	vld [tilespmem:s18+$0x320];
	[tilespmem:s21+$0x16510] =	vst v23;
	v23 =	vmul.f32 v25, v10;
	v25 =	vadd.f32 v26, v0  }
0x4af: {  	[tilespmem:s23+$0x12450] =	vst v28;
	v26 =	vadd.f32 v29, v15;
	v28 =	vld [tilespmem:s18+$0x320];
	v29 =	vmul.f32 v31, v8  }
0x4b0: {  	v31 =	vld [tilespmem:s22+$0x60];
	v32 =	vmul.f32 v32, v18;
	v23 =	vadd.f32 v23, v7;
	[tilespmem:s20+$0x184A0] =	vst v27  }
0x4b1: {  	[tilespmem:s23+$0x124D0] =	vst v26;
	v24 =	vmul.f32 v24, v16;
	v26 =	vadd.f32 v29, v4;
	v27 =	vld [tilespmem:s18+$0x3B0]  }
0x4b2: {  	v29 =	vld [tilespmem:s22+$0x60];
	v32 =	vadd.f32 v32, v17;
	v30 =	vmul.f32 v30, v14;
	[tilespmem:s20+$0x18520] =	vst v25  }
0x4b3: {  	v24 =	vadd.f32 v24, v13;
	v22 =	vmul.f32 v22, v9;
	[tilespmem:s21+$0x165B0] =	vst v26;
	v25 =	vld [tilespmem:s18+$0x3B0]  }
0x4b4: {  	[tilespmem:s23+$0x12550] =	vst v32;
	v26 =	vadd.f32 v30, v12;
	v28 =	vmul.f32 v28, v11;
	v30 =	vld [tilespmem:s18+$0x340]  }
0x4b5: {  	v31 =	vmul.f32 v31, v21;
	v32 =	vld [tilespmem:s22+$0x60];
	[tilespmem:s21+$0x16420] =	vst v24;
	v22 =	vadd.f32 v22, v5  }
0x4b6: {  	[tilespmem:s23+$0x125E0] =	vst v26;
	v24 =	vld [tilespmem:s18+$0x330];
	v26 =	vadd.f32 v28, v6;
	v27 =	vmul.f32 v27, v2  }
0x4b7: {  	v28 =	vadd.f32 v31, v20;
	v29 =	vmul.f32 v29, v19;
	v31 =	vld [tilespmem:s22+$0x70];
	[tilespmem:s21+$0x164A0] =	vst v22  }
0x4b8: {  	v22 =	vld [tilespmem:s18+$0x330];
	[tilespmem:s21+$0x16520] =	vst v26;
	v26 =	vadd.f32 v27, v1;
	v25 =	vmul.f32 v25, v3  }
0x4b9: {  	[tilespmem:s23+$0x12460] =	vst v28;
	v27 =	vadd.f32 v29, v15;
	v28 =	vld [tilespmem:s18+$0x330];
	v29 =	vmul.f32 v30, v8  }
0x4ba: {  	v30 =	vld [tilespmem:s22+$0x70];
	v32 =	vmul.f32 v32, v18;
	[tilespmem:s20+$0x18430] =	vst v23;
	v23 =	vadd.f32 v25, v0  }
0x4bb: {  	[tilespmem:s23+$0x124E0] =	vst v27;
	v24 =	vmul.f32 v24, v16;
	v25 =	vadd.f32 v29, v4;
	v27 =	vld [tilespmem:s18+$0x3C0]  }
0x4bc: {  	v29 =	vld [tilespmem:s22+$0x70];
	v32 =	vadd.f32 v32, v17;
	v31 =	vmul.f32 v31, v14;
	[tilespmem:s20+$0x184B0] =	vst v26  }
0x4bd: {  	v24 =	vadd.f32 v24, v13;
	v22 =	vmul.f32 v22, v9;
	[tilespmem:s21+$0x165C0] =	vst v25;
	v25 =	vld [tilespmem:s18+$0x3C0]  }
0x4be: {  	[tilespmem:s23+$0x12560] =	vst v32;
	v26 =	vadd.f32 v31, v12;
	v28 =	vmul.f32 v28, v11;
	v31 =	vld [tilespmem:s18+$0x350]  }
0x4bf: {  	v30 =	vmul.f32 v30, v21;
	v32 =	vld [tilespmem:s22+$0x70];
	[tilespmem:s21+$0x16430] =	vst v24;
	v22 =	vadd.f32 v22, v5  }
0x4c0: {  	[tilespmem:s23+$0x125F0] =	vst v26;
	v24 =	vld [tilespmem:s18+$0x340];
	v26 =	vadd.f32 v28, v6;
	v27 =	vmul.f32 v27, v10  }
0x4c1: {  	v28 =	vadd.f32 v30, v20;
	v29 =	vmul.f32 v29, v19;
	v30 =	vld [tilespmem:s18+$0x280];
	[tilespmem:s21+$0x164B0] =	vst v22  }
0x4c2: {  	v22 =	vld [tilespmem:s18+$0x340];
	[tilespmem:s21+$0x16530] =	vst v26;
	v26 =	vadd.f32 v27, v7;
	v25 =	vmul.f32 v25, v2  }
0x4c3: {  	[tilespmem:s23+$0x12470] =	vst v28;
	v27 =	vadd.f32 v29, v15;
	v28 =	vld [tilespmem:s18+$0x340];
	v29 =	vmul.f32 v31, v8  }
0x4c4: {  	v31 =	vld [tilespmem:s18+$0x280];
	v32 =	vmul.f32 v32, v18;
	v25 =	vadd.f32 v25, v1;
	[tilespmem:s20+$0x18530] =	vst v23  }
0x4c5: {  	[tilespmem:s23+$0x124F0] =	vst v27;
	v23 =	vmul.f32 v24, v16;
	v24 =	vadd.f32 v29, v4;
	v27 =	vld [tilespmem:s18+$0x3C0]  }
0x4c6: {  	v29 =	vld [tilespmem:s18+$0x280];
	v32 =	vadd.f32 v32, v17;
	v30 =	vmul.f32 v30, v14;
	[tilespmem:s20+$0x18440] =	vst v26  }
0x4c7: {  	v23 =	vadd.f32 v23, v13;
	v22 =	vmul.f32 v22, v9;
	[tilespmem:s21+$0x165D0] =	vst v24;
	v24 =	vld [tilespmem:s18+$0x3D0]  }
0x4c8: {  	[tilespmem:s23+$0x12570] =	vst v32;
	v26 =	vadd.f32 v30, v12;
	v28 =	vmul.f32 v28, v11;
	v30 =	vld [tilespmem:s18+$0x360]  }
0x4c9: {  	v31 =	vmul.f32 v31, v21;
	v32 =	vld [tilespmem:s18+$0x280];
	[tilespmem:s21+$0x16440] =	vst v23;
	v22 =	vadd.f32 v22, v5  }
0x4ca: {  	[tilespmem:s23+$0x14580] =	vst v26;
	v23 =	vld [tilespmem:s18+$0x350];
	v26 =	vadd.f32 v28, v6;
	v27 =	vmul.f32 v27, v3  }
0x4cb: {  	v28 =	vadd.f32 v31, v20;
	v29 =	vmul.f32 v29, v19;
	v31 =	vld [tilespmem:s18+$0x290];
	[tilespmem:s21+$0x164C0] =	vst v22  }
0x4cc: {  	v22 =	vld [tilespmem:s18+$0x350];
	[tilespmem:s21+$0x16540] =	vst v26;
	v24 =	vmul.f32 v24, v10;
	v26 =	vadd.f32 v27, v0  }
0x4cd: {  	[tilespmem:s23+$0x14400] =	vst v28;
	v27 =	vadd.f32 v29, v15;
	v28 =	vld [tilespmem:s18+$0x350];
	v29 =	vmul.f32 v30, v8  }
0x4ce: {  	v30 =	vld [tilespmem:s18+$0x290];
	v32 =	vmul.f32 v32, v18;
	v24 =	vadd.f32 v24, v7;
	[tilespmem:s20+$0x184C0] =	vst v25  }
0x4cf: {  	[tilespmem:s23+$0x14480] =	vst v27;
	v23 =	vmul.f32 v23, v16;
	v25 =	vadd.f32 v29, v4;
	v27 =	vld [tilespmem:s18+$0x3D0]  }
0x4d0: {  	v29 =	vld [tilespmem:s18+$0x290];
	v32 =	vadd.f32 v32, v17;
	v31 =	vmul.f32 v31, v14;
	[tilespmem:s20+$0x18540] =	vst v26  }
0x4d1: {  	v23 =	vadd.f32 v23, v13;
	v22 =	vmul.f32 v22, v9;
	[tilespmem:s21+$0x165E0] =	vst v25;
	v25 =	vld [tilespmem:s18+$0x3D0]  }
0x4d2: {  	[tilespmem:s23+$0x14500] =	vst v32;
	v26 =	vadd.f32 v31, v12;
	v28 =	vmul.f32 v28, v11;
	v31 =	vld [tilespmem:s18+$0x370]  }
0x4d3: {  	v30 =	vmul.f32 v30, v21;
	v32 =	vld [tilespmem:s18+$0x290];
	[tilespmem:s21+$0x16450] =	vst v23;
	v22 =	vadd.f32 v22, v5  }
0x4d4: {  	[tilespmem:s23+$0x14590] =	vst v26;
	v23 =	vld [tilespmem:s18+$0x360];
	v26 =	vadd.f32 v28, v6;
	v27 =	vmul.f32 v27, v2  }
0x4d5: {  	v28 =	vadd.f32 v30, v20;
	v29 =	vmul.f32 v29, v19;
	v30 =	vld [tilespmem:s18+$0x2A0];
	[tilespmem:s21+$0x164D0] =	vst v22  }
0x4d6: {  	v22 =	vld [tilespmem:s18+$0x360];
	[tilespmem:s21+$0x16550] =	vst v26;
	v26 =	vadd.f32 v27, v1;
	v25 =	vmul.f32 v25, v3  }
0x4d7: {  	[tilespmem:s23+$0x14410] =	vst v28;
	v27 =	vadd.f32 v29, v15;
	v28 =	vld [tilespmem:s18+$0x360];
	v29 =	vmul.f32 v31, v8  }
0x4d8: {  	v31 =	vld [tilespmem:s18+$0x2A0];
	v32 =	vmul.f32 v32, v18;
	[tilespmem:s20+$0x18450] =	vst v24;
	v24 =	vadd.f32 v25, v0  }
0x4d9: {  	[tilespmem:s23+$0x14490] =	vst v27;
	v23 =	vmul.f32 v23, v16;
	v25 =	vadd.f32 v29, v4;
	v27 =	vld [tilespmem:s18+$0x3E0]  }
0x4da: {  	v29 =	vld [tilespmem:s18+$0x2A0];
	v32 =	vadd.f32 v32, v17;
	v30 =	vmul.f32 v30, v14;
	[tilespmem:s20+$0x184D0] =	vst v26  }
0x4db: {  	v23 =	vadd.f32 v23, v13;
	v22 =	vmul.f32 v22, v9;
	[tilespmem:s21+$0x165F0] =	vst v25;
	v25 =	vld [tilespmem:s18+$0x3E0]  }
0x4dc: {  	[tilespmem:s23+$0x14510] =	vst v32;
	v26 =	vadd.f32 v30, v12;
	v28 =	vmul.f32 v28, v11;
	v30 =	vld [tilespmem:s18+$0x380]  }
0x4dd: {  	v31 =	vmul.f32 v31, v21;
	v32 =	vld [tilespmem:s18+$0x2A0];
	[tilespmem:s21+$0x16460] =	vst v23;
	v22 =	vadd.f32 v22, v5  }
0x4de: {  	[tilespmem:s23+$0x145A0] =	vst v26;
	v23 =	vld [tilespmem:s18+$0x370];
	v26 =	vadd.f32 v28, v6;
	v27 =	vmul.f32 v27, v10  }
0x4df: {  	v28 =	vadd.f32 v31, v20;
	v29 =	vmul.f32 v29, v19;
	v31 =	vld [tilespmem:s18+$0x2B0];
	[tilespmem:s21+$0x164E0] =	vst v22  }
0x4e0: {  	v22 =	vld [tilespmem:s18+$0x370];
	[tilespmem:s21+$0x16560] =	vst v26;
	v26 =	vadd.f32 v27, v7;
	v25 =	vmul.f32 v25, v2  }
0x4e1: {  	[tilespmem:s23+$0x14420] =	vst v28;
	v27 =	vadd.f32 v29, v15;
	v28 =	vld [tilespmem:s18+$0x370];
	v29 =	vmul.f32 v30, v8  }
0x4e2: {  	v30 =	vld [tilespmem:s18+$0x2B0];
	v32 =	vmul.f32 v32, v18;
	v25 =	vadd.f32 v25, v1;
	[tilespmem:s20+$0x18550] =	vst v24  }
0x4e3: {  	[tilespmem:s23+$0x144A0] =	vst v27;
	v23 =	vmul.f32 v23, v16;
	v24 =	vadd.f32 v29, v4;
	v27 =	vld [tilespmem:s18+$0x3E0]  }
0x4e4: {  	v29 =	vld [tilespmem:s18+$0x2B0];
	v32 =	vadd.f32 v32, v17;
	v31 =	vmul.f32 v31, v14;
	[tilespmem:s20+$0x18460] =	vst v26  }
0x4e5: {  	v23 =	vadd.f32 v23, v13;
	v22 =	vmul.f32 v22, v9;
	[tilespmem:s21+$0x18580] =	vst v24;
	v24 =	vld [tilespmem:s18+$0x3F0]  }
0x4e6: {  	[tilespmem:s23+$0x14520] =	vst v32;
	v26 =	vadd.f32 v31, v12;
	v28 =	vmul.f32 v28, v11;
	v31 =	vld [tilespmem:s18+$0x390]  }
0x4e7: {  	v30 =	vmul.f32 v30, v21;
	v32 =	vld [tilespmem:s18+$0x2B0];
	[tilespmem:s21+$0x16470] =	vst v23;
	v22 =	vadd.f32 v22, v5  }
0x4e8: {  	[tilespmem:s23+$0x145B0] =	vst v26;
	v23 =	vld [tilespmem:s18+$0x380];
	v26 =	vadd.f32 v28, v6;
	v27 =	vmul.f32 v27, v3  }
0x4e9: {  	v28 =	vadd.f32 v30, v20;
	v29 =	vmul.f32 v29, v19;
	v30 =	vld [tilespmem:s18+$0x2C0];
	[tilespmem:s21+$0x164F0] =	vst v22  }
0x4ea: {  	v33 =	vld [tilespmem:s18+$0x380];
	[tilespmem:s21+$0x16570] =	vst v26;
	v22 =	vmul.f32 v24, v10;
	v24 =	vadd.f32 v27, v0;
	v10 =	vmovc v16;
	v16 =	vmov v21  }
0x4eb: {  	[tilespmem:s23+$0x14430] =	vst v28;
	v26 =	vadd.f32 v29, v15;
	v34 =	vld [tilespmem:s18+$0x380];
	v28 =	vmul.f32 v31, v8  }
.Ltmp1:
0x4ec: {  	v27 =	vld [tilespmem:s18+$0x2C0];
	v29 =	vmul.f32 v32, v18;
	v21 =	vadd.f32 v22, v7;
	[tilespmem:s20+$0x184E0] =	vst v25;
	v7 =	vmovc v13;
	v13 =	vmov v20;
	(pc) =	sbr.rel @p0 .LBB2_5-.Ltmp1, $4  }
0x4ed: {  	[tilespmem:s23+$0x144B0] =	vst v26;
	v20 =	vmul.f32 v23, v10;
	v26 =	vadd.f32 v28, v4;
	v22 =	vld [tilespmem:s18+$0x3F0]  }
0x4ee: {  	v28 =	vld [tilespmem:s18+$0x2C0];
	v29 =	vadd.f32 v29, v17;
	v30 =	vmul.f32 v30, v14;
	[tilespmem:s20+$0x18560] =	vst v24  }
0x4ef: {  	v23 =	vadd.f32 v20, v7;
	v25 =	vmul.f32 v33, v9;
	[tilespmem:s21+$0x18590] =	vst v26;
	v20 =	vld [tilespmem:s18+$0x3F0]  }
0x4f0: {  	s25 =	sadd.s32 $0x800, s25;
	[tilespmem:s23+$0x14530] =	vst v29;
	v29 =	vadd.f32 v30, v12;
	v26 =	vmul.f32 v34, v11;
	v24 =	vld [tilespmem:s18+$0x3A0]  }
0x4f1: {  	v30 =	vld [tilespmem:s18+$0x2C0];
	_ =	sdelay $0x2  }
0x4f2: {  	v27 =	vmul.f32 v27, v16  }
0x4f3: {  	v28 =	vmul.f32 v28, v19  }
0x4f4: {  	v27 =	vadd.f32 v27, v13;
	v30 =	vmul.f32 v30, v18  }
0x4f5: {  	[tilespmem:s23+$0x145C0] =	vst v29;
	v28 =	vadd.f32 v28, v15  }
0x4f6: {  	v29 =	vld [tilespmem:s18+$0x2D0];
	[tilespmem:s23+$0x14440] =	vst v27;
	v55 =	vadd.f32 v30, v17  }
0x4f7: {  	v56 =	vld [tilespmem:s18+$0x2D0];
	[tilespmem:s23+$0x144C0] =	vst v28  }
0x4f8: {  	v57 =	vld [tilespmem:s18+$0x2D0];
	[tilespmem:s23+$0x14540] =	vst v55  }
0x4f9: {  	v58 =	vld [tilespmem:s18+$0x2D0];
	_ =	sdelay $0x1  }
0x4fa: {  	v29 =	vmul.f32 v29, v14  }
0x4fb: {  	v28 =	vmul.f32 v56, v16  }
0x4fc: {  	v29 =	vadd.f32 v29, v12;
	v27 =	vmul.f32 v57, v19  }
0x4fd: {  	v28 =	vadd.f32 v28, v13;
	v30 =	vmul.f32 v58, v18  }
0x4fe: {  	[tilespmem:s23+$0x145D0] =	vst v29;
	v27 =	vadd.f32 v27, v15  }
0x4ff: {  	v29 =	vld [tilespmem:s18+$0x2E0];
	[tilespmem:s23+$0x14450] =	vst v28;
	v59 =	vadd.f32 v30, v17  }
0x500: {  	v60 =	vld [tilespmem:s18+$0x2E0];
	[tilespmem:s23+$0x144D0] =	vst v27  }
0x501: {  	v27 =	vld [tilespmem:s18+$0x2E0];
	[tilespmem:s23+$0x14550] =	vst v59  }
0x502: {  	v28 =	vld [tilespmem:s18+$0x2E0];
	_ =	sdelay $0x1  }
0x503: {  	v29 =	vmul.f32 v29, v14  }
0x504: {  	v30 =	vmul.f32 v60, v16  }
0x505: {  	v29 =	vadd.f32 v29, v12;
	v27 =	vmul.f32 v27, v19  }
0x506: {  	v30 =	vadd.f32 v30, v13;
	v28 =	vmul.f32 v28, v18  }
0x507: {  	[tilespmem:s23+$0x145E0] =	vst v29;
	v27 =	vadd.f32 v27, v15  }
0x508: {  	v29 =	vld [tilespmem:s18+$0x2F0];
	[tilespmem:s23+$0x14460] =	vst v30;
	v28 =	vadd.f32 v28, v17  }
0x509: {  	v30 =	vld [tilespmem:s18+$0x2F0];
	[tilespmem:s23+$0x144E0] =	vst v27  }
0x50a: {  	v27 =	vld [tilespmem:s18+$0x2F0];
	[tilespmem:s23+$0x14560] =	vst v28  }
0x50b: {  	v28 =	vld [tilespmem:s18+$0x2F0];
	_ =	sdelay $0x1  }
0x50c: {  	v29 =	vmul.f32 v29, v14  }
0x50d: {  	v30 =	vmul.f32 v30, v16  }
0x50e: {  	v29 =	vadd.f32 v29, v12;
	v27 =	vmul.f32 v27, v19  }
0x50f: {  	v30 =	vadd.f32 v30, v13;
	v28 =	vmul.f32 v28, v18  }
0x510: {  	[tilespmem:s23+$0x145F0] =	vst v29;
	v27 =	vadd.f32 v27, v15  }
0x511: {  	v29 =	vld [tilespmem:s18+$0x300];
	[tilespmem:s23+$0x14470] =	vst v30;
	v28 =	vadd.f32 v28, v17  }
0x512: {  	v30 =	vld [tilespmem:s18+$0x300];
	[tilespmem:s23+$0x144F0] =	vst v27  }
0x513: {  	v27 =	vld [tilespmem:s18+$0x300];
	[tilespmem:s23+$0x14570] =	vst v28  }
0x514: {  	v28 =	vld [tilespmem:s18+$0x300];
	_ =	sdelay $0x1  }
0x515: {  	v29 =	vmul.f32 v29, v14  }
0x516: {  	v30 =	vmul.f32 v30, v16  }
0x517: {  	v29 =	vadd.f32 v29, v12;
	v27 =	vmul.f32 v27, v19  }
0x518: {  	v30 =	vadd.f32 v30, v13;
	v28 =	vmul.f32 v28, v18  }
0x519: {  	[tilespmem:s23+$0x16580] =	vst v29;
	v27 =	vadd.f32 v27, v15  }
0x51a: {  	v29 =	vld [tilespmem:s18+$0x310];
	[tilespmem:s23+$0x16400] =	vst v30;
	v28 =	vadd.f32 v28, v17  }
0x51b: {  	v30 =	vld [tilespmem:s18+$0x310];
	[tilespmem:s23+$0x16480] =	vst v27  }
0x51c: {  	v27 =	vld [tilespmem:s18+$0x310];
	[tilespmem:s23+$0x16500] =	vst v28  }
0x51d: {  	v28 =	vld [tilespmem:s18+$0x310];
	_ =	sdelay $0x1  }
0x51e: {  	v29 =	vmul.f32 v29, v14  }
0x51f: {  	v30 =	vmul.f32 v30, v16  }
0x520: {  	v29 =	vadd.f32 v29, v12;
	v27 =	vmul.f32 v27, v19  }
0x521: {  	v30 =	vadd.f32 v30, v13;
	v28 =	vmul.f32 v28, v18  }
0x522: {  	[tilespmem:s23+$0x16590] =	vst v29;
	v27 =	vadd.f32 v27, v15  }
0x523: {  	v29 =	vld [tilespmem:s18+$0x320];
	[tilespmem:s23+$0x16410] =	vst v30;
	v28 =	vadd.f32 v28, v17  }
0x524: {  	v30 =	vld [tilespmem:s18+$0x320];
	[tilespmem:s23+$0x16490] =	vst v27  }
0x525: {  	v27 =	vld [tilespmem:s18+$0x320];
	[tilespmem:s23+$0x16510] =	vst v28  }
0x526: {  	v28 =	vld [tilespmem:s18+$0x320];
	_ =	sdelay $0x1  }
0x527: {  	v29 =	vmul.f32 v29, v14  }
0x528: {  	v30 =	vmul.f32 v30, v16  }
0x529: {  	v29 =	vadd.f32 v29, v12;
	v27 =	vmul.f32 v27, v19  }
0x52a: {  	v30 =	vadd.f32 v30, v13;
	v28 =	vmul.f32 v28, v18  }
0x52b: {  	[tilespmem:s23+$0x165A0] =	vst v29;
	v27 =	vadd.f32 v27, v15  }
0x52c: {  	v29 =	vld [tilespmem:s18+$0x330];
	[tilespmem:s23+$0x16420] =	vst v30;
	v28 =	vadd.f32 v28, v17  }
0x52d: {  	v30 =	vld [tilespmem:s18+$0x330];
	[tilespmem:s23+$0x164A0] =	vst v27  }
0x52e: {  	v27 =	vld [tilespmem:s18+$0x330];
	[tilespmem:s23+$0x16520] =	vst v28  }
0x52f: {  	v28 =	vld [tilespmem:s18+$0x330];
	_ =	sdelay $0x1  }
0x530: {  	v29 =	vmul.f32 v29, v14  }
0x531: {  	v30 =	vmul.f32 v30, v16  }
0x532: {  	v29 =	vadd.f32 v29, v12;
	v27 =	vmul.f32 v27, v19  }
0x533: {  	v30 =	vadd.f32 v30, v13;
	v28 =	vmul.f32 v28, v18  }
0x534: {  	[tilespmem:s23+$0x165B0] =	vst v29;
	v27 =	vadd.f32 v27, v15  }
0x535: {  	v29 =	vld [tilespmem:s18+$0x340];
	[tilespmem:s23+$0x16430] =	vst v30;
	v28 =	vadd.f32 v28, v17  }
0x536: {  	v30 =	vld [tilespmem:s18+$0x340];
	[tilespmem:s23+$0x164B0] =	vst v27  }
0x537: {  	v27 =	vld [tilespmem:s18+$0x340];
	[tilespmem:s23+$0x16530] =	vst v28  }
0x538: {  	v28 =	vld [tilespmem:s18+$0x340];
	_ =	sdelay $0x1  }
0x539: {  	v29 =	vmul.f32 v29, v14  }
0x53a: {  	v30 =	vmul.f32 v30, v16  }
0x53b: {  	v29 =	vadd.f32 v29, v12;
	v27 =	vmul.f32 v27, v19  }
0x53c: {  	v30 =	vadd.f32 v30, v13;
	v28 =	vmul.f32 v28, v18  }
0x53d: {  	[tilespmem:s23+$0x165C0] =	vst v29;
	v27 =	vadd.f32 v27, v15  }
0x53e: {  	v29 =	vld [tilespmem:s18+$0x350];
	[tilespmem:s23+$0x16440] =	vst v30;
	v28 =	vadd.f32 v28, v17  }
0x53f: {  	v30 =	vld [tilespmem:s18+$0x350];
	[tilespmem:s23+$0x164C0] =	vst v27  }
0x540: {  	v27 =	vld [tilespmem:s18+$0x350];
	[tilespmem:s23+$0x16540] =	vst v28  }
0x541: {  	v28 =	vld [tilespmem:s18+$0x350];
	_ =	sdelay $0x1  }
0x542: {  	v29 =	vmul.f32 v29, v14  }
0x543: {  	v30 =	vmul.f32 v30, v16  }
0x544: {  	v29 =	vadd.f32 v29, v12;
	v27 =	vmul.f32 v27, v19  }
0x545: {  	v30 =	vadd.f32 v30, v13;
	v28 =	vmul.f32 v28, v18  }
0x546: {  	[tilespmem:s23+$0x165D0] =	vst v29;
	v27 =	vadd.f32 v27, v15  }
0x547: {  	v29 =	vld [tilespmem:s18+$0x360];
	[tilespmem:s23+$0x16450] =	vst v30;
	v28 =	vadd.f32 v28, v17  }
0x548: {  	v30 =	vld [tilespmem:s18+$0x360];
	[tilespmem:s23+$0x164D0] =	vst v27  }
0x549: {  	v27 =	vld [tilespmem:s18+$0x360];
	[tilespmem:s23+$0x16550] =	vst v28  }
0x54a: {  	v28 =	vld [tilespmem:s18+$0x360];
	_ =	sdelay $0x1  }
0x54b: {  	v29 =	vmul.f32 v29, v14  }
0x54c: {  	v30 =	vmul.f32 v30, v16  }
0x54d: {  	v29 =	vadd.f32 v29, v12;
	v27 =	vmul.f32 v27, v19  }
0x54e: {  	v30 =	vadd.f32 v30, v13;
	v28 =	vmul.f32 v28, v18  }
0x54f: {  	[tilespmem:s23+$0x165E0] =	vst v29;
	v27 =	vadd.f32 v27, v15  }
0x550: {  	v29 =	vld [tilespmem:s18+$0x370];
	[tilespmem:s23+$0x16460] =	vst v30;
	v28 =	vadd.f32 v28, v17  }
0x551: {  	v30 =	vld [tilespmem:s18+$0x370];
	[tilespmem:s23+$0x164E0] =	vst v27  }
0x552: {  	v27 =	vld [tilespmem:s18+$0x370];
	[tilespmem:s23+$0x16560] =	vst v28  }
0x553: {  	v28 =	vld [tilespmem:s18+$0x370];
	_ =	sdelay $0x1  }
0x554: {  	v29 =	vmul.f32 v29, v14  }
0x555: {  	v30 =	vmul.f32 v30, v16  }
0x556: {  	v29 =	vadd.f32 v29, v12;
	v27 =	vmul.f32 v27, v19  }
0x557: {  	v30 =	vadd.f32 v30, v13;
	v28 =	vmul.f32 v28, v18  }
0x558: {  	[tilespmem:s23+$0x165F0] =	vst v29;
	v27 =	vadd.f32 v27, v15  }
0x559: {  	v29 =	vld [tilespmem:s18+$0x380];
	[tilespmem:s23+$0x16470] =	vst v30;
	v28 =	vadd.f32 v28, v17  }
0x55a: {  	v30 =	vld [tilespmem:s18+$0x380];
	[tilespmem:s23+$0x164F0] =	vst v27  }
0x55b: {  	v27 =	vld [tilespmem:s18+$0x380];
	[tilespmem:s23+$0x16570] =	vst v28  }
0x55c: {  	v28 =	vld [tilespmem:s18+$0x380];
	_ =	sdelay $0x1  }
0x55d: {  	v25 =	vadd.f32 v25, v5;
	v29 =	vmul.f32 v29, v14  }
0x55e: {  	[tilespmem:s21+$0x18400] =	vst v23;
	v61 =	vadd.f32 v26, v6;
	v62 =	vmul.f32 v30, v16  }
0x55f: {  	v63 =	vld [tilespmem:s18+$0x390];
	[tilespmem:s21+$0x18480] =	vst v25;
	v29 =	vadd.f32 v29, v12;
	v27 =	vmul.f32 v27, v19  }
0x560: {  	[tilespmem:s21+$0x18500] =	vst v61;
	v33 =	vld [tilespmem:s18+$0x390];
	v26 =	vadd.f32 v62, v13;
	v28 =	vmul.f32 v28, v18  }
0x561: {  	v34 =	vld [tilespmem:s18+$0x390];
	[tilespmem:s23+$0x18580] =	vst v29;
	v27 =	vadd.f32 v27, v15  }
0x562: {  	v29 =	vld [tilespmem:s18+$0x390];
	[tilespmem:s23+$0x18400] =	vst v26;
	v35 =	vadd.f32 v28, v17  }
0x563: {  	v36 =	vld [tilespmem:s18+$0x390];
	[tilespmem:s23+$0x18480] =	vst v27  }
0x564: {  	v25 =	vmul.f32 v63, v10;
	v37 =	vld [tilespmem:s18+$0x390];
	[tilespmem:s23+$0x18500] =	vst v35  }
0x565: {  	v23 =	vmul.f32 v33, v9;
	v38 =	vld [tilespmem:s18+$0x390]  }
0x566: {  	v25 =	vadd.f32 v25, v7;
	v30 =	vmul.f32 v34, v11  }
0x567: {  	v23 =	vadd.f32 v23, v5;
	v29 =	vmul.f32 v29, v14  }
0x568: {  	[tilespmem:s21+$0x18410] =	vst v25;
	v39 =	vadd.f32 v30, v6;
	v27 =	vmul.f32 v36, v16  }
0x569: {  	v40 =	vld [tilespmem:s18+$0x3A0];
	[tilespmem:s21+$0x18490] =	vst v23;
	v29 =	vadd.f32 v29, v12;
	v26 =	vmul.f32 v37, v19  }
0x56a: {  	v41 =	vld [tilespmem:s18+$0x3A0];
	[tilespmem:s21+$0x18510] =	vst v39;
	v27 =	vadd.f32 v27, v13;
	v28 =	vmul.f32 v38, v18  }
0x56b: {  	v42 =	vld [tilespmem:s18+$0x3A0];
	[tilespmem:s23+$0x18590] =	vst v29;
	v26 =	vadd.f32 v26, v15  }
0x56c: {  	v29 =	vld [tilespmem:s18+$0x3A0];
	[tilespmem:s23+$0x18410] =	vst v27;
	v43 =	vadd.f32 v28, v17  }
0x56d: {  	v24 =	vmul.f32 v24, v8;
	v44 =	vld [tilespmem:s18+$0x3A0];
	[tilespmem:s23+$0x18490] =	vst v26  }
0x56e: {  	v23 =	vmul.f32 v40, v10;
	v45 =	vld [tilespmem:s18+$0x3A0];
	[tilespmem:s23+$0x18510] =	vst v43  }
0x56f: {  	v24 =	vadd.f32 v24, v4;
	v25 =	vmul.f32 v41, v9;
	v46 =	vld [tilespmem:s18+$0x3A0]  }
0x570: {  	v23 =	vadd.f32 v23, v7;
	v30 =	vmul.f32 v42, v11  }
0x571: {  	[tilespmem:s21+$0x185A0] =	vst v24;
	v47 =	vadd.f32 v25, v5;
	v48 =	vmul.f32 v29, v14  }
0x572: {  	v49 =	vld [tilespmem:s18+$0x3B0];
	[tilespmem:s21+$0x18420] =	vst v23;
	v50 =	vadd.f32 v30, v6;
	v26 =	vmul.f32 v44, v16  }
0x573: {  	v51 =	vld [tilespmem:s18+$0x3B0];
	[tilespmem:s21+$0x184A0] =	vst v47;
	v52 =	vadd.f32 v48, v12;
	v53 =	vmul.f32 v45, v19  }
0x574: {  	v54 =	vld [tilespmem:s18+$0x3B0];
	[tilespmem:s21+$0x18520] =	vst v50;
	v55 =	vadd.f32 v26, v13;
	v56 =	vmul.f32 v46, v18  }
0x575: {  	v57 =	vld [tilespmem:s18+$0x3B0];
	[tilespmem:s23+$0x185A0] =	vst v52;
	v58 =	vadd.f32 v53, v15  }
0x576: {  	v59 =	vld [tilespmem:s18+$0x3B0];
	[tilespmem:s23+$0x18420] =	vst v55;
	v60 =	vadd.f32 v56, v17  }
0x577: {  	v61 =	vmul.f32 v49, v8;
	v62 =	vld [tilespmem:s18+$0x3B0];
	[tilespmem:s23+$0x184A0] =	vst v58  }
0x578: {  	v63 =	vmul.f32 v51, v10;
	v33 =	vld [tilespmem:s18+$0x3B0];
	[tilespmem:s23+$0x18520] =	vst v60  }
0x579: {  	v34 =	vadd.f32 v61, v4;
	v35 =	vmul.f32 v54, v9;
	v36 =	vld [tilespmem:s18+$0x3B0]  }
0x57a: {  	v24 =	vadd.f32 v63, v7;
	v28 =	vmul.f32 v57, v11  }
0x57b: {  	[tilespmem:s21+$0x185B0] =	vst v34;
	v37 =	vadd.f32 v35, v5;
	v25 =	vmul.f32 v59, v14  }
0x57c: {  	[tilespmem:s21+$0x18430] =	vst v24;
	v38 =	vld [tilespmem:s18+$0x3C0];
	v39 =	vadd.f32 v28, v6;
	v40 =	vmul.f32 v62, v16  }
0x57d: {  	v41 =	vld [tilespmem:s18+$0x3C0];
	[tilespmem:s21+$0x184B0] =	vst v37;
	v42 =	vadd.f32 v25, v12;
	v43 =	vmul.f32 v33, v19  }
0x57e: {  	v44 =	vld [tilespmem:s18+$0x3C0];
	[tilespmem:s21+$0x18530] =	vst v39;
	v45 =	vadd.f32 v40, v13;
	v27 =	vmul.f32 v36, v18  }
0x57f: {  	v46 =	vld [tilespmem:s18+$0x3C0];
	[tilespmem:s23+$0x185B0] =	vst v42;
	v47 =	vadd.f32 v43, v15  }
0x580: {  	v48 =	vld [tilespmem:s18+$0x3C0];
	[tilespmem:s23+$0x18430] =	vst v45;
	v49 =	vadd.f32 v27, v17  }
0x581: {  	v26 =	vmul.f32 v38, v8;
	v50 =	vld [tilespmem:s18+$0x3C0];
	[tilespmem:s23+$0x184B0] =	vst v47  }
0x582: {  	v51 =	vmul.f32 v41, v10;
	v52 =	vld [tilespmem:s18+$0x3C0];
	[tilespmem:s23+$0x18530] =	vst v49  }
0x583: {  	v53 =	vadd.f32 v26, v4;
	v54 =	vmul.f32 v44, v9;
	v55 =	vld [tilespmem:s18+$0x3C0]  }
0x584: {  	v23 =	vadd.f32 v51, v7;
	v28 =	vmul.f32 v46, v11  }
0x585: {  	[tilespmem:s21+$0x185C0] =	vst v53;
	v56 =	vadd.f32 v54, v5;
	v25 =	vmul.f32 v48, v14  }
0x586: {  	[tilespmem:s21+$0x18440] =	vst v23;
	v57 =	vld [tilespmem:s18+$0x3D0];
	v58 =	vadd.f32 v28, v6;
	v27 =	vmul.f32 v50, v16  }
0x587: {  	v59 =	vld [tilespmem:s18+$0x3D0];
	[tilespmem:s21+$0x184C0] =	vst v56;
	v60 =	vadd.f32 v25, v12;
	v61 =	vmul.f32 v52, v19  }
0x588: {  	v62 =	vld [tilespmem:s18+$0x3D0];
	[tilespmem:s21+$0x18540] =	vst v58;
	v63 =	vadd.f32 v27, v13;
	v33 =	vmul.f32 v55, v18  }
0x589: {  	v34 =	vld [tilespmem:s18+$0x3D0];
	[tilespmem:s23+$0x185C0] =	vst v60;
	v35 =	vadd.f32 v61, v15  }
0x58a: {  	v36 =	vld [tilespmem:s18+$0x3D0];
	[tilespmem:s23+$0x18440] =	vst v63;
	v37 =	vadd.f32 v33, v17  }
0x58b: {  	v26 =	vmul.f32 v57, v8;
	v38 =	vld [tilespmem:s18+$0x3D0];
	[tilespmem:s23+$0x184C0] =	vst v35  }
0x58c: {  	v39 =	vmul.f32 v59, v10;
	v40 =	vld [tilespmem:s18+$0x3D0];
	[tilespmem:s23+$0x18540] =	vst v37  }
0x58d: {  	v41 =	vadd.f32 v26, v4;
	v42 =	vmul.f32 v62, v9;
	v43 =	vld [tilespmem:s18+$0x3D0]  }
0x58e: {  	v24 =	vadd.f32 v39, v7;
	v30 =	vmul.f32 v34, v11  }
0x58f: {  	[tilespmem:s21+$0x185D0] =	vst v41;
	v44 =	vadd.f32 v42, v5;
	v25 =	vmul.f32 v36, v14  }
0x590: {  	[tilespmem:s21+$0x18450] =	vst v24;
	v45 =	vld [tilespmem:s18+$0x3E0];
	v46 =	vadd.f32 v30, v6;
	v27 =	vmul.f32 v38, v16  }
0x591: {  	v47 =	vld [tilespmem:s18+$0x3E0];
	[tilespmem:s21+$0x184D0] =	vst v44;
	v48 =	vadd.f32 v25, v12;
	v49 =	vmul.f32 v40, v19  }
0x592: {  	v50 =	vld [tilespmem:s18+$0x3E0];
	[tilespmem:s21+$0x18550] =	vst v46;
	v51 =	vadd.f32 v27, v13;
	v52 =	vmul.f32 v43, v18  }
0x593: {  	v53 =	vld [tilespmem:s18+$0x3E0];
	[tilespmem:s23+$0x185D0] =	vst v48;
	v54 =	vadd.f32 v49, v15  }
0x594: {  	v55 =	vld [tilespmem:s18+$0x3E0];
	[tilespmem:s23+$0x18450] =	vst v51;
	v56 =	vadd.f32 v52, v17  }
0x595: {  	v26 =	vmul.f32 v45, v8;
	v57 =	vld [tilespmem:s18+$0x3E0];
	[tilespmem:s23+$0x184D0] =	vst v54  }
0x596: {  	v58 =	vmul.f32 v47, v10;
	v59 =	vld [tilespmem:s18+$0x3E0];
	[tilespmem:s23+$0x18550] =	vst v56  }
0x597: {  	v60 =	vadd.f32 v26, v4;
	v61 =	vmul.f32 v50, v9;
	v62 =	vld [tilespmem:s18+$0x3E0]  }
0x598: {  	[tilespmem:s20+$0x18470] =	vst v21;
	v63 =	vadd.f32 v58, v7;
	v29 =	vmul.f32 v53, v11  }
0x599: {  	[tilespmem:s21+$0x185E0] =	vst v60;
	v31 =	vadd.f32 v61, v5;
	v25 =	vmul.f32 v55, v14  }
0x59a: {  	[tilespmem:s21+$0x18460] =	vst v63;
	v32 =	vld [tilespmem:s18+$0x3F0];
	v33 =	vadd.f32 v29, v6;
	v34 =	vmul.f32 v57, v16  }
0x59b: {  	v35 =	vld [tilespmem:s18+$0x3F0];
	[tilespmem:s21+$0x184E0] =	vst v31;
	v36 =	vadd.f32 v25, v12;
	v37 =	vmul.f32 v59, v19  }
0x59c: {  	v38 =	vld [tilespmem:s18+$0x3F0];
	[tilespmem:s21+$0x18560] =	vst v33;
	v39 =	vadd.f32 v34, v13;
	v40 =	vmul.f32 v62, v18  }
0x59d: {  	v2 =	vmul.f32 v22, v2;
	v41 =	vld [tilespmem:s18+$0x3F0];
	[tilespmem:s23+$0x185E0] =	vst v36;
	v42 =	vadd.f32 v37, v15  }
0x59e: {  	v3 =	vmul.f32 v20, v3;
	v43 =	vld [tilespmem:s18+$0x3F0];
	[tilespmem:s23+$0x18460] =	vst v39;
	v44 =	vadd.f32 v40, v17  }
0x59f: {  	v1 =	vadd.f32 v2, v1;
	v45 =	vmul.f32 v32, v8;
	v46 =	vld [tilespmem:s18+$0x3F0];
	[tilespmem:s23+$0x184E0] =	vst v42  }
0x5a0: {  	v0 =	vadd.f32 v3, v0;
	v47 =	vmul.f32 v35, v10;
	v48 =	vld [tilespmem:s18+$0x3F0];
	[tilespmem:s23+$0x18560] =	vst v44  }
0x5a1: {  	[tilespmem:s20+$0x184F0] =	vst v1;
	v49 =	vadd.f32 v45, v4;
	v50 =	vmul.f32 v38, v9;
	v51 =	vld [tilespmem:s18+$0x3F0]  }
0x5a2: {  	[tilespmem:s20+$0x18570] =	vst v0;
	v52 =	vadd.f32 v47, v7;
	v53 =	vmul.f32 v41, v11  }
0x5a3: {  	[tilespmem:s21+$0x185F0] =	vst v49;
	v54 =	vadd.f32 v50, v5;
	v55 =	vmul.f32 v43, v14  }
0x5a4: {  	[tilespmem:s21+$0x18470] =	vst v52;
	v56 =	vadd.f32 v53, v6;
	v57 =	vmul.f32 v46, v16  }
0x5a5: {  	s17 =	sadd.s32 $0x1, s17;
	[tilespmem:s21+$0x184F0] =	vst v54;
	v58 =	vadd.f32 v55, v12;
	v59 =	vmul.f32 v48, v19  }
0x5a6: {  	p0 =	sne.s32 s17, $0x19;
	[tilespmem:s21+$0x18570] =	vst v56;
	v60 =	vadd.f32 v57, v13;
	v61 =	vmul.f32 v51, v18  }
.Ltmp2:
0x5a7: {  	s31 =	sshll.u32 s19, $0x12;
	[tilespmem:s23+$0x185F0] =	vst v58;
	v62 =	vadd.f32 v59, v15;
	(pc) =	sbr.rel @p0 .LBB2_2-.Ltmp2, $4  }
0x5a8: {  	s18 =	sor.u32 s4, s31;
	[tilespmem:s23+$0x18470] =	vst v60;
	v63 =	vadd.f32 v61, v17  }
0x5a9: {  	s18 =	sshrl.u32 s18, $0x3;
	[tilespmem:s23+$0x184F0] =	vst v62  }
0x5aa: {  	s18 =	sadd.s32 s2, s18;
	[tilespmem:s23+$0x18570] =	vst v63  }
0x5ab: {  	[hbm4b:s18+s8] =	stream.strided.scatter [tilespmem:s13], [sflag:$0x2], $0x8000, s9, s8, $0x38;
	[tilespmem:$0x1A400] =	vst v63  }
0x5ac: {  	s16 =	sadd.s32 $0x1, s16  }
0x5ad: {  	_ =	swait.ge [sflag:s14], $0x8000;
	p0 =	sne.s32 s16, s7  }
.Ltmp3:
0x5ae: {  	[sflag:s14] =	ssyncset.done $0x0;
	(pc) =	sbr.rel @p0 .LBB2_1-.Ltmp3, $4  }
0x5af: {  	[sflag:s14] =	ssyncadd.s32 $0xFFFF8000  }
0x5b0: {  	_ =	swait.ge [sflag:s15], $0x8000  }
0x5b1: {  	[sflag:s15] =	ssyncset.done $0x0  }
0x5b2: {  	[sflag:s15] =	ssyncadd.s32 $0xFFFF8000  }
0x5b3: {  	_ =	sfence.sel $0x180000  }
0x5b4: {  	[bflag:$0x0] =	sbarrier.arrive $0xFFFF  }
0x5b5: {  	p0 =	sne.s32 s1, $0x0;
	_ =	strace $0x90000047  }
0x5b6: {  	s0 =	sadd.s32 @!p0 $0x100000, s0;
	[bflag:$0x2] =	sbarrier.arrive $0xFFFF  }
0x5b7: {  	[sflag:s0] =	ssyncadd.tile.s32 @!p0 $0x1;
	_ =	shalt  }
.Lfunc_end2:
_tile_overlayer_lowered:
.L_overlay_start_2:
0x5b8: {  	(tag) =	ssettag $0x2  }
0x5b9: {  	s0 =	rddreg [dreg:$0x0];
	s2 =	stileid.u32  }
0x5ba: {  	s1 =	rddreg [dreg:$0x1];
	p0 =	sne.s32 s2, $0x0  }
0x5bb: {  	s3 =	rddreg [dreg:$0x2];
	[bflag:$0x3] =	sbarrier.arrive $0xFFFF;
	s2 =	simm.s32 @!p0 $0x1C03  }
0x5bc: {  	[timem:s3], [sflag:s2] =	dma.local @!p0 [hbm:s0], s1  }
0x5bd: {  	s0 =	simm.s32 @!p0 $0x3  }
0x5be: {  	_ =	swait.ge @!p0 [sflag:s0], s1  }
0x5bf: {  	s1 =	ssub.s32 @!p0 $0x0, s1;
	[sflag:s0] =	ssyncset.done @!p0 $0x0  }
0x5c0: {  	[sflag:s0] =	ssyncadd.s32 @!p0 s1  }
0x5c1: {  	[bflag:$0x3] =	sbarrier.arrive $0xFFFF  }
0x5c2: {  	_ =	shalt  }

</sc_bundles>
